<compile_context>
chip_gen: v7x
topology: tpu7x:2x2x1
jax: 0.10.2.dev20260603
libtpu: 0.0.44.dev20260713+nightly
codegen_flags: <defaults>
</compile_context>

<pallas_src>
import functools

import jax
import jax.numpy as jnp
from jax import lax
from jax.experimental import pallas as pl
from jax.experimental.pallas import tpu as pltpu
from jax.experimental.pallas import tpu_sc as plsc

N = 10000
NC = 40
NPAD = 10112
RPS = NPAD // 16
E_TOT = 330000
EPAD = 331776
EROWS = EPAD // 128
EPT_ROWS = EROWS // 16
EPW_ROWS = EROWS // 32
GB = 3
DUMMY = N

_mesh = plsc.VectorSubcoreMesh(core_axis_name="c", subcore_axis_name="s")



@functools.partial(
    pl.kernel,
    out_type=jax.ShapeDtypeStruct((2 * NPAD, 16), jnp.float32),
    mesh=_mesh,
    scratch_types=[
        pltpu.VMEM((GB, 128), jnp.int32),
        pltpu.VMEM((128, 16), jnp.float32),
        pltpu.VMEM_SHARED((NPAD, 16), jnp.float32),
    ],
    compiler_params=pltpu.CompilerParams(use_tc_tiling_on_sc=False),
)
def _deg_kernel(dst_hbm, ones_hbm, zeros_hbm, out_hbm, idxd, ones_v, acc):
    c = lax.axis_index("c")
    s = lax.axis_index("s")
    wid = s * 2 + c
    pltpu.sync_copy(ones_hbm, ones_v)
    pltpu.sync_copy(zeros_hbm, acc.at[pl.ds(s * RPS, RPS)])
    plsc.subcore_barrier()

    def chunk(ch, carry):
        row0 = wid * EPW_ROWS + ch * GB
        pltpu.sync_copy(dst_hbm.at[pl.ds(row0, GB)], idxd)
        for g in range(GB):
            pltpu.sync_copy(ones_v, acc.at[idxd.at[jnp.int32(g)]], add=True)
        return carry

    lax.fori_loop(jnp.int32(0), jnp.int32(EPW_ROWS // GB), chunk, jnp.int32(0))
    plsc.subcore_barrier()
    pltpu.sync_copy(acc.at[pl.ds(s * RPS, RPS)],
                    out_hbm.at[pl.ds(c * NPAD + s * RPS, RPS)])


def _make_agg_kernel(d2):

    @functools.partial(
        pl.kernel,
        out_type=jax.ShapeDtypeStruct((2 * NPAD, d2), jnp.float32),
        mesh=_mesh,
        scratch_types=[
            pltpu.VMEM((GB, 128), jnp.int32),
            pltpu.VMEM((GB, 128), jnp.int32),
            pltpu.VMEM((GB, 128, d2), jnp.float32),
            pltpu.VMEM_SHARED((NPAD, d2), jnp.float32),
            pltpu.SemaphoreType.DMA,
        ],
        compiler_params=pltpu.CompilerParams(use_tc_tiling_on_sc=False),
    )
    def agg(table_hbm, src_hbm, dst_hbm, zeros_hbm, out_hbm,
            isrc, idxd, rows, acc, sem):
        c = lax.axis_index("c")
        s = lax.axis_index("s")
        coff = c * NPAD
        pltpu.sync_copy(zeros_hbm, acc.at[pl.ds(s * RPS, RPS)])
        plsc.subcore_barrier()

        def chunk(ch, carry):
            row0 = s * EPT_ROWS + ch * GB
            pltpu.sync_copy(src_hbm.at[pl.ds(row0, GB)], isrc)
            pltpu.sync_copy(dst_hbm.at[pl.ds(row0, GB)], idxd)
            for g in range(GB):
                g32 = jnp.int32(g)
                for i in range(8):
                    isrc[g32, pl.ds(i * 16, 16)] = (
                        isrc[g32, pl.ds(i * 16, 16)] + coff)
            handles = [
                pltpu.async_copy(table_hbm.at[isrc.at[jnp.int32(g)]],
                                 rows.at[jnp.int32(g)], sem)
                for g in range(GB)
            ]
            for g in range(GB):
                g32 = jnp.int32(g)
                handles[g].wait()
                pltpu.sync_copy(rows.at[g32], acc.at[idxd.at[g32]], add=True)
            return carry

        lax.fori_loop(jnp.int32(0), jnp.int32(EPT_ROWS // GB), chunk, jnp.int32(0))
        plsc.subcore_barrier()
        pltpu.sync_copy(acc.at[pl.ds(s * RPS, RPS)],
                        out_hbm.at[pl.ds(c * NPAD + s * RPS, RPS)])

    return agg


_agg128 = _make_agg_kernel(128)
_agg64 = _make_agg_kernel(64)



BR = 632
NB = NPAD // BR

def _dot(a, b):
    return jnp.dot(a.astype(jnp.bfloat16), b.astype(jnp.bfloat16),
                   preferred_element_type=jnp.float32)


def _dinv_blk(dlo_ref, dhi_ref):
    deg = dlo_ref[...] + dhi_ref[...]
    return jnp.where(deg > 0.0, lax.rsqrt(jnp.maximum(deg, 1e-12)), 0.0)


def _deg_specs():
    return [
        pl.BlockSpec((BR, 1), lambda i: (i, jnp.int32(0))),
        pl.BlockSpec((BR, 1), lambda i: (i + jnp.int32(NB), jnp.int32(0))),
    ]


def _tc1_body(x_ref, dlo_ref, dhi_ref, w0_ref, outa_ref, outb_ref):
    dinv = _dinv_blk(dlo_ref, dhi_ref)
    hp = _dot(x_ref[...], w0_ref[...]) * dinv
    outa_ref[...] = hp[:, :128]
    outb_ref[...] = hp[:, 128:]


def _make_tc1():
    return pl.pallas_call(
        _tc1_body,
        grid=(NB,),
        in_specs=[pl.BlockSpec((BR, 128), lambda i: (i, jnp.int32(0)))] + _deg_specs()
        + [pl.BlockSpec((128, 256), lambda i: (jnp.int32(0), jnp.int32(0)))],
        out_specs=[pl.BlockSpec((BR, 128), lambda i: (i, jnp.int32(0))),
                   pl.BlockSpec((BR, 128), lambda i: (i, jnp.int32(0)))],
        out_shape=[jax.ShapeDtypeStruct((NPAD, 128), jnp.float32),
                   jax.ShapeDtypeStruct((NPAD, 128), jnp.float32)],
    )


def _make_stats(d):

    def body(y_ref, dlo_ref, dhi_ref, s_ref, q_ref):
        dinv = _dinv_blk(dlo_ref, dhi_ref)
        yb = y_ref[...] * dinv
        @pl.when(pl.program_id(0) == 0)
        def _():
            s_ref[...] = jnp.zeros((1, d), jnp.float32)
            q_ref[...] = jnp.zeros((1, d), jnp.float32)
        s_ref[...] += jnp.sum(yb, axis=0, keepdims=True)
        q_ref[...] += jnp.sum(yb * yb, axis=0, keepdims=True)

    return pl.pallas_call(
        body,
        grid=(NB,),
        in_specs=[pl.BlockSpec((BR, d), lambda i: (i, jnp.int32(0)))] + _deg_specs(),
        out_specs=[pl.BlockSpec((1, d), lambda i: (jnp.int32(0), jnp.int32(0))),
                   pl.BlockSpec((1, d), lambda i: (jnp.int32(0), jnp.int32(0)))],
        out_shape=[jax.ShapeDtypeStruct((1, d), jnp.float32),
                   jax.ShapeDtypeStruct((1, d), jnp.float32)],
    )


def _bn_act(yb, s_ref, q_ref, g_ref, b_ref, a_ref):
    mu = s_ref[...] * (1.0 / N)
    var = jnp.maximum(q_ref[...] * (1.0 / N) - mu * mu, 0.0)
    ybn = (yb - mu) * lax.rsqrt(var + 1e-5) * g_ref[...] + b_ref[...]
    return jnp.where(ybn >= 0.0, ybn, a_ref[...] * ybn)


def _tc2_body(y_ref, dlo_ref, dhi_ref, s_ref, q_ref, g_ref, b_ref, a_ref,
              w1_ref, outa_ref, outb_ref):
    dinv = _dinv_blk(dlo_ref, dhi_ref)
    act = _bn_act(y_ref[...] * dinv, s_ref, q_ref, g_ref, b_ref, a_ref)
    hp = _dot(act, w1_ref[...]) * dinv
    outa_ref[...] = hp[:, :64]
    outb_ref[...] = hp[:, 64:]


def _make_tc2():
    return pl.pallas_call(
        _tc2_body,
        grid=(NB,),
        in_specs=[pl.BlockSpec((BR, 256), lambda i: (i, jnp.int32(0)))] + _deg_specs()
        + [pl.BlockSpec((1, 256), lambda i: (jnp.int32(0), jnp.int32(0))),
           pl.BlockSpec((1, 256), lambda i: (jnp.int32(0), jnp.int32(0))),
           pl.BlockSpec((1, 256), lambda i: (jnp.int32(0), jnp.int32(0))),
           pl.BlockSpec((1, 256), lambda i: (jnp.int32(0), jnp.int32(0))),
           pl.BlockSpec((1, 1), lambda i: (jnp.int32(0), jnp.int32(0))),
           pl.BlockSpec((256, 128), lambda i: (jnp.int32(0), jnp.int32(0)))],
        out_specs=[pl.BlockSpec((BR, 64), lambda i: (i, jnp.int32(0))),
                   pl.BlockSpec((BR, 64), lambda i: (i, jnp.int32(0)))],
        out_shape=[jax.ShapeDtypeStruct((NPAD, 64), jnp.float32),
                   jax.ShapeDtypeStruct((NPAD, 64), jnp.float32)],
    )


def _tc3_body(y_ref, dlo_ref, dhi_ref, s_ref, q_ref, g_ref, b_ref, a_ref,
              hw0_ref, hb0_ref, hw1_ref, hb1_ref,
              emb_ref, logits_ref, idx_ref):
    dinv = _dinv_blk(dlo_ref, dhi_ref)
    emb = _bn_act(y_ref[...] * dinv, s_ref, q_ref, g_ref, b_ref, a_ref)
    emb_ref[...] = emb
    z = jnp.maximum(_dot(emb, hw0_ref[...]) + hb0_ref[...], 0.0)
    logits = _dot(z, hw1_ref[...]) + hb1_ref[...]
    logits_ref[...] = logits
    mx = jnp.max(logits, axis=1, keepdims=True)
    iota = lax.broadcasted_iota(jnp.int32, (BR, NC), 1)
    idx_ref[...] = jnp.min(jnp.where(logits == mx, iota, jnp.int32(NC)),
                           axis=1, keepdims=True)


def _make_tc3():
    return pl.pallas_call(
        _tc3_body,
        grid=(NB,),
        in_specs=[pl.BlockSpec((BR, 128), lambda i: (i, jnp.int32(0)))] + _deg_specs()
        + [pl.BlockSpec((1, 128), lambda i: (jnp.int32(0), jnp.int32(0))),
           pl.BlockSpec((1, 128), lambda i: (jnp.int32(0), jnp.int32(0))),
           pl.BlockSpec((1, 128), lambda i: (jnp.int32(0), jnp.int32(0))),
           pl.BlockSpec((1, 128), lambda i: (jnp.int32(0), jnp.int32(0))),
           pl.BlockSpec((1, 1), lambda i: (jnp.int32(0), jnp.int32(0))),
           pl.BlockSpec((128, 128), lambda i: (jnp.int32(0), jnp.int32(0))),
           pl.BlockSpec((1, 128), lambda i: (jnp.int32(0), jnp.int32(0))),
           pl.BlockSpec((128, NC), lambda i: (jnp.int32(0), jnp.int32(0))),
           pl.BlockSpec((1, NC), lambda i: (jnp.int32(0), jnp.int32(0)))],
        out_specs=[pl.BlockSpec((BR, 128), lambda i: (i, jnp.int32(0))),
                   pl.BlockSpec((BR, NC), lambda i: (i, jnp.int32(0))),
                   pl.BlockSpec((BR, 1), lambda i: (i, jnp.int32(0)))],
        out_shape=[jax.ShapeDtypeStruct((NPAD, 128), jnp.float32),
                   jax.ShapeDtypeStruct((NPAD, NC), jnp.float32),
                   jax.ShapeDtypeStruct((NPAD, 1), jnp.int32)],
    )


_tc1 = _make_tc1()
_stats256 = _make_stats(256)
_stats128 = _make_stats(128)
_tc2 = _make_tc2()
_tc3 = _make_tc3()



def kernel(x, edge_index, W0, b0, bn0_g, bn0_b, prelu0, W1, b1, bn1_g, bn1_b,
           prelu1, head_W0, head_b0, head_W1, head_b1):
    del b0, b1

    ei = edge_index.astype(jnp.int32)
    loop = jnp.arange(N, dtype=jnp.int32)
    pad = jnp.full((EPAD - E_TOT,), DUMMY, jnp.int32)
    src = jnp.concatenate([ei[0], loop, pad]).reshape(EROWS, 128)
    dst = jnp.concatenate([ei[1], loop, pad]).reshape(EROWS, 128)

    ones16 = jnp.ones((128, 16), jnp.float32)
    z16 = jnp.zeros((RPS, 16), jnp.float32)
    z128 = jnp.zeros((RPS, 128), jnp.float32)
    z64 = jnp.zeros((RPS, 64), jnp.float32)

    deg2 = _deg_kernel(dst, ones16, z16)[:, :1]

    xp = jnp.pad(x, ((0, NPAD - N), (0, 0)))
    t1a, t1b = _tc1(xp, deg2, deg2, W0)
    h1 = jnp.concatenate([t1a, t1b], axis=0)
    a1 = _agg128(h1, src, dst, z128)
    y1 = jnp.pad(jnp.concatenate([a1[:N], a1[NPAD:NPAD + N]], axis=1),
                 ((0, NPAD - N), (0, 0)))
    s1, q1 = _stats256(y1, deg2, deg2)
    t2a, t2b = _tc2(y1, deg2, deg2, s1, q1,
                    bn0_g.reshape(1, -1), bn0_b.reshape(1, -1),
                    prelu0.reshape(1, 1), W1)
    h2 = jnp.concatenate([t2a, t2b], axis=0)
    a2 = _agg64(h2, src, dst, z64)
    y2 = jnp.pad(jnp.concatenate([a2[:N], a2[NPAD:NPAD + N]], axis=1),
                 ((0, NPAD - N), (0, 0)))
    s2, q2 = _stats128(y2, deg2, deg2)
    emb, logits, oidx = _tc3(
        y2, deg2, deg2, s2, q2,
        bn1_g.reshape(1, -1), bn1_b.reshape(1, -1), prelu1.reshape(1, 1),
        head_W0, head_b0.reshape(1, -1), head_W1, head_b1.reshape(1, -1))
    return (emb[:N], logits[:N], oidx[:N, 0].astype(jnp.int64))

# --- scband reference (transcript-rebuilt; emitter-appended) ---
"""Pipeline reference for scband-contrastive-gnn-84963043049901 (READ-ONLY COPY).

The authoritative reference and input builder live on the scoring server;
editing this copy changes nothing except your own understanding.
"""

import jax, jax.numpy as jnp
import numpy as np
jax.config.update("jax_enable_x64", True)

N = 10000
E = 320000
D_IN = 128
D_H = 256
D_OUT = 128
NC = 40

def _init_w(key, fan_in, fan_out):
    return (jax.random.normal(key, (fan_in, fan_out), dtype=jnp.float32) / np.sqrt(fan_in)).astype(jnp.float32)

def setup_inputs(seed: int = 0):
    key = jax.random.key(seed)
    ks = jax.random.split(key, 16)
    inp = {}
    inp["x"] = jax.random.normal(ks[0], (N, D_IN), dtype=jnp.float32)
    inp["edge_index"] = jax.random.randint(ks[1], (2, E), 0, N, dtype=jnp.int64)
    inp["W0"] = _init_w(ks[2], D_IN, D_H)
    inp["b0"] = jnp.zeros((D_H,), dtype=jnp.float32)
    inp["bn0_g"] = jnp.ones((D_H,), dtype=jnp.float32)
    inp["bn0_b"] = jnp.zeros((D_H,), dtype=jnp.float32)
    inp["prelu0"] = jnp.asarray(0.25, dtype=jnp.float32)
    inp["W1"] = _init_w(ks[3], D_H, D_OUT)
    inp["b1"] = jnp.zeros((D_OUT,), dtype=jnp.float32)
    inp["bn1_g"] = jnp.ones((D_OUT,), dtype=jnp.float32)
    inp["bn1_b"] = jnp.zeros((D_OUT,), dtype=jnp.float32)
    inp["prelu1"] = jnp.asarray(0.25, dtype=jnp.float32)
    inp["head_W0"] = _init_w(ks[4], D_OUT, D_OUT)
    inp["head_b0"] = jnp.zeros((D_OUT,), dtype=jnp.float32)
    inp["head_W1"] = _init_w(ks[5], D_OUT, NC)
    inp["head_b1"] = jnp.zeros((NC,), dtype=jnp.float32)
    return inp

def _gcn_conv(x, src, dst, W, b):
    n = x.shape[0]
    h = x @ W
    deg = jax.ops.segment_sum(jnp.ones(src.shape[0], dtype=h.dtype), dst, num_segments=n)
    dinv = jnp.where(deg > 0, jax.lax.rsqrt(jnp.maximum(deg, 1e-12)), 0.0)
    norm = dinv[src] * dinv[dst]
    msg = h[src] * norm[:, None]
    out = jax.ops.segment_sum(msg, dst, num_segments=n)
    return out + b

def _bn(x, g, b, eps=1e-5):
    mu = jnp.mean(x, axis=0)
    var = jnp.var(x, axis=0)
    return (x - mu) * jax.lax.rsqrt(var + eps) * g + b

def _prelu(x, a):
    return jnp.where(x >= 0, x, a * x)

def reference(x, edge_index, W0, b0, bn0_g, bn0_b, prelu0, W1, b1, bn1_g, bn1_b, prelu1, head_W0, head_b0, head_W1, head_b1):
    n = x.shape[0]
    loop = jnp.arange(n, dtype=edge_index.dtype)
    src = jnp.concatenate([edge_index[0], loop])
    dst = jnp.concatenate([edge_index[1], loop])
    h = _gcn_conv(x, src, dst, W0, b0)
    h = _bn(h, bn0_g, bn0_b)
    h = _prelu(h, prelu0)
    h = _gcn_conv(h, src, dst, W1, b1)
    h = _bn(h, bn1_g, bn1_b)
    emb = _prelu(h, prelu1)
    z = jnp.maximum(emb @ head_W0 + head_b0, 0.0)
    logits = z @ head_W1 + head_b1
    out = jnp.argmax(logits, axis=1)
    return (emb, logits, out)

if __name__ == "__main__":
    import jax
    _d = setup_inputs()
    print(jax.jit(kernel)(*tuple(_d.values())))

</pallas_src>

<mosaic_0001>
#map = affine_map<(d0, d1) -> (0, 0)>
module attributes {stable_mosaic.version = 14 : i64} {
  func.func @_deg_kernel(%arg0: i32, %arg1: i32, %arg2: memref<2592x128xi32, #tpu.memory_space<hbm>>, %arg3: memref<128x16xf32, #tpu.memory_space<hbm>>, %arg4: memref<632x16xf32, #tpu.memory_space<hbm>>, %arg5: memref<20224x16xf32, #tpu.memory_space<hbm>>, %arg6: memref<3x128xi32, #tpu.memory_space<vmem>>, %arg7: memref<128x16xf32, #tpu.memory_space<vmem>>, %arg8: memref<10112x16xf32, #tpu.memory_space<vmem_shared>>) attributes {dimension_semantics = [#tpu.dimension_semantics<core_parallel>, #tpu.dimension_semantics<subcore_parallel>], iteration_bounds = array<i64: 2, 16>, scalar_prefetch = 0 : i64, scratch_operands = 3 : i64, tpu.core_type = #tpu.core_type<sc_vector_subcore>, window_params = [{transform_indices = #map}, {transform_indices = #map}, {transform_indices = #map}, {transform_indices = #map}]} {
    %mul3A = arith.constant 2 : i32
    %mul3A_0 = arith.muli %arg1, %mul3A : i32
    %add3A = arith.addi %mul3A_0, %arg0 : i32
    "tpu.region"() ({
      %run_scoped3A = tpu.sem_alloc : memref<!tpu.dma_semaphore, #tpu.memory_space<semaphore_mem>>
      tpu.enqueue_dma source(%arg3 : memref<128x16xf32, #tpu.memory_space<hbm>>) target(%arg7 : memref<128x16xf32, #tpu.memory_space<vmem>>) target_semaphore(%run_scoped3A : memref<!tpu.dma_semaphore, #tpu.memory_space<semaphore_mem>>)
      tpu.wait_dma2 semaphore(%run_scoped3A : memref<!tpu.dma_semaphore, #tpu.memory_space<semaphore_mem>>) src(%arg3 : memref<128x16xf32, #tpu.memory_space<hbm>>) dst(%arg7 : memref<128x16xf32, #tpu.memory_space<vmem>>)
      tpu.yield
    }) : () -> ()
    %mul3A_1 = arith.constant 632 : i32
    %mul3A_2 = arith.muli %arg1, %mul3A_1 : i32
    "tpu.region"() ({
      %run_scoped3A = tpu.sem_alloc : memref<!tpu.dma_semaphore, #tpu.memory_space<semaphore_mem>>
      %dma_start3A = arith.constant 0 : i32
      %dma_start3A_21 = tpu.memref_slice %arg8[%mul3A_2, %dma_start3A] : memref<10112x16xf32, #tpu.memory_space<vmem_shared>> -> memref<632x16xf32, #tpu.memory_space<vmem_shared>>
      tpu.enqueue_dma source(%arg4 : memref<632x16xf32, #tpu.memory_space<hbm>>) target(%dma_start3A_21 : memref<632x16xf32, #tpu.memory_space<vmem_shared>>) target_semaphore(%run_scoped3A : memref<!tpu.dma_semaphore, #tpu.memory_space<semaphore_mem>>)
      %dma_wait3A = arith.constant 0 : i32
      %dma_wait3A_22 = tpu.memref_slice %arg8[%mul3A_2, %dma_wait3A] : memref<10112x16xf32, #tpu.memory_space<vmem_shared>> -> memref<632x16xf32, #tpu.memory_space<vmem_shared>>
      tpu.wait_dma2 semaphore(%run_scoped3A : memref<!tpu.dma_semaphore, #tpu.memory_space<semaphore_mem>>) src(%arg4 : memref<632x16xf32, #tpu.memory_space<hbm>>) dst(%dma_wait3A_22 : memref<632x16xf32, #tpu.memory_space<vmem_shared>>)
      tpu.yield
    }) : () -> ()
    %barrier3A = arith.constant 0 : index
    tpu.barrier barrier_id(%barrier3A)
    %while3A = arith.constant 0 : i32
    %while3A_3 = arith.constant 0 : i32
    %while3A_4 = arith.constant 27 : i32
    %while3A_5 = arith.subi %while3A_4, %while3A_3 : i32
    %while3A_6 = arith.addi %while3A_3, %while3A_5 : i32
    %while3A_7 = arith.constant 1 : i32
    %while3A_8 = arith.divsi %while3A_5, %while3A_7 : i32
    %while3A_9 = arith.muli %while3A_8, %while3A_7 : i32
    %while3A_10 = arith.addi %while3A_3, %while3A_9 : i32
    %while3A_11 = arith.constant 1 : i32
    scf.for %while3A_21 = %while3A_3 to %while3A_10 step %while3A_11  : i32 {
      %mul3A_22 = arith.constant 81 : i32
      %mul3A_23 = arith.muli %add3A, %mul3A_22 : i32
      %mul3A_24 = arith.constant 3 : i32
      %mul3A_25 = arith.muli %while3A_21, %mul3A_24 : i32
      %add3A_26 = arith.addi %mul3A_23, %mul3A_25 : i32
      "tpu.region"() ({
        %run_scoped3A_29 = tpu.sem_alloc : memref<!tpu.dma_semaphore, #tpu.memory_space<semaphore_mem>>
        %dma_start3A = arith.constant 0 : i32
        %dma_start3A_30 = tpu.memref_slice %arg2[%add3A_26, %dma_start3A] : memref<2592x128xi32, #tpu.memory_space<hbm>> -> memref<3x128xi32, #tpu.memory_space<hbm>>
        %dma_start3A_31 = arith.constant 0 : i32
        %dma_start3A_32 = tpu.memref_slice %arg2[%add3A_26, %dma_start3A_31] : memref<2592x128xi32, #tpu.memory_space<hbm>> -> memref<3x128xi32, #tpu.memory_space<hbm>>
        tpu.enqueue_dma source(%dma_start3A_32 : memref<3x128xi32, #tpu.memory_space<hbm>>) target(%arg6 : memref<3x128xi32, #tpu.memory_space<vmem>>) target_semaphore(%run_scoped3A_29 : memref<!tpu.dma_semaphore, #tpu.memory_space<semaphore_mem>>)
        %dma_wait3A = arith.constant 0 : i32
        %dma_wait3A_33 = tpu.memref_slice %arg2[%add3A_26, %dma_wait3A] : memref<2592x128xi32, #tpu.memory_space<hbm>> -> memref<3x128xi32, #tpu.memory_space<hbm>>
        %dma_wait3A_34 = arith.constant 0 : i32
        %dma_wait3A_35 = tpu.memref_slice %arg2[%add3A_26, %dma_wait3A_34] : memref<2592x128xi32, #tpu.memory_space<hbm>> -> memref<3x128xi32, #tpu.memory_space<hbm>>
        tpu.wait_dma2 semaphore(%run_scoped3A_29 : memref<!tpu.dma_semaphore, #tpu.memory_space<semaphore_mem>>) src(%dma_wait3A_35 : memref<3x128xi32, #tpu.memory_space<hbm>>) dst(%arg6 : memref<3x128xi32, #tpu.memory_space<vmem>>)
        tpu.yield
      }) : () -> ()
      %run_scoped3A = arith.constant 0 : i32
      "tpu.region"() ({
        %run_scoped3A_29 = tpu.sem_alloc : memref<!tpu.dma_semaphore, #tpu.memory_space<semaphore_mem>>
        %dma_start3A = arith.constant 0 : i32
        %dma_start3A_30 = tpu.memref_slice %arg6[%run_scoped3A, %dma_start3A] : memref<3x128xi32, #tpu.memory_space<vmem>> -> memref<1x128xi32, #tpu.memory_space<vmem>>
        %dma_start3A_31 = tpu.memref_squeeze %dma_start3A_30 : memref<1x128xi32, #tpu.memory_space<vmem>> -> memref<128xi32, #tpu.memory_space<vmem>>
        %dma_start3A_32 = arith.constant 0 : i32
        %dma_start3A_33 = arith.constant 0 : i32
        %dma_start3A_34 = tpu.memref_slice %arg8[%dma_start3A_32, %dma_start3A_33] : memref<10112x16xf32, #tpu.memory_space<vmem_shared>> -> memref<10112x16xf32, #tpu.memory_space<vmem_shared>>
        tpu.enqueue_indirect_dma source(%arg7 : memref<128x16xf32, #tpu.memory_space<vmem>>) target(%dma_start3A_34 : memref<10112x16xf32, #tpu.memory_space<vmem_shared>>) offsets(%dma_start3A_31 : memref<128xi32, #tpu.memory_space<vmem>>) semaphore(%run_scoped3A_29 : memref<!tpu.dma_semaphore, #tpu.memory_space<semaphore_mem>>) {add = true}
        %dma_wait3A = arith.constant 0 : i32
        %dma_wait3A_35 = tpu.memref_slice %arg6[%run_scoped3A, %dma_wait3A] : memref<3x128xi32, #tpu.memory_space<vmem>> -> memref<1x128xi32, #tpu.memory_space<vmem>>
        %dma_wait3A_36 = tpu.memref_squeeze %dma_wait3A_35 : memref<1x128xi32, #tpu.memory_space<vmem>> -> memref<128xi32, #tpu.memory_space<vmem>>
        %dma_wait3A_37 = arith.constant 0 : i32
        %dma_wait3A_38 = arith.constant 0 : i32
        %dma_wait3A_39 = tpu.memref_slice %arg8[%dma_wait3A_37, %dma_wait3A_38] : memref<10112x16xf32, #tpu.memory_space<vmem_shared>> -> memref<10112x16xf32, #tpu.memory_space<vmem_shared>>
        tpu.wait_indirect_dma semaphore(%run_scoped3A_29 : memref<!tpu.dma_semaphore, #tpu.memory_space<semaphore_mem>>) src(%arg7 : memref<128x16xf32, #tpu.memory_space<vmem>>) dst(%dma_wait3A_39 : memref<10112x16xf32, #tpu.memory_space<vmem_shared>>)
        tpu.yield
      }) : () -> ()
      %run_scoped3A_27 = arith.constant 1 : i32
      "tpu.region"() ({
        %run_scoped3A_29 = tpu.sem_alloc : memref<!tpu.dma_semaphore, #tpu.memory_space<semaphore_mem>>
        %dma_start3A = arith.constant 0 : i32
        %dma_start3A_30 = tpu.memref_slice %arg6[%run_scoped3A_27, %dma_start3A] : memref<3x128xi32, #tpu.memory_space<vmem>> -> memref<1x128xi32, #tpu.memory_space<vmem>>
        %dma_start3A_31 = tpu.memref_squeeze %dma_start3A_30 : memref<1x128xi32, #tpu.memory_space<vmem>> -> memref<128xi32, #tpu.memory_space<vmem>>
        %dma_start3A_32 = arith.constant 0 : i32
        %dma_start3A_33 = arith.constant 0 : i32
        %dma_start3A_34 = tpu.memref_slice %arg8[%dma_start3A_32, %dma_start3A_33] : memref<10112x16xf32, #tpu.memory_space<vmem_shared>> -> memref<10112x16xf32, #tpu.memory_space<vmem_shared>>
        tpu.enqueue_indirect_dma source(%arg7 : memref<128x16xf32, #tpu.memory_space<vmem>>) target(%dma_start3A_34 : memref<10112x16xf32, #tpu.memory_space<vmem_shared>>) offsets(%dma_start3A_31 : memref<128xi32, #tpu.memory_space<vmem>>) semaphore(%run_scoped3A_29 : memref<!tpu.dma_semaphore, #tpu.memory_space<semaphore_mem>>) {add = true}
        %dma_wait3A = arith.constant 0 : i32
        %dma_wait3A_35 = tpu.memref_slice %arg6[%run_scoped3A_27, %dma_wait3A] : memref<3x128xi32, #tpu.memory_space<vmem>> -> memref<1x128xi32, #tpu.memory_space<vmem>>
        %dma_wait3A_36 = tpu.memref_squeeze %dma_wait3A_35 : memref<1x128xi32, #tpu.memory_space<vmem>> -> memref<128xi32, #tpu.memory_space<vmem>>
        %dma_wait3A_37 = arith.constant 0 : i32
        %dma_wait3A_38 = arith.constant 0 : i32
        %dma_wait3A_39 = tpu.memref_slice %arg8[%dma_wait3A_37, %dma_wait3A_38] : memref<10112x16xf32, #tpu.memory_space<vmem_shared>> -> memref<10112x16xf32, #tpu.memory_space<vmem_shared>>
        tpu.wait_indirect_dma semaphore(%run_scoped3A_29 : memref<!tpu.dma_semaphore, #tpu.memory_space<semaphore_mem>>) src(%arg7 : memref<128x16xf32, #tpu.memory_space<vmem>>) dst(%dma_wait3A_39 : memref<10112x16xf32, #tpu.memory_space<vmem_shared>>)
        tpu.yield
      }) : () -> ()
      %run_scoped3A_28 = arith.constant 2 : i32
      "tpu.region"() ({
        %run_scoped3A_29 = tpu.sem_alloc : memref<!tpu.dma_semaphore, #tpu.memory_space<semaphore_mem>>
        %dma_start3A = arith.constant 0 : i32
        %dma_start3A_30 = tpu.memref_slice %arg6[%run_scoped3A_28, %dma_start3A] : memref<3x128xi32, #tpu.memory_space<vmem>> -> memref<1x128xi32, #tpu.memory_space<vmem>>
        %dma_start3A_31 = tpu.memref_squeeze %dma_start3A_30 : memref<1x128xi32, #tpu.memory_space<vmem>> -> memref<128xi32, #tpu.memory_space<vmem>>
        %dma_start3A_32 = arith.constant 0 : i32
        %dma_start3A_33 = arith.constant 0 : i32
        %dma_start3A_34 = tpu.memref_slice %arg8[%dma_start3A_32, %dma_start3A_33] : memref<10112x16xf32, #tpu.memory_space<vmem_shared>> -> memref<10112x16xf32, #tpu.memory_space<vmem_shared>>
        tpu.enqueue_indirect_dma source(%arg7 : memref<128x16xf32, #tpu.memory_space<vmem>>) target(%dma_start3A_34 : memref<10112x16xf32, #tpu.memory_space<vmem_shared>>) offsets(%dma_start3A_31 : memref<128xi32, #tpu.memory_space<vmem>>) semaphore(%run_scoped3A_29 : memref<!tpu.dma_semaphore, #tpu.memory_space<semaphore_mem>>) {add = true}
        %dma_wait3A = arith.constant 0 : i32
        %dma_wait3A_35 = tpu.memref_slice %arg6[%run_scoped3A_28, %dma_wait3A] : memref<3x128xi32, #tpu.memory_space<vmem>> -> memref<1x128xi32, #tpu.memory_space<vmem>>
        %dma_wait3A_36 = tpu.memref_squeeze %dma_wait3A_35 : memref<1x128xi32, #tpu.memory_space<vmem>> -> memref<128xi32, #tpu.memory_space<vmem>>
        %dma_wait3A_37 = arith.constant 0 : i32
        %dma_wait3A_38 = arith.constant 0 : i32
        %dma_wait3A_39 = tpu.memref_slice %arg8[%dma_wait3A_37, %dma_wait3A_38] : memref<10112x16xf32, #tpu.memory_space<vmem_shared>> -> memref<10112x16xf32, #tpu.memory_space<vmem_shared>>
        tpu.wait_indirect_dma semaphore(%run_scoped3A_29 : memref<!tpu.dma_semaphore, #tpu.memory_space<semaphore_mem>>) src(%arg7 : memref<128x16xf32, #tpu.memory_space<vmem>>) dst(%dma_wait3A_39 : memref<10112x16xf32, #tpu.memory_space<vmem_shared>>)
        tpu.yield
      }) : () -> ()
    }
    %while3A_12 = arith.constant 1 : i32
    scf.for %while3A_21 = %while3A_10 to %while3A_6 step %while3A_12  : i32 {
      %mul3A_22 = arith.constant 81 : i32
      %mul3A_23 = arith.muli %add3A, %mul3A_22 : i32
      %mul3A_24 = arith.constant 3 : i32
      %mul3A_25 = arith.muli %while3A_21, %mul3A_24 : i32
      %add3A_26 = arith.addi %mul3A_23, %mul3A_25 : i32
      "tpu.region"() ({
        %run_scoped3A_29 = tpu.sem_alloc : memref<!tpu.dma_semaphore, #tpu.memory_space<semaphore_mem>>
        %dma_start3A = arith.constant 0 : i32
        %dma_start3A_30 = tpu.memref_slice %arg2[%add3A_26, %dma_start3A] : memref<2592x128xi32, #tpu.memory_space<hbm>> -> memref<3x128xi32, #tpu.memory_space<hbm>>
        %dma_start3A_31 = arith.constant 0 : i32
        %dma_start3A_32 = tpu.memref_slice %arg2[%add3A_26, %dma_start3A_31] : memref<2592x128xi32, #tpu.memory_space<hbm>> -> memref<3x128xi32, #tpu.memory_space<hbm>>
        tpu.enqueue_dma source(%dma_start3A_32 : memref<3x128xi32, #tpu.memory_space<hbm>>) target(%arg6 : memref<3x128xi32, #tpu.memory_space<vmem>>) target_semaphore(%run_scoped3A_29 : memref<!tpu.dma_semaphore, #tpu.memory_space<semaphore_mem>>)
        %dma_wait3A = arith.constant 0 : i32
        %dma_wait3A_33 = tpu.memref_slice %arg2[%add3A_26, %dma_wait3A] : memref<2592x128xi32, #tpu.memory_space<hbm>> -> memref<3x128xi32, #tpu.memory_space<hbm>>
        %dma_wait3A_34 = arith.constant 0 : i32
        %dma_wait3A_35 = tpu.memref_slice %arg2[%add3A_26, %dma_wait3A_34] : memref<2592x128xi32, #tpu.memory_space<hbm>> -> memref<3x128xi32, #tpu.memory_space<hbm>>
        tpu.wait_dma2 semaphore(%run_scoped3A_29 : memref<!tpu.dma_semaphore, #tpu.memory_space<semaphore_mem>>) src(%dma_wait3A_35 : memref<3x128xi32, #tpu.memory_space<hbm>>) dst(%arg6 : memref<3x128xi32, #tpu.memory_space<vmem>>)
        tpu.yield
      }) : () -> ()
      %run_scoped3A = arith.constant 0 : i32
      "tpu.region"() ({
        %run_scoped3A_29 = tpu.sem_alloc : memref<!tpu.dma_semaphore, #tpu.memory_space<semaphore_mem>>
        %dma_start3A = arith.constant 0 : i32
        %dma_start3A_30 = tpu.memref_slice %arg6[%run_scoped3A, %dma_start3A] : memref<3x128xi32, #tpu.memory_space<vmem>> -> memref<1x128xi32, #tpu.memory_space<vmem>>
        %dma_start3A_31 = tpu.memref_squeeze %dma_start3A_30 : memref<1x128xi32, #tpu.memory_space<vmem>> -> memref<128xi32, #tpu.memory_space<vmem>>
        %dma_start3A_32 = arith.constant 0 : i32
        %dma_start3A_33 = arith.constant 0 : i32
        %dma_start3A_34 = tpu.memref_slice %arg8[%dma_start3A_32, %dma_start3A_33] : memref<10112x16xf32, #tpu.memory_space<vmem_shared>> -> memref<10112x16xf32, #tpu.memory_space<vmem_shared>>
        tpu.enqueue_indirect_dma source(%arg7 : memref<128x16xf32, #tpu.memory_space<vmem>>) target(%dma_start3A_34 : memref<10112x16xf32, #tpu.memory_space<vmem_shared>>) offsets(%dma_start3A_31 : memref<128xi32, #tpu.memory_space<vmem>>) semaphore(%run_scoped3A_29 : memref<!tpu.dma_semaphore, #tpu.memory_space<semaphore_mem>>) {add = true}
        %dma_wait3A = arith.constant 0 : i32
        %dma_wait3A_35 = tpu.memref_slice %arg6[%run_scoped3A, %dma_wait3A] : memref<3x128xi32, #tpu.memory_space<vmem>> -> memref<1x128xi32, #tpu.memory_space<vmem>>
        %dma_wait3A_36 = tpu.memref_squeeze %dma_wait3A_35 : memref<1x128xi32, #tpu.memory_space<vmem>> -> memref<128xi32, #tpu.memory_space<vmem>>
        %dma_wait3A_37 = arith.constant 0 : i32
        %dma_wait3A_38 = arith.constant 0 : i32
        %dma_wait3A_39 = tpu.memref_slice %arg8[%dma_wait3A_37, %dma_wait3A_38] : memref<10112x16xf32, #tpu.memory_space<vmem_shared>> -> memref<10112x16xf32, #tpu.memory_space<vmem_shared>>
        tpu.wait_indirect_dma semaphore(%run_scoped3A_29 : memref<!tpu.dma_semaphore, #tpu.memory_space<semaphore_mem>>) src(%arg7 : memref<128x16xf32, #tpu.memory_space<vmem>>) dst(%dma_wait3A_39 : memref<10112x16xf32, #tpu.memory_space<vmem_shared>>)
        tpu.yield
      }) : () -> ()
      %run_scoped3A_27 = arith.constant 1 : i32
      "tpu.region"() ({
        %run_scoped3A_29 = tpu.sem_alloc : memref<!tpu.dma_semaphore, #tpu.memory_space<semaphore_mem>>
        %dma_start3A = arith.constant 0 : i32
        %dma_start3A_30 = tpu.memref_slice %arg6[%run_scoped3A_27, %dma_start3A] : memref<3x128xi32, #tpu.memory_space<vmem>> -> memref<1x128xi32, #tpu.memory_space<vmem>>
        %dma_start3A_31 = tpu.memref_squeeze %dma_start3A_30 : memref<1x128xi32, #tpu.memory_space<vmem>> -> memref<128xi32, #tpu.memory_space<vmem>>
        %dma_start3A_32 = arith.constant 0 : i32
        %dma_start3A_33 = arith.constant 0 : i32
        %dma_start3A_34 = tpu.memref_slice %arg8[%dma_start3A_32, %dma_start3A_33] : memref<10112x16xf32, #tpu.memory_space<vmem_shared>> -> memref<10112x16xf32, #tpu.memory_space<vmem_shared>>
        tpu.enqueue_indirect_dma source(%arg7 : memref<128x16xf32, #tpu.memory_space<vmem>>) target(%dma_start3A_34 : memref<10112x16xf32, #tpu.memory_space<vmem_shared>>) offsets(%dma_start3A_31 : memref<128xi32, #tpu.memory_space<vmem>>) semaphore(%run_scoped3A_29 : memref<!tpu.dma_semaphore, #tpu.memory_space<semaphore_mem>>) {add = true}
        %dma_wait3A = arith.constant 0 : i32
        %dma_wait3A_35 = tpu.memref_slice %arg6[%run_scoped3A_27, %dma_wait3A] : memref<3x128xi32, #tpu.memory_space<vmem>> -> memref<1x128xi32, #tpu.memory_space<vmem>>
        %dma_wait3A_36 = tpu.memref_squeeze %dma_wait3A_35 : memref<1x128xi32, #tpu.memory_space<vmem>> -> memref<128xi32, #tpu.memory_space<vmem>>
        %dma_wait3A_37 = arith.constant 0 : i32
        %dma_wait3A_38 = arith.constant 0 : i32
        %dma_wait3A_39 = tpu.memref_slice %arg8[%dma_wait3A_37, %dma_wait3A_38] : memref<10112x16xf32, #tpu.memory_space<vmem_shared>> -> memref<10112x16xf32, #tpu.memory_space<vmem_shared>>
        tpu.wait_indirect_dma semaphore(%run_scoped3A_29 : memref<!tpu.dma_semaphore, #tpu.memory_space<semaphore_mem>>) src(%arg7 : memref<128x16xf32, #tpu.memory_space<vmem>>) dst(%dma_wait3A_39 : memref<10112x16xf32, #tpu.memory_space<vmem_shared>>)
        tpu.yield
      }) : () -> ()
      %run_scoped3A_28 = arith.constant 2 : i32
      "tpu.region"() ({
        %run_scoped3A_29 = tpu.sem_alloc : memref<!tpu.dma_semaphore, #tpu.memory_space<semaphore_mem>>
        %dma_start3A = arith.constant 0 : i32
        %dma_start3A_30 = tpu.memref_slice %arg6[%run_scoped3A_28, %dma_start3A] : memref<3x128xi32, #tpu.memory_space<vmem>> -> memref<1x128xi32, #tpu.memory_space<vmem>>
        %dma_start3A_31 = tpu.memref_squeeze %dma_start3A_30 : memref<1x128xi32, #tpu.memory_space<vmem>> -> memref<128xi32, #tpu.memory_space<vmem>>
        %dma_start3A_32 = arith.constant 0 : i32
        %dma_start3A_33 = arith.constant 0 : i32
        %dma_start3A_34 = tpu.memref_slice %arg8[%dma_start3A_32, %dma_start3A_33] : memref<10112x16xf32, #tpu.memory_space<vmem_shared>> -> memref<10112x16xf32, #tpu.memory_space<vmem_shared>>
        tpu.enqueue_indirect_dma source(%arg7 : memref<128x16xf32, #tpu.memory_space<vmem>>) target(%dma_start3A_34 : memref<10112x16xf32, #tpu.memory_space<vmem_shared>>) offsets(%dma_start3A_31 : memref<128xi32, #tpu.memory_space<vmem>>) semaphore(%run_scoped3A_29 : memref<!tpu.dma_semaphore, #tpu.memory_space<semaphore_mem>>) {add = true}
        %dma_wait3A = arith.constant 0 : i32
        %dma_wait3A_35 = tpu.memref_slice %arg6[%run_scoped3A_28, %dma_wait3A] : memref<3x128xi32, #tpu.memory_space<vmem>> -> memref<1x128xi32, #tpu.memory_space<vmem>>
        %dma_wait3A_36 = tpu.memref_squeeze %dma_wait3A_35 : memref<1x128xi32, #tpu.memory_space<vmem>> -> memref<128xi32, #tpu.memory_space<vmem>>
        %dma_wait3A_37 = arith.constant 0 : i32
        %dma_wait3A_38 = arith.constant 0 : i32
        %dma_wait3A_39 = tpu.memref_slice %arg8[%dma_wait3A_37, %dma_wait3A_38] : memref<10112x16xf32, #tpu.memory_space<vmem_shared>> -> memref<10112x16xf32, #tpu.memory_space<vmem_shared>>
        tpu.wait_indirect_dma semaphore(%run_scoped3A_29 : memref<!tpu.dma_semaphore, #tpu.memory_space<semaphore_mem>>) src(%arg7 : memref<128x16xf32, #tpu.memory_space<vmem>>) dst(%dma_wait3A_39 : memref<10112x16xf32, #tpu.memory_space<vmem_shared>>)
        tpu.yield
      }) : () -> ()
    }
    %barrier3A_13 = arith.constant 0 : index
    tpu.barrier barrier_id(%barrier3A_13)
    %mul3A_14 = arith.constant 632 : i32
    %mul3A_15 = arith.muli %arg1, %mul3A_14 : i32
    %mul3A_16 = arith.constant 10112 : i32
    %mul3A_17 = arith.muli %arg0, %mul3A_16 : i32
    %mul3A_18 = arith.constant 632 : i32
    %mul3A_19 = arith.muli %arg1, %mul3A_18 : i32
    %add3A_20 = arith.addi %mul3A_17, %mul3A_19 : i32
    "tpu.region"() ({
      %run_scoped3A = tpu.sem_alloc : memref<!tpu.dma_semaphore, #tpu.memory_space<semaphore_mem>>
      %dma_start3A = arith.constant 0 : i32
      %dma_start3A_21 = tpu.memref_slice %arg5[%add3A_20, %dma_start3A] : memref<20224x16xf32, #tpu.memory_space<hbm>> -> memref<632x16xf32, #tpu.memory_space<hbm>>
      %dma_start3A_22 = arith.constant 0 : i32
      %dma_start3A_23 = tpu.memref_slice %arg8[%mul3A_15, %dma_start3A_22] : memref<10112x16xf32, #tpu.memory_space<vmem_shared>> -> memref<632x16xf32, #tpu.memory_space<vmem_shared>>
      tpu.enqueue_dma source(%dma_start3A_23 : memref<632x16xf32, #tpu.memory_space<vmem_shared>>) target(%dma_start3A_21 : memref<632x16xf32, #tpu.memory_space<hbm>>) target_semaphore(%run_scoped3A : memref<!tpu.dma_semaphore, #tpu.memory_space<semaphore_mem>>)
      %dma_wait3A = arith.constant 0 : i32
      %dma_wait3A_24 = tpu.memref_slice %arg5[%add3A_20, %dma_wait3A] : memref<20224x16xf32, #tpu.memory_space<hbm>> -> memref<632x16xf32, #tpu.memory_space<hbm>>
      %dma_wait3A_25 = arith.constant 0 : i32
      %dma_wait3A_26 = tpu.memref_slice %arg8[%mul3A_15, %dma_wait3A_25] : memref<10112x16xf32, #tpu.memory_space<vmem_shared>> -> memref<632x16xf32, #tpu.memory_space<vmem_shared>>
      tpu.wait_dma2 semaphore(%run_scoped3A : memref<!tpu.dma_semaphore, #tpu.memory_space<semaphore_mem>>) src(%dma_wait3A_26 : memref<632x16xf32, #tpu.memory_space<vmem_shared>>) dst(%dma_wait3A_24 : memref<632x16xf32, #tpu.memory_space<hbm>>)
      tpu.yield
    }) : () -> ()
    return
  }
}

#map = affine_map<(d0, d1) -> (0, 0)>
module attributes {stable_mosaic.version = 14 : i64} {
  func.func @agg(%arg0: i32, %arg1: i32, %arg2: memref<20224x128xf32, #tpu.memory_space<hbm>>, %arg3: memref<2592x128xi32, #tpu.memory_space<hbm>>, %arg4: memref<2592x128xi32, #tpu.memory_space<hbm>>, %arg5: memref<632x128xf32, #tpu.memory_space<hbm>>, %arg6: memref<20224x128xf32, #tpu.memory_space<hbm>>, %arg7: memref<3x128xi32, #tpu.memory_space<vmem>>, %arg8: memref<3x128xi32, #tpu.memory_space<vmem>>, %arg9: memref<3x128x128xf32, #tpu.memory_space<vmem>>, %arg10: memref<10112x128xf32, #tpu.memory_space<vmem_shared>>, %arg11: memref<!tpu.dma_semaphore, #tpu.memory_space<semaphore_mem>>) attributes {dimension_semantics = [#tpu.dimension_semantics<core_parallel>, #tpu.dimension_semantics<subcore_parallel>], iteration_bounds = array<i64: 2, 16>, scalar_prefetch = 0 : i64, scratch_operands = 5 : i64, tpu.core_type = #tpu.core_type<sc_vector_subcore>, window_params = [{transform_indices = #map}, {transform_indices = #map}, {transform_indices = #map}, {transform_indices = #map}, {transform_indices = #map}]} {
    %mul3A = arith.constant 10112 : i32
    %mul3A_0 = arith.muli %arg0, %mul3A : i32
    %mul3A_1 = arith.constant 632 : i32
    %mul3A_2 = arith.muli %arg1, %mul3A_1 : i32
    "tpu.region"() ({
      %run_scoped3A = tpu.sem_alloc : memref<!tpu.dma_semaphore, #tpu.memory_space<semaphore_mem>>
      %dma_start3A = arith.constant 0 : i32
      %dma_start3A_20 = tpu.memref_slice %arg10[%mul3A_2, %dma_start3A] : memref<10112x128xf32, #tpu.memory_space<vmem_shared>> -> memref<632x128xf32, #tpu.memory_space<vmem_shared>>
      tpu.enqueue_dma source(%arg5 : memref<632x128xf32, #tpu.memory_space<hbm>>) target(%dma_start3A_20 : memref<632x128xf32, #tpu.memory_space<vmem_shared>>) target_semaphore(%run_scoped3A : memref<!tpu.dma_semaphore, #tpu.memory_space<semaphore_mem>>)
      %dma_wait3A = arith.constant 0 : i32
      %dma_wait3A_21 = tpu.memref_slice %arg10[%mul3A_2, %dma_wait3A] : memref<10112x128xf32, #tpu.memory_space<vmem_shared>> -> memref<632x128xf32, #tpu.memory_space<vmem_shared>>
      tpu.wait_dma2 semaphore(%run_scoped3A : memref<!tpu.dma_semaphore, #tpu.memory_space<semaphore_mem>>) src(%arg5 : memref<632x128xf32, #tpu.memory_space<hbm>>) dst(%dma_wait3A_21 : memref<632x128xf32, #tpu.memory_space<vmem_shared>>)
      tpu.yield
    }) : () -> ()
    %barrier3A = arith.constant 0 : index
    tpu.barrier barrier_id(%barrier3A)
    %while3A = arith.constant 0 : i32
    %while3A_3 = arith.constant 0 : i32
    %while3A_4 = arith.constant 54 : i32
    %while3A_5 = arith.subi %while3A_4, %while3A_3 : i32
    %while3A_6 = arith.addi %while3A_3, %while3A_5 : i32
    %while3A_7 = arith.constant 1 : i32
    %while3A_8 = arith.divsi %while3A_5, %while3A_7 : i32
    %while3A_9 = arith.muli %while3A_8, %while3A_7 : i32
    %while3A_10 = arith.addi %while3A_3, %while3A_9 : i32
    %while3A_11 = arith.constant 1 : i32
    scf.for %while3A_20 = %while3A_3 to %while3A_10 step %while3A_11  : i32 {
      %mul3A_21 = arith.constant 162 : i32
      %mul3A_22 = arith.muli %arg1, %mul3A_21 : i32
      %mul3A_23 = arith.constant 3 : i32
      %mul3A_24 = arith.muli %while3A_20, %mul3A_23 : i32
      %add3A_25 = arith.addi %mul3A_22, %mul3A_24 : i32
      "tpu.region"() ({
        %run_scoped3A_408 = tpu.sem_alloc : memref<!tpu.dma_semaphore, #tpu.memory_space<semaphore_mem>>
        %dma_start3A_409 = arith.constant 0 : i32
        %dma_start3A_410 = tpu.memref_slice %arg3[%add3A_25, %dma_start3A_409] : memref<2592x128xi32, #tpu.memory_space<hbm>> -> memref<3x128xi32, #tpu.memory_space<hbm>>
        %dma_start3A_411 = arith.constant 0 : i32
        %dma_start3A_412 = tpu.memref_slice %arg3[%add3A_25, %dma_start3A_411] : memref<2592x128xi32, #tpu.memory_space<hbm>> -> memref<3x128xi32, #tpu.memory_space<hbm>>
        tpu.enqueue_dma source(%dma_start3A_412 : memref<3x128xi32, #tpu.memory_space<hbm>>) target(%arg7 : memref<3x128xi32, #tpu.memory_space<vmem>>) target_semaphore(%run_scoped3A_408 : memref<!tpu.dma_semaphore, #tpu.memory_space<semaphore_mem>>)
        %dma_wait3A_413 = arith.constant 0 : i32
        %dma_wait3A_414 = tpu.memref_slice %arg3[%add3A_25, %dma_wait3A_413] : memref<2592x128xi32, #tpu.memory_space<hbm>> -> memref<3x128xi32, #tpu.memory_space<hbm>>
        %dma_wait3A_415 = arith.constant 0 : i32
        %dma_wait3A_416 = tpu.memref_slice %arg3[%add3A_25, %dma_wait3A_415] : memref<2592x128xi32, #tpu.memory_space<hbm>> -> memref<3x128xi32, #tpu.memory_space<hbm>>
        tpu.wait_dma2 semaphore(%run_scoped3A_408 : memref<!tpu.dma_semaphore, #tpu.memory_space<semaphore_mem>>) src(%dma_wait3A_416 : memref<3x128xi32, #tpu.memory_space<hbm>>) dst(%arg7 : memref<3x128xi32, #tpu.memory_space<vmem>>)
        tpu.yield
      }) : () -> ()
      "tpu.region"() ({
        %run_scoped3A_408 = tpu.sem_alloc : memref<!tpu.dma_semaphore, #tpu.memory_space<semaphore_mem>>
        %dma_start3A_409 = arith.constant 0 : i32
        %dma_start3A_410 = tpu.memref_slice %arg4[%add3A_25, %dma_start3A_409] : memref<2592x128xi32, #tpu.memory_space<hbm>> -> memref<3x128xi32, #tpu.memory_space<hbm>>
        %dma_start3A_411 = arith.constant 0 : i32
        %dma_start3A_412 = tpu.memref_slice %arg4[%add3A_25, %dma_start3A_411] : memref<2592x128xi32, #tpu.memory_space<hbm>> -> memref<3x128xi32, #tpu.memory_space<hbm>>
        tpu.enqueue_dma source(%dma_start3A_412 : memref<3x128xi32, #tpu.memory_space<hbm>>) target(%arg8 : memref<3x128xi32, #tpu.memory_space<vmem>>) target_semaphore(%run_scoped3A_408 : memref<!tpu.dma_semaphore, #tpu.memory_space<semaphore_mem>>)
        %dma_wait3A_413 = arith.constant 0 : i32
        %dma_wait3A_414 = tpu.memref_slice %arg4[%add3A_25, %dma_wait3A_413] : memref<2592x128xi32, #tpu.memory_space<hbm>> -> memref<3x128xi32, #tpu.memory_space<hbm>>
        %dma_wait3A_415 = arith.constant 0 : i32
        %dma_wait3A_416 = tpu.memref_slice %arg4[%add3A_25, %dma_wait3A_415] : memref<2592x128xi32, #tpu.memory_space<hbm>> -> memref<3x128xi32, #tpu.memory_space<hbm>>
        tpu.wait_dma2 semaphore(%run_scoped3A_408 : memref<!tpu.dma_semaphore, #tpu.memory_space<semaphore_mem>>) src(%dma_wait3A_416 : memref<3x128xi32, #tpu.memory_space<hbm>>) dst(%arg8 : memref<3x128xi32, #tpu.memory_space<vmem>>)
        tpu.yield
      }) : () -> ()
      %get3A = arith.constant 0 : i32
      %get3A_26 = arith.index_cast %get3A : i32 to index
      %get3A_27 = arith.constant 0 : index
      %get3A_28 = tpu.vector_load %arg7[%get3A_26, %get3A_27] {strides = array<i32>} : memref<3x128xi32, #tpu.memory_space<vmem>>, vector<1x16xi32>,
      %get3A_29 = vector.shape_cast %get3A_28 : vector<1x16xi32> to vector<16xi32>
      %add3A_30 = vector.broadcast %mul3A_0 : i32 to vector<16xi32>
      %add3A_31 = arith.addi %get3A_29, %add3A_30 : vector<16xi32>
      %swap3A = arith.constant 0 : i32
      %swap3A_32 = arith.index_cast %swap3A : i32 to index
      %swap3A_33 = arith.constant 0 : index
      %swap3A_34 = tpu.vector_load %arg7[%swap3A_32, %swap3A_33] {strides = array<i32>} : memref<3x128xi32, #tpu.memory_space<vmem>>, vector<1x16xi32>,
      %swap3A_35 = vector.shape_cast %swap3A_34 : vector<1x16xi32> to vector<16xi32>
      %swap3A_36 = vector.shape_cast %add3A_31 : vector<16xi32> to vector<1x16xi32>
      tpu.vector_store %arg7[%swap3A_32, %swap3A_33], %swap3A_36 {strides = array<i32>} : memref<3x128xi32, #tpu.memory_space<vmem>>, vector<1x16xi32>,
      %get3A_37 = arith.constant 0 : i32
      %get3A_38 = arith.index_cast %get3A_37 : i32 to index
      %get3A_39 = arith.constant 16 : index
      %get3A_40 = tpu.vector_load %arg7[%get3A_38, %get3A_39] {strides = array<i32>} : memref<3x128xi32, #tpu.memory_space<vmem>>, vector<1x16xi32>,
      %get3A_41 = vector.shape_cast %get3A_40 : vector<1x16xi32> to vector<16xi32>
      %add3A_42 = vector.broadcast %mul3A_0 : i32 to vector<16xi32>
      %add3A_43 = arith.addi %get3A_41, %add3A_42 : vector<16xi32>
      %swap3A_44 = arith.constant 0 : i32
      %swap3A_45 = arith.index_cast %swap3A_44 : i32 to index
      %swap3A_46 = arith.constant 16 : index
      %swap3A_47 = tpu.vector_load %arg7[%swap3A_45, %swap3A_46] {strides = array<i32>} : memref<3x128xi32, #tpu.memory_space<vmem>>, vector<1x16xi32>,
      %swap3A_48 = vector.shape_cast %swap3A_47 : vector<1x16xi32> to vector<16xi32>
      %swap3A_49 = vector.shape_cast %add3A_43 : vector<16xi32> to vector<1x16xi32>
      tpu.vector_store %arg7[%swap3A_45, %swap3A_46], %swap3A_49 {strides = array<i32>} : memref<3x128xi32, #tpu.memory_space<vmem>>, vector<1x16xi32>,
      %get3A_50 = arith.constant 0 : i32
      %get3A_51 = arith.index_cast %get3A_50 : i32 to index
      %get3A_52 = arith.constant 32 : index
      %get3A_53 = tpu.vector_load %arg7[%get3A_51, %get3A_52] {strides = array<i32>} : memref<3x128xi32, #tpu.memory_space<vmem>>, vector<1x16xi32>,
      %get3A_54 = vector.shape_cast %get3A_53 : vector<1x16xi32> to vector<16xi32>
      %add3A_55 = vector.broadcast %mul3A_0 : i32 to vector<16xi32>
      %add3A_56 = arith.addi %get3A_54, %add3A_55 : vector<16xi32>
      %swap3A_57 = arith.constant 0 : i32
      %swap3A_58 = arith.index_cast %swap3A_57 : i32 to index
      %swap3A_59 = arith.constant 32 : index
      %swap3A_60 = tpu.vector_load %arg7[%swap3A_58, %swap3A_59] {strides = array<i32>} : memref<3x128xi32, #tpu.memory_space<vmem>>, vector<1x16xi32>,
      %swap3A_61 = vector.shape_cast %swap3A_60 : vector<1x16xi32> to vector<16xi32>
      %swap3A_62 = vector.shape_cast %add3A_56 : vector<16xi32> to vector<1x16xi32>
      tpu.vector_store %arg7[%swap3A_58, %swap3A_59], %swap3A_62 {strides = array<i32>} : memref<3x128xi32, #tpu.memory_space<vmem>>, vector<1x16xi32>,
      %get3A_63 = arith.constant 0 : i32
      %get3A_64 = arith.index_cast %get3A_63 : i32 to index
      %get3A_65 = arith.constant 48 : index
      %get3A_66 = tpu.vector_load %arg7[%get3A_64, %get3A_65] {strides = array<i32>} : memref<3x128xi32, #tpu.memory_space<vmem>>, vector<1x16xi32>,
      %get3A_67 = vector.shape_cast %get3A_66 : vector<1x16xi32> to vector<16xi32>
      %add3A_68 = vector.broadcast %mul3A_0 : i32 to vector<16xi32>
      %add3A_69 = arith.addi %get3A_67, %add3A_68 : vector<16xi32>
      %swap3A_70 = arith.constant 0 : i32
      %swap3A_71 = arith.index_cast %swap3A_70 : i32 to index
      %swap3A_72 = arith.constant 48 : index
      %swap3A_73 = tpu.vector_load %arg7[%swap3A_71, %swap3A_72] {strides = array<i32>} : memref<3x128xi32, #tpu.memory_space<vmem>>, vector<1x16xi32>,
      %swap3A_74 = vector.shape_cast %swap3A_73 : vector<1x16xi32> to vector<16xi32>
      %swap3A_75 = vector.shape_cast %add3A_69 : vector<16xi32> to vector<1x16xi32>
      tpu.vector_store %arg7[%swap3A_71, %swap3A_72], %swap3A_75 {strides = array<i32>} : memref<3x128xi32, #tpu.memory_space<vmem>>, vector<1x16xi32>,
      %get3A_76 = arith.constant 0 : i32
      %get3A_77 = arith.index_cast %get3A_76 : i32 to index
      %get3A_78 = arith.constant 64 : index
      %get3A_79 = tpu.vector_load %arg7[%get3A_77, %get3A_78] {strides = array<i32>} : memref<3x128xi32, #tpu.memory_space<vmem>>, vector<1x16xi32>,
      %get3A_80 = vector.shape_cast %get3A_79 : vector<1x16xi32> to vector<16xi32>
      %add3A_81 = vector.broadcast %mul3A_0 : i32 to vector<16xi32>
      %add3A_82 = arith.addi %get3A_80, %add3A_81 : vector<16xi32>
      %swap3A_83 = arith.constant 0 : i32
      %swap3A_84 = arith.index_cast %swap3A_83 : i32 to index
      %swap3A_85 = arith.constant 64 : index
      %swap3A_86 = tpu.vector_load %arg7[%swap3A_84, %swap3A_85] {strides = array<i32>} : memref<3x128xi32, #tpu.memory_space<vmem>>, vector<1x16xi32>,
      %swap3A_87 = vector.shape_cast %swap3A_86 : vector<1x16xi32> to vector<16xi32>
      %swap3A_88 = vector.shape_cast %add3A_82 : vector<16xi32> to vector<1x16xi32>
      tpu.vector_store %arg7[%swap3A_84, %swap3A_85], %swap3A_88 {strides = array<i32>} : memref<3x128xi32, #tpu.memory_space<vmem>>, vector<1x16xi32>,
      %get3A_89 = arith.constant 0 : i32
      %get3A_90 = arith.index_cast %get3A_89 : i32 to index
      %get3A_91 = arith.constant 80 : index
      %get3A_92 = tpu.vector_load %arg7[%get3A_90, %get3A_91] {strides = array<i32>} : memref<3x128xi32, #tpu.memory_space<vmem>>, vector<1x16xi32>,
      %get3A_93 = vector.shape_cast %get3A_92 : vector<1x16xi32> to vector<16xi32>
      %add3A_94 = vector.broadcast %mul3A_0 : i32 to vector<16xi32>
      %add3A_95 = arith.addi %get3A_93, %add3A_94 : vector<16xi32>
      %swap3A_96 = arith.constant 0 : i32
      %swap3A_97 = arith.index_cast %swap3A_96 : i32 to index
      %swap3A_98 = arith.constant 80 : index
      %swap3A_99 = tpu.vector_load %arg7[%swap3A_97, %swap3A_98] {strides = array<i32>} : memref<3x128xi32, #tpu.memory_space<vmem>>, vector<1x16xi32>,
      %swap3A_100 = vector.shape_cast %swap3A_99 : vector<1x16xi32> to vector<16xi32>
      %swap3A_101 = vector.shape_cast %add3A_95 : vector<16xi32> to vector<1x16xi32>
      tpu.vector_store %arg7[%swap3A_97, %swap3A_98], %swap3A_101 {strides = array<i32>} : memref<3x128xi32, #tpu.memory_space<vmem>>, vector<1x16xi32>,
      %get3A_102 = arith.constant 0 : i32
      %get3A_103 = arith.index_cast %get3A_102 : i32 to index
      %get3A_104 = arith.constant 96 : index
      %get3A_105 = tpu.vector_load %arg7[%get3A_103, %get3A_104] {strides = array<i32>} : memref<3x128xi32, #tpu.memory_space<vmem>>, vector<1x16xi32>,
      %get3A_106 = vector.shape_cast %get3A_105 : vector<1x16xi32> to vector<16xi32>
      %add3A_107 = vector.broadcast %mul3A_0 : i32 to vector<16xi32>
      %add3A_108 = arith.addi %get3A_106, %add3A_107 : vector<16xi32>
      %swap3A_109 = arith.constant 0 : i32
      %swap3A_110 = arith.index_cast %swap3A_109 : i32 to index
      %swap3A_111 = arith.constant 96 : index
      %swap3A_112 = tpu.vector_load %arg7[%swap3A_110, %swap3A_111] {strides = array<i32>} : memref<3x128xi32, #tpu.memory_space<vmem>>, vector<1x16xi32>,
      %swap3A_113 = vector.shape_cast %swap3A_112 : vector<1x16xi32> to vector<16xi32>
      %swap3A_114 = vector.shape_cast %add3A_108 : vector<16xi32> to vector<1x16xi32>
      tpu.vector_store %arg7[%swap3A_110, %swap3A_111], %swap3A_114 {strides = array<i32>} : memref<3x128xi32, #tpu.memory_space<vmem>>, vector<1x16xi32>,
      %get3A_115 = arith.constant 0 : i32
      %get3A_116 = arith.index_cast %get3A_115 : i32 to index
      %get3A_117 = arith.constant 112 : index
      %get3A_118 = tpu.vector_load %arg7[%get3A_116, %get3A_117] {strides = array<i32>} : memref<3x128xi32, #tpu.memory_space<vmem>>, vector<1x16xi32>,
      %get3A_119 = vector.shape_cast %get3A_118 : vector<1x16xi32> to vector<16xi32>
      %add3A_120 = vector.broadcast %mul3A_0 : i32 to vector<16xi32>
      %add3A_121 = arith.addi %get3A_119, %add3A_120 : vector<16xi32>
      %swap3A_122 = arith.constant 0 : i32
      %swap3A_123 = arith.index_cast %swap3A_122 : i32 to index
      %swap3A_124 = arith.constant 112 : index
      %swap3A_125 = tpu.vector_load %arg7[%swap3A_123, %swap3A_124] {strides = array<i32>} : memref<3x128xi32, #tpu.memory_space<vmem>>, vector<1x16xi32>,
      %swap3A_126 = vector.shape_cast %swap3A_125 : vector<1x16xi32> to vector<16xi32>
      %swap3A_127 = vector.shape_cast %add3A_121 : vector<16xi32> to vector<1x16xi32>
      tpu.vector_store %arg7[%swap3A_123, %swap3A_124], %swap3A_127 {strides = array<i32>} : memref<3x128xi32, #tpu.memory_space<vmem>>, vector<1x16xi32>,
      %get3A_128 = arith.constant 1 : i32
      %get3A_129 = arith.index_cast %get3A_128 : i32 to index
      %get3A_130 = arith.constant 0 : index
      %get3A_131 = tpu.vector_load %arg7[%get3A_129, %get3A_130] {strides = array<i32>} : memref<3x128xi32, #tpu.memory_space<vmem>>, vector<1x16xi32>,
      %get3A_132 = vector.shape_cast %get3A_131 : vector<1x16xi32> to vector<16xi32>
      %add3A_133 = vector.broadcast %mul3A_0 : i32 to vector<16xi32>
      %add3A_134 = arith.addi %get3A_132, %add3A_133 : vector<16xi32>
      %swap3A_135 = arith.constant 1 : i32
      %swap3A_136 = arith.index_cast %swap3A_135 : i32 to index
      %swap3A_137 = arith.constant 0 : index
      %swap3A_138 = tpu.vector_load %arg7[%swap3A_136, %swap3A_137] {strides = array<i32>} : memref<3x128xi32, #tpu.memory_space<vmem>>, vector<1x16xi32>,
      %swap3A_139 = vector.shape_cast %swap3A_138 : vector<1x16xi32> to vector<16xi32>
      %swap3A_140 = vector.shape_cast %add3A_134 : vector<16xi32> to vector<1x16xi32>
      tpu.vector_store %arg7[%swap3A_136, %swap3A_137], %swap3A_140 {strides = array<i32>} : memref<3x128xi32, #tpu.memory_space<vmem>>, vector<1x16xi32>,
      %get3A_141 = arith.constant 1 : i32
      %get3A_142 = arith.index_cast %get3A_141 : i32 to index
      %get3A_143 = arith.constant 16 : index
      %get3A_144 = tpu.vector_load %arg7[%get3A_142, %get3A_143] {strides = array<i32>} : memref<3x128xi32, #tpu.memory_space<vmem>>, vector<1x16xi32>,
      %get3A_145 = vector.shape_cast %get3A_144 : vector<1x16xi32> to vector<16xi32>
      %add3A_146 = vector.broadcast %mul3A_0 : i32 to vector<16xi32>
      %add3A_147 = arith.addi %get3A_145, %add3A_146 : vector<16xi32>
      %swap3A_148 = arith.constant 1 : i32
      %swap3A_149 = arith.index_cast %swap3A_148 : i32 to index
      %swap3A_150 = arith.constant 16 : index
      %swap3A_151 = tpu.vector_load %arg7[%swap3A_149, %swap3A_150] {strides = array<i32>} : memref<3x128xi32, #tpu.memory_space<vmem>>, vector<1x16xi32>,
      %swap3A_152 = vector.shape_cast %swap3A_151 : vector<1x16xi32> to vector<16xi32>
      %swap3A_153 = vector.shape_cast %add3A_147 : vector<16xi32> to vector<1x16xi32>
      tpu.vector_store %arg7[%swap3A_149, %swap3A_150], %swap3A_153 {strides = array<i32>} : memref<3x128xi32, #tpu.memory_space<vmem>>, vector<1x16xi32>,
      %get3A_154 = arith.constant 1 : i32
      %get3A_155 = arith.index_cast %get3A_154 : i32 to index
      %get3A_156 = arith.constant 32 : index
      %get3A_157 = tpu.vector_load %arg7[%get3A_155, %get3A_156] {strides = array<i32>} : memref<3x128xi32, #tpu.memory_space<vmem>>, vector<1x16xi32>,
      %get3A_158 = vector.shape_cast %get3A_157 : vector<1x16xi32> to vector<16xi32>
      %add3A_159 = vector.broadcast %mul3A_0 : i32 to vector<16xi32>
      %add3A_160 = arith.addi %get3A_158, %add3A_159 : vector<16xi32>
      %swap3A_161 = arith.constant 1 : i32
      %swap3A_162 = arith.index_cast %swap3A_161 : i32 to index
      %swap3A_163 = arith.constant 32 : index
      %swap3A_164 = tpu.vector_load %arg7[%swap3A_162, %swap3A_163] {strides = array<i32>} : memref<3x128xi32, #tpu.memory_space<vmem>>, vector<1x16xi32>,
      %swap3A_165 = vector.shape_cast %swap3A_164 : vector<1x16xi32> to vector<16xi32>
      %swap3A_166 = vector.shape_cast %add3A_160 : vector<16xi32> to vector<1x16xi32>
      tpu.vector_store %arg7[%swap3A_162, %swap3A_163], %swap3A_166 {strides = array<i32>} : memref<3x128xi32, #tpu.memory_space<vmem>>, vector<1x16xi32>,
      %get3A_167 = arith.constant 1 : i32
      %get3A_168 = arith.index_cast %get3A_167 : i32 to index
      %get3A_169 = arith.constant 48 : index
      %get3A_170 = tpu.vector_load %arg7[%get3A_168, %get3A_169] {strides = array<i32>} : memref<3x128xi32, #tpu.memory_space<vmem>>, vector<1x16xi32>,
      %get3A_171 = vector.shape_cast %get3A_170 : vector<1x16xi32> to vector<16xi32>
      %add3A_172 = vector.broadcast %mul3A_0 : i32 to vector<16xi32>
      %add3A_173 = arith.addi %get3A_171, %add3A_172 : vector<16xi32>
      %swap3A_174 = arith.constant 1 : i32
      %swap3A_175 = arith.index_cast %swap3A_174 : i32 to index
      %swap3A_176 = arith.constant 48 : index
      %swap3A_177 = tpu.vector_load %arg7[%swap3A_175, %swap3A_176] {strides = array<i32>} : memref<3x128xi32, #tpu.memory_space<vmem>>, vector<1x16xi32>,
      %swap3A_178 = vector.shape_cast %swap3A_177 : vector<1x16xi32> to vector<16xi32>
      %swap3A_179 = vector.shape_cast %add3A_173 : vector<16xi32> to vector<1x16xi32>
      tpu.vector_store %arg7[%swap3A_175, %swap3A_176], %swap3A_179 {strides = array<i32>} : memref<3x128xi32, #tpu.memory_space<vmem>>, vector<1x16xi32>,
      %get3A_180 = arith.constant 1 : i32
      %get3A_181 = arith.index_cast %get3A_180 : i32 to index
      %get3A_182 = arith.constant 64 : index
      %get3A_183 = tpu.vector_load %arg7[%get3A_181, %get3A_182] {strides = array<i32>} : memref<3x128xi32, #tpu.memory_space<vmem>>, vector<1x16xi32>,
      %get3A_184 = vector.shape_cast %get3A_183 : vector<1x16xi32> to vector<16xi32>
      %add3A_185 = vector.broadcast %mul3A_0 : i32 to vector<16xi32>
      %add3A_186 = arith.addi %get3A_184, %add3A_185 : vector<16xi32>
      %swap3A_187 = arith.constant 1 : i32
      %swap3A_188 = arith.index_cast %swap3A_187 : i32 to index
      %swap3A_189 = arith.constant 64 : index
      %swap3A_190 = tpu.vector_load %arg7[%swap3A_188, %swap3A_189] {strides = array<i32>} : memref<3x128xi32, #tpu.memory_space<vmem>>, vector<1x16xi32>,
      %swap3A_191 = vector.shape_cast %swap3A_190 : vector<1x16xi32> to vector<16xi32>
      %swap3A_192 = vector.shape_cast %add3A_186 : vector<16xi32> to vector<1x16xi32>
      tpu.vector_store %arg7[%swap3A_188, %swap3A_189], %swap3A_192 {strides = array<i32>} : memref<3x128xi32, #tpu.memory_space<vmem>>, vector<1x16xi32>,
      %get3A_193 = arith.constant 1 : i32
      %get3A_194 = arith.index_cast %get3A_193 : i32 to index
      %get3A_195 = arith.constant 80 : index
      %get3A_196 = tpu.vector_load %arg7[%get3A_194, %get3A_195] {strides = array<i32>} : memref<3x128xi32, #tpu.memory_space<vmem>>, vector<1x16xi32>,
      %get3A_197 = vector.shape_cast %get3A_196 : vector<1x16xi32> to vector<16xi32>
      %add3A_198 = vector.broadcast %mul3A_0 : i32 to vector<16xi32>
      %add3A_199 = arith.addi %get3A_197, %add3A_198 : vector<16xi32>
      %swap3A_200 = arith.constant 1 : i32
      %swap3A_201 = arith.index_cast %swap3A_200 : i32 to index
      %swap3A_202 = arith.constant 80 : index
      %swap3A_203 = tpu.vector_load %arg7[%swap3A_201, %swap3A_202] {strides = array<i32>} : memref<3x128xi32, #tpu.memory_space<vmem>>, vector<1x16xi32>,
      %swap3A_204 = vector.shape_cast %swap3A_203 : vector<1x16xi32> to vector<16xi32>
      %swap3A_205 = vector.shape_cast %add3A_199 : vector<16xi32> to vector<1x16xi32>
      tpu.vector_store %arg7[%swap3A_201, %swap3A_202], %swap3A_205 {strides = array<i32>} : memref<3x128xi32, #tpu.memory_space<vmem>>, vector<1x16xi32>,
      %get3A_206 = arith.constant 1 : i32
      %get3A_207 = arith.index_cast %get3A_206 : i32 to index
      %get3A_208 = arith.constant 96 : index
      %get3A_209 = tpu.vector_load %arg7[%get3A_207, %get3A_208] {strides = array<i32>} : memref<3x128xi32, #tpu.memory_space<vmem>>, vector<1x16xi32>,
      %get3A_210 = vector.shape_cast %get3A_209 : vector<1x16xi32> to vector<16xi32>
      %add3A_211 = vector.broadcast %mul3A_0 : i32 to vector<16xi32>
      %add3A_212 = arith.addi %get3A_210, %add3A_211 : vector<16xi32>
      %swap3A_213 = arith.constant 1 : i32
      %swap3A_214 = arith.index_cast %swap3A_213 : i32 to index
      %swap3A_215 = arith.constant 96 : index
      %swap3A_216 = tpu.vector_load %arg7[%swap3A_214, %swap3A_215] {strides = array<i32>} : memref<3x128xi32, #tpu.memory_space<vmem>>, vector<1x16xi32>,
      %swap3A_217 = vector.shape_cast %swap3A_216 : vector<1x16xi32> to vector<16xi32>
      %swap3A_218 = vector.shape_cast %add3A_212 : vector<16xi32> to vector<1x16xi32>
      tpu.vector_store %arg7[%swap3A_214, %swap3A_215], %swap3A_218 {strides = array<i32>} : memref<3x128xi32, #tpu.memory_space<vmem>>, vector<1x16xi32>,
      %get3A_219 = arith.constant 1 : i32
      %get3A_220 = arith.index_cast %get3A_219 : i32 to index
      %get3A_221 = arith.constant 112 : index
      %get3A_222 = tpu.vector_load %arg7[%get3A_220, %get3A_221] {strides = array<i32>} : memref<3x128xi32, #tpu.memory_space<vmem>>, vector<1x16xi32>,
      %get3A_223 = vector.shape_cast %get3A_222 : vector<1x16xi32> to vector<16xi32>
      %add3A_224 = vector.broadcast %mul3A_0 : i32 to vector<16xi32>
      %add3A_225 = arith.addi %get3A_223, %add3A_224 : vector<16xi32>
      %swap3A_226 = arith.constant 1 : i32
      %swap3A_227 = arith.index_cast %swap3A_226 : i32 to index
      %swap3A_228 = arith.constant 112 : index
      %swap3A_229 = tpu.vector_load %arg7[%swap3A_227, %swap3A_228] {strides = array<i32>} : memref<3x128xi32, #tpu.memory_space<vmem>>, vector<1x16xi32>,
      %swap3A_230 = vector.shape_cast %swap3A_229 : vector<1x16xi32> to vector<16xi32>
      %swap3A_231 = vector.shape_cast %add3A_225 : vector<16xi32> to vector<1x16xi32>
      tpu.vector_store %arg7[%swap3A_227, %swap3A_228], %swap3A_231 {strides = array<i32>} : memref<3x128xi32, #tpu.memory_space<vmem>>, vector<1x16xi32>,
      %get3A_232 = arith.constant 2 : i32
      %get3A_233 = arith.index_cast %get3A_232 : i32 to index
      %get3A_234 = arith.constant 0 : index
      %get3A_235 = tpu.vector_load %arg7[%get3A_233, %get3A_234] {strides = array<i32>} : memref<3x128xi32, #tpu.memory_space<vmem>>, vector<1x16xi32>,
      %get3A_236 = vector.shape_cast %get3A_235 : vector<1x16xi32> to vector<16xi32>
      %add3A_237 = vector.broadcast %mul3A_0 : i32 to vector<16xi32>
      %add3A_238 = arith.addi %get3A_236, %add3A_237 : vector<16xi32>
      %swap3A_239 = arith.constant 2 : i32
      %swap3A_240 = arith.index_cast %swap3A_239 : i32 to index
      %swap3A_241 = arith.constant 0 : index
      %swap3A_242 = tpu.vector_load %arg7[%swap3A_240, %swap3A_241] {strides = array<i32>} : memref<3x128xi32, #tpu.memory_space<vmem>>, vector<1x16xi32>,
      %swap3A_243 = vector.shape_cast %swap3A_242 : vector<1x16xi32> to vector<16xi32>
      %swap3A_244 = vector.shape_cast %add3A_238 : vector<16xi32> to vector<1x16xi32>
      tpu.vector_store %arg7[%swap3A_240, %swap3A_241], %swap3A_244 {strides = array<i32>} : memref<3x128xi32, #tpu.memory_space<vmem>>, vector<1x16xi32>,
      %get3A_245 = arith.constant 2 : i32
      %get3A_246 = arith.index_cast %get3A_245 : i32 to index
      %get3A_247 = arith.constant 16 : index
      %get3A_248 = tpu.vector_load %arg7[%get3A_246, %get3A_247] {strides = array<i32>} : memref<3x128xi32, #tpu.memory_space<vmem>>, vector<1x16xi32>,
      %get3A_249 = vector.shape_cast %get3A_248 : vector<1x16xi32> to vector<16xi32>
      %add3A_250 = vector.broadcast %mul3A_0 : i32 to vector<16xi32>
      %add3A_251 = arith.addi %get3A_249, %add3A_250 : vector<16xi32>
      %swap3A_252 = arith.constant 2 : i32
      %swap3A_253 = arith.index_cast %swap3A_252 : i32 to index
      %swap3A_254 = arith.constant 16 : index
      %swap3A_255 = tpu.vector_load %arg7[%swap3A_253, %swap3A_254] {strides = array<i32>} : memref<3x128xi32, #tpu.memory_space<vmem>>, vector<1x16xi32>,
      %swap3A_256 = vector.shape_cast %swap3A_255 : vector<1x16xi32> to vector<16xi32>
      %swap3A_257 = vector.shape_cast %add3A_251 : vector<16xi32> to vector<1x16xi32>
      tpu.vector_store %arg7[%swap3A_253, %swap3A_254], %swap3A_257 {strides = array<i32>} : memref<3x128xi32, #tpu.memory_space<vmem>>, vector<1x16xi32>,
      %get3A_258 = arith.constant 2 : i32
      %get3A_259 = arith.index_cast %get3A_258 : i32 to index
      %get3A_260 = arith.constant 32 : index
      %get3A_261 = tpu.vector_load %arg7[%get3A_259, %get3A_260] {strides = array<i32>} : memref<3x128xi32, #tpu.memory_space<vmem>>, vector<1x16xi32>,
      %get3A_262 = vector.shape_cast %get3A_261 : vector<1x16xi32> to vector<16xi32>
      %add3A_263 = vector.broadcast %mul3A_0 : i32 to vector<16xi32>
      %add3A_264 = arith.addi %get3A_262, %add3A_263 : vector<16xi32>
      %swap3A_265 = arith.constant 2 : i32
      %swap3A_266 = arith.index_cast %swap3A_265 : i32 to index
      %swap3A_267 = arith.constant 32 : index
      %swap3A_268 = tpu.vector_load %arg7[%swap3A_266, %swap3A_267] {strides = array<i32>} : memref<3x128xi32, #tpu.memory_space<vmem>>, vector<1x16xi32>,
      %swap3A_269 = vector.shape_cast %swap3A_268 : vector<1x16xi32> to vector<16xi32>
      %swap3A_270 = vector.shape_cast %add3A_264 : vector<16xi32> to vector<1x16xi32>
      tpu.vector_store %arg7[%swap3A_266, %swap3A_267], %swap3A_270 {strides = array<i32>} : memref<3x128xi32, #tpu.memory_space<vmem>>, vector<1x16xi32>,
      %get3A_271 = arith.constant 2 : i32
      %get3A_272 = arith.index_cast %get3A_271 : i32 to index
      %get3A_273 = arith.constant 48 : index
      %get3A_274 = tpu.vector_load %arg7[%get3A_272, %get3A_273] {strides = array<i32>} : memref<3x128xi32, #tpu.memory_space<vmem>>, vector<1x16xi32>,
      %get3A_275 = vector.shape_cast %get3A_274 : vector<1x16xi32> to vector<16xi32>
      %add3A_276 = vector.broadcast %mul3A_0 : i32 to vector<16xi32>
      %add3A_277 = arith.addi %get3A_275, %add3A_276 : vector<16xi32>
      %swap3A_278 = arith.constant 2 : i32
      %swap3A_279 = arith.index_cast %swap3A_278 : i32 to index
      %swap3A_280 = arith.constant 48 : index
      %swap3A_281 = tpu.vector_load %arg7[%swap3A_279, %swap3A_280] {strides = array<i32>} : memref<3x128xi32, #tpu.memory_space<vmem>>, vector<1x16xi32>,
      %swap3A_282 = vector.shape_cast %swap3A_281 : vector<1x16xi32> to vector<16xi32>
      %swap3A_283 = vector.shape_cast %add3A_277 : vector<16xi32> to vector<1x16xi32>
      tpu.vector_store %arg7[%swap3A_279, %swap3A_280], %swap3A_283 {strides = array<i32>} : memref<3x128xi32, #tpu.memory_space<vmem>>, vector<1x16xi32>,
      %get3A_284 = arith.constant 2 : i32
      %get3A_285 = arith.index_cast %get3A_284 : i32 to index
      %get3A_286 = arith.constant 64 : index
      %get3A_287 = tpu.vector_load %arg7[%get3A_285, %get3A_286] {strides = array<i32>} : memref<3x128xi32, #tpu.memory_space<vmem>>, vector<1x16xi32>,
      %get3A_288 = vector.shape_cast %get3A_287 : vector<1x16xi32> to vector<16xi32>
      %add3A_289 = vector.broadcast %mul3A_0 : i32 to vector<16xi32>
      %add3A_290 = arith.addi %get3A_288, %add3A_289 : vector<16xi32>
      %swap3A_291 = arith.constant 2 : i32
      %swap3A_292 = arith.index_cast %swap3A_291 : i32 to index
      %swap3A_293 = arith.constant 64 : index
      %swap3A_294 = tpu.vector_load %arg7[%swap3A_292, %swap3A_293] {strides = array<i32>} : memref<3x128xi32, #tpu.memory_space<vmem>>, vector<1x16xi32>,
      %swap3A_295 = vector.shape_cast %swap3A_294 : vector<1x16xi32> to vector<16xi32>
      %swap3A_296 = vector.shape_cast %add3A_290 : vector<16xi32> to vector<1x16xi32>
      tpu.vector_store %arg7[%swap3A_292, %swap3A_293], %swap3A_296 {strides = array<i32>} : memref<3x128xi32, #tpu.memory_space<vmem>>, vector<1x16xi32>,
      %get3A_297 = arith.constant 2 : i32
      %get3A_298 = arith.index_cast %get3A_297 : i32 to index
      %get3A_299 = arith.constant 80 : index
      %get3A_300 = tpu.vector_load %arg7[%get3A_298, %get3A_299] {strides = array<i32>} : memref<3x128xi32, #tpu.memory_space<vmem>>, vector<1x16xi32>,
      %get3A_301 = vector.shape_cast %get3A_300 : vector<1x16xi32> to vector<16xi32>
      %add3A_302 = vector.broadcast %mul3A_0 : i32 to vector<16xi32>
      %add3A_303 = arith.addi %get3A_301, %add3A_302 : vector<16xi32>
      %swap3A_304 = arith.constant 2 : i32
      %swap3A_305 = arith.index_cast %swap3A_304 : i32 to index
      %swap3A_306 = arith.constant 80 : index
      %swap3A_307 = tpu.vector_load %arg7[%swap3A_305, %swap3A_306] {strides = array<i32>} : memref<3x128xi32, #tpu.memory_space<vmem>>, vector<1x16xi32>,
      %swap3A_308 = vector.shape_cast %swap3A_307 : vector<1x16xi32> to vector<16xi32>
      %swap3A_309 = vector.shape_cast %add3A_303 : vector<16xi32> to vector<1x16xi32>
      tpu.vector_store %arg7[%swap3A_305, %swap3A_306], %swap3A_309 {strides = array<i32>} : memref<3x128xi32, #tpu.memory_space<vmem>>, vector<1x16xi32>,
      %get3A_310 = arith.constant 2 : i32
      %get3A_311 = arith.index_cast %get3A_310 : i32 to index
      %get3A_312 = arith.constant 96 : index
      %get3A_313 = tpu.vector_load %arg7[%get3A_311, %get3A_312] {strides = array<i32>} : memref<3x128xi32, #tpu.memory_space<vmem>>, vector<1x16xi32>,
      %get3A_314 = vector.shape_cast %get3A_313 : vector<1x16xi32> to vector<16xi32>
      %add3A_315 = vector.broadcast %mul3A_0 : i32 to vector<16xi32>
      %add3A_316 = arith.addi %get3A_314, %add3A_315 : vector<16xi32>
      %swap3A_317 = arith.constant 2 : i32
      %swap3A_318 = arith.index_cast %swap3A_317 : i32 to index
      %swap3A_319 = arith.constant 96 : index
      %swap3A_320 = tpu.vector_load %arg7[%swap3A_318, %swap3A_319] {strides = array<i32>} : memref<3x128xi32, #tpu.memory_space<vmem>>, vector<1x16xi32>,
      %swap3A_321 = vector.shape_cast %swap3A_320 : vector<1x16xi32> to vector<16xi32>
      %swap3A_322 = vector.shape_cast %add3A_316 : vector<16xi32> to vector<1x16xi32>
      tpu.vector_store %arg7[%swap3A_318, %swap3A_319], %swap3A_322 {strides = array<i32>} : memref<3x128xi32, #tpu.memory_space<vmem>>, vector<1x16xi32>,
      %get3A_323 = arith.constant 2 : i32
      %get3A_324 = arith.index_cast %get3A_323 : i32 to index
      %get3A_325 = arith.constant 112 : index
      %get3A_326 = tpu.vector_load %arg7[%get3A_324, %get3A_325] {strides = array<i32>} : memref<3x128xi32, #tpu.memory_space<vmem>>, vector<1x16xi32>,
      %get3A_327 = vector.shape_cast %get3A_326 : vector<1x16xi32> to vector<16xi32>
      %add3A_328 = vector.broadcast %mul3A_0 : i32 to vector<16xi32>
      %add3A_329 = arith.addi %get3A_327, %add3A_328 : vector<16xi32>
      %swap3A_330 = arith.constant 2 : i32
      %swap3A_331 = arith.index_cast %swap3A_330 : i32 to index
      %swap3A_332 = arith.constant 112 : index
      %swap3A_333 = tpu.vector_load %arg7[%swap3A_331, %swap3A_332] {strides = array<i32>} : memref<3x128xi32, #tpu.memory_space<vmem>>, vector<1x16xi32>,
      %swap3A_334 = vector.shape_cast %swap3A_333 : vector<1x16xi32> to vector<16xi32>
      %swap3A_335 = vector.shape_cast %add3A_329 : vector<16xi32> to vector<1x16xi32>
      tpu.vector_store %arg7[%swap3A_331, %swap3A_332], %swap3A_335 {strides = array<i32>} : memref<3x128xi32, #tpu.memory_space<vmem>>, vector<1x16xi32>,
      %dma_start3A = arith.constant 0 : i32
      %dma_start3A_336 = arith.constant 0 : i32
      %dma_start3A_337 = arith.constant 0 : i32
      %dma_start3A_338 = arith.constant 0 : i32
      %dma_start3A_339 = tpu.memref_slice %arg9[%dma_start3A_336, %dma_start3A_337, %dma_start3A_338] : memref<3x128x128xf32, #tpu.memory_space<vmem>> -> memref<1x128x128xf32, #tpu.memory_space<vmem>>
      %dma_start3A_340 = tpu.memref_squeeze %dma_start3A_339 : memref<1x128x128xf32, #tpu.memory_space<vmem>> -> memref<128x128xf32, #tpu.memory_space<vmem>>
      %dma_start3A_341 = arith.constant 0 : i32
      %dma_start3A_342 = tpu.memref_slice %arg7[%dma_start3A, %dma_start3A_341] : memref<3x128xi32, #tpu.memory_space<vmem>> -> memref<1x128xi32, #tpu.memory_space<vmem>>
      %dma_start3A_343 = tpu.memref_squeeze %dma_start3A_342 : memref<1x128xi32, #tpu.memory_space<vmem>> -> memref<128xi32, #tpu.memory_space<vmem>>
      %dma_start3A_344 = arith.constant 0 : i32
      %dma_start3A_345 = arith.constant 0 : i32
      %dma_start3A_346 = tpu.memref_slice %arg2[%dma_start3A_344, %dma_start3A_345] : memref<20224x128xf32, #tpu.memory_space<hbm>> -> memref<20224x128xf32, #tpu.memory_space<hbm>>
      tpu.enqueue_indirect_dma source(%dma_start3A_346 : memref<20224x128xf32, #tpu.memory_space<hbm>>) target(%dma_start3A_340 : memref<128x128xf32, #tpu.memory_space<vmem>>) offsets(%dma_start3A_343 : memref<128xi32, #tpu.memory_space<vmem>>) semaphore(%arg11 : memref<!tpu.dma_semaphore, #tpu.memory_space<semaphore_mem>>)
      %dma_start3A_347 = arith.constant 1 : i32
      %dma_start3A_348 = arith.constant 1 : i32
      %dma_start3A_349 = arith.constant 0 : i32
      %dma_start3A_350 = arith.constant 0 : i32
      %dma_start3A_351 = tpu.memref_slice %arg9[%dma_start3A_348, %dma_start3A_349, %dma_start3A_350] : memref<3x128x128xf32, #tpu.memory_space<vmem>> -> memref<1x128x128xf32, #tpu.memory_space<vmem>>
      %dma_start3A_352 = tpu.memref_squeeze %dma_start3A_351 : memref<1x128x128xf32, #tpu.memory_space<vmem>> -> memref<128x128xf32, #tpu.memory_space<vmem>>
      %dma_start3A_353 = arith.constant 0 : i32
      %dma_start3A_354 = tpu.memref_slice %arg7[%dma_start3A_347, %dma_start3A_353] : memref<3x128xi32, #tpu.memory_space<vmem>> -> memref<1x128xi32, #tpu.memory_space<vmem>>
      %dma_start3A_355 = tpu.memref_squeeze %dma_start3A_354 : memref<1x128xi32, #tpu.memory_space<vmem>> -> memref<128xi32, #tpu.memory_space<vmem>>
      %dma_start3A_356 = arith.constant 0 : i32
      %dma_start3A_357 = arith.constant 0 : i32
      %dma_start3A_358 = tpu.memref_slice %arg2[%dma_start3A_356, %dma_start3A_357] : memref<20224x128xf32, #tpu.memory_space<hbm>> -> memref<20224x128xf32, #tpu.memory_space<hbm>>
      tpu.enqueue_indirect_dma source(%dma_start3A_358 : memref<20224x128xf32, #tpu.memory_space<hbm>>) target(%dma_start3A_352 : memref<128x128xf32, #tpu.memory_space<vmem>>) offsets(%dma_start3A_355 : memref<128xi32, #tpu.memory_space<vmem>>) semaphore(%arg11 : memref<!tpu.dma_semaphore, #tpu.memory_space<semaphore_mem>>)
      %dma_start3A_359 = arith.constant 2 : i32
      %dma_start3A_360 = arith.constant 2 : i32
      %dma_start3A_361 = arith.constant 0 : i32
      %dma_start3A_362 = arith.constant 0 : i32
      %dma_start3A_363 = tpu.memref_slice %arg9[%dma_start3A_360, %dma_start3A_361, %dma_start3A_362] : memref<3x128x128xf32, #tpu.memory_space<vmem>> -> memref<1x128x128xf32, #tpu.memory_space<vmem>>
      %dma_start3A_364 = tpu.memref_squeeze %dma_start3A_363 : memref<1x128x128xf32, #tpu.memory_space<vmem>> -> memref<128x128xf32, #tpu.memory_space<vmem>>
      %dma_start3A_365 = arith.constant 0 : i32
      %dma_start3A_366 = tpu.memref_slice %arg7[%dma_start3A_359, %dma_start3A_365] : memref<3x128xi32, #tpu.memory_space<vmem>> -> memref<1x128xi32, #tpu.memory_space<vmem>>
      %dma_start3A_367 = tpu.memref_squeeze %dma_start3A_366 : memref<1x128xi32, #tpu.memory_space<vmem>> -> memref<128xi32, #tpu.memory_space<vmem>>
      %dma_start3A_368 = arith.constant 0 : i32
      %dma_start3A_369 = arith.constant 0 : i32
      %dma_start3A_370 = tpu.memref_slice %arg2[%dma_start3A_368, %dma_start3A_369] : memref<20224x128xf32, #tpu.memory_space<hbm>> -> memref<20224x128xf32, #tpu.memory_space<hbm>>
      tpu.enqueue_indirect_dma source(%dma_start3A_370 : memref<20224x128xf32, #tpu.memory_space<hbm>>) target(%dma_start3A_364 : memref<128x128xf32, #tpu.memory_space<vmem>>) offsets(%dma_start3A_367 : memref<128xi32, #tpu.memory_space<vmem>>) semaphore(%arg11 : memref<!tpu.dma_semaphore, #tpu.memory_space<semaphore_mem>>)
      %dma_wait3A = arith.constant 0 : i32
      %dma_wait3A_371 = arith.constant 0 : i32
      %dma_wait3A_372 = arith.constant 0 : i32
      %dma_wait3A_373 = arith.constant 0 : i32
      %dma_wait3A_374 = tpu.memref_slice %arg9[%dma_wait3A_371, %dma_wait3A_372, %dma_wait3A_373] : memref<3x128x128xf32, #tpu.memory_space<vmem>> -> memref<1x128x128xf32, #tpu.memory_space<vmem>>
      %dma_wait3A_375 = tpu.memref_squeeze %dma_wait3A_374 : memref<1x128x128xf32, #tpu.memory_space<vmem>> -> memref<128x128xf32, #tpu.memory_space<vmem>>
      %dma_wait3A_376 = arith.constant 0 : i32
      %dma_wait3A_377 = tpu.memref_slice %arg7[%dma_wait3A, %dma_wait3A_376] : memref<3x128xi32, #tpu.memory_space<vmem>> -> memref<1x128xi32, #tpu.memory_space<vmem>>
      %dma_wait3A_378 = tpu.memref_squeeze %dma_wait3A_377 : memref<1x128xi32, #tpu.memory_space<vmem>> -> memref<128xi32, #tpu.memory_space<vmem>>
      %dma_wait3A_379 = arith.constant 0 : i32
      %dma_wait3A_380 = arith.constant 0 : i32
      %dma_wait3A_381 = tpu.memref_slice %arg2[%dma_wait3A_379, %dma_wait3A_380] : memref<20224x128xf32, #tpu.memory_space<hbm>> -> memref<20224x128xf32, #tpu.memory_space<hbm>>
      tpu.wait_indirect_dma semaphore(%arg11 : memref<!tpu.dma_semaphore, #tpu.memory_space<semaphore_mem>>) src(%dma_wait3A_381 : memref<20224x128xf32, #tpu.memory_space<hbm>>) dst(%dma_wait3A_375 : memref<128x128xf32, #tpu.memory_space<vmem>>)
      %run_scoped3A = arith.constant 0 : i32
      "tpu.region"() ({
        %run_scoped3A_408 = tpu.sem_alloc : memref<!tpu.dma_semaphore, #tpu.memory_space<semaphore_mem>>
        %dma_start3A_409 = arith.constant 0 : i32
        %dma_start3A_410 = arith.constant 0 : i32
        %dma_start3A_411 = tpu.memref_slice %arg9[%run_scoped3A, %dma_start3A_409, %dma_start3A_410] : memref<3x128x128xf32, #tpu.memory_space<vmem>> -> memref<1x128x128xf32, #tpu.memory_space<vmem>>
        %dma_start3A_412 = tpu.memref_squeeze %dma_start3A_411 : memref<1x128x128xf32, #tpu.memory_space<vmem>> -> memref<128x128xf32, #tpu.memory_space<vmem>>
        %dma_start3A_413 = arith.constant 0 : i32
        %dma_start3A_414 = tpu.memref_slice %arg8[%run_scoped3A, %dma_start3A_413] : memref<3x128xi32, #tpu.memory_space<vmem>> -> memref<1x128xi32, #tpu.memory_space<vmem>>
        %dma_start3A_415 = tpu.memref_squeeze %dma_start3A_414 : memref<1x128xi32, #tpu.memory_space<vmem>> -> memref<128xi32, #tpu.memory_space<vmem>>
        %dma_start3A_416 = arith.constant 0 : i32
        %dma_start3A_417 = arith.constant 0 : i32
        %dma_start3A_418 = tpu.memref_slice %arg10[%dma_start3A_416, %dma_start3A_417] : memref<10112x128xf32, #tpu.memory_space<vmem_shared>> -> memref<10112x128xf32, #tpu.memory_space<vmem_shared>>
        tpu.enqueue_indirect_dma source(%dma_start3A_412 : memref<128x128xf32, #tpu.memory_space<vmem>>) target(%dma_start3A_418 : memref<10112x128xf32, #tpu.memory_space<vmem_shared>>) offsets(%dma_start3A_415 : memref<128xi32, #tpu.memory_space<vmem>>) semaphore(%run_scoped3A_408 : memref<!tpu.dma_semaphore, #tpu.memory_space<semaphore_mem>>) {add = true}
        %dma_wait3A_419 = arith.constant 0 : i32
        %dma_wait3A_420 = arith.constant 0 : i32
        %dma_wait3A_421 = tpu.memref_slice %arg9[%run_scoped3A, %dma_wait3A_419, %dma_wait3A_420] : memref<3x128x128xf32, #tpu.memory_space<vmem>> -> memref<1x128x128xf32, #tpu.memory_space<vmem>>
        %dma_wait3A_422 = tpu.memref_squeeze %dma_wait3A_421 : memref<1x128x128xf32, #tpu.memory_space<vmem>> -> memref<128x128xf32, #tpu.memory_space<vmem>>
        %dma_wait3A_423 = arith.constant 0 : i32
        %dma_wait3A_424 = tpu.memref_slice %arg8[%run_scoped3A, %dma_wait3A_423] : memref<3x128xi32, #tpu.memory_space<vmem>> -> memref<1x128xi32, #tpu.memory_space<vmem>>
        %dma_wait3A_425 = tpu.memref_squeeze %dma_wait3A_424 : memref<1x128xi32, #tpu.memory_space<vmem>> -> memref<128xi32, #tpu.memory_space<vmem>>
        %dma_wait3A_426 = arith.constant 0 : i32
        %dma_wait3A_427 = arith.constant 0 : i32
        %dma_wait3A_428 = tpu.memref_slice %arg10[%dma_wait3A_426, %dma_wait3A_427] : memref<10112x128xf32, #tpu.memory_space<vmem_shared>> -> memref<10112x128xf32, #tpu.memory_space<vmem_shared>>
        tpu.wait_indirect_dma semaphore(%run_scoped3A_408 : memref<!tpu.dma_semaphore, #tpu.memory_space<semaphore_mem>>) src(%dma_wait3A_422 : memref<128x128xf32, #tpu.memory_space<vmem>>) dst(%dma_wait3A_428 : memref<10112x128xf32, #tpu.memory_space<vmem_shared>>)
        tpu.yield
      }) : () -> ()
      %dma_wait3A_382 = arith.constant 1 : i32
      %dma_wait3A_383 = arith.constant 1 : i32
      %dma_wait3A_384 = arith.constant 0 : i32
      %dma_wait3A_385 = arith.constant 0 : i32
      %dma_wait3A_386 = tpu.memref_slice %arg9[%dma_wait3A_383, %dma_wait3A_384, %dma_wait3A_385] : memref<3x128x128xf32, #tpu.memory_space<vmem>> -> memref<1x128x128xf32, #tpu.memory_space<vmem>>
      %dma_wait3A_387 = tpu.memref_squeeze %dma_wait3A_386 : memref<1x128x128xf32, #tpu.memory_space<vmem>> -> memref<128x128xf32, #tpu.memory_space<vmem>>
      %dma_wait3A_388 = arith.constant 0 : i32
      %dma_wait3A_389 = tpu.memref_slice %arg7[%dma_wait3A_382, %dma_wait3A_388] : memref<3x128xi32, #tpu.memory_space<vmem>> -> memref<1x128xi32, #tpu.memory_space<vmem>>
      %dma_wait3A_390 = tpu.memref_squeeze %dma_wait3A_389 : memref<1x128xi32, #tpu.memory_space<vmem>> -> memref<128xi32, #tpu.memory_space<vmem>>
      %dma_wait3A_391 = arith.constant 0 : i32
      %dma_wait3A_392 = arith.constant 0 : i32
      %dma_wait3A_393 = tpu.memref_slice %arg2[%dma_wait3A_391, %dma_wait3A_392] : memref<20224x128xf32, #tpu.memory_space<hbm>> -> memref<20224x128xf32, #tpu.memory_space<hbm>>
      tpu.wait_indirect_dma semaphore(%arg11 : memref<!tpu.dma_semaphore, #tpu.memory_space<semaphore_mem>>) src(%dma_wait3A_393 : memref<20224x128xf32, #tpu.memory_space<hbm>>) dst(%dma_wait3A_387 : memref<128x128xf32, #tpu.memory_space<vmem>>)
      %run_scoped3A_394 = arith.constant 1 : i32
      "tpu.region"() ({
        %run_scoped3A_408 = tpu.sem_alloc : memref<!tpu.dma_semaphore, #tpu.memory_space<semaphore_mem>>
        %dma_start3A_409 = arith.constant 0 : i32
        %dma_start3A_410 = arith.constant 0 : i32
        %dma_start3A_411 = tpu.memref_slice %arg9[%run_scoped3A_394, %dma_start3A_409, %dma_start3A_410] : memref<3x128x128xf32, #tpu.memory_space<vmem>> -> memref<1x128x128xf32, #tpu.memory_space<vmem>>
        %dma_start3A_412 = tpu.memref_squeeze %dma_start3A_411 : memref<1x128x128xf32, #tpu.memory_space<vmem>> -> memref<128x128xf32, #tpu.memory_space<vmem>>
        %dma_start3A_413 = arith.constant 0 : i32
        %dma_start3A_414 = tpu.memref_slice %arg8[%run_scoped3A_394, %dma_start3A_413] : memref<3x128xi32, #tpu.memory_space<vmem>> -> memref<1x128xi32, #tpu.memory_space<vmem>>
        %dma_start3A_415 = tpu.memref_squeeze %dma_start3A_414 : memref<1x128xi32, #tpu.memory_space<vmem>> -> memref<128xi32, #tpu.memory_space<vmem>>
        %dma_start3A_416 = arith.constant 0 : i32
        %dma_start3A_417 = arith.constant 0 : i32
        %dma_start3A_418 = tpu.memref_slice %arg10[%dma_start3A_416, %dma_start3A_417] : memref<10112x128xf32, #tpu.memory_space<vmem_shared>> -> memref<10112x128xf32, #tpu.memory_space<vmem_shared>>
        tpu.enqueue_indirect_dma source(%dma_start3A_412 : memref<128x128xf32, #tpu.memory_space<vmem>>) target(%dma_start3A_418 : memref<10112x128xf32, #tpu.memory_space<vmem_shared>>) offsets(%dma_start3A_415 : memref<128xi32, #tpu.memory_space<vmem>>) semaphore(%run_scoped3A_408 : memref<!tpu.dma_semaphore, #tpu.memory_space<semaphore_mem>>) {add = true}
        %dma_wait3A_419 = arith.constant 0 : i32
        %dma_wait3A_420 = arith.constant 0 : i32
        %dma_wait3A_421 = tpu.memref_slice %arg9[%run_scoped3A_394, %dma_wait3A_419, %dma_wait3A_420] : memref<3x128x128xf32, #tpu.memory_space<vmem>> -> memref<1x128x128xf32, #tpu.memory_space<vmem>>
        %dma_wait3A_422 = tpu.memref_squeeze %dma_wait3A_421 : memref<1x128x128xf32, #tpu.memory_space<vmem>> -> memref<128x128xf32, #tpu.memory_space<vmem>>
        %dma_wait3A_423 = arith.constant 0 : i32
        %dma_wait3A_424 = tpu.memref_slice %arg8[%run_scoped3A_394, %dma_wait3A_423] : memref<3x128xi32, #tpu.memory_space<vmem>> -> memref<1x128xi32, #tpu.memory_space<vmem>>
        %dma_wait3A_425 = tpu.memref_squeeze %dma_wait3A_424 : memref<1x128xi32, #tpu.memory_space<vmem>> -> memref<128xi32, #tpu.memory_space<vmem>>
        %dma_wait3A_426 = arith.constant 0 : i32
        %dma_wait3A_427 = arith.constant 0 : i32
        %dma_wait3A_428 = tpu.memref_slice %arg10[%dma_wait3A_426, %dma_wait3A_427] : memref<10112x128xf32, #tpu.memory_space<vmem_shared>> -> memref<10112x128xf32, #tpu.memory_space<vmem_shared>>
        tpu.wait_indirect_dma semaphore(%run_scoped3A_408 : memref<!tpu.dma_semaphore, #tpu.memory_space<semaphore_mem>>) src(%dma_wait3A_422 : memref<128x128xf32, #tpu.memory_space<vmem>>) dst(%dma_wait3A_428 : memref<10112x128xf32, #tpu.memory_space<vmem_shared>>)
        tpu.yield
      }) : () -> ()
      %dma_wait3A_395 = arith.constant 2 : i32
      %dma_wait3A_396 = arith.constant 2 : i32
      %dma_wait3A_397 = arith.constant 0 : i32
      %dma_wait3A_398 = arith.constant 0 : i32
      %dma_wait3A_399 = tpu.memref_slice %arg9[%dma_wait3A_396, %dma_wait3A_397, %dma_wait3A_398] : memref<3x128x128xf32, #tpu.memory_space<vmem>> -> memref<1x128x128xf32, #tpu.memory_space<vmem>>
      %dma_wait3A_400 = tpu.memref_squeeze %dma_wait3A_399 : memref<1x128x128xf32, #tpu.memory_space<vmem>> -> memref<128x128xf32, #tpu.memory_space<vmem>>
      %dma_wait3A_401 = arith.constant 0 : i32
      %dma_wait3A_402 = tpu.memref_slice %arg7[%dma_wait3A_395, %dma_wait3A_401] : memref<3x128xi32, #tpu.memory_space<vmem>> -> memref<1x128xi32, #tpu.memory_space<vmem>>
      %dma_wait3A_403 = tpu.memref_squeeze %dma_wait3A_402 : memref<1x128xi32, #tpu.memory_space<vmem>> -> memref<128xi32, #tpu.memory_space<vmem>>
      %dma_wait3A_404 = arith.constant 0 : i32
      %dma_wait3A_405 = arith.constant 0 : i32
      %dma_wait3A_406 = tpu.memref_slice %arg2[%dma_wait3A_404, %dma_wait3A_405] : memref<20224x128xf32, #tpu.memory_space<hbm>> -> memref<20224x128xf32, #tpu.memory_space<hbm>>
      tpu.wait_indirect_dma semaphore(%arg11 : memref<!tpu.dma_semaphore, #tpu.memory_space<semaphore_mem>>) src(%dma_wait3A_406 : memref<20224x128xf32, #tpu.memory_space<hbm>>) dst(%dma_wait3A_400 : memref<128x128xf32, #tpu.memory_space<vmem>>)
      %run_scoped3A_407 = arith.constant 2 : i32
      "tpu.region"() ({
        %run_scoped3A_408 = tpu.sem_alloc : memref<!tpu.dma_semaphore, #tpu.memory_space<semaphore_mem>>
        %dma_start3A_409 = arith.constant 0 : i32
        %dma_start3A_410 = arith.constant 0 : i32
        %dma_start3A_411 = tpu.memref_slice %arg9[%run_scoped3A_407, %dma_start3A_409, %dma_start3A_410] : memref<3x128x128xf32, #tpu.memory_space<vmem>> -> memref<1x128x128xf32, #tpu.memory_space<vmem>>
        %dma_start3A_412 = tpu.memref_squeeze %dma_start3A_411 : memref<1x128x128xf32, #tpu.memory_space<vmem>> -> memref<128x128xf32, #tpu.memory_space<vmem>>
        %dma_start3A_413 = arith.constant 0 : i32
        %dma_start3A_414 = tpu.memref_slice %arg8[%run_scoped3A_407, %dma_start3A_413] : memref<3x128xi32, #tpu.memory_space<vmem>> -> memref<1x128xi32, #tpu.memory_space<vmem>>
        %dma_start3A_415 = tpu.memref_squeeze %dma_start3A_414 : memref<1x128xi32, #tpu.memory_space<vmem>> -> memref<128xi32, #tpu.memory_space<vmem>>
        %dma_start3A_416 = arith.constant 0 : i32
        %dma_start3A_417 = arith.constant 0 : i32
        %dma_start3A_418 = tpu.memref_slice %arg10[%dma_start3A_416, %dma_start3A_417] : memref<10112x128xf32, #tpu.memory_space<vmem_shared>> -> memref<10112x128xf32, #tpu.memory_space<vmem_shared>>
        tpu.enqueue_indirect_dma source(%dma_start3A_412 : memref<128x128xf32, #tpu.memory_space<vmem>>) target(%dma_start3A_418 : memref<10112x128xf32, #tpu.memory_space<vmem_shared>>) offsets(%dma_start3A_415 : memref<128xi32, #tpu.memory_space<vmem>>) semaphore(%run_scoped3A_408 : memref<!tpu.dma_semaphore, #tpu.memory_space<semaphore_mem>>) {add = true}
        %dma_wait3A_419 = arith.constant 0 : i32
        %dma_wait3A_420 = arith.constant 0 : i32
        %dma_wait3A_421 = tpu.memref_slice %arg9[%run_scoped3A_407, %dma_wait3A_419, %dma_wait3A_420] : memref<3x128x128xf32, #tpu.memory_space<vmem>> -> memref<1x128x128xf32, #tpu.memory_space<vmem>>
        %dma_wait3A_422 = tpu.memref_squeeze %dma_wait3A_421 : memref<1x128x128xf32, #tpu.memory_space<vmem>> -> memref<128x128xf32, #tpu.memory_space<vmem>>
        %dma_wait3A_423 = arith.constant 0 : i32
        %dma_wait3A_424 = tpu.memref_slice %arg8[%run_scoped3A_407, %dma_wait3A_423] : memref<3x128xi32, #tpu.memory_space<vmem>> -> memref<1x128xi32, #tpu.memory_space<vmem>>
        %dma_wait3A_425 = tpu.memref_squeeze %dma_wait3A_424 : memref<1x128xi32, #tpu.memory_space<vmem>> -> memref<128xi32, #tpu.memory_space<vmem>>
        %dma_wait3A_426 = arith.constant 0 : i32
        %dma_wait3A_427 = arith.constant 0 : i32
        %dma_wait3A_428 = tpu.memref_slice %arg10[%dma_wait3A_426, %dma_wait3A_427] : memref<10112x128xf32, #tpu.memory_space<vmem_shared>> -> memref<10112x128xf32, #tpu.memory_space<vmem_shared>>
        tpu.wait_indirect_dma semaphore(%run_scoped3A_408 : memref<!tpu.dma_semaphore, #tpu.memory_space<semaphore_mem>>) src(%dma_wait3A_422 : memref<128x128xf32, #tpu.memory_space<vmem>>) dst(%dma_wait3A_428 : memref<10112x128xf32, #tpu.memory_space<vmem_shared>>)
        tpu.yield
      }) : () -> ()
    }
    %while3A_12 = arith.constant 1 : i32
    scf.for %while3A_20 = %while3A_10 to %while3A_6 step %while3A_12  : i32 {
      %mul3A_21 = arith.constant 162 : i32
      %mul3A_22 = arith.muli %arg1, %mul3A_21 : i32
      %mul3A_23 = arith.constant 3 : i32
      %mul3A_24 = arith.muli %while3A_20, %mul3A_23 : i32
      %add3A_25 = arith.addi %mul3A_22, %mul3A_24 : i32
      "tpu.region"() ({
        %run_scoped3A_408 = tpu.sem_alloc : memref<!tpu.dma_semaphore, #tpu.memory_space<semaphore_mem>>
        %dma_start3A_409 = arith.constant 0 : i32
        %dma_start3A_410 = tpu.memref_slice %arg3[%add3A_25, %dma_start3A_409] : memref<2592x128xi32, #tpu.memory_space<hbm>> -> memref<3x128xi32, #tpu.memory_space<hbm>>
        %dma_start3A_411 = arith.constant 0 : i32
        %dma_start3A_412 = tpu.memref_slice %arg3[%add3A_25, %dma_start3A_411] : memref<2592x128xi32, #tpu.memory_space<hbm>> -> memref<3x128xi32, #tpu.memory_space<hbm>>
        tpu.enqueue_dma source(%dma_start3A_412 : memref<3x128xi32, #tpu.memory_space<hbm>>) target(%arg7 : memref<3x128xi32, #tpu.memory_space<vmem>>) target_semaphore(%run_scoped3A_408 : memref<!tpu.dma_semaphore, #tpu.memory_space<semaphore_mem>>)
        %dma_wait3A_413 = arith.constant 0 : i32
        %dma_wait3A_414 = tpu.memref_slice %arg3[%add3A_25, %dma_wait3A_413] : memref<2592x128xi32, #tpu.memory_space<hbm>> -> memref<3x128xi32, #tpu.memory_space<hbm>>
        %dma_wait3A_415 = arith.constant 0 : i32
        %dma_wait3A_416 = tpu.memref_slice %arg3[%add3A_25, %dma_wait3A_415] : memref<2592x128xi32, #tpu.memory_space<hbm>> -> memref<3x128xi32, #tpu.memory_space<hbm>>
        tpu.wait_dma2 semaphore(%run_scoped3A_408 : memref<!tpu.dma_semaphore, #tpu.memory_space<semaphore_mem>>) src(%dma_wait3A_416 : memref<3x128xi32, #tpu.memory_space<hbm>>) dst(%arg7 : memref<3x128xi32, #tpu.memory_space<vmem>>)
        tpu.yield
      }) : () -> ()
      "tpu.region"() ({
        %run_scoped3A_408 = tpu.sem_alloc : memref<!tpu.dma_semaphore, #tpu.memory_space<semaphore_mem>>
        %dma_start3A_409 = arith.constant 0 : i32
        %dma_start3A_410 = tpu.memref_slice %arg4[%add3A_25, %dma_start3A_409] : memref<2592x128xi32, #tpu.memory_space<hbm>> -> memref<3x128xi32, #tpu.memory_space<hbm>>
        %dma_start3A_411 = arith.constant 0 : i32
        %dma_start3A_412 = tpu.memref_slice %arg4[%add3A_25, %dma_start3A_411] : memref<2592x128xi32, #tpu.memory_space<hbm>> -> memref<3x128xi32, #tpu.memory_space<hbm>>
        tpu.enqueue_dma source(%dma_start3A_412 : memref<3x128xi32, #tpu.memory_space<hbm>>) target(%arg8 : memref<3x128xi32, #tpu.memory_space<vmem>>) target_semaphore(%run_scoped3A_408 : memref<!tpu.dma_semaphore, #tpu.memory_space<semaphore_mem>>)
        %dma_wait3A_413 = arith.constant 0 : i32
        %dma_wait3A_414 = tpu.memref_slice %arg4[%add3A_25, %dma_wait3A_413] : memref<2592x128xi32, #tpu.memory_space<hbm>> -> memref<3x128xi32, #tpu.memory_space<hbm>>
        %dma_wait3A_415 = arith.constant 0 : i32
        %dma_wait3A_416 = tpu.memref_slice %arg4[%add3A_25, %dma_wait3A_415] : memref<2592x128xi32, #tpu.memory_space<hbm>> -> memref<3x128xi32, #tpu.memory_space<hbm>>
        tpu.wait_dma2 semaphore(%run_scoped3A_408 : memref<!tpu.dma_semaphore, #tpu.memory_space<semaphore_mem>>) src(%dma_wait3A_416 : memref<3x128xi32, #tpu.memory_space<hbm>>) dst(%arg8 : memref<3x128xi32, #tpu.memory_space<vmem>>)
        tpu.yield
      }) : () -> ()
      %get3A = arith.constant 0 : i32
      %get3A_26 = arith.index_cast %get3A : i32 to index
      %get3A_27 = arith.constant 0 : index
      %get3A_28 = tpu.vector_load %arg7[%get3A_26, %get3A_27] {strides = array<i32>} : memref<3x128xi32, #tpu.memory_space<vmem>>, vector<1x16xi32>,
      %get3A_29 = vector.shape_cast %get3A_28 : vector<1x16xi32> to vector<16xi32>
      %add3A_30 = vector.broadcast %mul3A_0 : i32 to vector<16xi32>
      %add3A_31 = arith.addi %get3A_29, %add3A_30 : vector<16xi32>
      %swap3A = arith.constant 0 : i32
      %swap3A_32 = arith.index_cast %swap3A : i32 to index
      %swap3A_33 = arith.constant 0 : index
      %swap3A_34 = tpu.vector_load %arg7[%swap3A_32, %swap3A_33] {strides = array<i32>} : memref<3x128xi32, #tpu.memory_space<vmem>>, vector<1x16xi32>,
      %swap3A_35 = vector.shape_cast %swap3A_34 : vector<1x16xi32> to vector<16xi32>
      %swap3A_36 = vector.shape_cast %add3A_31 : vector<16xi32> to vector<1x16xi32>
      tpu.vector_store %arg7[%swap3A_32, %swap3A_33], %swap3A_36 {strides = array<i32>} : memref<3x128xi32, #tpu.memory_space<vmem>>, vector<1x16xi32>,
      %get3A_37 = arith.constant 0 : i32
      %get3A_38 = arith.index_cast %get3A_37 : i32 to index
      %get3A_39 = arith.constant 16 : index
      %get3A_40 = tpu.vector_load %arg7[%get3A_38, %get3A_39] {strides = array<i32>} : memref<3x128xi32, #tpu.memory_space<vmem>>, vector<1x16xi32>,
      %get3A_41 = vector.shape_cast %get3A_40 : vector<1x16xi32> to vector<16xi32>
      %add3A_42 = vector.broadcast %mul3A_0 : i32 to vector<16xi32>
      %add3A_43 = arith.addi %get3A_41, %add3A_42 : vector<16xi32>
      %swap3A_44 = arith.constant 0 : i32
      %swap3A_45 = arith.index_cast %swap3A_44 : i32 to index
      %swap3A_46 = arith.constant 16 : index
      %swap3A_47 = tpu.vector_load %arg7[%swap3A_45, %swap3A_46] {strides = array<i32>} : memref<3x128xi32, #tpu.memory_space<vmem>>, vector<1x16xi32>,
      %swap3A_48 = vector.shape_cast %swap3A_47 : vector<1x16xi32> to vector<16xi32>
      %swap3A_49 = vector.shape_cast %add3A_43 : vector<16xi32> to vector<1x16xi32>
      tpu.vector_store %arg7[%swap3A_45, %swap3A_46], %swap3A_49 {strides = array<i32>} : memref<3x128xi32, #tpu.memory_space<vmem>>, vector<1x16xi32>,
      %get3A_50 = arith.constant 0 : i32
      %get3A_51 = arith.index_cast %get3A_50 : i32 to index
      %get3A_52 = arith.constant 32 : index
      %get3A_53 = tpu.vector_load %arg7[%get3A_51, %get3A_52] {strides = array<i32>} : memref<3x128xi32, #tpu.memory_space<vmem>>, vector<1x16xi32>,
      %get3A_54 = vector.shape_cast %get3A_53 : vector<1x16xi32> to vector<16xi32>
      %add3A_55 = vector.broadcast %mul3A_0 : i32 to vector<16xi32>
      %add3A_56 = arith.addi %get3A_54, %add3A_55 : vector<16xi32>
      %swap3A_57 = arith.constant 0 : i32
      %swap3A_58 = arith.index_cast %swap3A_57 : i32 to index
      %swap3A_59 = arith.constant 32 : index
      %swap3A_60 = tpu.vector_load %arg7[%swap3A_58, %swap3A_59] {strides = array<i32>} : memref<3x128xi32, #tpu.memory_space<vmem>>, vector<1x16xi32>,
      %swap3A_61 = vector.shape_cast %swap3A_60 : vector<1x16xi32> to vector<16xi32>
      %swap3A_62 = vector.shape_cast %add3A_56 : vector<16xi32> to vector<1x16xi32>
      tpu.vector_store %arg7[%swap3A_58, %swap3A_59], %swap3A_62 {strides = array<i32>} : memref<3x128xi32, #tpu.memory_space<vmem>>, vector<1x16xi32>,
      %get3A_63 = arith.constant 0 : i32
      %get3A_64 = arith.index_cast %get3A_63 : i32 to index
      %get3A_65 = arith.constant 48 : index
      %get3A_66 = tpu.vector_load %arg7[%get3A_64, %get3A_65] {strides = array<i32>} : memref<3x128xi32, #tpu.memory_space<vmem>>, vector<1x16xi32>,
      %get3A_67 = vector.shape_cast %get3A_66 : vector<1x16xi32> to vector<16xi32>
      %add3A_68 = vector.broadcast %mul3A_0 : i32 to vector<16xi32>
      %add3A_69 = arith.addi %get3A_67, %add3A_68 : vector<16xi32>
      %swap3A_70 = arith.constant 0 : i32
      %swap3A_71 = arith.index_cast %swap3A_70 : i32 to index
      %swap3A_72 = arith.constant 48 : index
      %swap3A_73 = tpu.vector_load %arg7[%swap3A_71, %swap3A_72] {strides = array<i32>} : memref<3x128xi32, #tpu.memory_space<vmem>>, vector<1x16xi32>,
      %swap3A_74 = vector.shape_cast %swap3A_73 : vector<1x16xi32> to vector<16xi32>
      %swap3A_75 = vector.shape_cast %add3A_69 : vector<16xi32> to vector<1x16xi32>
      tpu.vector_store %arg7[%swap3A_71, %swap3A_72], %swap3A_75 {strides = array<i32>} : memref<3x128xi32, #tpu.memory_space<vmem>>, vector<1x16xi32>,
      %get3A_76 = arith.constant 0 : i32
      %get3A_77 = arith.index_cast %get3A_76 : i32 to index
      %get3A_78 = arith.constant 64 : index
      %get3A_79 = tpu.vector_load %arg7[%get3A_77, %get3A_78] {strides = array<i32>} : memref<3x128xi32, #tpu.memory_space<vmem>>, vector<1x16xi32>,
      %get3A_80 = vector.shape_cast %get3A_79 : vector<1x16xi32> to vector<16xi32>
      %add3A_81 = vector.broadcast %mul3A_0 : i32 to vector<16xi32>
      %add3A_82 = arith.addi %get3A_80, %add3A_81 : vector<16xi32>
      %swap3A_83 = arith.constant 0 : i32
      %swap3A_84 = arith.index_cast %swap3A_83 : i32 to index
      %swap3A_85 = arith.constant 64 : index
      %swap3A_86 = tpu.vector_load %arg7[%swap3A_84, %swap3A_85] {strides = array<i32>} : memref<3x128xi32, #tpu.memory_space<vmem>>, vector<1x16xi32>,
      %swap3A_87 = vector.shape_cast %swap3A_86 : vector<1x16xi32> to vector<16xi32>
      %swap3A_88 = vector.shape_cast %add3A_82 : vector<16xi32> to vector<1x16xi32>
      tpu.vector_store %arg7[%swap3A_84, %swap3A_85], %swap3A_88 {strides = array<i32>} : memref<3x128xi32, #tpu.memory_space<vmem>>, vector<1x16xi32>,
      %get3A_89 = arith.constant 0 : i32
      %get3A_90 = arith.index_cast %get3A_89 : i32 to index
      %get3A_91 = arith.constant 80 : index
      %get3A_92 = tpu.vector_load %arg7[%get3A_90, %get3A_91] {strides = array<i32>} : memref<3x128xi32, #tpu.memory_space<vmem>>, vector<1x16xi32>,
      %get3A_93 = vector.shape_cast %get3A_92 : vector<1x16xi32> to vector<16xi32>
      %add3A_94 = vector.broadcast %mul3A_0 : i32 to vector<16xi32>
      %add3A_95 = arith.addi %get3A_93, %add3A_94 : vector<16xi32>
      %swap3A_96 = arith.constant 0 : i32
      %swap3A_97 = arith.index_cast %swap3A_96 : i32 to index
      %swap3A_98 = arith.constant 80 : index
      %swap3A_99 = tpu.vector_load %arg7[%swap3A_97, %swap3A_98] {strides = array<i32>} : memref<3x128xi32, #tpu.memory_space<vmem>>, vector<1x16xi32>,
      %swap3A_100 = vector.shape_cast %swap3A_99 : vector<1x16xi32> to vector<16xi32>
      %swap3A_101 = vector.shape_cast %add3A_95 : vector<16xi32> to vector<1x16xi32>
      tpu.vector_store %arg7[%swap3A_97, %swap3A_98], %swap3A_101 {strides = array<i32>} : memref<3x128xi32, #tpu.memory_space<vmem>>, vector<1x16xi32>,
      %get3A_102 = arith.constant 0 : i32
      %get3A_103 = arith.index_cast %get3A_102 : i32 to index
      %get3A_104 = arith.constant 96 : index
      %get3A_105 = tpu.vector_load %arg7[%get3A_103, %get3A_104] {strides = array<i32>} : memref<3x128xi32, #tpu.memory_space<vmem>>, vector<1x16xi32>,
      %get3A_106 = vector.shape_cast %get3A_105 : vector<1x16xi32> to vector<16xi32>
      %add3A_107 = vector.broadcast %mul3A_0 : i32 to vector<16xi32>
      %add3A_108 = arith.addi %get3A_106, %add3A_107 : vector<16xi32>
      %swap3A_109 = arith.constant 0 : i32
      %swap3A_110 = arith.index_cast %swap3A_109 : i32 to index
      %swap3A_111 = arith.constant 96 : index
      %swap3A_112 = tpu.vector_load %arg7[%swap3A_110, %swap3A_111] {strides = array<i32>} : memref<3x128xi32, #tpu.memory_space<vmem>>, vector<1x16xi32>,
      %swap3A_113 = vector.shape_cast %swap3A_112 : vector<1x16xi32> to vector<16xi32>
      %swap3A_114 = vector.shape_cast %add3A_108 : vector<16xi32> to vector<1x16xi32>
      tpu.vector_store %arg7[%swap3A_110, %swap3A_111], %swap3A_114 {strides = array<i32>} : memref<3x128xi32, #tpu.memory_space<vmem>>, vector<1x16xi32>,
      %get3A_115 = arith.constant 0 : i32
      %get3A_116 = arith.index_cast %get3A_115 : i32 to index
      %get3A_117 = arith.constant 112 : index
      %get3A_118 = tpu.vector_load %arg7[%get3A_116, %get3A_117] {strides = array<i32>} : memref<3x128xi32, #tpu.memory_space<vmem>>, vector<1x16xi32>,
      %get3A_119 = vector.shape_cast %get3A_118 : vector<1x16xi32> to vector<16xi32>
      %add3A_120 = vector.broadcast %mul3A_0 : i32 to vector<16xi32>
      %add3A_121 = arith.addi %get3A_119, %add3A_120 : vector<16xi32>
      %swap3A_122 = arith.constant 0 : i32
      %swap3A_123 = arith.index_cast %swap3A_122 : i32 to index
      %swap3A_124 = arith.constant 112 : index
      %swap3A_125 = tpu.vector_load %arg7[%swap3A_123, %swap3A_124] {strides = array<i32>} : memref<3x128xi32, #tpu.memory_space<vmem>>, vector<1x16xi32>,
      %swap3A_126 = vector.shape_cast %swap3A_125 : vector<1x16xi32> to vector<16xi32>
      %swap3A_127 = vector.shape_cast %add3A_121 : vector<16xi32> to vector<1x16xi32>
      tpu.vector_store %arg7[%swap3A_123, %swap3A_124], %swap3A_127 {strides = array<i32>} : memref<3x128xi32, #tpu.memory_space<vmem>>, vector<1x16xi32>,
      %get3A_128 = arith.constant 1 : i32
      %get3A_129 = arith.index_cast %get3A_128 : i32 to index
      %get3A_130 = arith.constant 0 : index
      %get3A_131 = tpu.vector_load %arg7[%get3A_129, %get3A_130] {strides = array<i32>} : memref<3x128xi32, #tpu.memory_space<vmem>>, vector<1x16xi32>,
      %get3A_132 = vector.shape_cast %get3A_131 : vector<1x16xi32> to vector<16xi32>
      %add3A_133 = vector.broadcast %mul3A_0 : i32 to vector<16xi32>
      %add3A_134 = arith.addi %get3A_132, %add3A_133 : vector<16xi32>
      %swap3A_135 = arith.constant 1 : i32
      %swap3A_136 = arith.index_cast %swap3A_135 : i32 to index
      %swap3A_137 = arith.constant 0 : index
      %swap3A_138 = tpu.vector_load %arg7[%swap3A_136, %swap3A_137] {strides = array<i32>} : memref<3x128xi32, #tpu.memory_space<vmem>>, vector<1x16xi32>,
      %swap3A_139 = vector.shape_cast %swap3A_138 : vector<1x16xi32> to vector<16xi32>
      %swap3A_140 = vector.shape_cast %add3A_134 : vector<16xi32> to vector<1x16xi32>
      tpu.vector_store %arg7[%swap3A_136, %swap3A_137], %swap3A_140 {strides = array<i32>} : memref<3x128xi32, #tpu.memory_space<vmem>>, vector<1x16xi32>,
      %get3A_141 = arith.constant 1 : i32
      %get3A_142 = arith.index_cast %get3A_141 : i32 to index
      %get3A_143 = arith.constant 16 : index
      %get3A_144 = tpu.vector_load %arg7[%get3A_142, %get3A_143] {strides = array<i32>} : memref<3x128xi32, #tpu.memory_space<vmem>>, vector<1x16xi32>,
      %get3A_145 = vector.shape_cast %get3A_144 : vector<1x16xi32> to vector<16xi32>
      %add3A_146 = vector.broadcast %mul3A_0 : i32 to vector<16xi32>
      %add3A_147 = arith.addi %get3A_145, %add3A_146 : vector<16xi32>
      %swap3A_148 = arith.constant 1 : i32
      %swap3A_149 = arith.index_cast %swap3A_148 : i32 to index
      %swap3A_150 = arith.constant 16 : index
      %swap3A_151 = tpu.vector_load %arg7[%swap3A_149, %swap3A_150] {strides = array<i32>} : memref<3x128xi32, #tpu.memory_space<vmem>>, vector<1x16xi32>,
      %swap3A_152 = vector.shape_cast %swap3A_151 : vector<1x16xi32> to vector<16xi32>
      %swap3A_153 = vector.shape_cast %add3A_147 : vector<16xi32> to vector<1x16xi32>
      tpu.vector_store %arg7[%swap3A_149, %swap3A_150], %swap3A_153 {strides = array<i32>} : memref<3x128xi32, #tpu.memory_space<vmem>>, vector<1x16xi32>,
      %get3A_154 = arith.constant 1 : i32
      %get3A_155 = arith.index_cast %get3A_154 : i32 to index
      %get3A_156 = arith.constant 32 : index
      %get3A_157 = tpu.vector_load %arg7[%get3A_155, %get3A_156] {strides = array<i32>} : memref<3x128xi32, #tpu.memory_space<vmem>>, vector<1x16xi32>,
      %get3A_158 = vector.shape_cast %get3A_157 : vector<1x16xi32> to vector<16xi32>
      %add3A_159 = vector.broadcast %mul3A_0 : i32 to vector<16xi32>
      %add3A_160 = arith.addi %get3A_158, %add3A_159 : vector<16xi32>
      %swap3A_161 = arith.constant 1 : i32
      %swap3A_162 = arith.index_cast %swap3A_161 : i32 to index
      %swap3A_163 = arith.constant 32 : index
      %swap3A_164 = tpu.vector_load %arg7[%swap3A_162, %swap3A_163] {strides = array<i32>} : memref<3x128xi32, #tpu.memory_space<vmem>>, vector<1x16xi32>,
      %swap3A_165 = vector.shape_cast %swap3A_164 : vector<1x16xi32> to vector<16xi32>
      %swap3A_166 = vector.shape_cast %add3A_160 : vector<16xi32> to vector<1x16xi32>
      tpu.vector_store %arg7[%swap3A_162, %swap3A_163], %swap3A_166 {strides = array<i32>} : memref<3x128xi32, #tpu.memory_space<vmem>>, vector<1x16xi32>,
      %get3A_167 = arith.constant 1 : i32
      %get3A_168 = arith.index_cast %get3A_167 : i32 to index
      %get3A_169 = arith.constant 48 : index
      %get3A_170 = tpu.vector_load %arg7[%get3A_168, %get3A_169] {strides = array<i32>} : memref<3x128xi32, #tpu.memory_space<vmem>>, vector<1x16xi32>,
      %get3A_171 = vector.shape_cast %get3A_170 : vector<1x16xi32> to vector<16xi32>
      %add3A_172 = vector.broadcast %mul3A_0 : i32 to vector<16xi32>
      %add3A_173 = arith.addi %get3A_171, %add3A_172 : vector<16xi32>
      %swap3A_174 = arith.constant 1 : i32
      %swap3A_175 = arith.index_cast %swap3A_174 : i32 to index
      %swap3A_176 = arith.constant 48 : index
      %swap3A_177 = tpu.vector_load %arg7[%swap3A_175, %swap3A_176] {strides = array<i32>} : memref<3x128xi32, #tpu.memory_space<vmem>>, vector<1x16xi32>,
      %swap3A_178 = vector.shape_cast %swap3A_177 : vector<1x16xi32> to vector<16xi32>
      %swap3A_179 = vector.shape_cast %add3A_173 : vector<16xi32> to vector<1x16xi32>
      tpu.vector_store %arg7[%swap3A_175, %swap3A_176], %swap3A_179 {strides = array<i32>} : memref<3x128xi32, #tpu.memory_space<vmem>>, vector<1x16xi32>,
      %get3A_180 = arith.constant 1 : i32
      %get3A_181 = arith.index_cast %get3A_180 : i32 to index
      %get3A_182 = arith.constant 64 : index
      %get3A_183 = tpu.vector_load %arg7[%get3A_181, %get3A_182] {strides = array<i32>} : memref<3x128xi32, #tpu.memory_space<vmem>>, vector<1x16xi32>,
      %get3A_184 = vector.shape_cast %get3A_183 : vector<1x16xi32> to vector<16xi32>
      %add3A_185 = vector.broadcast %mul3A_0 : i32 to vector<16xi32>
      %add3A_186 = arith.addi %get3A_184, %add3A_185 : vector<16xi32>
      %swap3A_187 = arith.constant 1 : i32
      %swap3A_188 = arith.index_cast %swap3A_187 : i32 to index
      %swap3A_189 = arith.constant 64 : index
      %swap3A_190 = tpu.vector_load %arg7[%swap3A_188, %swap3A_189] {strides = array<i32>} : memref<3x128xi32, #tpu.memory_space<vmem>>, vector<1x16xi32>,
      %swap3A_191 = vector.shape_cast %swap3A_190 : vector<1x16xi32> to vector<16xi32>
      %swap3A_192 = vector.shape_cast %add3A_186 : vector<16xi32> to vector<1x16xi32>
      tpu.vector_store %arg7[%swap3A_188, %swap3A_189], %swap3A_192 {strides = array<i32>} : memref<3x128xi32, #tpu.memory_space<vmem>>, vector<1x16xi32>,
      %get3A_193 = arith.constant 1 : i32
      %get3A_194 = arith.index_cast %get3A_193 : i32 to index
      %get3A_195 = arith.constant 80 : index
      %get3A_196 = tpu.vector_load %arg7[%get3A_194, %get3A_195] {strides = array<i32>} : memref<3x128xi32, #tpu.memory_space<vmem>>, vector<1x16xi32>,
      %get3A_197 = vector.shape_cast %get3A_196 : vector<1x16xi32> to vector<16xi32>
      %add3A_198 = vector.broadcast %mul3A_0 : i32 to vector<16xi32>
      %add3A_199 = arith.addi %get3A_197, %add3A_198 : vector<16xi32>
      %swap3A_200 = arith.constant 1 : i32
      %swap3A_201 = arith.index_cast %swap3A_200 : i32 to index
      %swap3A_202 = arith.constant 80 : index
      %swap3A_203 = tpu.vector_load %arg7[%swap3A_201, %swap3A_202] {strides = array<i32>} : memref<3x128xi32, #tpu.memory_space<vmem>>, vector<1x16xi32>,
      %swap3A_204 = vector.shape_cast %swap3A_203 : vector<1x16xi32> to vector<16xi32>
      %swap3A_205 = vector.shape_cast %add3A_199 : vector<16xi32> to vector<1x16xi32>
      tpu.vector_store %arg7[%swap3A_201, %swap3A_202], %swap3A_205 {strides = array<i32>} : memref<3x128xi32, #tpu.memory_space<vmem>>, vector<1x16xi32>,
      %get3A_206 = arith.constant 1 : i32
      %get3A_207 = arith.index_cast %get3A_206 : i32 to index
      %get3A_208 = arith.constant 96 : index
      %get3A_209 = tpu.vector_load %arg7[%get3A_207, %get3A_208] {strides = array<i32>} : memref<3x128xi32, #tpu.memory_space<vmem>>, vector<1x16xi32>,
      %get3A_210 = vector.shape_cast %get3A_209 : vector<1x16xi32> to vector<16xi32>
      %add3A_211 = vector.broadcast %mul3A_0 : i32 to vector<16xi32>
      %add3A_212 = arith.addi %get3A_210, %add3A_211 : vector<16xi32>
      %swap3A_213 = arith.constant 1 : i32
      %swap3A_214 = arith.index_cast %swap3A_213 : i32 to index
      %swap3A_215 = arith.constant 96 : index
      %swap3A_216 = tpu.vector_load %arg7[%swap3A_214, %swap3A_215] {strides = array<i32>} : memref<3x128xi32, #tpu.memory_space<vmem>>, vector<1x16xi32>,
      %swap3A_217 = vector.shape_cast %swap3A_216 : vector<1x16xi32> to vector<16xi32>
      %swap3A_218 = vector.shape_cast %add3A_212 : vector<16xi32> to vector<1x16xi32>
      tpu.vector_store %arg7[%swap3A_214, %swap3A_215], %swap3A_218 {strides = array<i32>} : memref<3x128xi32, #tpu.memory_space<vmem>>, vector<1x16xi32>,
      %get3A_219 = arith.constant 1 : i32
      %get3A_220 = arith.index_cast %get3A_219 : i32 to index
      %get3A_221 = arith.constant 112 : index
      %get3A_222 = tpu.vector_load %arg7[%get3A_220, %get3A_221] {strides = array<i32>} : memref<3x128xi32, #tpu.memory_space<vmem>>, vector<1x16xi32>,
      %get3A_223 = vector.shape_cast %get3A_222 : vector<1x16xi32> to vector<16xi32>
      %add3A_224 = vector.broadcast %mul3A_0 : i32 to vector<16xi32>
      %add3A_225 = arith.addi %get3A_223, %add3A_224 : vector<16xi32>
      %swap3A_226 = arith.constant 1 : i32
      %swap3A_227 = arith.index_cast %swap3A_226 : i32 to index
      %swap3A_228 = arith.constant 112 : index
      %swap3A_229 = tpu.vector_load %arg7[%swap3A_227, %swap3A_228] {strides = array<i32>} : memref<3x128xi32, #tpu.memory_space<vmem>>, vector<1x16xi32>,
      %swap3A_230 = vector.shape_cast %swap3A_229 : vector<1x16xi32> to vector<16xi32>
      %swap3A_231 = vector.shape_cast %add3A_225 : vector<16xi32> to vector<1x16xi32>
      tpu.vector_store %arg7[%swap3A_227, %swap3A_228], %swap3A_231 {strides = array<i32>} : memref<3x128xi32, #tpu.memory_space<vmem>>, vector<1x16xi32>,
      %get3A_232 = arith.constant 2 : i32
      %get3A_233 = arith.index_cast %get3A_232 : i32 to index
      %get3A_234 = arith.constant 0 : index
      %get3A_235 = tpu.vector_load %arg7[%get3A_233, %get3A_234] {strides = array<i32>} : memref<3x128xi32, #tpu.memory_space<vmem>>, vector<1x16xi32>,
      %get3A_236 = vector.shape_cast %get3A_235 : vector<1x16xi32> to vector<16xi32>
      %add3A_237 = vector.broadcast %mul3A_0 : i32 to vector<16xi32>
      %add3A_238 = arith.addi %get3A_236, %add3A_237 : vector<16xi32>
      %swap3A_239 = arith.constant 2 : i32
      %swap3A_240 = arith.index_cast %swap3A_239 : i32 to index
      %swap3A_241 = arith.constant 0 : index
      %swap3A_242 = tpu.vector_load %arg7[%swap3A_240, %swap3A_241] {strides = array<i32>} : memref<3x128xi32, #tpu.memory_space<vmem>>, vector<1x16xi32>,
      %swap3A_243 = vector.shape_cast %swap3A_242 : vector<1x16xi32> to vector<16xi32>
      %swap3A_244 = vector.shape_cast %add3A_238 : vector<16xi32> to vector<1x16xi32>
      tpu.vector_store %arg7[%swap3A_240, %swap3A_241], %swap3A_244 {strides = array<i32>} : memref<3x128xi32, #tpu.memory_space<vmem>>, vector<1x16xi32>,
      %get3A_245 = arith.constant 2 : i32
      %get3A_246 = arith.index_cast %get3A_245 : i32 to index
      %get3A_247 = arith.constant 16 : index
      %get3A_248 = tpu.vector_load %arg7[%get3A_246, %get3A_247] {strides = array<i32>} : memref<3x128xi32, #tpu.memory_space<vmem>>, vector<1x16xi32>,
      %get3A_249 = vector.shape_cast %get3A_248 : vector<1x16xi32> to vector<16xi32>
      %add3A_250 = vector.broadcast %mul3A_0 : i32 to vector<16xi32>
      %add3A_251 = arith.addi %get3A_249, %add3A_250 : vector<16xi32>
      %swap3A_252 = arith.constant 2 : i32
      %swap3A_253 = arith.index_cast %swap3A_252 : i32 to index
      %swap3A_254 = arith.constant 16 : index
      %swap3A_255 = tpu.vector_load %arg7[%swap3A_253, %swap3A_254] {strides = array<i32>} : memref<3x128xi32, #tpu.memory_space<vmem>>, vector<1x16xi32>,
      %swap3A_256 = vector.shape_cast %swap3A_255 : vector<1x16xi32> to vector<16xi32>
      %swap3A_257 = vector.shape_cast %add3A_251 : vector<16xi32> to vector<1x16xi32>
      tpu.vector_store %arg7[%swap3A_253, %swap3A_254], %swap3A_257 {strides = array<i32>} : memref<3x128xi32, #tpu.memory_space<vmem>>, vector<1x16xi32>,
      %get3A_258 = arith.constant 2 : i32
      %get3A_259 = arith.index_cast %get3A_258 : i32 to index
      %get3A_260 = arith.constant 32 : index
      %get3A_261 = tpu.vector_load %arg7[%get3A_259, %get3A_260] {strides = array<i32>} : memref<3x128xi32, #tpu.memory_space<vmem>>, vector<1x16xi32>,
      %get3A_262 = vector.shape_cast %get3A_261 : vector<1x16xi32> to vector<16xi32>
      %add3A_263 = vector.broadcast %mul3A_0 : i32 to vector<16xi32>
      %add3A_264 = arith.addi %get3A_262, %add3A_263 : vector<16xi32>
      %swap3A_265 = arith.constant 2 : i32
      %swap3A_266 = arith.index_cast %swap3A_265 : i32 to index
      %swap3A_267 = arith.constant 32 : index
      %swap3A_268 = tpu.vector_load %arg7[%swap3A_266, %swap3A_267] {strides = array<i32>} : memref<3x128xi32, #tpu.memory_space<vmem>>, vector<1x16xi32>,
      %swap3A_269 = vector.shape_cast %swap3A_268 : vector<1x16xi32> to vector<16xi32>
      %swap3A_270 = vector.shape_cast %add3A_264 : vector<16xi32> to vector<1x16xi32>
      tpu.vector_store %arg7[%swap3A_266, %swap3A_267], %swap3A_270 {strides = array<i32>} : memref<3x128xi32, #tpu.memory_space<vmem>>, vector<1x16xi32>,
      %get3A_271 = arith.constant 2 : i32
      %get3A_272 = arith.index_cast %get3A_271 : i32 to index
      %get3A_273 = arith.constant 48 : index
      %get3A_274 = tpu.vector_load %arg7[%get3A_272, %get3A_273] {strides = array<i32>} : memref<3x128xi32, #tpu.memory_space<vmem>>, vector<1x16xi32>,
      %get3A_275 = vector.shape_cast %get3A_274 : vector<1x16xi32> to vector<16xi32>
      %add3A_276 = vector.broadcast %mul3A_0 : i32 to vector<16xi32>
      %add3A_277 = arith.addi %get3A_275, %add3A_276 : vector<16xi32>
      %swap3A_278 = arith.constant 2 : i32
      %swap3A_279 = arith.index_cast %swap3A_278 : i32 to index
      %swap3A_280 = arith.constant 48 : index
      %swap3A_281 = tpu.vector_load %arg7[%swap3A_279, %swap3A_280] {strides = array<i32>} : memref<3x128xi32, #tpu.memory_space<vmem>>, vector<1x16xi32>,
      %swap3A_282 = vector.shape_cast %swap3A_281 : vector<1x16xi32> to vector<16xi32>
      %swap3A_283 = vector.shape_cast %add3A_277 : vector<16xi32> to vector<1x16xi32>
      tpu.vector_store %arg7[%swap3A_279, %swap3A_280], %swap3A_283 {strides = array<i32>} : memref<3x128xi32, #tpu.memory_space<vmem>>, vector<1x16xi32>,
      %get3A_284 = arith.constant 2 : i32
      %get3A_285 = arith.index_cast %get3A_284 : i32 to index
      %get3A_286 = arith.constant 64 : index
      %get3A_287 = tpu.vector_load %arg7[%get3A_285, %get3A_286] {strides = array<i32>} : memref<3x128xi32, #tpu.memory_space<vmem>>, vector<1x16xi32>,
      %get3A_288 = vector.shape_cast %get3A_287 : vector<1x16xi32> to vector<16xi32>
      %add3A_289 = vector.broadcast %mul3A_0 : i32 to vector<16xi32>
      %add3A_290 = arith.addi %get3A_288, %add3A_289 : vector<16xi32>
      %swap3A_291 = arith.constant 2 : i32
      %swap3A_292 = arith.index_cast %swap3A_291 : i32 to index
      %swap3A_293 = arith.constant 64 : index
      %swap3A_294 = tpu.vector_load %arg7[%swap3A_292, %swap3A_293] {strides = array<i32>} : memref<3x128xi32, #tpu.memory_space<vmem>>, vector<1x16xi32>,
      %swap3A_295 = vector.shape_cast %swap3A_294 : vector<1x16xi32> to vector<16xi32>
      %swap3A_296 = vector.shape_cast %add3A_290 : vector<16xi32> to vector<1x16xi32>
      tpu.vector_store %arg7[%swap3A_292, %swap3A_293], %swap3A_296 {strides = array<i32>} : memref<3x128xi32, #tpu.memory_space<vmem>>, vector<1x16xi32>,
      %get3A_297 = arith.constant 2 : i32
      %get3A_298 = arith.index_cast %get3A_297 : i32 to index
      %get3A_299 = arith.constant 80 : index
      %get3A_300 = tpu.vector_load %arg7[%get3A_298, %get3A_299] {strides = array<i32>} : memref<3x128xi32, #tpu.memory_space<vmem>>, vector<1x16xi32>,
      %get3A_301 = vector.shape_cast %get3A_300 : vector<1x16xi32> to vector<16xi32>
      %add3A_302 = vector.broadcast %mul3A_0 : i32 to vector<16xi32>
      %add3A_303 = arith.addi %get3A_301, %add3A_302 : vector<16xi32>
      %swap3A_304 = arith.constant 2 : i32
      %swap3A_305 = arith.index_cast %swap3A_304 : i32 to index
      %swap3A_306 = arith.constant 80 : index
      %swap3A_307 = tpu.vector_load %arg7[%swap3A_305, %swap3A_306] {strides = array<i32>} : memref<3x128xi32, #tpu.memory_space<vmem>>, vector<1x16xi32>,
      %swap3A_308 = vector.shape_cast %swap3A_307 : vector<1x16xi32> to vector<16xi32>
      %swap3A_309 = vector.shape_cast %add3A_303 : vector<16xi32> to vector<1x16xi32>
      tpu.vector_store %arg7[%swap3A_305, %swap3A_306], %swap3A_309 {strides = array<i32>} : memref<3x128xi32, #tpu.memory_space<vmem>>, vector<1x16xi32>,
      %get3A_310 = arith.constant 2 : i32
      %get3A_311 = arith.index_cast %get3A_310 : i32 to index
      %get3A_312 = arith.constant 96 : index
      %get3A_313 = tpu.vector_load %arg7[%get3A_311, %get3A_312] {strides = array<i32>} : memref<3x128xi32, #tpu.memory_space<vmem>>, vector<1x16xi32>,
      %get3A_314 = vector.shape_cast %get3A_313 : vector<1x16xi32> to vector<16xi32>
      %add3A_315 = vector.broadcast %mul3A_0 : i32 to vector<16xi32>
      %add3A_316 = arith.addi %get3A_314, %add3A_315 : vector<16xi32>
      %swap3A_317 = arith.constant 2 : i32
      %swap3A_318 = arith.index_cast %swap3A_317 : i32 to index
      %swap3A_319 = arith.constant 96 : index
      %swap3A_320 = tpu.vector_load %arg7[%swap3A_318, %swap3A_319] {strides = array<i32>} : memref<3x128xi32, #tpu.memory_space<vmem>>, vector<1x16xi32>,
      %swap3A_321 = vector.shape_cast %swap3A_320 : vector<1x16xi32> to vector<16xi32>
      %swap3A_322 = vector.shape_cast %add3A_316 : vector<16xi32> to vector<1x16xi32>
      tpu.vector_store %arg7[%swap3A_318, %swap3A_319], %swap3A_322 {strides = array<i32>} : memref<3x128xi32, #tpu.memory_space<vmem>>, vector<1x16xi32>,
      %get3A_323 = arith.constant 2 : i32
      %get3A_324 = arith.index_cast %get3A_323 : i32 to index
      %get3A_325 = arith.constant 112 : index
      %get3A_326 = tpu.vector_load %arg7[%get3A_324, %get3A_325] {strides = array<i32>} : memref<3x128xi32, #tpu.memory_space<vmem>>, vector<1x16xi32>,
      %get3A_327 = vector.shape_cast %get3A_326 : vector<1x16xi32> to vector<16xi32>
      %add3A_328 = vector.broadcast %mul3A_0 : i32 to vector<16xi32>
      %add3A_329 = arith.addi %get3A_327, %add3A_328 : vector<16xi32>
      %swap3A_330 = arith.constant 2 : i32
      %swap3A_331 = arith.index_cast %swap3A_330 : i32 to index
      %swap3A_332 = arith.constant 112 : index
      %swap3A_333 = tpu.vector_load %arg7[%swap3A_331, %swap3A_332] {strides = array<i32>} : memref<3x128xi32, #tpu.memory_space<vmem>>, vector<1x16xi32>,
      %swap3A_334 = vector.shape_cast %swap3A_333 : vector<1x16xi32> to vector<16xi32>
      %swap3A_335 = vector.shape_cast %add3A_329 : vector<16xi32> to vector<1x16xi32>
      tpu.vector_store %arg7[%swap3A_331, %swap3A_332], %swap3A_335 {strides = array<i32>} : memref<3x128xi32, #tpu.memory_space<vmem>>, vector<1x16xi32>,
      %dma_start3A = arith.constant 0 : i32
      %dma_start3A_336 = arith.constant 0 : i32
      %dma_start3A_337 = arith.constant 0 : i32
      %dma_start3A_338 = arith.constant 0 : i32
      %dma_start3A_339 = tpu.memref_slice %arg9[%dma_start3A_336, %dma_start3A_337, %dma_start3A_338] : memref<3x128x128xf32, #tpu.memory_space<vmem>> -> memref<1x128x128xf32, #tpu.memory_space<vmem>>
      %dma_start3A_340 = tpu.memref_squeeze %dma_start3A_339 : memref<1x128x128xf32, #tpu.memory_space<vmem>> -> memref<128x128xf32, #tpu.memory_space<vmem>>
      %dma_start3A_341 = arith.constant 0 : i32
      %dma_start3A_342 = tpu.memref_slice %arg7[%dma_start3A, %dma_start3A_341] : memref<3x128xi32, #tpu.memory_space<vmem>> -> memref<1x128xi32, #tpu.memory_space<vmem>>
      %dma_start3A_343 = tpu.memref_squeeze %dma_start3A_342 : memref<1x128xi32, #tpu.memory_space<vmem>> -> memref<128xi32, #tpu.memory_space<vmem>>
      %dma_start3A_344 = arith.constant 0 : i32
      %dma_start3A_345 = arith.constant 0 : i32
      %dma_start3A_346 = tpu.memref_slice %arg2[%dma_start3A_344, %dma_start3A_345] : memref<20224x128xf32, #tpu.memory_space<hbm>> -> memref<20224x128xf32, #tpu.memory_space<hbm>>
      tpu.enqueue_indirect_dma source(%dma_start3A_346 : memref<20224x128xf32, #tpu.memory_space<hbm>>) target(%dma_start3A_340 : memref<128x128xf32, #tpu.memory_space<vmem>>) offsets(%dma_start3A_343 : memref<128xi32, #tpu.memory_space<vmem>>) semaphore(%arg11 : memref<!tpu.dma_semaphore, #tpu.memory_space<semaphore_mem>>)
      %dma_start3A_347 = arith.constant 1 : i32
      %dma_start3A_348 = arith.constant 1 : i32
      %dma_start3A_349 = arith.constant 0 : i32
      %dma_start3A_350 = arith.constant 0 : i32
      %dma_start3A_351 = tpu.memref_slice %arg9[%dma_start3A_348, %dma_start3A_349, %dma_start3A_350] : memref<3x128x128xf32, #tpu.memory_space<vmem>> -> memref<1x128x128xf32, #tpu.memory_space<vmem>>
      %dma_start3A_352 = tpu.memref_squeeze %dma_start3A_351 : memref<1x128x128xf32, #tpu.memory_space<vmem>> -> memref<128x128xf32, #tpu.memory_space<vmem>>
      %dma_start3A_353 = arith.constant 0 : i32
      %dma_start3A_354 = tpu.memref_slice %arg7[%dma_start3A_347, %dma_start3A_353] : memref<3x128xi32, #tpu.memory_space<vmem>> -> memref<1x128xi32, #tpu.memory_space<vmem>>
      %dma_start3A_355 = tpu.memref_squeeze %dma_start3A_354 : memref<1x128xi32, #tpu.memory_space<vmem>> -> memref<128xi32, #tpu.memory_space<vmem>>
      %dma_start3A_356 = arith.constant 0 : i32
      %dma_start3A_357 = arith.constant 0 : i32
      %dma_start3A_358 = tpu.memref_slice %arg2[%dma_start3A_356, %dma_start3A_357] : memref<20224x128xf32, #tpu.memory_space<hbm>> -> memref<20224x128xf32, #tpu.memory_space<hbm>>
      tpu.enqueue_indirect_dma source(%dma_start3A_358 : memref<20224x128xf32, #tpu.memory_space<hbm>>) target(%dma_start3A_352 : memref<128x128xf32, #tpu.memory_space<vmem>>) offsets(%dma_start3A_355 : memref<128xi32, #tpu.memory_space<vmem>>) semaphore(%arg11 : memref<!tpu.dma_semaphore, #tpu.memory_space<semaphore_mem>>)
      %dma_start3A_359 = arith.constant 2 : i32
      %dma_start3A_360 = arith.constant 2 : i32
      %dma_start3A_361 = arith.constant 0 : i32
      %dma_start3A_362 = arith.constant 0 : i32
      %dma_start3A_363 = tpu.memref_slice %arg9[%dma_start3A_360, %dma_start3A_361, %dma_start3A_362] : memref<3x128x128xf32, #tpu.memory_space<vmem>> -> memref<1x128x128xf32, #tpu.memory_space<vmem>>
      %dma_start3A_364 = tpu.memref_squeeze %dma_start3A_363 : memref<1x128x128xf32, #tpu.memory_space<vmem>> -> memref<128x128xf32, #tpu.memory_space<vmem>>
      %dma_start3A_365 = arith.constant 0 : i32
      %dma_start3A_366 = tpu.memref_slice %arg7[%dma_start3A_359, %dma_start3A_365] : memref<3x128xi32, #tpu.memory_space<vmem>> -> memref<1x128xi32, #tpu.memory_space<vmem>>
      %dma_start3A_367 = tpu.memref_squeeze %dma_start3A_366 : memref<1x128xi32, #tpu.memory_space<vmem>> -> memref<128xi32, #tpu.memory_space<vmem>>
      %dma_start3A_368 = arith.constant 0 : i32
      %dma_start3A_369 = arith.constant 0 : i32
      %dma_start3A_370 = tpu.memref_slice %arg2[%dma_start3A_368, %dma_start3A_369] : memref<20224x128xf32, #tpu.memory_space<hbm>> -> memref<20224x128xf32, #tpu.memory_space<hbm>>
      tpu.enqueue_indirect_dma source(%dma_start3A_370 : memref<20224x128xf32, #tpu.memory_space<hbm>>) target(%dma_start3A_364 : memref<128x128xf32, #tpu.memory_space<vmem>>) offsets(%dma_start3A_367 : memref<128xi32, #tpu.memory_space<vmem>>) semaphore(%arg11 : memref<!tpu.dma_semaphore, #tpu.memory_space<semaphore_mem>>)
      %dma_wait3A = arith.constant 0 : i32
      %dma_wait3A_371 = arith.constant 0 : i32
      %dma_wait3A_372 = arith.constant 0 : i32
      %dma_wait3A_373 = arith.constant 0 : i32
      %dma_wait3A_374 = tpu.memref_slice %arg9[%dma_wait3A_371, %dma_wait3A_372, %dma_wait3A_373] : memref<3x128x128xf32, #tpu.memory_space<vmem>> -> memref<1x128x128xf32, #tpu.memory_space<vmem>>
      %dma_wait3A_375 = tpu.memref_squeeze %dma_wait3A_374 : memref<1x128x128xf32, #tpu.memory_space<vmem>> -> memref<128x128xf32, #tpu.memory_space<vmem>>
      %dma_wait3A_376 = arith.constant 0 : i32
      %dma_wait3A_377 = tpu.memref_slice %arg7[%dma_wait3A, %dma_wait3A_376] : memref<3x128xi32, #tpu.memory_space<vmem>> -> memref<1x128xi32, #tpu.memory_space<vmem>>
      %dma_wait3A_378 = tpu.memref_squeeze %dma_wait3A_377 : memref<1x128xi32, #tpu.memory_space<vmem>> -> memref<128xi32, #tpu.memory_space<vmem>>
      %dma_wait3A_379 = arith.constant 0 : i32
      %dma_wait3A_380 = arith.constant 0 : i32
      %dma_wait3A_381 = tpu.memref_slice %arg2[%dma_wait3A_379, %dma_wait3A_380] : memref<20224x128xf32, #tpu.memory_space<hbm>> -> memref<20224x128xf32, #tpu.memory_space<hbm>>
      tpu.wait_indirect_dma semaphore(%arg11 : memref<!tpu.dma_semaphore, #tpu.memory_space<semaphore_mem>>) src(%dma_wait3A_381 : memref<20224x128xf32, #tpu.memory_space<hbm>>) dst(%dma_wait3A_375 : memref<128x128xf32, #tpu.memory_space<vmem>>)
      %run_scoped3A = arith.constant 0 : i32
      "tpu.region"() ({
        %run_scoped3A_408 = tpu.sem_alloc : memref<!tpu.dma_semaphore, #tpu.memory_space<semaphore_mem>>
        %dma_start3A_409 = arith.constant 0 : i32
        %dma_start3A_410 = arith.constant 0 : i32
        %dma_start3A_411 = tpu.memref_slice %arg9[%run_scoped3A, %dma_start3A_409, %dma_start3A_410] : memref<3x128x128xf32, #tpu.memory_space<vmem>> -> memref<1x128x128xf32, #tpu.memory_space<vmem>>
        %dma_start3A_412 = tpu.memref_squeeze %dma_start3A_411 : memref<1x128x128xf32, #tpu.memory_space<vmem>> -> memref<128x128xf32, #tpu.memory_space<vmem>>
        %dma_start3A_413 = arith.constant 0 : i32
        %dma_start3A_414 = tpu.memref_slice %arg8[%run_scoped3A, %dma_start3A_413] : memref<3x128xi32, #tpu.memory_space<vmem>> -> memref<1x128xi32, #tpu.memory_space<vmem>>
        %dma_start3A_415 = tpu.memref_squeeze %dma_start3A_414 : memref<1x128xi32, #tpu.memory_space<vmem>> -> memref<128xi32, #tpu.memory_space<vmem>>
        %dma_start3A_416 = arith.constant 0 : i32
        %dma_start3A_417 = arith.constant 0 : i32
        %dma_start3A_418 = tpu.memref_slice %arg10[%dma_start3A_416, %dma_start3A_417] : memref<10112x128xf32, #tpu.memory_space<vmem_shared>> -> memref<10112x128xf32, #tpu.memory_space<vmem_shared>>
        tpu.enqueue_indirect_dma source(%dma_start3A_412 : memref<128x128xf32, #tpu.memory_space<vmem>>) target(%dma_start3A_418 : memref<10112x128xf32, #tpu.memory_space<vmem_shared>>) offsets(%dma_start3A_415 : memref<128xi32, #tpu.memory_space<vmem>>) semaphore(%run_scoped3A_408 : memref<!tpu.dma_semaphore, #tpu.memory_space<semaphore_mem>>) {add = true}
        %dma_wait3A_419 = arith.constant 0 : i32
        %dma_wait3A_420 = arith.constant 0 : i32
        %dma_wait3A_421 = tpu.memref_slice %arg9[%run_scoped3A, %dma_wait3A_419, %dma_wait3A_420] : memref<3x128x128xf32, #tpu.memory_space<vmem>> -> memref<1x128x128xf32, #tpu.memory_space<vmem>>
        %dma_wait3A_422 = tpu.memref_squeeze %dma_wait3A_421 : memref<1x128x128xf32, #tpu.memory_space<vmem>> -> memref<128x128xf32, #tpu.memory_space<vmem>>
        %dma_wait3A_423 = arith.constant 0 : i32
        %dma_wait3A_424 = tpu.memref_slice %arg8[%run_scoped3A, %dma_wait3A_423] : memref<3x128xi32, #tpu.memory_space<vmem>> -> memref<1x128xi32, #tpu.memory_space<vmem>>
        %dma_wait3A_425 = tpu.memref_squeeze %dma_wait3A_424 : memref<1x128xi32, #tpu.memory_space<vmem>> -> memref<128xi32, #tpu.memory_space<vmem>>
        %dma_wait3A_426 = arith.constant 0 : i32
        %dma_wait3A_427 = arith.constant 0 : i32
        %dma_wait3A_428 = tpu.memref_slice %arg10[%dma_wait3A_426, %dma_wait3A_427] : memref<10112x128xf32, #tpu.memory_space<vmem_shared>> -> memref<10112x128xf32, #tpu.memory_space<vmem_shared>>
        tpu.wait_indirect_dma semaphore(%run_scoped3A_408 : memref<!tpu.dma_semaphore, #tpu.memory_space<semaphore_mem>>) src(%dma_wait3A_422 : memref<128x128xf32, #tpu.memory_space<vmem>>) dst(%dma_wait3A_428 : memref<10112x128xf32, #tpu.memory_space<vmem_shared>>)
        tpu.yield
      }) : () -> ()
      %dma_wait3A_382 = arith.constant 1 : i32
      %dma_wait3A_383 = arith.constant 1 : i32
      %dma_wait3A_384 = arith.constant 0 : i32
      %dma_wait3A_385 = arith.constant 0 : i32
      %dma_wait3A_386 = tpu.memref_slice %arg9[%dma_wait3A_383, %dma_wait3A_384, %dma_wait3A_385] : memref<3x128x128xf32, #tpu.memory_space<vmem>> -> memref<1x128x128xf32, #tpu.memory_space<vmem>>
      %dma_wait3A_387 = tpu.memref_squeeze %dma_wait3A_386 : memref<1x128x128xf32, #tpu.memory_space<vmem>> -> memref<128x128xf32, #tpu.memory_space<vmem>>
      %dma_wait3A_388 = arith.constant 0 : i32
      %dma_wait3A_389 = tpu.memref_slice %arg7[%dma_wait3A_382, %dma_wait3A_388] : memref<3x128xi32, #tpu.memory_space<vmem>> -> memref<1x128xi32, #tpu.memory_space<vmem>>
      %dma_wait3A_390 = tpu.memref_squeeze %dma_wait3A_389 : memref<1x128xi32, #tpu.memory_space<vmem>> -> memref<128xi32, #tpu.memory_space<vmem>>
      %dma_wait3A_391 = arith.constant 0 : i32
      %dma_wait3A_392 = arith.constant 0 : i32
      %dma_wait3A_393 = tpu.memref_slice %arg2[%dma_wait3A_391, %dma_wait3A_392] : memref<20224x128xf32, #tpu.memory_space<hbm>> -> memref<20224x128xf32, #tpu.memory_space<hbm>>
      tpu.wait_indirect_dma semaphore(%arg11 : memref<!tpu.dma_semaphore, #tpu.memory_space<semaphore_mem>>) src(%dma_wait3A_393 : memref<20224x128xf32, #tpu.memory_space<hbm>>) dst(%dma_wait3A_387 : memref<128x128xf32, #tpu.memory_space<vmem>>)
      %run_scoped3A_394 = arith.constant 1 : i32
      "tpu.region"() ({
        %run_scoped3A_408 = tpu.sem_alloc : memref<!tpu.dma_semaphore, #tpu.memory_space<semaphore_mem>>
        %dma_start3A_409 = arith.constant 0 : i32
        %dma_start3A_410 = arith.constant 0 : i32
        %dma_start3A_411 = tpu.memref_slice %arg9[%run_scoped3A_394, %dma_start3A_409, %dma_start3A_410] : memref<3x128x128xf32, #tpu.memory_space<vmem>> -> memref<1x128x128xf32, #tpu.memory_space<vmem>>
        %dma_start3A_412 = tpu.memref_squeeze %dma_start3A_411 : memref<1x128x128xf32, #tpu.memory_space<vmem>> -> memref<128x128xf32, #tpu.memory_space<vmem>>
        %dma_start3A_413 = arith.constant 0 : i32
        %dma_start3A_414 = tpu.memref_slice %arg8[%run_scoped3A_394, %dma_start3A_413] : memref<3x128xi32, #tpu.memory_space<vmem>> -> memref<1x128xi32, #tpu.memory_space<vmem>>
        %dma_start3A_415 = tpu.memref_squeeze %dma_start3A_414 : memref<1x128xi32, #tpu.memory_space<vmem>> -> memref<128xi32, #tpu.memory_space<vmem>>
        %dma_start3A_416 = arith.constant 0 : i32
        %dma_start3A_417 = arith.constant 0 : i32
        %dma_start3A_418 = tpu.memref_slice %arg10[%dma_start3A_416, %dma_start3A_417] : memref<10112x128xf32, #tpu.memory_space<vmem_shared>> -> memref<10112x128xf32, #tpu.memory_space<vmem_shared>>
        tpu.enqueue_indirect_dma source(%dma_start3A_412 : memref<128x128xf32, #tpu.memory_space<vmem>>) target(%dma_start3A_418 : memref<10112x128xf32, #tpu.memory_space<vmem_shared>>) offsets(%dma_start3A_415 : memref<128xi32, #tpu.memory_space<vmem>>) semaphore(%run_scoped3A_408 : memref<!tpu.dma_semaphore, #tpu.memory_space<semaphore_mem>>) {add = true}
        %dma_wait3A_419 = arith.constant 0 : i32
        %dma_wait3A_420 = arith.constant 0 : i32
        %dma_wait3A_421 = tpu.memref_slice %arg9[%run_scoped3A_394, %dma_wait3A_419, %dma_wait3A_420] : memref<3x128x128xf32, #tpu.memory_space<vmem>> -> memref<1x128x128xf32, #tpu.memory_space<vmem>>
        %dma_wait3A_422 = tpu.memref_squeeze %dma_wait3A_421 : memref<1x128x128xf32, #tpu.memory_space<vmem>> -> memref<128x128xf32, #tpu.memory_space<vmem>>
        %dma_wait3A_423 = arith.constant 0 : i32
        %dma_wait3A_424 = tpu.memref_slice %arg8[%run_scoped3A_394, %dma_wait3A_423] : memref<3x128xi32, #tpu.memory_space<vmem>> -> memref<1x128xi32, #tpu.memory_space<vmem>>
        %dma_wait3A_425 = tpu.memref_squeeze %dma_wait3A_424 : memref<1x128xi32, #tpu.memory_space<vmem>> -> memref<128xi32, #tpu.memory_space<vmem>>
        %dma_wait3A_426 = arith.constant 0 : i32
        %dma_wait3A_427 = arith.constant 0 : i32
        %dma_wait3A_428 = tpu.memref_slice %arg10[%dma_wait3A_426, %dma_wait3A_427] : memref<10112x128xf32, #tpu.memory_space<vmem_shared>> -> memref<10112x128xf32, #tpu.memory_space<vmem_shared>>
        tpu.wait_indirect_dma semaphore(%run_scoped3A_408 : memref<!tpu.dma_semaphore, #tpu.memory_space<semaphore_mem>>) src(%dma_wait3A_422 : memref<128x128xf32, #tpu.memory_space<vmem>>) dst(%dma_wait3A_428 : memref<10112x128xf32, #tpu.memory_space<vmem_shared>>)
        tpu.yield
      }) : () -> ()
      %dma_wait3A_395 = arith.constant 2 : i32
      %dma_wait3A_396 = arith.constant 2 : i32
      %dma_wait3A_397 = arith.constant 0 : i32
      %dma_wait3A_398 = arith.constant 0 : i32
      %dma_wait3A_399 = tpu.memref_slice %arg9[%dma_wait3A_396, %dma_wait3A_397, %dma_wait3A_398] : memref<3x128x128xf32, #tpu.memory_space<vmem>> -> memref<1x128x128xf32, #tpu.memory_space<vmem>>
      %dma_wait3A_400 = tpu.memref_squeeze %dma_wait3A_399 : memref<1x128x128xf32, #tpu.memory_space<vmem>> -> memref<128x128xf32, #tpu.memory_space<vmem>>
      %dma_wait3A_401 = arith.constant 0 : i32
      %dma_wait3A_402 = tpu.memref_slice %arg7[%dma_wait3A_395, %dma_wait3A_401] : memref<3x128xi32, #tpu.memory_space<vmem>> -> memref<1x128xi32, #tpu.memory_space<vmem>>
      %dma_wait3A_403 = tpu.memref_squeeze %dma_wait3A_402 : memref<1x128xi32, #tpu.memory_space<vmem>> -> memref<128xi32, #tpu.memory_space<vmem>>
      %dma_wait3A_404 = arith.constant 0 : i32
      %dma_wait3A_405 = arith.constant 0 : i32
      %dma_wait3A_406 = tpu.memref_slice %arg2[%dma_wait3A_404, %dma_wait3A_405] : memref<20224x128xf32, #tpu.memory_space<hbm>> -> memref<20224x128xf32, #tpu.memory_space<hbm>>
      tpu.wait_indirect_dma semaphore(%arg11 : memref<!tpu.dma_semaphore, #tpu.memory_space<semaphore_mem>>) src(%dma_wait3A_406 : memref<20224x128xf32, #tpu.memory_space<hbm>>) dst(%dma_wait3A_400 : memref<128x128xf32, #tpu.memory_space<vmem>>)
      %run_scoped3A_407 = arith.constant 2 : i32
      "tpu.region"() ({
        %run_scoped3A_408 = tpu.sem_alloc : memref<!tpu.dma_semaphore, #tpu.memory_space<semaphore_mem>>
        %dma_start3A_409 = arith.constant 0 : i32
        %dma_start3A_410 = arith.constant 0 : i32
        %dma_start3A_411 = tpu.memref_slice %arg9[%run_scoped3A_407, %dma_start3A_409, %dma_start3A_410] : memref<3x128x128xf32, #tpu.memory_space<vmem>> -> memref<1x128x128xf32, #tpu.memory_space<vmem>>
        %dma_start3A_412 = tpu.memref_squeeze %dma_start3A_411 : memref<1x128x128xf32, #tpu.memory_space<vmem>> -> memref<128x128xf32, #tpu.memory_space<vmem>>
        %dma_start3A_413 = arith.constant 0 : i32
        %dma_start3A_414 = tpu.memref_slice %arg8[%run_scoped3A_407, %dma_start3A_413] : memref<3x128xi32, #tpu.memory_space<vmem>> -> memref<1x128xi32, #tpu.memory_space<vmem>>
        %dma_start3A_415 = tpu.memref_squeeze %dma_start3A_414 : memref<1x128xi32, #tpu.memory_space<vmem>> -> memref<128xi32, #tpu.memory_space<vmem>>
        %dma_start3A_416 = arith.constant 0 : i32
        %dma_start3A_417 = arith.constant 0 : i32
        %dma_start3A_418 = tpu.memref_slice %arg10[%dma_start3A_416, %dma_start3A_417] : memref<10112x128xf32, #tpu.memory_space<vmem_shared>> -> memref<10112x128xf32, #tpu.memory_space<vmem_shared>>
        tpu.enqueue_indirect_dma source(%dma_start3A_412 : memref<128x128xf32, #tpu.memory_space<vmem>>) target(%dma_start3A_418 : memref<10112x128xf32, #tpu.memory_space<vmem_shared>>) offsets(%dma_start3A_415 : memref<128xi32, #tpu.memory_space<vmem>>) semaphore(%run_scoped3A_408 : memref<!tpu.dma_semaphore, #tpu.memory_space<semaphore_mem>>) {add = true}
        %dma_wait3A_419 = arith.constant 0 : i32
        %dma_wait3A_420 = arith.constant 0 : i32
        %dma_wait3A_421 = tpu.memref_slice %arg9[%run_scoped3A_407, %dma_wait3A_419, %dma_wait3A_420] : memref<3x128x128xf32, #tpu.memory_space<vmem>> -> memref<1x128x128xf32, #tpu.memory_space<vmem>>
        %dma_wait3A_422 = tpu.memref_squeeze %dma_wait3A_421 : memref<1x128x128xf32, #tpu.memory_space<vmem>> -> memref<128x128xf32, #tpu.memory_space<vmem>>
        %dma_wait3A_423 = arith.constant 0 : i32
        %dma_wait3A_424 = tpu.memref_slice %arg8[%run_scoped3A_407, %dma_wait3A_423] : memref<3x128xi32, #tpu.memory_space<vmem>> -> memref<1x128xi32, #tpu.memory_space<vmem>>
        %dma_wait3A_425 = tpu.memref_squeeze %dma_wait3A_424 : memref<1x128xi32, #tpu.memory_space<vmem>> -> memref<128xi32, #tpu.memory_space<vmem>>
        %dma_wait3A_426 = arith.constant 0 : i32
        %dma_wait3A_427 = arith.constant 0 : i32
        %dma_wait3A_428 = tpu.memref_slice %arg10[%dma_wait3A_426, %dma_wait3A_427] : memref<10112x128xf32, #tpu.memory_space<vmem_shared>> -> memref<10112x128xf32, #tpu.memory_space<vmem_shared>>
        tpu.wait_indirect_dma semaphore(%run_scoped3A_408 : memref<!tpu.dma_semaphore, #tpu.memory_space<semaphore_mem>>) src(%dma_wait3A_422 : memref<128x128xf32, #tpu.memory_space<vmem>>) dst(%dma_wait3A_428 : memref<10112x128xf32, #tpu.memory_space<vmem_shared>>)
        tpu.yield
      }) : () -> ()
    }
    %barrier3A_13 = arith.constant 0 : index
    tpu.barrier barrier_id(%barrier3A_13)
    %mul3A_14 = arith.constant 632 : i32
    %mul3A_15 = arith.muli %arg1, %mul3A_14 : i32
    %mul3A_16 = arith.constant 10112 : i32
    %mul3A_17 = arith.muli %arg0, %mul3A_16 : i32
    %mul3A_18 = arith.constant 632 : i32
    %mul3A_19 = arith.muli %arg1, %mul3A_18 : i32
    %add3A = arith.addi %mul3A_17, %mul3A_19 : i32
    "tpu.region"() ({
      %run_scoped3A = tpu.sem_alloc : memref<!tpu.dma_semaphore, #tpu.memory_space<semaphore_mem>>
      %dma_start3A = arith.constant 0 : i32
      %dma_start3A_20 = tpu.memref_slice %arg6[%add3A, %dma_start3A] : memref<20224x128xf32, #tpu.memory_space<hbm>> -> memref<632x128xf32, #tpu.memory_space<hbm>>
      %dma_start3A_21 = arith.constant 0 : i32
      %dma_start3A_22 = tpu.memref_slice %arg10[%mul3A_15, %dma_start3A_21] : memref<10112x128xf32, #tpu.memory_space<vmem_shared>> -> memref<632x128xf32, #tpu.memory_space<vmem_shared>>
      tpu.enqueue_dma source(%dma_start3A_22 : memref<632x128xf32, #tpu.memory_space<vmem_shared>>) target(%dma_start3A_20 : memref<632x128xf32, #tpu.memory_space<hbm>>) target_semaphore(%run_scoped3A : memref<!tpu.dma_semaphore, #tpu.memory_space<semaphore_mem>>)
      %dma_wait3A = arith.constant 0 : i32
      %dma_wait3A_23 = tpu.memref_slice %arg6[%add3A, %dma_wait3A] : memref<20224x128xf32, #tpu.memory_space<hbm>> -> memref<632x128xf32, #tpu.memory_space<hbm>>
      %dma_wait3A_24 = arith.constant 0 : i32
      %dma_wait3A_25 = tpu.memref_slice %arg10[%mul3A_15, %dma_wait3A_24] : memref<10112x128xf32, #tpu.memory_space<vmem_shared>> -> memref<632x128xf32, #tpu.memory_space<vmem_shared>>
      tpu.wait_dma2 semaphore(%run_scoped3A : memref<!tpu.dma_semaphore, #tpu.memory_space<semaphore_mem>>) src(%dma_wait3A_25 : memref<632x128xf32, #tpu.memory_space<vmem_shared>>) dst(%dma_wait3A_23 : memref<632x128xf32, #tpu.memory_space<hbm>>)
      tpu.yield
    }) : () -> ()
    return
  }
}

#map = affine_map<(d0, d1) -> (0, 0)>
module attributes {stable_mosaic.version = 14 : i64} {
  func.func @agg(%arg0: i32, %arg1: i32, %arg2: memref<20224x64xf32, #tpu.memory_space<hbm>>, %arg3: memref<2592x128xi32, #tpu.memory_space<hbm>>, %arg4: memref<2592x128xi32, #tpu.memory_space<hbm>>, %arg5: memref<632x64xf32, #tpu.memory_space<hbm>>, %arg6: memref<20224x64xf32, #tpu.memory_space<hbm>>, %arg7: memref<3x128xi32, #tpu.memory_space<vmem>>, %arg8: memref<3x128xi32, #tpu.memory_space<vmem>>, %arg9: memref<3x128x64xf32, #tpu.memory_space<vmem>>, %arg10: memref<10112x64xf32, #tpu.memory_space<vmem_shared>>, %arg11: memref<!tpu.dma_semaphore, #tpu.memory_space<semaphore_mem>>) attributes {dimension_semantics = [#tpu.dimension_semantics<core_parallel>, #tpu.dimension_semantics<subcore_parallel>], iteration_bounds = array<i64: 2, 16>, scalar_prefetch = 0 : i64, scratch_operands = 5 : i64, tpu.core_type = #tpu.core_type<sc_vector_subcore>, window_params = [{transform_indices = #map}, {transform_indices = #map}, {transform_indices = #map}, {transform_indices = #map}, {transform_indices = #map}]} {
    %mul3A = arith.constant 10112 : i32
    %mul3A_0 = arith.muli %arg0, %mul3A : i32
    %mul3A_1 = arith.constant 632 : i32
    %mul3A_2 = arith.muli %arg1, %mul3A_1 : i32
    "tpu.region"() ({
      %run_scoped3A = tpu.sem_alloc : memref<!tpu.dma_semaphore, #tpu.memory_space<semaphore_mem>>
      %dma_start3A = arith.constant 0 : i32
      %dma_start3A_20 = tpu.memref_slice %arg10[%mul3A_2, %dma_start3A] : memref<10112x64xf32, #tpu.memory_space<vmem_shared>> -> memref<632x64xf32, #tpu.memory_space<vmem_shared>>
      tpu.enqueue_dma source(%arg5 : memref<632x64xf32, #tpu.memory_space<hbm>>) target(%dma_start3A_20 : memref<632x64xf32, #tpu.memory_space<vmem_shared>>) target_semaphore(%run_scoped3A : memref<!tpu.dma_semaphore, #tpu.memory_space<semaphore_mem>>)
      %dma_wait3A = arith.constant 0 : i32
      %dma_wait3A_21 = tpu.memref_slice %arg10[%mul3A_2, %dma_wait3A] : memref<10112x64xf32, #tpu.memory_space<vmem_shared>> -> memref<632x64xf32, #tpu.memory_space<vmem_shared>>
      tpu.wait_dma2 semaphore(%run_scoped3A : memref<!tpu.dma_semaphore, #tpu.memory_space<semaphore_mem>>) src(%arg5 : memref<632x64xf32, #tpu.memory_space<hbm>>) dst(%dma_wait3A_21 : memref<632x64xf32, #tpu.memory_space<vmem_shared>>)
      tpu.yield
    }) : () -> ()
    %barrier3A = arith.constant 0 : index
    tpu.barrier barrier_id(%barrier3A)
    %while3A = arith.constant 0 : i32
    %while3A_3 = arith.constant 0 : i32
    %while3A_4 = arith.constant 54 : i32
    %while3A_5 = arith.subi %while3A_4, %while3A_3 : i32
    %while3A_6 = arith.addi %while3A_3, %while3A_5 : i32
    %while3A_7 = arith.constant 1 : i32
    %while3A_8 = arith.divsi %while3A_5, %while3A_7 : i32
    %while3A_9 = arith.muli %while3A_8, %while3A_7 : i32
    %while3A_10 = arith.addi %while3A_3, %while3A_9 : i32
    %while3A_11 = arith.constant 1 : i32
    scf.for %while3A_20 = %while3A_3 to %while3A_10 step %while3A_11  : i32 {
      %mul3A_21 = arith.constant 162 : i32
      %mul3A_22 = arith.muli %arg1, %mul3A_21 : i32
      %mul3A_23 = arith.constant 3 : i32
      %mul3A_24 = arith.muli %while3A_20, %mul3A_23 : i32
      %add3A_25 = arith.addi %mul3A_22, %mul3A_24 : i32
      "tpu.region"() ({
        %run_scoped3A_408 = tpu.sem_alloc : memref<!tpu.dma_semaphore, #tpu.memory_space<semaphore_mem>>
        %dma_start3A_409 = arith.constant 0 : i32
        %dma_start3A_410 = tpu.memref_slice %arg3[%add3A_25, %dma_start3A_409] : memref<2592x128xi32, #tpu.memory_space<hbm>> -> memref<3x128xi32, #tpu.memory_space<hbm>>
        %dma_start3A_411 = arith.constant 0 : i32
        %dma_start3A_412 = tpu.memref_slice %arg3[%add3A_25, %dma_start3A_411] : memref<2592x128xi32, #tpu.memory_space<hbm>> -> memref<3x128xi32, #tpu.memory_space<hbm>>
        tpu.enqueue_dma source(%dma_start3A_412 : memref<3x128xi32, #tpu.memory_space<hbm>>) target(%arg7 : memref<3x128xi32, #tpu.memory_space<vmem>>) target_semaphore(%run_scoped3A_408 : memref<!tpu.dma_semaphore, #tpu.memory_space<semaphore_mem>>)
        %dma_wait3A_413 = arith.constant 0 : i32
        %dma_wait3A_414 = tpu.memref_slice %arg3[%add3A_25, %dma_wait3A_413] : memref<2592x128xi32, #tpu.memory_space<hbm>> -> memref<3x128xi32, #tpu.memory_space<hbm>>
        %dma_wait3A_415 = arith.constant 0 : i32
        %dma_wait3A_416 = tpu.memref_slice %arg3[%add3A_25, %dma_wait3A_415] : memref<2592x128xi32, #tpu.memory_space<hbm>> -> memref<3x128xi32, #tpu.memory_space<hbm>>
        tpu.wait_dma2 semaphore(%run_scoped3A_408 : memref<!tpu.dma_semaphore, #tpu.memory_space<semaphore_mem>>) src(%dma_wait3A_416 : memref<3x128xi32, #tpu.memory_space<hbm>>) dst(%arg7 : memref<3x128xi32, #tpu.memory_space<vmem>>)
        tpu.yield
      }) : () -> ()
      "tpu.region"() ({
        %run_scoped3A_408 = tpu.sem_alloc : memref<!tpu.dma_semaphore, #tpu.memory_space<semaphore_mem>>
        %dma_start3A_409 = arith.constant 0 : i32
        %dma_start3A_410 = tpu.memref_slice %arg4[%add3A_25, %dma_start3A_409] : memref<2592x128xi32, #tpu.memory_space<hbm>> -> memref<3x128xi32, #tpu.memory_space<hbm>>
        %dma_start3A_411 = arith.constant 0 : i32
        %dma_start3A_412 = tpu.memref_slice %arg4[%add3A_25, %dma_start3A_411] : memref<2592x128xi32, #tpu.memory_space<hbm>> -> memref<3x128xi32, #tpu.memory_space<hbm>>
        tpu.enqueue_dma source(%dma_start3A_412 : memref<3x128xi32, #tpu.memory_space<hbm>>) target(%arg8 : memref<3x128xi32, #tpu.memory_space<vmem>>) target_semaphore(%run_scoped3A_408 : memref<!tpu.dma_semaphore, #tpu.memory_space<semaphore_mem>>)
        %dma_wait3A_413 = arith.constant 0 : i32
        %dma_wait3A_414 = tpu.memref_slice %arg4[%add3A_25, %dma_wait3A_413] : memref<2592x128xi32, #tpu.memory_space<hbm>> -> memref<3x128xi32, #tpu.memory_space<hbm>>
        %dma_wait3A_415 = arith.constant 0 : i32
        %dma_wait3A_416 = tpu.memref_slice %arg4[%add3A_25, %dma_wait3A_415] : memref<2592x128xi32, #tpu.memory_space<hbm>> -> memref<3x128xi32, #tpu.memory_space<hbm>>
        tpu.wait_dma2 semaphore(%run_scoped3A_408 : memref<!tpu.dma_semaphore, #tpu.memory_space<semaphore_mem>>) src(%dma_wait3A_416 : memref<3x128xi32, #tpu.memory_space<hbm>>) dst(%arg8 : memref<3x128xi32, #tpu.memory_space<vmem>>)
        tpu.yield
      }) : () -> ()
      %get3A = arith.constant 0 : i32
      %get3A_26 = arith.index_cast %get3A : i32 to index
      %get3A_27 = arith.constant 0 : index
      %get3A_28 = tpu.vector_load %arg7[%get3A_26, %get3A_27] {strides = array<i32>} : memref<3x128xi32, #tpu.memory_space<vmem>>, vector<1x16xi32>,
      %get3A_29 = vector.shape_cast %get3A_28 : vector<1x16xi32> to vector<16xi32>
      %add3A_30 = vector.broadcast %mul3A_0 : i32 to vector<16xi32>
      %add3A_31 = arith.addi %get3A_29, %add3A_30 : vector<16xi32>
      %swap3A = arith.constant 0 : i32
      %swap3A_32 = arith.index_cast %swap3A : i32 to index
      %swap3A_33 = arith.constant 0 : index
      %swap3A_34 = tpu.vector_load %arg7[%swap3A_32, %swap3A_33] {strides = array<i32>} : memref<3x128xi32, #tpu.memory_space<vmem>>, vector<1x16xi32>,
      %swap3A_35 = vector.shape_cast %swap3A_34 : vector<1x16xi32> to vector<16xi32>
      %swap3A_36 = vector.shape_cast %add3A_31 : vector<16xi32> to vector<1x16xi32>
      tpu.vector_store %arg7[%swap3A_32, %swap3A_33], %swap3A_36 {strides = array<i32>} : memref<3x128xi32, #tpu.memory_space<vmem>>, vector<1x16xi32>,
      %get3A_37 = arith.constant 0 : i32
      %get3A_38 = arith.index_cast %get3A_37 : i32 to index
      %get3A_39 = arith.constant 16 : index
      %get3A_40 = tpu.vector_load %arg7[%get3A_38, %get3A_39] {strides = array<i32>} : memref<3x128xi32, #tpu.memory_space<vmem>>, vector<1x16xi32>,
      %get3A_41 = vector.shape_cast %get3A_40 : vector<1x16xi32> to vector<16xi32>
      %add3A_42 = vector.broadcast %mul3A_0 : i32 to vector<16xi32>
      %add3A_43 = arith.addi %get3A_41, %add3A_42 : vector<16xi32>
      %swap3A_44 = arith.constant 0 : i32
      %swap3A_45 = arith.index_cast %swap3A_44 : i32 to index
      %swap3A_46 = arith.constant 16 : index
      %swap3A_47 = tpu.vector_load %arg7[%swap3A_45, %swap3A_46] {strides = array<i32>} : memref<3x128xi32, #tpu.memory_space<vmem>>, vector<1x16xi32>,
      %swap3A_48 = vector.shape_cast %swap3A_47 : vector<1x16xi32> to vector<16xi32>
      %swap3A_49 = vector.shape_cast %add3A_43 : vector<16xi32> to vector<1x16xi32>
      tpu.vector_store %arg7[%swap3A_45, %swap3A_46], %swap3A_49 {strides = array<i32>} : memref<3x128xi32, #tpu.memory_space<vmem>>, vector<1x16xi32>,
      %get3A_50 = arith.constant 0 : i32
      %get3A_51 = arith.index_cast %get3A_50 : i32 to index
      %get3A_52 = arith.constant 32 : index
      %get3A_53 = tpu.vector_load %arg7[%get3A_51, %get3A_52] {strides = array<i32>} : memref<3x128xi32, #tpu.memory_space<vmem>>, vector<1x16xi32>,
      %get3A_54 = vector.shape_cast %get3A_53 : vector<1x16xi32> to vector<16xi32>
      %add3A_55 = vector.broadcast %mul3A_0 : i32 to vector<16xi32>
      %add3A_56 = arith.addi %get3A_54, %add3A_55 : vector<16xi32>
      %swap3A_57 = arith.constant 0 : i32
      %swap3A_58 = arith.index_cast %swap3A_57 : i32 to index
      %swap3A_59 = arith.constant 32 : index
      %swap3A_60 = tpu.vector_load %arg7[%swap3A_58, %swap3A_59] {strides = array<i32>} : memref<3x128xi32, #tpu.memory_space<vmem>>, vector<1x16xi32>,
      %swap3A_61 = vector.shape_cast %swap3A_60 : vector<1x16xi32> to vector<16xi32>
      %swap3A_62 = vector.shape_cast %add3A_56 : vector<16xi32> to vector<1x16xi32>
      tpu.vector_store %arg7[%swap3A_58, %swap3A_59], %swap3A_62 {strides = array<i32>} : memref<3x128xi32, #tpu.memory_space<vmem>>, vector<1x16xi32>,
      %get3A_63 = arith.constant 0 : i32
      %get3A_64 = arith.index_cast %get3A_63 : i32 to index
      %get3A_65 = arith.constant 48 : index
      %get3A_66 = tpu.vector_load %arg7[%get3A_64, %get3A_65] {strides = array<i32>} : memref<3x128xi32, #tpu.memory_space<vmem>>, vector<1x16xi32>,
      %get3A_67 = vector.shape_cast %get3A_66 : vector<1x16xi32> to vector<16xi32>
      %add3A_68 = vector.broadcast %mul3A_0 : i32 to vector<16xi32>
      %add3A_69 = arith.addi %get3A_67, %add3A_68 : vector<16xi32>
      %swap3A_70 = arith.constant 0 : i32
      %swap3A_71 = arith.index_cast %swap3A_70 : i32 to index
      %swap3A_72 = arith.constant 48 : index
      %swap3A_73 = tpu.vector_load %arg7[%swap3A_71, %swap3A_72] {strides = array<i32>} : memref<3x128xi32, #tpu.memory_space<vmem>>, vector<1x16xi32>,
      %swap3A_74 = vector.shape_cast %swap3A_73 : vector<1x16xi32> to vector<16xi32>
      %swap3A_75 = vector.shape_cast %add3A_69 : vector<16xi32> to vector<1x16xi32>
      tpu.vector_store %arg7[%swap3A_71, %swap3A_72], %swap3A_75 {strides = array<i32>} : memref<3x128xi32, #tpu.memory_space<vmem>>, vector<1x16xi32>,
      %get3A_76 = arith.constant 0 : i32
      %get3A_77 = arith.index_cast %get3A_76 : i32 to index
      %get3A_78 = arith.constant 64 : index
      %get3A_79 = tpu.vector_load %arg7[%get3A_77, %get3A_78] {strides = array<i32>} : memref<3x128xi32, #tpu.memory_space<vmem>>, vector<1x16xi32>,
      %get3A_80 = vector.shape_cast %get3A_79 : vector<1x16xi32> to vector<16xi32>
      %add3A_81 = vector.broadcast %mul3A_0 : i32 to vector<16xi32>
      %add3A_82 = arith.addi %get3A_80, %add3A_81 : vector<16xi32>
      %swap3A_83 = arith.constant 0 : i32
      %swap3A_84 = arith.index_cast %swap3A_83 : i32 to index
      %swap3A_85 = arith.constant 64 : index
      %swap3A_86 = tpu.vector_load %arg7[%swap3A_84, %swap3A_85] {strides = array<i32>} : memref<3x128xi32, #tpu.memory_space<vmem>>, vector<1x16xi32>,
      %swap3A_87 = vector.shape_cast %swap3A_86 : vector<1x16xi32> to vector<16xi32>
      %swap3A_88 = vector.shape_cast %add3A_82 : vector<16xi32> to vector<1x16xi32>
      tpu.vector_store %arg7[%swap3A_84, %swap3A_85], %swap3A_88 {strides = array<i32>} : memref<3x128xi32, #tpu.memory_space<vmem>>, vector<1x16xi32>,
      %get3A_89 = arith.constant 0 : i32
      %get3A_90 = arith.index_cast %get3A_89 : i32 to index
      %get3A_91 = arith.constant 80 : index
      %get3A_92 = tpu.vector_load %arg7[%get3A_90, %get3A_91] {strides = array<i32>} : memref<3x128xi32, #tpu.memory_space<vmem>>, vector<1x16xi32>,
      %get3A_93 = vector.shape_cast %get3A_92 : vector<1x16xi32> to vector<16xi32>
      %add3A_94 = vector.broadcast %mul3A_0 : i32 to vector<16xi32>
      %add3A_95 = arith.addi %get3A_93, %add3A_94 : vector<16xi32>
      %swap3A_96 = arith.constant 0 : i32
      %swap3A_97 = arith.index_cast %swap3A_96 : i32 to index
      %swap3A_98 = arith.constant 80 : index
      %swap3A_99 = tpu.vector_load %arg7[%swap3A_97, %swap3A_98] {strides = array<i32>} : memref<3x128xi32, #tpu.memory_space<vmem>>, vector<1x16xi32>,
      %swap3A_100 = vector.shape_cast %swap3A_99 : vector<1x16xi32> to vector<16xi32>
      %swap3A_101 = vector.shape_cast %add3A_95 : vector<16xi32> to vector<1x16xi32>
      tpu.vector_store %arg7[%swap3A_97, %swap3A_98], %swap3A_101 {strides = array<i32>} : memref<3x128xi32, #tpu.memory_space<vmem>>, vector<1x16xi32>,
      %get3A_102 = arith.constant 0 : i32
      %get3A_103 = arith.index_cast %get3A_102 : i32 to index
      %get3A_104 = arith.constant 96 : index
      %get3A_105 = tpu.vector_load %arg7[%get3A_103, %get3A_104] {strides = array<i32>} : memref<3x128xi32, #tpu.memory_space<vmem>>, vector<1x16xi32>,
      %get3A_106 = vector.shape_cast %get3A_105 : vector<1x16xi32> to vector<16xi32>
      %add3A_107 = vector.broadcast %mul3A_0 : i32 to vector<16xi32>
      %add3A_108 = arith.addi %get3A_106, %add3A_107 : vector<16xi32>
      %swap3A_109 = arith.constant 0 : i32
      %swap3A_110 = arith.index_cast %swap3A_109 : i32 to index
      %swap3A_111 = arith.constant 96 : index
      %swap3A_112 = tpu.vector_load %arg7[%swap3A_110, %swap3A_111] {strides = array<i32>} : memref<3x128xi32, #tpu.memory_space<vmem>>, vector<1x16xi32>,
      %swap3A_113 = vector.shape_cast %swap3A_112 : vector<1x16xi32> to vector<16xi32>
      %swap3A_114 = vector.shape_cast %add3A_108 : vector<16xi32> to vector<1x16xi32>
      tpu.vector_store %arg7[%swap3A_110, %swap3A_111], %swap3A_114 {strides = array<i32>} : memref<3x128xi32, #tpu.memory_space<vmem>>, vector<1x16xi32>,
      %get3A_115 = arith.constant 0 : i32
      %get3A_116 = arith.index_cast %get3A_115 : i32 to index
      %get3A_117 = arith.constant 112 : index
      %get3A_118 = tpu.vector_load %arg7[%get3A_116, %get3A_117] {strides = array<i32>} : memref<3x128xi32, #tpu.memory_space<vmem>>, vector<1x16xi32>,
      %get3A_119 = vector.shape_cast %get3A_118 : vector<1x16xi32> to vector<16xi32>
      %add3A_120 = vector.broadcast %mul3A_0 : i32 to vector<16xi32>
      %add3A_121 = arith.addi %get3A_119, %add3A_120 : vector<16xi32>
      %swap3A_122 = arith.constant 0 : i32
      %swap3A_123 = arith.index_cast %swap3A_122 : i32 to index
      %swap3A_124 = arith.constant 112 : index
      %swap3A_125 = tpu.vector_load %arg7[%swap3A_123, %swap3A_124] {strides = array<i32>} : memref<3x128xi32, #tpu.memory_space<vmem>>, vector<1x16xi32>,
      %swap3A_126 = vector.shape_cast %swap3A_125 : vector<1x16xi32> to vector<16xi32>
      %swap3A_127 = vector.shape_cast %add3A_121 : vector<16xi32> to vector<1x16xi32>
      tpu.vector_store %arg7[%swap3A_123, %swap3A_124], %swap3A_127 {strides = array<i32>} : memref<3x128xi32, #tpu.memory_space<vmem>>, vector<1x16xi32>,
      %get3A_128 = arith.constant 1 : i32
      %get3A_129 = arith.index_cast %get3A_128 : i32 to index
      %get3A_130 = arith.constant 0 : index
      %get3A_131 = tpu.vector_load %arg7[%get3A_129, %get3A_130] {strides = array<i32>} : memref<3x128xi32, #tpu.memory_space<vmem>>, vector<1x16xi32>,
      %get3A_132 = vector.shape_cast %get3A_131 : vector<1x16xi32> to vector<16xi32>
      %add3A_133 = vector.broadcast %mul3A_0 : i32 to vector<16xi32>
      %add3A_134 = arith.addi %get3A_132, %add3A_133 : vector<16xi32>
      %swap3A_135 = arith.constant 1 : i32
      %swap3A_136 = arith.index_cast %swap3A_135 : i32 to index
      %swap3A_137 = arith.constant 0 : index
      %swap3A_138 = tpu.vector_load %arg7[%swap3A_136, %swap3A_137] {strides = array<i32>} : memref<3x128xi32, #tpu.memory_space<vmem>>, vector<1x16xi32>,
      %swap3A_139 = vector.shape_cast %swap3A_138 : vector<1x16xi32> to vector<16xi32>
      %swap3A_140 = vector.shape_cast %add3A_134 : vector<16xi32> to vector<1x16xi32>
      tpu.vector_store %arg7[%swap3A_136, %swap3A_137], %swap3A_140 {strides = array<i32>} : memref<3x128xi32, #tpu.memory_space<vmem>>, vector<1x16xi32>,
      %get3A_141 = arith.constant 1 : i32
      %get3A_142 = arith.index_cast %get3A_141 : i32 to index
      %get3A_143 = arith.constant 16 : index
      %get3A_144 = tpu.vector_load %arg7[%get3A_142, %get3A_143] {strides = array<i32>} : memref<3x128xi32, #tpu.memory_space<vmem>>, vector<1x16xi32>,
      %get3A_145 = vector.shape_cast %get3A_144 : vector<1x16xi32> to vector<16xi32>
      %add3A_146 = vector.broadcast %mul3A_0 : i32 to vector<16xi32>
      %add3A_147 = arith.addi %get3A_145, %add3A_146 : vector<16xi32>
      %swap3A_148 = arith.constant 1 : i32
      %swap3A_149 = arith.index_cast %swap3A_148 : i32 to index
      %swap3A_150 = arith.constant 16 : index
      %swap3A_151 = tpu.vector_load %arg7[%swap3A_149, %swap3A_150] {strides = array<i32>} : memref<3x128xi32, #tpu.memory_space<vmem>>, vector<1x16xi32>,
      %swap3A_152 = vector.shape_cast %swap3A_151 : vector<1x16xi32> to vector<16xi32>
      %swap3A_153 = vector.shape_cast %add3A_147 : vector<16xi32> to vector<1x16xi32>
      tpu.vector_store %arg7[%swap3A_149, %swap3A_150], %swap3A_153 {strides = array<i32>} : memref<3x128xi32, #tpu.memory_space<vmem>>, vector<1x16xi32>,
      %get3A_154 = arith.constant 1 : i32
      %get3A_155 = arith.index_cast %get3A_154 : i32 to index
      %get3A_156 = arith.constant 32 : index
      %get3A_157 = tpu.vector_load %arg7[%get3A_155, %get3A_156] {strides = array<i32>} : memref<3x128xi32, #tpu.memory_space<vmem>>, vector<1x16xi32>,
      %get3A_158 = vector.shape_cast %get3A_157 : vector<1x16xi32> to vector<16xi32>
      %add3A_159 = vector.broadcast %mul3A_0 : i32 to vector<16xi32>
      %add3A_160 = arith.addi %get3A_158, %add3A_159 : vector<16xi32>
      %swap3A_161 = arith.constant 1 : i32
      %swap3A_162 = arith.index_cast %swap3A_161 : i32 to index
      %swap3A_163 = arith.constant 32 : index
      %swap3A_164 = tpu.vector_load %arg7[%swap3A_162, %swap3A_163] {strides = array<i32>} : memref<3x128xi32, #tpu.memory_space<vmem>>, vector<1x16xi32>,
      %swap3A_165 = vector.shape_cast %swap3A_164 : vector<1x16xi32> to vector<16xi32>
      %swap3A_166 = vector.shape_cast %add3A_160 : vector<16xi32> to vector<1x16xi32>
      tpu.vector_store %arg7[%swap3A_162, %swap3A_163], %swap3A_166 {strides = array<i32>} : memref<3x128xi32, #tpu.memory_space<vmem>>, vector<1x16xi32>,
      %get3A_167 = arith.constant 1 : i32
      %get3A_168 = arith.index_cast %get3A_167 : i32 to index
      %get3A_169 = arith.constant 48 : index
      %get3A_170 = tpu.vector_load %arg7[%get3A_168, %get3A_169] {strides = array<i32>} : memref<3x128xi32, #tpu.memory_space<vmem>>, vector<1x16xi32>,
      %get3A_171 = vector.shape_cast %get3A_170 : vector<1x16xi32> to vector<16xi32>
      %add3A_172 = vector.broadcast %mul3A_0 : i32 to vector<16xi32>
      %add3A_173 = arith.addi %get3A_171, %add3A_172 : vector<16xi32>
      %swap3A_174 = arith.constant 1 : i32
      %swap3A_175 = arith.index_cast %swap3A_174 : i32 to index
      %swap3A_176 = arith.constant 48 : index
      %swap3A_177 = tpu.vector_load %arg7[%swap3A_175, %swap3A_176] {strides = array<i32>} : memref<3x128xi32, #tpu.memory_space<vmem>>, vector<1x16xi32>,
      %swap3A_178 = vector.shape_cast %swap3A_177 : vector<1x16xi32> to vector<16xi32>
      %swap3A_179 = vector.shape_cast %add3A_173 : vector<16xi32> to vector<1x16xi32>
      tpu.vector_store %arg7[%swap3A_175, %swap3A_176], %swap3A_179 {strides = array<i32>} : memref<3x128xi32, #tpu.memory_space<vmem>>, vector<1x16xi32>,
      %get3A_180 = arith.constant 1 : i32
      %get3A_181 = arith.index_cast %get3A_180 : i32 to index
      %get3A_182 = arith.constant 64 : index
      %get3A_183 = tpu.vector_load %arg7[%get3A_181, %get3A_182] {strides = array<i32>} : memref<3x128xi32, #tpu.memory_space<vmem>>, vector<1x16xi32>,
      %get3A_184 = vector.shape_cast %get3A_183 : vector<1x16xi32> to vector<16xi32>
      %add3A_185 = vector.broadcast %mul3A_0 : i32 to vector<16xi32>
      %add3A_186 = arith.addi %get3A_184, %add3A_185 : vector<16xi32>
      %swap3A_187 = arith.constant 1 : i32
      %swap3A_188 = arith.index_cast %swap3A_187 : i32 to index
      %swap3A_189 = arith.constant 64 : index
      %swap3A_190 = tpu.vector_load %arg7[%swap3A_188, %swap3A_189] {strides = array<i32>} : memref<3x128xi32, #tpu.memory_space<vmem>>, vector<1x16xi32>,
      %swap3A_191 = vector.shape_cast %swap3A_190 : vector<1x16xi32> to vector<16xi32>
      %swap3A_192 = vector.shape_cast %add3A_186 : vector<16xi32> to vector<1x16xi32>
      tpu.vector_store %arg7[%swap3A_188, %swap3A_189], %swap3A_192 {strides = array<i32>} : memref<3x128xi32, #tpu.memory_space<vmem>>, vector<1x16xi32>,
      %get3A_193 = arith.constant 1 : i32
      %get3A_194 = arith.index_cast %get3A_193 : i32 to index
      %get3A_195 = arith.constant 80 : index
      %get3A_196 = tpu.vector_load %arg7[%get3A_194, %get3A_195] {strides = array<i32>} : memref<3x128xi32, #tpu.memory_space<vmem>>, vector<1x16xi32>,
      %get3A_197 = vector.shape_cast %get3A_196 : vector<1x16xi32> to vector<16xi32>
      %add3A_198 = vector.broadcast %mul3A_0 : i32 to vector<16xi32>
      %add3A_199 = arith.addi %get3A_197, %add3A_198 : vector<16xi32>
      %swap3A_200 = arith.constant 1 : i32
      %swap3A_201 = arith.index_cast %swap3A_200 : i32 to index
      %swap3A_202 = arith.constant 80 : index
      %swap3A_203 = tpu.vector_load %arg7[%swap3A_201, %swap3A_202] {strides = array<i32>} : memref<3x128xi32, #tpu.memory_space<vmem>>, vector<1x16xi32>,
      %swap3A_204 = vector.shape_cast %swap3A_203 : vector<1x16xi32> to vector<16xi32>
      %swap3A_205 = vector.shape_cast %add3A_199 : vector<16xi32> to vector<1x16xi32>
      tpu.vector_store %arg7[%swap3A_201, %swap3A_202], %swap3A_205 {strides = array<i32>} : memref<3x128xi32, #tpu.memory_space<vmem>>, vector<1x16xi32>,
      %get3A_206 = arith.constant 1 : i32
      %get3A_207 = arith.index_cast %get3A_206 : i32 to index
      %get3A_208 = arith.constant 96 : index
      %get3A_209 = tpu.vector_load %arg7[%get3A_207, %get3A_208] {strides = array<i32>} : memref<3x128xi32, #tpu.memory_space<vmem>>, vector<1x16xi32>,
      %get3A_210 = vector.shape_cast %get3A_209 : vector<1x16xi32> to vector<16xi32>
      %add3A_211 = vector.broadcast %mul3A_0 : i32 to vector<16xi32>
      %add3A_212 = arith.addi %get3A_210, %add3A_211 : vector<16xi32>
      %swap3A_213 = arith.constant 1 : i32
      %swap3A_214 = arith.index_cast %swap3A_213 : i32 to index
      %swap3A_215 = arith.constant 96 : index
      %swap3A_216 = tpu.vector_load %arg7[%swap3A_214, %swap3A_215] {strides = array<i32>} : memref<3x128xi32, #tpu.memory_space<vmem>>, vector<1x16xi32>,
      %swap3A_217 = vector.shape_cast %swap3A_216 : vector<1x16xi32> to vector<16xi32>
      %swap3A_218 = vector.shape_cast %add3A_212 : vector<16xi32> to vector<1x16xi32>
      tpu.vector_store %arg7[%swap3A_214, %swap3A_215], %swap3A_218 {strides = array<i32>} : memref<3x128xi32, #tpu.memory_space<vmem>>, vector<1x16xi32>,
      %get3A_219 = arith.constant 1 : i32
      %get3A_220 = arith.index_cast %get3A_219 : i32 to index
      %get3A_221 = arith.constant 112 : index
      %get3A_222 = tpu.vector_load %arg7[%get3A_220, %get3A_221] {strides = array<i32>} : memref<3x128xi32, #tpu.memory_space<vmem>>, vector<1x16xi32>,
      %get3A_223 = vector.shape_cast %get3A_222 : vector<1x16xi32> to vector<16xi32>
      %add3A_224 = vector.broadcast %mul3A_0 : i32 to vector<16xi32>
      %add3A_225 = arith.addi %get3A_223, %add3A_224 : vector<16xi32>
      %swap3A_226 = arith.constant 1 : i32
      %swap3A_227 = arith.index_cast %swap3A_226 : i32 to index
      %swap3A_228 = arith.constant 112 : index
      %swap3A_229 = tpu.vector_load %arg7[%swap3A_227, %swap3A_228] {strides = array<i32>} : memref<3x128xi32, #tpu.memory_space<vmem>>, vector<1x16xi32>,
      %swap3A_230 = vector.shape_cast %swap3A_229 : vector<1x16xi32> to vector<16xi32>
      %swap3A_231 = vector.shape_cast %add3A_225 : vector<16xi32> to vector<1x16xi32>
      tpu.vector_store %arg7[%swap3A_227, %swap3A_228], %swap3A_231 {strides = array<i32>} : memref<3x128xi32, #tpu.memory_space<vmem>>, vector<1x16xi32>,
      %get3A_232 = arith.constant 2 : i32
      %get3A_233 = arith.index_cast %get3A_232 : i32 to index
      %get3A_234 = arith.constant 0 : index
      %get3A_235 = tpu.vector_load %arg7[%get3A_233, %get3A_234] {strides = array<i32>} : memref<3x128xi32, #tpu.memory_space<vmem>>, vector<1x16xi32>,
      %get3A_236 = vector.shape_cast %get3A_235 : vector<1x16xi32> to vector<16xi32>
      %add3A_237 = vector.broadcast %mul3A_0 : i32 to vector<16xi32>
      %add3A_238 = arith.addi %get3A_236, %add3A_237 : vector<16xi32>
      %swap3A_239 = arith.constant 2 : i32
      %swap3A_240 = arith.index_cast %swap3A_239 : i32 to index
      %swap3A_241 = arith.constant 0 : index
      %swap3A_242 = tpu.vector_load %arg7[%swap3A_240, %swap3A_241] {strides = array<i32>} : memref<3x128xi32, #tpu.memory_space<vmem>>, vector<1x16xi32>,
      %swap3A_243 = vector.shape_cast %swap3A_242 : vector<1x16xi32> to vector<16xi32>
      %swap3A_244 = vector.shape_cast %add3A_238 : vector<16xi32> to vector<1x16xi32>
      tpu.vector_store %arg7[%swap3A_240, %swap3A_241], %swap3A_244 {strides = array<i32>} : memref<3x128xi32, #tpu.memory_space<vmem>>, vector<1x16xi32>,
      %get3A_245 = arith.constant 2 : i32
      %get3A_246 = arith.index_cast %get3A_245 : i32 to index
      %get3A_247 = arith.constant 16 : index
      %get3A_248 = tpu.vector_load %arg7[%get3A_246, %get3A_247] {strides = array<i32>} : memref<3x128xi32, #tpu.memory_space<vmem>>, vector<1x16xi32>,
      %get3A_249 = vector.shape_cast %get3A_248 : vector<1x16xi32> to vector<16xi32>
      %add3A_250 = vector.broadcast %mul3A_0 : i32 to vector<16xi32>
      %add3A_251 = arith.addi %get3A_249, %add3A_250 : vector<16xi32>
      %swap3A_252 = arith.constant 2 : i32
      %swap3A_253 = arith.index_cast %swap3A_252 : i32 to index
      %swap3A_254 = arith.constant 16 : index
      %swap3A_255 = tpu.vector_load %arg7[%swap3A_253, %swap3A_254] {strides = array<i32>} : memref<3x128xi32, #tpu.memory_space<vmem>>, vector<1x16xi32>,
      %swap3A_256 = vector.shape_cast %swap3A_255 : vector<1x16xi32> to vector<16xi32>
      %swap3A_257 = vector.shape_cast %add3A_251 : vector<16xi32> to vector<1x16xi32>
      tpu.vector_store %arg7[%swap3A_253, %swap3A_254], %swap3A_257 {strides = array<i32>} : memref<3x128xi32, #tpu.memory_space<vmem>>, vector<1x16xi32>,
      %get3A_258 = arith.constant 2 : i32
      %get3A_259 = arith.index_cast %get3A_258 : i32 to index
      %get3A_260 = arith.constant 32 : index
      %get3A_261 = tpu.vector_load %arg7[%get3A_259, %get3A_260] {strides = array<i32>} : memref<3x128xi32, #tpu.memory_space<vmem>>, vector<1x16xi32>,
      %get3A_262 = vector.shape_cast %get3A_261 : vector<1x16xi32> to vector<16xi32>
      %add3A_263 = vector.broadcast %mul3A_0 : i32 to vector<16xi32>
      %add3A_264 = arith.addi %get3A_262, %add3A_263 : vector<16xi32>
      %swap3A_265 = arith.constant 2 : i32
      %swap3A_266 = arith.index_cast %swap3A_265 : i32 to index
      %swap3A_267 = arith.constant 32 : index
      %swap3A_268 = tpu.vector_load %arg7[%swap3A_266, %swap3A_267] {strides = array<i32>} : memref<3x128xi32, #tpu.memory_space<vmem>>, vector<1x16xi32>,
      %swap3A_269 = vector.shape_cast %swap3A_268 : vector<1x16xi32> to vector<16xi32>
      %swap3A_270 = vector.shape_cast %add3A_264 : vector<16xi32> to vector<1x16xi32>
      tpu.vector_store %arg7[%swap3A_266, %swap3A_267], %swap3A_270 {strides = array<i32>} : memref<3x128xi32, #tpu.memory_space<vmem>>, vector<1x16xi32>,
      %get3A_271 = arith.constant 2 : i32
      %get3A_272 = arith.index_cast %get3A_271 : i32 to index
      %get3A_273 = arith.constant 48 : index
      %get3A_274 = tpu.vector_load %arg7[%get3A_272, %get3A_273] {strides = array<i32>} : memref<3x128xi32, #tpu.memory_space<vmem>>, vector<1x16xi32>,
      %get3A_275 = vector.shape_cast %get3A_274 : vector<1x16xi32> to vector<16xi32>
      %add3A_276 = vector.broadcast %mul3A_0 : i32 to vector<16xi32>
      %add3A_277 = arith.addi %get3A_275, %add3A_276 : vector<16xi32>
      %swap3A_278 = arith.constant 2 : i32
      %swap3A_279 = arith.index_cast %swap3A_278 : i32 to index
      %swap3A_280 = arith.constant 48 : index
      %swap3A_281 = tpu.vector_load %arg7[%swap3A_279, %swap3A_280] {strides = array<i32>} : memref<3x128xi32, #tpu.memory_space<vmem>>, vector<1x16xi32>,
      %swap3A_282 = vector.shape_cast %swap3A_281 : vector<1x16xi32> to vector<16xi32>
      %swap3A_283 = vector.shape_cast %add3A_277 : vector<16xi32> to vector<1x16xi32>
      tpu.vector_store %arg7[%swap3A_279, %swap3A_280], %swap3A_283 {strides = array<i32>} : memref<3x128xi32, #tpu.memory_space<vmem>>, vector<1x16xi32>,
      %get3A_284 = arith.constant 2 : i32
      %get3A_285 = arith.index_cast %get3A_284 : i32 to index
      %get3A_286 = arith.constant 64 : index
      %get3A_287 = tpu.vector_load %arg7[%get3A_285, %get3A_286] {strides = array<i32>} : memref<3x128xi32, #tpu.memory_space<vmem>>, vector<1x16xi32>,
      %get3A_288 = vector.shape_cast %get3A_287 : vector<1x16xi32> to vector<16xi32>
      %add3A_289 = vector.broadcast %mul3A_0 : i32 to vector<16xi32>
      %add3A_290 = arith.addi %get3A_288, %add3A_289 : vector<16xi32>
      %swap3A_291 = arith.constant 2 : i32
      %swap3A_292 = arith.index_cast %swap3A_291 : i32 to index
      %swap3A_293 = arith.constant 64 : index
      %swap3A_294 = tpu.vector_load %arg7[%swap3A_292, %swap3A_293] {strides = array<i32>} : memref<3x128xi32, #tpu.memory_space<vmem>>, vector<1x16xi32>,
      %swap3A_295 = vector.shape_cast %swap3A_294 : vector<1x16xi32> to vector<16xi32>
      %swap3A_296 = vector.shape_cast %add3A_290 : vector<16xi32> to vector<1x16xi32>
      tpu.vector_store %arg7[%swap3A_292, %swap3A_293], %swap3A_296 {strides = array<i32>} : memref<3x128xi32, #tpu.memory_space<vmem>>, vector<1x16xi32>,
      %get3A_297 = arith.constant 2 : i32
      %get3A_298 = arith.index_cast %get3A_297 : i32 to index
      %get3A_299 = arith.constant 80 : index
      %get3A_300 = tpu.vector_load %arg7[%get3A_298, %get3A_299] {strides = array<i32>} : memref<3x128xi32, #tpu.memory_space<vmem>>, vector<1x16xi32>,
      %get3A_301 = vector.shape_cast %get3A_300 : vector<1x16xi32> to vector<16xi32>
      %add3A_302 = vector.broadcast %mul3A_0 : i32 to vector<16xi32>
      %add3A_303 = arith.addi %get3A_301, %add3A_302 : vector<16xi32>
      %swap3A_304 = arith.constant 2 : i32
      %swap3A_305 = arith.index_cast %swap3A_304 : i32 to index
      %swap3A_306 = arith.constant 80 : index
      %swap3A_307 = tpu.vector_load %arg7[%swap3A_305, %swap3A_306] {strides = array<i32>} : memref<3x128xi32, #tpu.memory_space<vmem>>, vector<1x16xi32>,
      %swap3A_308 = vector.shape_cast %swap3A_307 : vector<1x16xi32> to vector<16xi32>
      %swap3A_309 = vector.shape_cast %add3A_303 : vector<16xi32> to vector<1x16xi32>
      tpu.vector_store %arg7[%swap3A_305, %swap3A_306], %swap3A_309 {strides = array<i32>} : memref<3x128xi32, #tpu.memory_space<vmem>>, vector<1x16xi32>,
      %get3A_310 = arith.constant 2 : i32
      %get3A_311 = arith.index_cast %get3A_310 : i32 to index
      %get3A_312 = arith.constant 96 : index
      %get3A_313 = tpu.vector_load %arg7[%get3A_311, %get3A_312] {strides = array<i32>} : memref<3x128xi32, #tpu.memory_space<vmem>>, vector<1x16xi32>,
      %get3A_314 = vector.shape_cast %get3A_313 : vector<1x16xi32> to vector<16xi32>
      %add3A_315 = vector.broadcast %mul3A_0 : i32 to vector<16xi32>
      %add3A_316 = arith.addi %get3A_314, %add3A_315 : vector<16xi32>
      %swap3A_317 = arith.constant 2 : i32
      %swap3A_318 = arith.index_cast %swap3A_317 : i32 to index
      %swap3A_319 = arith.constant 96 : index
      %swap3A_320 = tpu.vector_load %arg7[%swap3A_318, %swap3A_319] {strides = array<i32>} : memref<3x128xi32, #tpu.memory_space<vmem>>, vector<1x16xi32>,
      %swap3A_321 = vector.shape_cast %swap3A_320 : vector<1x16xi32> to vector<16xi32>
      %swap3A_322 = vector.shape_cast %add3A_316 : vector<16xi32> to vector<1x16xi32>
      tpu.vector_store %arg7[%swap3A_318, %swap3A_319], %swap3A_322 {strides = array<i32>} : memref<3x128xi32, #tpu.memory_space<vmem>>, vector<1x16xi32>,
      %get3A_323 = arith.constant 2 : i32
      %get3A_324 = arith.index_cast %get3A_323 : i32 to index
      %get3A_325 = arith.constant 112 : index
      %get3A_326 = tpu.vector_load %arg7[%get3A_324, %get3A_325] {strides = array<i32>} : memref<3x128xi32, #tpu.memory_space<vmem>>, vector<1x16xi32>,
      %get3A_327 = vector.shape_cast %get3A_326 : vector<1x16xi32> to vector<16xi32>
      %add3A_328 = vector.broadcast %mul3A_0 : i32 to vector<16xi32>
      %add3A_329 = arith.addi %get3A_327, %add3A_328 : vector<16xi32>
      %swap3A_330 = arith.constant 2 : i32
      %swap3A_331 = arith.index_cast %swap3A_330 : i32 to index
      %swap3A_332 = arith.constant 112 : index
      %swap3A_333 = tpu.vector_load %arg7[%swap3A_331, %swap3A_332] {strides = array<i32>} : memref<3x128xi32, #tpu.memory_space<vmem>>, vector<1x16xi32>,
      %swap3A_334 = vector.shape_cast %swap3A_333 : vector<1x16xi32> to vector<16xi32>
      %swap3A_335 = vector.shape_cast %add3A_329 : vector<16xi32> to vector<1x16xi32>
      tpu.vector_store %arg7[%swap3A_331, %swap3A_332], %swap3A_335 {strides = array<i32>} : memref<3x128xi32, #tpu.memory_space<vmem>>, vector<1x16xi32>,
      %dma_start3A = arith.constant 0 : i32
      %dma_start3A_336 = arith.constant 0 : i32
      %dma_start3A_337 = arith.constant 0 : i32
      %dma_start3A_338 = arith.constant 0 : i32
      %dma_start3A_339 = tpu.memref_slice %arg9[%dma_start3A_336, %dma_start3A_337, %dma_start3A_338] : memref<3x128x64xf32, #tpu.memory_space<vmem>> -> memref<1x128x64xf32, #tpu.memory_space<vmem>>
      %dma_start3A_340 = tpu.memref_squeeze %dma_start3A_339 : memref<1x128x64xf32, #tpu.memory_space<vmem>> -> memref<128x64xf32, #tpu.memory_space<vmem>>
      %dma_start3A_341 = arith.constant 0 : i32
      %dma_start3A_342 = tpu.memref_slice %arg7[%dma_start3A, %dma_start3A_341] : memref<3x128xi32, #tpu.memory_space<vmem>> -> memref<1x128xi32, #tpu.memory_space<vmem>>
      %dma_start3A_343 = tpu.memref_squeeze %dma_start3A_342 : memref<1x128xi32, #tpu.memory_space<vmem>> -> memref<128xi32, #tpu.memory_space<vmem>>
      %dma_start3A_344 = arith.constant 0 : i32
      %dma_start3A_345 = arith.constant 0 : i32
      %dma_start3A_346 = tpu.memref_slice %arg2[%dma_start3A_344, %dma_start3A_345] : memref<20224x64xf32, #tpu.memory_space<hbm>> -> memref<20224x64xf32, #tpu.memory_space<hbm>>
      tpu.enqueue_indirect_dma source(%dma_start3A_346 : memref<20224x64xf32, #tpu.memory_space<hbm>>) target(%dma_start3A_340 : memref<128x64xf32, #tpu.memory_space<vmem>>) offsets(%dma_start3A_343 : memref<128xi32, #tpu.memory_space<vmem>>) semaphore(%arg11 : memref<!tpu.dma_semaphore, #tpu.memory_space<semaphore_mem>>)
      %dma_start3A_347 = arith.constant 1 : i32
      %dma_start3A_348 = arith.constant 1 : i32
      %dma_start3A_349 = arith.constant 0 : i32
      %dma_start3A_350 = arith.constant 0 : i32
      %dma_start3A_351 = tpu.memref_slice %arg9[%dma_start3A_348, %dma_start3A_349, %dma_start3A_350] : memref<3x128x64xf32, #tpu.memory_space<vmem>> -> memref<1x128x64xf32, #tpu.memory_space<vmem>>
      %dma_start3A_352 = tpu.memref_squeeze %dma_start3A_351 : memref<1x128x64xf32, #tpu.memory_space<vmem>> -> memref<128x64xf32, #tpu.memory_space<vmem>>
      %dma_start3A_353 = arith.constant 0 : i32
      %dma_start3A_354 = tpu.memref_slice %arg7[%dma_start3A_347, %dma_start3A_353] : memref<3x128xi32, #tpu.memory_space<vmem>> -> memref<1x128xi32, #tpu.memory_space<vmem>>
      %dma_start3A_355 = tpu.memref_squeeze %dma_start3A_354 : memref<1x128xi32, #tpu.memory_space<vmem>> -> memref<128xi32, #tpu.memory_space<vmem>>
      %dma_start3A_356 = arith.constant 0 : i32
      %dma_start3A_357 = arith.constant 0 : i32
      %dma_start3A_358 = tpu.memref_slice %arg2[%dma_start3A_356, %dma_start3A_357] : memref<20224x64xf32, #tpu.memory_space<hbm>> -> memref<20224x64xf32, #tpu.memory_space<hbm>>
      tpu.enqueue_indirect_dma source(%dma_start3A_358 : memref<20224x64xf32, #tpu.memory_space<hbm>>) target(%dma_start3A_352 : memref<128x64xf32, #tpu.memory_space<vmem>>) offsets(%dma_start3A_355 : memref<128xi32, #tpu.memory_space<vmem>>) semaphore(%arg11 : memref<!tpu.dma_semaphore, #tpu.memory_space<semaphore_mem>>)
      %dma_start3A_359 = arith.constant 2 : i32
      %dma_start3A_360 = arith.constant 2 : i32
      %dma_start3A_361 = arith.constant 0 : i32
      %dma_start3A_362 = arith.constant 0 : i32
      %dma_start3A_363 = tpu.memref_slice %arg9[%dma_start3A_360, %dma_start3A_361, %dma_start3A_362] : memref<3x128x64xf32, #tpu.memory_space<vmem>> -> memref<1x128x64xf32, #tpu.memory_space<vmem>>
      %dma_start3A_364 = tpu.memref_squeeze %dma_start3A_363 : memref<1x128x64xf32, #tpu.memory_space<vmem>> -> memref<128x64xf32, #tpu.memory_space<vmem>>
      %dma_start3A_365 = arith.constant 0 : i32
      %dma_start3A_366 = tpu.memref_slice %arg7[%dma_start3A_359, %dma_start3A_365] : memref<3x128xi32, #tpu.memory_space<vmem>> -> memref<1x128xi32, #tpu.memory_space<vmem>>
      %dma_start3A_367 = tpu.memref_squeeze %dma_start3A_366 : memref<1x128xi32, #tpu.memory_space<vmem>> -> memref<128xi32, #tpu.memory_space<vmem>>
      %dma_start3A_368 = arith.constant 0 : i32
      %dma_start3A_369 = arith.constant 0 : i32
      %dma_start3A_370 = tpu.memref_slice %arg2[%dma_start3A_368, %dma_start3A_369] : memref<20224x64xf32, #tpu.memory_space<hbm>> -> memref<20224x64xf32, #tpu.memory_space<hbm>>
      tpu.enqueue_indirect_dma source(%dma_start3A_370 : memref<20224x64xf32, #tpu.memory_space<hbm>>) target(%dma_start3A_364 : memref<128x64xf32, #tpu.memory_space<vmem>>) offsets(%dma_start3A_367 : memref<128xi32, #tpu.memory_space<vmem>>) semaphore(%arg11 : memref<!tpu.dma_semaphore, #tpu.memory_space<semaphore_mem>>)
      %dma_wait3A = arith.constant 0 : i32
      %dma_wait3A_371 = arith.constant 0 : i32
      %dma_wait3A_372 = arith.constant 0 : i32
      %dma_wait3A_373 = arith.constant 0 : i32
      %dma_wait3A_374 = tpu.memref_slice %arg9[%dma_wait3A_371, %dma_wait3A_372, %dma_wait3A_373] : memref<3x128x64xf32, #tpu.memory_space<vmem>> -> memref<1x128x64xf32, #tpu.memory_space<vmem>>
      %dma_wait3A_375 = tpu.memref_squeeze %dma_wait3A_374 : memref<1x128x64xf32, #tpu.memory_space<vmem>> -> memref<128x64xf32, #tpu.memory_space<vmem>>
      %dma_wait3A_376 = arith.constant 0 : i32
      %dma_wait3A_377 = tpu.memref_slice %arg7[%dma_wait3A, %dma_wait3A_376] : memref<3x128xi32, #tpu.memory_space<vmem>> -> memref<1x128xi32, #tpu.memory_space<vmem>>
      %dma_wait3A_378 = tpu.memref_squeeze %dma_wait3A_377 : memref<1x128xi32, #tpu.memory_space<vmem>> -> memref<128xi32, #tpu.memory_space<vmem>>
      %dma_wait3A_379 = arith.constant 0 : i32
      %dma_wait3A_380 = arith.constant 0 : i32
      %dma_wait3A_381 = tpu.memref_slice %arg2[%dma_wait3A_379, %dma_wait3A_380] : memref<20224x64xf32, #tpu.memory_space<hbm>> -> memref<20224x64xf32, #tpu.memory_space<hbm>>
      tpu.wait_indirect_dma semaphore(%arg11 : memref<!tpu.dma_semaphore, #tpu.memory_space<semaphore_mem>>) src(%dma_wait3A_381 : memref<20224x64xf32, #tpu.memory_space<hbm>>) dst(%dma_wait3A_375 : memref<128x64xf32, #tpu.memory_space<vmem>>)
      %run_scoped3A = arith.constant 0 : i32
      "tpu.region"() ({
        %run_scoped3A_408 = tpu.sem_alloc : memref<!tpu.dma_semaphore, #tpu.memory_space<semaphore_mem>>
        %dma_start3A_409 = arith.constant 0 : i32
        %dma_start3A_410 = arith.constant 0 : i32
        %dma_start3A_411 = tpu.memref_slice %arg9[%run_scoped3A, %dma_start3A_409, %dma_start3A_410] : memref<3x128x64xf32, #tpu.memory_space<vmem>> -> memref<1x128x64xf32, #tpu.memory_space<vmem>>
        %dma_start3A_412 = tpu.memref_squeeze %dma_start3A_411 : memref<1x128x64xf32, #tpu.memory_space<vmem>> -> memref<128x64xf32, #tpu.memory_space<vmem>>
        %dma_start3A_413 = arith.constant 0 : i32
        %dma_start3A_414 = tpu.memref_slice %arg8[%run_scoped3A, %dma_start3A_413] : memref<3x128xi32, #tpu.memory_space<vmem>> -> memref<1x128xi32, #tpu.memory_space<vmem>>
        %dma_start3A_415 = tpu.memref_squeeze %dma_start3A_414 : memref<1x128xi32, #tpu.memory_space<vmem>> -> memref<128xi32, #tpu.memory_space<vmem>>
        %dma_start3A_416 = arith.constant 0 : i32
        %dma_start3A_417 = arith.constant 0 : i32
        %dma_start3A_418 = tpu.memref_slice %arg10[%dma_start3A_416, %dma_start3A_417] : memref<10112x64xf32, #tpu.memory_space<vmem_shared>> -> memref<10112x64xf32, #tpu.memory_space<vmem_shared>>
        tpu.enqueue_indirect_dma source(%dma_start3A_412 : memref<128x64xf32, #tpu.memory_space<vmem>>) target(%dma_start3A_418 : memref<10112x64xf32, #tpu.memory_space<vmem_shared>>) offsets(%dma_start3A_415 : memref<128xi32, #tpu.memory_space<vmem>>) semaphore(%run_scoped3A_408 : memref<!tpu.dma_semaphore, #tpu.memory_space<semaphore_mem>>) {add = true}
        %dma_wait3A_419 = arith.constant 0 : i32
        %dma_wait3A_420 = arith.constant 0 : i32
        %dma_wait3A_421 = tpu.memref_slice %arg9[%run_scoped3A, %dma_wait3A_419, %dma_wait3A_420] : memref<3x128x64xf32, #tpu.memory_space<vmem>> -> memref<1x128x64xf32, #tpu.memory_space<vmem>>
        %dma_wait3A_422 = tpu.memref_squeeze %dma_wait3A_421 : memref<1x128x64xf32, #tpu.memory_space<vmem>> -> memref<128x64xf32, #tpu.memory_space<vmem>>
        %dma_wait3A_423 = arith.constant 0 : i32
        %dma_wait3A_424 = tpu.memref_slice %arg8[%run_scoped3A, %dma_wait3A_423] : memref<3x128xi32, #tpu.memory_space<vmem>> -> memref<1x128xi32, #tpu.memory_space<vmem>>
        %dma_wait3A_425 = tpu.memref_squeeze %dma_wait3A_424 : memref<1x128xi32, #tpu.memory_space<vmem>> -> memref<128xi32, #tpu.memory_space<vmem>>
        %dma_wait3A_426 = arith.constant 0 : i32
        %dma_wait3A_427 = arith.constant 0 : i32
        %dma_wait3A_428 = tpu.memref_slice %arg10[%dma_wait3A_426, %dma_wait3A_427] : memref<10112x64xf32, #tpu.memory_space<vmem_shared>> -> memref<10112x64xf32, #tpu.memory_space<vmem_shared>>
        tpu.wait_indirect_dma semaphore(%run_scoped3A_408 : memref<!tpu.dma_semaphore, #tpu.memory_space<semaphore_mem>>) src(%dma_wait3A_422 : memref<128x64xf32, #tpu.memory_space<vmem>>) dst(%dma_wait3A_428 : memref<10112x64xf32, #tpu.memory_space<vmem_shared>>)
        tpu.yield
      }) : () -> ()
      %dma_wait3A_382 = arith.constant 1 : i32
      %dma_wait3A_383 = arith.constant 1 : i32
      %dma_wait3A_384 = arith.constant 0 : i32
      %dma_wait3A_385 = arith.constant 0 : i32
      %dma_wait3A_386 = tpu.memref_slice %arg9[%dma_wait3A_383, %dma_wait3A_384, %dma_wait3A_385] : memref<3x128x64xf32, #tpu.memory_space<vmem>> -> memref<1x128x64xf32, #tpu.memory_space<vmem>>
      %dma_wait3A_387 = tpu.memref_squeeze %dma_wait3A_386 : memref<1x128x64xf32, #tpu.memory_space<vmem>> -> memref<128x64xf32, #tpu.memory_space<vmem>>
      %dma_wait3A_388 = arith.constant 0 : i32
      %dma_wait3A_389 = tpu.memref_slice %arg7[%dma_wait3A_382, %dma_wait3A_388] : memref<3x128xi32, #tpu.memory_space<vmem>> -> memref<1x128xi32, #tpu.memory_space<vmem>>
      %dma_wait3A_390 = tpu.memref_squeeze %dma_wait3A_389 : memref<1x128xi32, #tpu.memory_space<vmem>> -> memref<128xi32, #tpu.memory_space<vmem>>
      %dma_wait3A_391 = arith.constant 0 : i32
      %dma_wait3A_392 = arith.constant 0 : i32
      %dma_wait3A_393 = tpu.memref_slice %arg2[%dma_wait3A_391, %dma_wait3A_392] : memref<20224x64xf32, #tpu.memory_space<hbm>> -> memref<20224x64xf32, #tpu.memory_space<hbm>>
      tpu.wait_indirect_dma semaphore(%arg11 : memref<!tpu.dma_semaphore, #tpu.memory_space<semaphore_mem>>) src(%dma_wait3A_393 : memref<20224x64xf32, #tpu.memory_space<hbm>>) dst(%dma_wait3A_387 : memref<128x64xf32, #tpu.memory_space<vmem>>)
      %run_scoped3A_394 = arith.constant 1 : i32
      "tpu.region"() ({
        %run_scoped3A_408 = tpu.sem_alloc : memref<!tpu.dma_semaphore, #tpu.memory_space<semaphore_mem>>
        %dma_start3A_409 = arith.constant 0 : i32
        %dma_start3A_410 = arith.constant 0 : i32
        %dma_start3A_411 = tpu.memref_slice %arg9[%run_scoped3A_394, %dma_start3A_409, %dma_start3A_410] : memref<3x128x64xf32, #tpu.memory_space<vmem>> -> memref<1x128x64xf32, #tpu.memory_space<vmem>>
        %dma_start3A_412 = tpu.memref_squeeze %dma_start3A_411 : memref<1x128x64xf32, #tpu.memory_space<vmem>> -> memref<128x64xf32, #tpu.memory_space<vmem>>
        %dma_start3A_413 = arith.constant 0 : i32
        %dma_start3A_414 = tpu.memref_slice %arg8[%run_scoped3A_394, %dma_start3A_413] : memref<3x128xi32, #tpu.memory_space<vmem>> -> memref<1x128xi32, #tpu.memory_space<vmem>>
        %dma_start3A_415 = tpu.memref_squeeze %dma_start3A_414 : memref<1x128xi32, #tpu.memory_space<vmem>> -> memref<128xi32, #tpu.memory_space<vmem>>
        %dma_start3A_416 = arith.constant 0 : i32
        %dma_start3A_417 = arith.constant 0 : i32
        %dma_start3A_418 = tpu.memref_slice %arg10[%dma_start3A_416, %dma_start3A_417] : memref<10112x64xf32, #tpu.memory_space<vmem_shared>> -> memref<10112x64xf32, #tpu.memory_space<vmem_shared>>
        tpu.enqueue_indirect_dma source(%dma_start3A_412 : memref<128x64xf32, #tpu.memory_space<vmem>>) target(%dma_start3A_418 : memref<10112x64xf32, #tpu.memory_space<vmem_shared>>) offsets(%dma_start3A_415 : memref<128xi32, #tpu.memory_space<vmem>>) semaphore(%run_scoped3A_408 : memref<!tpu.dma_semaphore, #tpu.memory_space<semaphore_mem>>) {add = true}
        %dma_wait3A_419 = arith.constant 0 : i32
        %dma_wait3A_420 = arith.constant 0 : i32
        %dma_wait3A_421 = tpu.memref_slice %arg9[%run_scoped3A_394, %dma_wait3A_419, %dma_wait3A_420] : memref<3x128x64xf32, #tpu.memory_space<vmem>> -> memref<1x128x64xf32, #tpu.memory_space<vmem>>
        %dma_wait3A_422 = tpu.memref_squeeze %dma_wait3A_421 : memref<1x128x64xf32, #tpu.memory_space<vmem>> -> memref<128x64xf32, #tpu.memory_space<vmem>>
        %dma_wait3A_423 = arith.constant 0 : i32
        %dma_wait3A_424 = tpu.memref_slice %arg8[%run_scoped3A_394, %dma_wait3A_423] : memref<3x128xi32, #tpu.memory_space<vmem>> -> memref<1x128xi32, #tpu.memory_space<vmem>>
        %dma_wait3A_425 = tpu.memref_squeeze %dma_wait3A_424 : memref<1x128xi32, #tpu.memory_space<vmem>> -> memref<128xi32, #tpu.memory_space<vmem>>
        %dma_wait3A_426 = arith.constant 0 : i32
        %dma_wait3A_427 = arith.constant 0 : i32
        %dma_wait3A_428 = tpu.memref_slice %arg10[%dma_wait3A_426, %dma_wait3A_427] : memref<10112x64xf32, #tpu.memory_space<vmem_shared>> -> memref<10112x64xf32, #tpu.memory_space<vmem_shared>>
        tpu.wait_indirect_dma semaphore(%run_scoped3A_408 : memref<!tpu.dma_semaphore, #tpu.memory_space<semaphore_mem>>) src(%dma_wait3A_422 : memref<128x64xf32, #tpu.memory_space<vmem>>) dst(%dma_wait3A_428 : memref<10112x64xf32, #tpu.memory_space<vmem_shared>>)
        tpu.yield
      }) : () -> ()
      %dma_wait3A_395 = arith.constant 2 : i32
      %dma_wait3A_396 = arith.constant 2 : i32
      %dma_wait3A_397 = arith.constant 0 : i32
      %dma_wait3A_398 = arith.constant 0 : i32
      %dma_wait3A_399 = tpu.memref_slice %arg9[%dma_wait3A_396, %dma_wait3A_397, %dma_wait3A_398] : memref<3x128x64xf32, #tpu.memory_space<vmem>> -> memref<1x128x64xf32, #tpu.memory_space<vmem>>
      %dma_wait3A_400 = tpu.memref_squeeze %dma_wait3A_399 : memref<1x128x64xf32, #tpu.memory_space<vmem>> -> memref<128x64xf32, #tpu.memory_space<vmem>>
      %dma_wait3A_401 = arith.constant 0 : i32
      %dma_wait3A_402 = tpu.memref_slice %arg7[%dma_wait3A_395, %dma_wait3A_401] : memref<3x128xi32, #tpu.memory_space<vmem>> -> memref<1x128xi32, #tpu.memory_space<vmem>>
      %dma_wait3A_403 = tpu.memref_squeeze %dma_wait3A_402 : memref<1x128xi32, #tpu.memory_space<vmem>> -> memref<128xi32, #tpu.memory_space<vmem>>
      %dma_wait3A_404 = arith.constant 0 : i32
      %dma_wait3A_405 = arith.constant 0 : i32
      %dma_wait3A_406 = tpu.memref_slice %arg2[%dma_wait3A_404, %dma_wait3A_405] : memref<20224x64xf32, #tpu.memory_space<hbm>> -> memref<20224x64xf32, #tpu.memory_space<hbm>>
      tpu.wait_indirect_dma semaphore(%arg11 : memref<!tpu.dma_semaphore, #tpu.memory_space<semaphore_mem>>) src(%dma_wait3A_406 : memref<20224x64xf32, #tpu.memory_space<hbm>>) dst(%dma_wait3A_400 : memref<128x64xf32, #tpu.memory_space<vmem>>)
      %run_scoped3A_407 = arith.constant 2 : i32
      "tpu.region"() ({
        %run_scoped3A_408 = tpu.sem_alloc : memref<!tpu.dma_semaphore, #tpu.memory_space<semaphore_mem>>
        %dma_start3A_409 = arith.constant 0 : i32
        %dma_start3A_410 = arith.constant 0 : i32
        %dma_start3A_411 = tpu.memref_slice %arg9[%run_scoped3A_407, %dma_start3A_409, %dma_start3A_410] : memref<3x128x64xf32, #tpu.memory_space<vmem>> -> memref<1x128x64xf32, #tpu.memory_space<vmem>>
        %dma_start3A_412 = tpu.memref_squeeze %dma_start3A_411 : memref<1x128x64xf32, #tpu.memory_space<vmem>> -> memref<128x64xf32, #tpu.memory_space<vmem>>
        %dma_start3A_413 = arith.constant 0 : i32
        %dma_start3A_414 = tpu.memref_slice %arg8[%run_scoped3A_407, %dma_start3A_413] : memref<3x128xi32, #tpu.memory_space<vmem>> -> memref<1x128xi32, #tpu.memory_space<vmem>>
        %dma_start3A_415 = tpu.memref_squeeze %dma_start3A_414 : memref<1x128xi32, #tpu.memory_space<vmem>> -> memref<128xi32, #tpu.memory_space<vmem>>
        %dma_start3A_416 = arith.constant 0 : i32
        %dma_start3A_417 = arith.constant 0 : i32
        %dma_start3A_418 = tpu.memref_slice %arg10[%dma_start3A_416, %dma_start3A_417] : memref<10112x64xf32, #tpu.memory_space<vmem_shared>> -> memref<10112x64xf32, #tpu.memory_space<vmem_shared>>
        tpu.enqueue_indirect_dma source(%dma_start3A_412 : memref<128x64xf32, #tpu.memory_space<vmem>>) target(%dma_start3A_418 : memref<10112x64xf32, #tpu.memory_space<vmem_shared>>) offsets(%dma_start3A_415 : memref<128xi32, #tpu.memory_space<vmem>>) semaphore(%run_scoped3A_408 : memref<!tpu.dma_semaphore, #tpu.memory_space<semaphore_mem>>) {add = true}
        %dma_wait3A_419 = arith.constant 0 : i32
        %dma_wait3A_420 = arith.constant 0 : i32
        %dma_wait3A_421 = tpu.memref_slice %arg9[%run_scoped3A_407, %dma_wait3A_419, %dma_wait3A_420] : memref<3x128x64xf32, #tpu.memory_space<vmem>> -> memref<1x128x64xf32, #tpu.memory_space<vmem>>
        %dma_wait3A_422 = tpu.memref_squeeze %dma_wait3A_421 : memref<1x128x64xf32, #tpu.memory_space<vmem>> -> memref<128x64xf32, #tpu.memory_space<vmem>>
        %dma_wait3A_423 = arith.constant 0 : i32
        %dma_wait3A_424 = tpu.memref_slice %arg8[%run_scoped3A_407, %dma_wait3A_423] : memref<3x128xi32, #tpu.memory_space<vmem>> -> memref<1x128xi32, #tpu.memory_space<vmem>>
        %dma_wait3A_425 = tpu.memref_squeeze %dma_wait3A_424 : memref<1x128xi32, #tpu.memory_space<vmem>> -> memref<128xi32, #tpu.memory_space<vmem>>
        %dma_wait3A_426 = arith.constant 0 : i32
        %dma_wait3A_427 = arith.constant 0 : i32
        %dma_wait3A_428 = tpu.memref_slice %arg10[%dma_wait3A_426, %dma_wait3A_427] : memref<10112x64xf32, #tpu.memory_space<vmem_shared>> -> memref<10112x64xf32, #tpu.memory_space<vmem_shared>>
        tpu.wait_indirect_dma semaphore(%run_scoped3A_408 : memref<!tpu.dma_semaphore, #tpu.memory_space<semaphore_mem>>) src(%dma_wait3A_422 : memref<128x64xf32, #tpu.memory_space<vmem>>) dst(%dma_wait3A_428 : memref<10112x64xf32, #tpu.memory_space<vmem_shared>>)
        tpu.yield
      }) : () -> ()
    }
    %while3A_12 = arith.constant 1 : i32
    scf.for %while3A_20 = %while3A_10 to %while3A_6 step %while3A_12  : i32 {
      %mul3A_21 = arith.constant 162 : i32
      %mul3A_22 = arith.muli %arg1, %mul3A_21 : i32
      %mul3A_23 = arith.constant 3 : i32
      %mul3A_24 = arith.muli %while3A_20, %mul3A_23 : i32
      %add3A_25 = arith.addi %mul3A_22, %mul3A_24 : i32
      "tpu.region"() ({
        %run_scoped3A_408 = tpu.sem_alloc : memref<!tpu.dma_semaphore, #tpu.memory_space<semaphore_mem>>
        %dma_start3A_409 = arith.constant 0 : i32
        %dma_start3A_410 = tpu.memref_slice %arg3[%add3A_25, %dma_start3A_409] : memref<2592x128xi32, #tpu.memory_space<hbm>> -> memref<3x128xi32, #tpu.memory_space<hbm>>
        %dma_start3A_411 = arith.constant 0 : i32
        %dma_start3A_412 = tpu.memref_slice %arg3[%add3A_25, %dma_start3A_411] : memref<2592x128xi32, #tpu.memory_space<hbm>> -> memref<3x128xi32, #tpu.memory_space<hbm>>
        tpu.enqueue_dma source(%dma_start3A_412 : memref<3x128xi32, #tpu.memory_space<hbm>>) target(%arg7 : memref<3x128xi32, #tpu.memory_space<vmem>>) target_semaphore(%run_scoped3A_408 : memref<!tpu.dma_semaphore, #tpu.memory_space<semaphore_mem>>)
        %dma_wait3A_413 = arith.constant 0 : i32
        %dma_wait3A_414 = tpu.memref_slice %arg3[%add3A_25, %dma_wait3A_413] : memref<2592x128xi32, #tpu.memory_space<hbm>> -> memref<3x128xi32, #tpu.memory_space<hbm>>
        %dma_wait3A_415 = arith.constant 0 : i32
        %dma_wait3A_416 = tpu.memref_slice %arg3[%add3A_25, %dma_wait3A_415] : memref<2592x128xi32, #tpu.memory_space<hbm>> -> memref<3x128xi32, #tpu.memory_space<hbm>>
        tpu.wait_dma2 semaphore(%run_scoped3A_408 : memref<!tpu.dma_semaphore, #tpu.memory_space<semaphore_mem>>) src(%dma_wait3A_416 : memref<3x128xi32, #tpu.memory_space<hbm>>) dst(%arg7 : memref<3x128xi32, #tpu.memory_space<vmem>>)
        tpu.yield
      }) : () -> ()
      "tpu.region"() ({
        %run_scoped3A_408 = tpu.sem_alloc : memref<!tpu.dma_semaphore, #tpu.memory_space<semaphore_mem>>
        %dma_start3A_409 = arith.constant 0 : i32
        %dma_start3A_410 = tpu.memref_slice %arg4[%add3A_25, %dma_start3A_409] : memref<2592x128xi32, #tpu.memory_space<hbm>> -> memref<3x128xi32, #tpu.memory_space<hbm>>
        %dma_start3A_411 = arith.constant 0 : i32
        %dma_start3A_412 = tpu.memref_slice %arg4[%add3A_25, %dma_start3A_411] : memref<2592x128xi32, #tpu.memory_space<hbm>> -> memref<3x128xi32, #tpu.memory_space<hbm>>
        tpu.enqueue_dma source(%dma_start3A_412 : memref<3x128xi32, #tpu.memory_space<hbm>>) target(%arg8 : memref<3x128xi32, #tpu.memory_space<vmem>>) target_semaphore(%run_scoped3A_408 : memref<!tpu.dma_semaphore, #tpu.memory_space<semaphore_mem>>)
        %dma_wait3A_413 = arith.constant 0 : i32
        %dma_wait3A_414 = tpu.memref_slice %arg4[%add3A_25, %dma_wait3A_413] : memref<2592x128xi32, #tpu.memory_space<hbm>> -> memref<3x128xi32, #tpu.memory_space<hbm>>
        %dma_wait3A_415 = arith.constant 0 : i32
        %dma_wait3A_416 = tpu.memref_slice %arg4[%add3A_25, %dma_wait3A_415] : memref<2592x128xi32, #tpu.memory_space<hbm>> -> memref<3x128xi32, #tpu.memory_space<hbm>>
        tpu.wait_dma2 semaphore(%run_scoped3A_408 : memref<!tpu.dma_semaphore, #tpu.memory_space<semaphore_mem>>) src(%dma_wait3A_416 : memref<3x128xi32, #tpu.memory_space<hbm>>) dst(%arg8 : memref<3x128xi32, #tpu.memory_space<vmem>>)
        tpu.yield
      }) : () -> ()
      %get3A = arith.constant 0 : i32
      %get3A_26 = arith.index_cast %get3A : i32 to index
      %get3A_27 = arith.constant 0 : index
      %get3A_28 = tpu.vector_load %arg7[%get3A_26, %get3A_27] {strides = array<i32>} : memref<3x128xi32, #tpu.memory_space<vmem>>, vector<1x16xi32>,
      %get3A_29 = vector.shape_cast %get3A_28 : vector<1x16xi32> to vector<16xi32>
      %add3A_30 = vector.broadcast %mul3A_0 : i32 to vector<16xi32>
      %add3A_31 = arith.addi %get3A_29, %add3A_30 : vector<16xi32>
      %swap3A = arith.constant 0 : i32
      %swap3A_32 = arith.index_cast %swap3A : i32 to index
      %swap3A_33 = arith.constant 0 : index
      %swap3A_34 = tpu.vector_load %arg7[%swap3A_32, %swap3A_33] {strides = array<i32>} : memref<3x128xi32, #tpu.memory_space<vmem>>, vector<1x16xi32>,
      %swap3A_35 = vector.shape_cast %swap3A_34 : vector<1x16xi32> to vector<16xi32>
      %swap3A_36 = vector.shape_cast %add3A_31 : vector<16xi32> to vector<1x16xi32>
      tpu.vector_store %arg7[%swap3A_32, %swap3A_33], %swap3A_36 {strides = array<i32>} : memref<3x128xi32, #tpu.memory_space<vmem>>, vector<1x16xi32>,
      %get3A_37 = arith.constant 0 : i32
      %get3A_38 = arith.index_cast %get3A_37 : i32 to index
      %get3A_39 = arith.constant 16 : index
      %get3A_40 = tpu.vector_load %arg7[%get3A_38, %get3A_39] {strides = array<i32>} : memref<3x128xi32, #tpu.memory_space<vmem>>, vector<1x16xi32>,
      %get3A_41 = vector.shape_cast %get3A_40 : vector<1x16xi32> to vector<16xi32>
      %add3A_42 = vector.broadcast %mul3A_0 : i32 to vector<16xi32>
      %add3A_43 = arith.addi %get3A_41, %add3A_42 : vector<16xi32>
      %swap3A_44 = arith.constant 0 : i32
      %swap3A_45 = arith.index_cast %swap3A_44 : i32 to index
      %swap3A_46 = arith.constant 16 : index
      %swap3A_47 = tpu.vector_load %arg7[%swap3A_45, %swap3A_46] {strides = array<i32>} : memref<3x128xi32, #tpu.memory_space<vmem>>, vector<1x16xi32>,
      %swap3A_48 = vector.shape_cast %swap3A_47 : vector<1x16xi32> to vector<16xi32>
      %swap3A_49 = vector.shape_cast %add3A_43 : vector<16xi32> to vector<1x16xi32>
      tpu.vector_store %arg7[%swap3A_45, %swap3A_46], %swap3A_49 {strides = array<i32>} : memref<3x128xi32, #tpu.memory_space<vmem>>, vector<1x16xi32>,
      %get3A_50 = arith.constant 0 : i32
      %get3A_51 = arith.index_cast %get3A_50 : i32 to index
      %get3A_52 = arith.constant 32 : index
      %get3A_53 = tpu.vector_load %arg7[%get3A_51, %get3A_52] {strides = array<i32>} : memref<3x128xi32, #tpu.memory_space<vmem>>, vector<1x16xi32>,
      %get3A_54 = vector.shape_cast %get3A_53 : vector<1x16xi32> to vector<16xi32>
      %add3A_55 = vector.broadcast %mul3A_0 : i32 to vector<16xi32>
      %add3A_56 = arith.addi %get3A_54, %add3A_55 : vector<16xi32>
      %swap3A_57 = arith.constant 0 : i32
      %swap3A_58 = arith.index_cast %swap3A_57 : i32 to index
      %swap3A_59 = arith.constant 32 : index
      %swap3A_60 = tpu.vector_load %arg7[%swap3A_58, %swap3A_59] {strides = array<i32>} : memref<3x128xi32, #tpu.memory_space<vmem>>, vector<1x16xi32>,
      %swap3A_61 = vector.shape_cast %swap3A_60 : vector<1x16xi32> to vector<16xi32>
      %swap3A_62 = vector.shape_cast %add3A_56 : vector<16xi32> to vector<1x16xi32>
      tpu.vector_store %arg7[%swap3A_58, %swap3A_59], %swap3A_62 {strides = array<i32>} : memref<3x128xi32, #tpu.memory_space<vmem>>, vector<1x16xi32>,
      %get3A_63 = arith.constant 0 : i32
      %get3A_64 = arith.index_cast %get3A_63 : i32 to index
      %get3A_65 = arith.constant 48 : index
      %get3A_66 = tpu.vector_load %arg7[%get3A_64, %get3A_65] {strides = array<i32>} : memref<3x128xi32, #tpu.memory_space<vmem>>, vector<1x16xi32>,
      %get3A_67 = vector.shape_cast %get3A_66 : vector<1x16xi32> to vector<16xi32>
      %add3A_68 = vector.broadcast %mul3A_0 : i32 to vector<16xi32>
      %add3A_69 = arith.addi %get3A_67, %add3A_68 : vector<16xi32>
      %swap3A_70 = arith.constant 0 : i32
      %swap3A_71 = arith.index_cast %swap3A_70 : i32 to index
      %swap3A_72 = arith.constant 48 : index
      %swap3A_73 = tpu.vector_load %arg7[%swap3A_71, %swap3A_72] {strides = array<i32>} : memref<3x128xi32, #tpu.memory_space<vmem>>, vector<1x16xi32>,
      %swap3A_74 = vector.shape_cast %swap3A_73 : vector<1x16xi32> to vector<16xi32>
      %swap3A_75 = vector.shape_cast %add3A_69 : vector<16xi32> to vector<1x16xi32>
      tpu.vector_store %arg7[%swap3A_71, %swap3A_72], %swap3A_75 {strides = array<i32>} : memref<3x128xi32, #tpu.memory_space<vmem>>, vector<1x16xi32>,
      %get3A_76 = arith.constant 0 : i32
      %get3A_77 = arith.index_cast %get3A_76 : i32 to index
      %get3A_78 = arith.constant 64 : index
      %get3A_79 = tpu.vector_load %arg7[%get3A_77, %get3A_78] {strides = array<i32>} : memref<3x128xi32, #tpu.memory_space<vmem>>, vector<1x16xi32>,
      %get3A_80 = vector.shape_cast %get3A_79 : vector<1x16xi32> to vector<16xi32>
      %add3A_81 = vector.broadcast %mul3A_0 : i32 to vector<16xi32>
      %add3A_82 = arith.addi %get3A_80, %add3A_81 : vector<16xi32>
      %swap3A_83 = arith.constant 0 : i32
      %swap3A_84 = arith.index_cast %swap3A_83 : i32 to index
      %swap3A_85 = arith.constant 64 : index
      %swap3A_86 = tpu.vector_load %arg7[%swap3A_84, %swap3A_85] {strides = array<i32>} : memref<3x128xi32, #tpu.memory_space<vmem>>, vector<1x16xi32>,
      %swap3A_87 = vector.shape_cast %swap3A_86 : vector<1x16xi32> to vector<16xi32>
      %swap3A_88 = vector.shape_cast %add3A_82 : vector<16xi32> to vector<1x16xi32>
      tpu.vector_store %arg7[%swap3A_84, %swap3A_85], %swap3A_88 {strides = array<i32>} : memref<3x128xi32, #tpu.memory_space<vmem>>, vector<1x16xi32>,
      %get3A_89 = arith.constant 0 : i32
      %get3A_90 = arith.index_cast %get3A_89 : i32 to index
      %get3A_91 = arith.constant 80 : index
      %get3A_92 = tpu.vector_load %arg7[%get3A_90, %get3A_91] {strides = array<i32>} : memref<3x128xi32, #tpu.memory_space<vmem>>, vector<1x16xi32>,
      %get3A_93 = vector.shape_cast %get3A_92 : vector<1x16xi32> to vector<16xi32>
      %add3A_94 = vector.broadcast %mul3A_0 : i32 to vector<16xi32>
      %add3A_95 = arith.addi %get3A_93, %add3A_94 : vector<16xi32>
      %swap3A_96 = arith.constant 0 : i32
      %swap3A_97 = arith.index_cast %swap3A_96 : i32 to index
      %swap3A_98 = arith.constant 80 : index
      %swap3A_99 = tpu.vector_load %arg7[%swap3A_97, %swap3A_98] {strides = array<i32>} : memref<3x128xi32, #tpu.memory_space<vmem>>, vector<1x16xi32>,
      %swap3A_100 = vector.shape_cast %swap3A_99 : vector<1x16xi32> to vector<16xi32>
      %swap3A_101 = vector.shape_cast %add3A_95 : vector<16xi32> to vector<1x16xi32>
      tpu.vector_store %arg7[%swap3A_97, %swap3A_98], %swap3A_101 {strides = array<i32>} : memref<3x128xi32, #tpu.memory_space<vmem>>, vector<1x16xi32>,
      %get3A_102 = arith.constant 0 : i32
      %get3A_103 = arith.index_cast %get3A_102 : i32 to index
      %get3A_104 = arith.constant 96 : index
      %get3A_105 = tpu.vector_load %arg7[%get3A_103, %get3A_104] {strides = array<i32>} : memref<3x128xi32, #tpu.memory_space<vmem>>, vector<1x16xi32>,
      %get3A_106 = vector.shape_cast %get3A_105 : vector<1x16xi32> to vector<16xi32>
      %add3A_107 = vector.broadcast %mul3A_0 : i32 to vector<16xi32>
      %add3A_108 = arith.addi %get3A_106, %add3A_107 : vector<16xi32>
      %swap3A_109 = arith.constant 0 : i32
      %swap3A_110 = arith.index_cast %swap3A_109 : i32 to index
      %swap3A_111 = arith.constant 96 : index
      %swap3A_112 = tpu.vector_load %arg7[%swap3A_110, %swap3A_111] {strides = array<i32>} : memref<3x128xi32, #tpu.memory_space<vmem>>, vector<1x16xi32>,
      %swap3A_113 = vector.shape_cast %swap3A_112 : vector<1x16xi32> to vector<16xi32>
      %swap3A_114 = vector.shape_cast %add3A_108 : vector<16xi32> to vector<1x16xi32>
      tpu.vector_store %arg7[%swap3A_110, %swap3A_111], %swap3A_114 {strides = array<i32>} : memref<3x128xi32, #tpu.memory_space<vmem>>, vector<1x16xi32>,
      %get3A_115 = arith.constant 0 : i32
      %get3A_116 = arith.index_cast %get3A_115 : i32 to index
      %get3A_117 = arith.constant 112 : index
      %get3A_118 = tpu.vector_load %arg7[%get3A_116, %get3A_117] {strides = array<i32>} : memref<3x128xi32, #tpu.memory_space<vmem>>, vector<1x16xi32>,
      %get3A_119 = vector.shape_cast %get3A_118 : vector<1x16xi32> to vector<16xi32>
      %add3A_120 = vector.broadcast %mul3A_0 : i32 to vector<16xi32>
      %add3A_121 = arith.addi %get3A_119, %add3A_120 : vector<16xi32>
      %swap3A_122 = arith.constant 0 : i32
      %swap3A_123 = arith.index_cast %swap3A_122 : i32 to index
      %swap3A_124 = arith.constant 112 : index
      %swap3A_125 = tpu.vector_load %arg7[%swap3A_123, %swap3A_124] {strides = array<i32>} : memref<3x128xi32, #tpu.memory_space<vmem>>, vector<1x16xi32>,
      %swap3A_126 = vector.shape_cast %swap3A_125 : vector<1x16xi32> to vector<16xi32>
      %swap3A_127 = vector.shape_cast %add3A_121 : vector<16xi32> to vector<1x16xi32>
      tpu.vector_store %arg7[%swap3A_123, %swap3A_124], %swap3A_127 {strides = array<i32>} : memref<3x128xi32, #tpu.memory_space<vmem>>, vector<1x16xi32>,
      %get3A_128 = arith.constant 1 : i32
      %get3A_129 = arith.index_cast %get3A_128 : i32 to index
      %get3A_130 = arith.constant 0 : index
      %get3A_131 = tpu.vector_load %arg7[%get3A_129, %get3A_130] {strides = array<i32>} : memref<3x128xi32, #tpu.memory_space<vmem>>, vector<1x16xi32>,
      %get3A_132 = vector.shape_cast %get3A_131 : vector<1x16xi32> to vector<16xi32>
      %add3A_133 = vector.broadcast %mul3A_0 : i32 to vector<16xi32>
      %add3A_134 = arith.addi %get3A_132, %add3A_133 : vector<16xi32>
      %swap3A_135 = arith.constant 1 : i32
      %swap3A_136 = arith.index_cast %swap3A_135 : i32 to index
      %swap3A_137 = arith.constant 0 : index
      %swap3A_138 = tpu.vector_load %arg7[%swap3A_136, %swap3A_137] {strides = array<i32>} : memref<3x128xi32, #tpu.memory_space<vmem>>, vector<1x16xi32>,
      %swap3A_139 = vector.shape_cast %swap3A_138 : vector<1x16xi32> to vector<16xi32>
      %swap3A_140 = vector.shape_cast %add3A_134 : vector<16xi32> to vector<1x16xi32>
      tpu.vector_store %arg7[%swap3A_136, %swap3A_137], %swap3A_140 {strides = array<i32>} : memref<3x128xi32, #tpu.memory_space<vmem>>, vector<1x16xi32>,
      %get3A_141 = arith.constant 1 : i32
      %get3A_142 = arith.index_cast %get3A_141 : i32 to index
      %get3A_143 = arith.constant 16 : index
      %get3A_144 = tpu.vector_load %arg7[%get3A_142, %get3A_143] {strides = array<i32>} : memref<3x128xi32, #tpu.memory_space<vmem>>, vector<1x16xi32>,
      %get3A_145 = vector.shape_cast %get3A_144 : vector<1x16xi32> to vector<16xi32>
      %add3A_146 = vector.broadcast %mul3A_0 : i32 to vector<16xi32>
      %add3A_147 = arith.addi %get3A_145, %add3A_146 : vector<16xi32>
      %swap3A_148 = arith.constant 1 : i32
      %swap3A_149 = arith.index_cast %swap3A_148 : i32 to index
      %swap3A_150 = arith.constant 16 : index
      %swap3A_151 = tpu.vector_load %arg7[%swap3A_149, %swap3A_150] {strides = array<i32>} : memref<3x128xi32, #tpu.memory_space<vmem>>, vector<1x16xi32>,
      %swap3A_152 = vector.shape_cast %swap3A_151 : vector<1x16xi32> to vector<16xi32>
      %swap3A_153 = vector.shape_cast %add3A_147 : vector<16xi32> to vector<1x16xi32>
      tpu.vector_store %arg7[%swap3A_149, %swap3A_150], %swap3A_153 {strides = array<i32>} : memref<3x128xi32, #tpu.memory_space<vmem>>, vector<1x16xi32>,
      %get3A_154 = arith.constant 1 : i32
      %get3A_155 = arith.index_cast %get3A_154 : i32 to index
      %get3A_156 = arith.constant 32 : index
      %get3A_157 = tpu.vector_load %arg7[%get3A_155, %get3A_156] {strides = array<i32>} : memref<3x128xi32, #tpu.memory_space<vmem>>, vector<1x16xi32>,
      %get3A_158 = vector.shape_cast %get3A_157 : vector<1x16xi32> to vector<16xi32>
      %add3A_159 = vector.broadcast %mul3A_0 : i32 to vector<16xi32>
      %add3A_160 = arith.addi %get3A_158, %add3A_159 : vector<16xi32>
      %swap3A_161 = arith.constant 1 : i32
      %swap3A_162 = arith.index_cast %swap3A_161 : i32 to index
      %swap3A_163 = arith.constant 32 : index
      %swap3A_164 = tpu.vector_load %arg7[%swap3A_162, %swap3A_163] {strides = array<i32>} : memref<3x128xi32, #tpu.memory_space<vmem>>, vector<1x16xi32>,
      %swap3A_165 = vector.shape_cast %swap3A_164 : vector<1x16xi32> to vector<16xi32>
      %swap3A_166 = vector.shape_cast %add3A_160 : vector<16xi32> to vector<1x16xi32>
      tpu.vector_store %arg7[%swap3A_162, %swap3A_163], %swap3A_166 {strides = array<i32>} : memref<3x128xi32, #tpu.memory_space<vmem>>, vector<1x16xi32>,
      %get3A_167 = arith.constant 1 : i32
      %get3A_168 = arith.index_cast %get3A_167 : i32 to index
      %get3A_169 = arith.constant 48 : index
      %get3A_170 = tpu.vector_load %arg7[%get3A_168, %get3A_169] {strides = array<i32>} : memref<3x128xi32, #tpu.memory_space<vmem>>, vector<1x16xi32>,
      %get3A_171 = vector.shape_cast %get3A_170 : vector<1x16xi32> to vector<16xi32>
      %add3A_172 = vector.broadcast %mul3A_0 : i32 to vector<16xi32>
      %add3A_173 = arith.addi %get3A_171, %add3A_172 : vector<16xi32>
      %swap3A_174 = arith.constant 1 : i32
      %swap3A_175 = arith.index_cast %swap3A_174 : i32 to index
      %swap3A_176 = arith.constant 48 : index
      %swap3A_177 = tpu.vector_load %arg7[%swap3A_175, %swap3A_176] {strides = array<i32>} : memref<3x128xi32, #tpu.memory_space<vmem>>, vector<1x16xi32>,
      %swap3A_178 = vector.shape_cast %swap3A_177 : vector<1x16xi32> to vector<16xi32>
      %swap3A_179 = vector.shape_cast %add3A_173 : vector<16xi32> to vector<1x16xi32>
      tpu.vector_store %arg7[%swap3A_175, %swap3A_176], %swap3A_179 {strides = array<i32>} : memref<3x128xi32, #tpu.memory_space<vmem>>, vector<1x16xi32>,
      %get3A_180 = arith.constant 1 : i32
      %get3A_181 = arith.index_cast %get3A_180 : i32 to index
      %get3A_182 = arith.constant 64 : index
      %get3A_183 = tpu.vector_load %arg7[%get3A_181, %get3A_182] {strides = array<i32>} : memref<3x128xi32, #tpu.memory_space<vmem>>, vector<1x16xi32>,
      %get3A_184 = vector.shape_cast %get3A_183 : vector<1x16xi32> to vector<16xi32>
      %add3A_185 = vector.broadcast %mul3A_0 : i32 to vector<16xi32>
      %add3A_186 = arith.addi %get3A_184, %add3A_185 : vector<16xi32>
      %swap3A_187 = arith.constant 1 : i32
      %swap3A_188 = arith.index_cast %swap3A_187 : i32 to index
      %swap3A_189 = arith.constant 64 : index
      %swap3A_190 = tpu.vector_load %arg7[%swap3A_188, %swap3A_189] {strides = array<i32>} : memref<3x128xi32, #tpu.memory_space<vmem>>, vector<1x16xi32>,
      %swap3A_191 = vector.shape_cast %swap3A_190 : vector<1x16xi32> to vector<16xi32>
      %swap3A_192 = vector.shape_cast %add3A_186 : vector<16xi32> to vector<1x16xi32>
      tpu.vector_store %arg7[%swap3A_188, %swap3A_189], %swap3A_192 {strides = array<i32>} : memref<3x128xi32, #tpu.memory_space<vmem>>, vector<1x16xi32>,
      %get3A_193 = arith.constant 1 : i32
      %get3A_194 = arith.index_cast %get3A_193 : i32 to index
      %get3A_195 = arith.constant 80 : index
      %get3A_196 = tpu.vector_load %arg7[%get3A_194, %get3A_195] {strides = array<i32>} : memref<3x128xi32, #tpu.memory_space<vmem>>, vector<1x16xi32>,
      %get3A_197 = vector.shape_cast %get3A_196 : vector<1x16xi32> to vector<16xi32>
      %add3A_198 = vector.broadcast %mul3A_0 : i32 to vector<16xi32>
      %add3A_199 = arith.addi %get3A_197, %add3A_198 : vector<16xi32>
      %swap3A_200 = arith.constant 1 : i32
      %swap3A_201 = arith.index_cast %swap3A_200 : i32 to index
      %swap3A_202 = arith.constant 80 : index
      %swap3A_203 = tpu.vector_load %arg7[%swap3A_201, %swap3A_202] {strides = array<i32>} : memref<3x128xi32, #tpu.memory_space<vmem>>, vector<1x16xi32>,
      %swap3A_204 = vector.shape_cast %swap3A_203 : vector<1x16xi32> to vector<16xi32>
      %swap3A_205 = vector.shape_cast %add3A_199 : vector<16xi32> to vector<1x16xi32>
      tpu.vector_store %arg7[%swap3A_201, %swap3A_202], %swap3A_205 {strides = array<i32>} : memref<3x128xi32, #tpu.memory_space<vmem>>, vector<1x16xi32>,
      %get3A_206 = arith.constant 1 : i32
      %get3A_207 = arith.index_cast %get3A_206 : i32 to index
      %get3A_208 = arith.constant 96 : index
      %get3A_209 = tpu.vector_load %arg7[%get3A_207, %get3A_208] {strides = array<i32>} : memref<3x128xi32, #tpu.memory_space<vmem>>, vector<1x16xi32>,
      %get3A_210 = vector.shape_cast %get3A_209 : vector<1x16xi32> to vector<16xi32>
      %add3A_211 = vector.broadcast %mul3A_0 : i32 to vector<16xi32>
      %add3A_212 = arith.addi %get3A_210, %add3A_211 : vector<16xi32>
      %swap3A_213 = arith.constant 1 : i32
      %swap3A_214 = arith.index_cast %swap3A_213 : i32 to index
      %swap3A_215 = arith.constant 96 : index
      %swap3A_216 = tpu.vector_load %arg7[%swap3A_214, %swap3A_215] {strides = array<i32>} : memref<3x128xi32, #tpu.memory_space<vmem>>, vector<1x16xi32>,
      %swap3A_217 = vector.shape_cast %swap3A_216 : vector<1x16xi32> to vector<16xi32>
      %swap3A_218 = vector.shape_cast %add3A_212 : vector<16xi32> to vector<1x16xi32>
      tpu.vector_store %arg7[%swap3A_214, %swap3A_215], %swap3A_218 {strides = array<i32>} : memref<3x128xi32, #tpu.memory_space<vmem>>, vector<1x16xi32>,
      %get3A_219 = arith.constant 1 : i32
      %get3A_220 = arith.index_cast %get3A_219 : i32 to index
      %get3A_221 = arith.constant 112 : index
      %get3A_222 = tpu.vector_load %arg7[%get3A_220, %get3A_221] {strides = array<i32>} : memref<3x128xi32, #tpu.memory_space<vmem>>, vector<1x16xi32>,
      %get3A_223 = vector.shape_cast %get3A_222 : vector<1x16xi32> to vector<16xi32>
      %add3A_224 = vector.broadcast %mul3A_0 : i32 to vector<16xi32>
      %add3A_225 = arith.addi %get3A_223, %add3A_224 : vector<16xi32>
      %swap3A_226 = arith.constant 1 : i32
      %swap3A_227 = arith.index_cast %swap3A_226 : i32 to index
      %swap3A_228 = arith.constant 112 : index
      %swap3A_229 = tpu.vector_load %arg7[%swap3A_227, %swap3A_228] {strides = array<i32>} : memref<3x128xi32, #tpu.memory_space<vmem>>, vector<1x16xi32>,
      %swap3A_230 = vector.shape_cast %swap3A_229 : vector<1x16xi32> to vector<16xi32>
      %swap3A_231 = vector.shape_cast %add3A_225 : vector<16xi32> to vector<1x16xi32>
      tpu.vector_store %arg7[%swap3A_227, %swap3A_228], %swap3A_231 {strides = array<i32>} : memref<3x128xi32, #tpu.memory_space<vmem>>, vector<1x16xi32>,
      %get3A_232 = arith.constant 2 : i32
      %get3A_233 = arith.index_cast %get3A_232 : i32 to index
      %get3A_234 = arith.constant 0 : index
      %get3A_235 = tpu.vector_load %arg7[%get3A_233, %get3A_234] {strides = array<i32>} : memref<3x128xi32, #tpu.memory_space<vmem>>, vector<1x16xi32>,
      %get3A_236 = vector.shape_cast %get3A_235 : vector<1x16xi32> to vector<16xi32>
      %add3A_237 = vector.broadcast %mul3A_0 : i32 to vector<16xi32>
      %add3A_238 = arith.addi %get3A_236, %add3A_237 : vector<16xi32>
      %swap3A_239 = arith.constant 2 : i32
      %swap3A_240 = arith.index_cast %swap3A_239 : i32 to index
      %swap3A_241 = arith.constant 0 : index
      %swap3A_242 = tpu.vector_load %arg7[%swap3A_240, %swap3A_241] {strides = array<i32>} : memref<3x128xi32, #tpu.memory_space<vmem>>, vector<1x16xi32>,
      %swap3A_243 = vector.shape_cast %swap3A_242 : vector<1x16xi32> to vector<16xi32>
      %swap3A_244 = vector.shape_cast %add3A_238 : vector<16xi32> to vector<1x16xi32>
      tpu.vector_store %arg7[%swap3A_240, %swap3A_241], %swap3A_244 {strides = array<i32>} : memref<3x128xi32, #tpu.memory_space<vmem>>, vector<1x16xi32>,
      %get3A_245 = arith.constant 2 : i32
      %get3A_246 = arith.index_cast %get3A_245 : i32 to index
      %get3A_247 = arith.constant 16 : index
      %get3A_248 = tpu.vector_load %arg7[%get3A_246, %get3A_247] {strides = array<i32>} : memref<3x128xi32, #tpu.memory_space<vmem>>, vector<1x16xi32>,
      %get3A_249 = vector.shape_cast %get3A_248 : vector<1x16xi32> to vector<16xi32>
      %add3A_250 = vector.broadcast %mul3A_0 : i32 to vector<16xi32>
      %add3A_251 = arith.addi %get3A_249, %add3A_250 : vector<16xi32>
      %swap3A_252 = arith.constant 2 : i32
      %swap3A_253 = arith.index_cast %swap3A_252 : i32 to index
      %swap3A_254 = arith.constant 16 : index
      %swap3A_255 = tpu.vector_load %arg7[%swap3A_253, %swap3A_254] {strides = array<i32>} : memref<3x128xi32, #tpu.memory_space<vmem>>, vector<1x16xi32>,
      %swap3A_256 = vector.shape_cast %swap3A_255 : vector<1x16xi32> to vector<16xi32>
      %swap3A_257 = vector.shape_cast %add3A_251 : vector<16xi32> to vector<1x16xi32>
      tpu.vector_store %arg7[%swap3A_253, %swap3A_254], %swap3A_257 {strides = array<i32>} : memref<3x128xi32, #tpu.memory_space<vmem>>, vector<1x16xi32>,
      %get3A_258 = arith.constant 2 : i32
      %get3A_259 = arith.index_cast %get3A_258 : i32 to index
      %get3A_260 = arith.constant 32 : index
      %get3A_261 = tpu.vector_load %arg7[%get3A_259, %get3A_260] {strides = array<i32>} : memref<3x128xi32, #tpu.memory_space<vmem>>, vector<1x16xi32>,
      %get3A_262 = vector.shape_cast %get3A_261 : vector<1x16xi32> to vector<16xi32>
      %add3A_263 = vector.broadcast %mul3A_0 : i32 to vector<16xi32>
      %add3A_264 = arith.addi %get3A_262, %add3A_263 : vector<16xi32>
      %swap3A_265 = arith.constant 2 : i32
      %swap3A_266 = arith.index_cast %swap3A_265 : i32 to index
      %swap3A_267 = arith.constant 32 : index
      %swap3A_268 = tpu.vector_load %arg7[%swap3A_266, %swap3A_267] {strides = array<i32>} : memref<3x128xi32, #tpu.memory_space<vmem>>, vector<1x16xi32>,
      %swap3A_269 = vector.shape_cast %swap3A_268 : vector<1x16xi32> to vector<16xi32>
      %swap3A_270 = vector.shape_cast %add3A_264 : vector<16xi32> to vector<1x16xi32>
      tpu.vector_store %arg7[%swap3A_266, %swap3A_267], %swap3A_270 {strides = array<i32>} : memref<3x128xi32, #tpu.memory_space<vmem>>, vector<1x16xi32>,
      %get3A_271 = arith.constant 2 : i32
      %get3A_272 = arith.index_cast %get3A_271 : i32 to index
      %get3A_273 = arith.constant 48 : index
      %get3A_274 = tpu.vector_load %arg7[%get3A_272, %get3A_273] {strides = array<i32>} : memref<3x128xi32, #tpu.memory_space<vmem>>, vector<1x16xi32>,
      %get3A_275 = vector.shape_cast %get3A_274 : vector<1x16xi32> to vector<16xi32>
      %add3A_276 = vector.broadcast %mul3A_0 : i32 to vector<16xi32>
      %add3A_277 = arith.addi %get3A_275, %add3A_276 : vector<16xi32>
      %swap3A_278 = arith.constant 2 : i32
      %swap3A_279 = arith.index_cast %swap3A_278 : i32 to index
      %swap3A_280 = arith.constant 48 : index
      %swap3A_281 = tpu.vector_load %arg7[%swap3A_279, %swap3A_280] {strides = array<i32>} : memref<3x128xi32, #tpu.memory_space<vmem>>, vector<1x16xi32>,
      %swap3A_282 = vector.shape_cast %swap3A_281 : vector<1x16xi32> to vector<16xi32>
      %swap3A_283 = vector.shape_cast %add3A_277 : vector<16xi32> to vector<1x16xi32>
      tpu.vector_store %arg7[%swap3A_279, %swap3A_280], %swap3A_283 {strides = array<i32>} : memref<3x128xi32, #tpu.memory_space<vmem>>, vector<1x16xi32>,
      %get3A_284 = arith.constant 2 : i32
      %get3A_285 = arith.index_cast %get3A_284 : i32 to index
      %get3A_286 = arith.constant 64 : index
      %get3A_287 = tpu.vector_load %arg7[%get3A_285, %get3A_286] {strides = array<i32>} : memref<3x128xi32, #tpu.memory_space<vmem>>, vector<1x16xi32>,
      %get3A_288 = vector.shape_cast %get3A_287 : vector<1x16xi32> to vector<16xi32>
      %add3A_289 = vector.broadcast %mul3A_0 : i32 to vector<16xi32>
      %add3A_290 = arith.addi %get3A_288, %add3A_289 : vector<16xi32>
      %swap3A_291 = arith.constant 2 : i32
      %swap3A_292 = arith.index_cast %swap3A_291 : i32 to index
      %swap3A_293 = arith.constant 64 : index
      %swap3A_294 = tpu.vector_load %arg7[%swap3A_292, %swap3A_293] {strides = array<i32>} : memref<3x128xi32, #tpu.memory_space<vmem>>, vector<1x16xi32>,
      %swap3A_295 = vector.shape_cast %swap3A_294 : vector<1x16xi32> to vector<16xi32>
      %swap3A_296 = vector.shape_cast %add3A_290 : vector<16xi32> to vector<1x16xi32>
      tpu.vector_store %arg7[%swap3A_292, %swap3A_293], %swap3A_296 {strides = array<i32>} : memref<3x128xi32, #tpu.memory_space<vmem>>, vector<1x16xi32>,
      %get3A_297 = arith.constant 2 : i32
      %get3A_298 = arith.index_cast %get3A_297 : i32 to index
      %get3A_299 = arith.constant 80 : index
      %get3A_300 = tpu.vector_load %arg7[%get3A_298, %get3A_299] {strides = array<i32>} : memref<3x128xi32, #tpu.memory_space<vmem>>, vector<1x16xi32>,
      %get3A_301 = vector.shape_cast %get3A_300 : vector<1x16xi32> to vector<16xi32>
      %add3A_302 = vector.broadcast %mul3A_0 : i32 to vector<16xi32>
      %add3A_303 = arith.addi %get3A_301, %add3A_302 : vector<16xi32>
      %swap3A_304 = arith.constant 2 : i32
      %swap3A_305 = arith.index_cast %swap3A_304 : i32 to index
      %swap3A_306 = arith.constant 80 : index
      %swap3A_307 = tpu.vector_load %arg7[%swap3A_305, %swap3A_306] {strides = array<i32>} : memref<3x128xi32, #tpu.memory_space<vmem>>, vector<1x16xi32>,
      %swap3A_308 = vector.shape_cast %swap3A_307 : vector<1x16xi32> to vector<16xi32>
      %swap3A_309 = vector.shape_cast %add3A_303 : vector<16xi32> to vector<1x16xi32>
      tpu.vector_store %arg7[%swap3A_305, %swap3A_306], %swap3A_309 {strides = array<i32>} : memref<3x128xi32, #tpu.memory_space<vmem>>, vector<1x16xi32>,
      %get3A_310 = arith.constant 2 : i32
      %get3A_311 = arith.index_cast %get3A_310 : i32 to index
      %get3A_312 = arith.constant 96 : index
      %get3A_313 = tpu.vector_load %arg7[%get3A_311, %get3A_312] {strides = array<i32>} : memref<3x128xi32, #tpu.memory_space<vmem>>, vector<1x16xi32>,
      %get3A_314 = vector.shape_cast %get3A_313 : vector<1x16xi32> to vector<16xi32>
      %add3A_315 = vector.broadcast %mul3A_0 : i32 to vector<16xi32>
      %add3A_316 = arith.addi %get3A_314, %add3A_315 : vector<16xi32>
      %swap3A_317 = arith.constant 2 : i32
      %swap3A_318 = arith.index_cast %swap3A_317 : i32 to index
      %swap3A_319 = arith.constant 96 : index
      %swap3A_320 = tpu.vector_load %arg7[%swap3A_318, %swap3A_319] {strides = array<i32>} : memref<3x128xi32, #tpu.memory_space<vmem>>, vector<1x16xi32>,
      %swap3A_321 = vector.shape_cast %swap3A_320 : vector<1x16xi32> to vector<16xi32>
      %swap3A_322 = vector.shape_cast %add3A_316 : vector<16xi32> to vector<1x16xi32>
      tpu.vector_store %arg7[%swap3A_318, %swap3A_319], %swap3A_322 {strides = array<i32>} : memref<3x128xi32, #tpu.memory_space<vmem>>, vector<1x16xi32>,
      %get3A_323 = arith.constant 2 : i32
      %get3A_324 = arith.index_cast %get3A_323 : i32 to index
      %get3A_325 = arith.constant 112 : index
      %get3A_326 = tpu.vector_load %arg7[%get3A_324, %get3A_325] {strides = array<i32>} : memref<3x128xi32, #tpu.memory_space<vmem>>, vector<1x16xi32>,
      %get3A_327 = vector.shape_cast %get3A_326 : vector<1x16xi32> to vector<16xi32>
      %add3A_328 = vector.broadcast %mul3A_0 : i32 to vector<16xi32>
      %add3A_329 = arith.addi %get3A_327, %add3A_328 : vector<16xi32>
      %swap3A_330 = arith.constant 2 : i32
      %swap3A_331 = arith.index_cast %swap3A_330 : i32 to index
      %swap3A_332 = arith.constant 112 : index
      %swap3A_333 = tpu.vector_load %arg7[%swap3A_331, %swap3A_332] {strides = array<i32>} : memref<3x128xi32, #tpu.memory_space<vmem>>, vector<1x16xi32>,
      %swap3A_334 = vector.shape_cast %swap3A_333 : vector<1x16xi32> to vector<16xi32>
      %swap3A_335 = vector.shape_cast %add3A_329 : vector<16xi32> to vector<1x16xi32>
      tpu.vector_store %arg7[%swap3A_331, %swap3A_332], %swap3A_335 {strides = array<i32>} : memref<3x128xi32, #tpu.memory_space<vmem>>, vector<1x16xi32>,
      %dma_start3A = arith.constant 0 : i32
      %dma_start3A_336 = arith.constant 0 : i32
      %dma_start3A_337 = arith.constant 0 : i32
      %dma_start3A_338 = arith.constant 0 : i32
      %dma_start3A_339 = tpu.memref_slice %arg9[%dma_start3A_336, %dma_start3A_337, %dma_start3A_338] : memref<3x128x64xf32, #tpu.memory_space<vmem>> -> memref<1x128x64xf32, #tpu.memory_space<vmem>>
      %dma_start3A_340 = tpu.memref_squeeze %dma_start3A_339 : memref<1x128x64xf32, #tpu.memory_space<vmem>> -> memref<128x64xf32, #tpu.memory_space<vmem>>
      %dma_start3A_341 = arith.constant 0 : i32
      %dma_start3A_342 = tpu.memref_slice %arg7[%dma_start3A, %dma_start3A_341] : memref<3x128xi32, #tpu.memory_space<vmem>> -> memref<1x128xi32, #tpu.memory_space<vmem>>
      %dma_start3A_343 = tpu.memref_squeeze %dma_start3A_342 : memref<1x128xi32, #tpu.memory_space<vmem>> -> memref<128xi32, #tpu.memory_space<vmem>>
      %dma_start3A_344 = arith.constant 0 : i32
      %dma_start3A_345 = arith.constant 0 : i32
      %dma_start3A_346 = tpu.memref_slice %arg2[%dma_start3A_344, %dma_start3A_345] : memref<20224x64xf32, #tpu.memory_space<hbm>> -> memref<20224x64xf32, #tpu.memory_space<hbm>>
      tpu.enqueue_indirect_dma source(%dma_start3A_346 : memref<20224x64xf32, #tpu.memory_space<hbm>>) target(%dma_start3A_340 : memref<128x64xf32, #tpu.memory_space<vmem>>) offsets(%dma_start3A_343 : memref<128xi32, #tpu.memory_space<vmem>>) semaphore(%arg11 : memref<!tpu.dma_semaphore, #tpu.memory_space<semaphore_mem>>)
      %dma_start3A_347 = arith.constant 1 : i32
      %dma_start3A_348 = arith.constant 1 : i32
      %dma_start3A_349 = arith.constant 0 : i32
      %dma_start3A_350 = arith.constant 0 : i32
      %dma_start3A_351 = tpu.memref_slice %arg9[%dma_start3A_348, %dma_start3A_349, %dma_start3A_350] : memref<3x128x64xf32, #tpu.memory_space<vmem>> -> memref<1x128x64xf32, #tpu.memory_space<vmem>>
      %dma_start3A_352 = tpu.memref_squeeze %dma_start3A_351 : memref<1x128x64xf32, #tpu.memory_space<vmem>> -> memref<128x64xf32, #tpu.memory_space<vmem>>
      %dma_start3A_353 = arith.constant 0 : i32
      %dma_start3A_354 = tpu.memref_slice %arg7[%dma_start3A_347, %dma_start3A_353] : memref<3x128xi32, #tpu.memory_space<vmem>> -> memref<1x128xi32, #tpu.memory_space<vmem>>
      %dma_start3A_355 = tpu.memref_squeeze %dma_start3A_354 : memref<1x128xi32, #tpu.memory_space<vmem>> -> memref<128xi32, #tpu.memory_space<vmem>>
      %dma_start3A_356 = arith.constant 0 : i32
      %dma_start3A_357 = arith.constant 0 : i32
      %dma_start3A_358 = tpu.memref_slice %arg2[%dma_start3A_356, %dma_start3A_357] : memref<20224x64xf32, #tpu.memory_space<hbm>> -> memref<20224x64xf32, #tpu.memory_space<hbm>>
      tpu.enqueue_indirect_dma source(%dma_start3A_358 : memref<20224x64xf32, #tpu.memory_space<hbm>>) target(%dma_start3A_352 : memref<128x64xf32, #tpu.memory_space<vmem>>) offsets(%dma_start3A_355 : memref<128xi32, #tpu.memory_space<vmem>>) semaphore(%arg11 : memref<!tpu.dma_semaphore, #tpu.memory_space<semaphore_mem>>)
      %dma_start3A_359 = arith.constant 2 : i32
      %dma_start3A_360 = arith.constant 2 : i32
      %dma_start3A_361 = arith.constant 0 : i32
      %dma_start3A_362 = arith.constant 0 : i32
      %dma_start3A_363 = tpu.memref_slice %arg9[%dma_start3A_360, %dma_start3A_361, %dma_start3A_362] : memref<3x128x64xf32, #tpu.memory_space<vmem>> -> memref<1x128x64xf32, #tpu.memory_space<vmem>>
      %dma_start3A_364 = tpu.memref_squeeze %dma_start3A_363 : memref<1x128x64xf32, #tpu.memory_space<vmem>> -> memref<128x64xf32, #tpu.memory_space<vmem>>
      %dma_start3A_365 = arith.constant 0 : i32
      %dma_start3A_366 = tpu.memref_slice %arg7[%dma_start3A_359, %dma_start3A_365] : memref<3x128xi32, #tpu.memory_space<vmem>> -> memref<1x128xi32, #tpu.memory_space<vmem>>
      %dma_start3A_367 = tpu.memref_squeeze %dma_start3A_366 : memref<1x128xi32, #tpu.memory_space<vmem>> -> memref<128xi32, #tpu.memory_space<vmem>>
      %dma_start3A_368 = arith.constant 0 : i32
      %dma_start3A_369 = arith.constant 0 : i32
      %dma_start3A_370 = tpu.memref_slice %arg2[%dma_start3A_368, %dma_start3A_369] : memref<20224x64xf32, #tpu.memory_space<hbm>> -> memref<20224x64xf32, #tpu.memory_space<hbm>>
      tpu.enqueue_indirect_dma source(%dma_start3A_370 : memref<20224x64xf32, #tpu.memory_space<hbm>>) target(%dma_start3A_364 : memref<128x64xf32, #tpu.memory_space<vmem>>) offsets(%dma_start3A_367 : memref<128xi32, #tpu.memory_space<vmem>>) semaphore(%arg11 : memref<!tpu.dma_semaphore, #tpu.memory_space<semaphore_mem>>)
      %dma_wait3A = arith.constant 0 : i32
      %dma_wait3A_371 = arith.constant 0 : i32
      %dma_wait3A_372 = arith.constant 0 : i32
      %dma_wait3A_373 = arith.constant 0 : i32
      %dma_wait3A_374 = tpu.memref_slice %arg9[%dma_wait3A_371, %dma_wait3A_372, %dma_wait3A_373] : memref<3x128x64xf32, #tpu.memory_space<vmem>> -> memref<1x128x64xf32, #tpu.memory_space<vmem>>
      %dma_wait3A_375 = tpu.memref_squeeze %dma_wait3A_374 : memref<1x128x64xf32, #tpu.memory_space<vmem>> -> memref<128x64xf32, #tpu.memory_space<vmem>>
      %dma_wait3A_376 = arith.constant 0 : i32
      %dma_wait3A_377 = tpu.memref_slice %arg7[%dma_wait3A, %dma_wait3A_376] : memref<3x128xi32, #tpu.memory_space<vmem>> -> memref<1x128xi32, #tpu.memory_space<vmem>>
      %dma_wait3A_378 = tpu.memref_squeeze %dma_wait3A_377 : memref<1x128xi32, #tpu.memory_space<vmem>> -> memref<128xi32, #tpu.memory_space<vmem>>
      %dma_wait3A_379 = arith.constant 0 : i32
      %dma_wait3A_380 = arith.constant 0 : i32
      %dma_wait3A_381 = tpu.memref_slice %arg2[%dma_wait3A_379, %dma_wait3A_380] : memref<20224x64xf32, #tpu.memory_space<hbm>> -> memref<20224x64xf32, #tpu.memory_space<hbm>>
      tpu.wait_indirect_dma semaphore(%arg11 : memref<!tpu.dma_semaphore, #tpu.memory_space<semaphore_mem>>) src(%dma_wait3A_381 : memref<20224x64xf32, #tpu.memory_space<hbm>>) dst(%dma_wait3A_375 : memref<128x64xf32, #tpu.memory_space<vmem>>)
      %run_scoped3A = arith.constant 0 : i32
      "tpu.region"() ({
        %run_scoped3A_408 = tpu.sem_alloc : memref<!tpu.dma_semaphore, #tpu.memory_space<semaphore_mem>>
        %dma_start3A_409 = arith.constant 0 : i32
        %dma_start3A_410 = arith.constant 0 : i32
        %dma_start3A_411 = tpu.memref_slice %arg9[%run_scoped3A, %dma_start3A_409, %dma_start3A_410] : memref<3x128x64xf32, #tpu.memory_space<vmem>> -> memref<1x128x64xf32, #tpu.memory_space<vmem>>
        %dma_start3A_412 = tpu.memref_squeeze %dma_start3A_411 : memref<1x128x64xf32, #tpu.memory_space<vmem>> -> memref<128x64xf32, #tpu.memory_space<vmem>>
        %dma_start3A_413 = arith.constant 0 : i32
        %dma_start3A_414 = tpu.memref_slice %arg8[%run_scoped3A, %dma_start3A_413] : memref<3x128xi32, #tpu.memory_space<vmem>> -> memref<1x128xi32, #tpu.memory_space<vmem>>
        %dma_start3A_415 = tpu.memref_squeeze %dma_start3A_414 : memref<1x128xi32, #tpu.memory_space<vmem>> -> memref<128xi32, #tpu.memory_space<vmem>>
        %dma_start3A_416 = arith.constant 0 : i32
        %dma_start3A_417 = arith.constant 0 : i32
        %dma_start3A_418 = tpu.memref_slice %arg10[%dma_start3A_416, %dma_start3A_417] : memref<10112x64xf32, #tpu.memory_space<vmem_shared>> -> memref<10112x64xf32, #tpu.memory_space<vmem_shared>>
        tpu.enqueue_indirect_dma source(%dma_start3A_412 : memref<128x64xf32, #tpu.memory_space<vmem>>) target(%dma_start3A_418 : memref<10112x64xf32, #tpu.memory_space<vmem_shared>>) offsets(%dma_start3A_415 : memref<128xi32, #tpu.memory_space<vmem>>) semaphore(%run_scoped3A_408 : memref<!tpu.dma_semaphore, #tpu.memory_space<semaphore_mem>>) {add = true}
        %dma_wait3A_419 = arith.constant 0 : i32
        %dma_wait3A_420 = arith.constant 0 : i32
        %dma_wait3A_421 = tpu.memref_slice %arg9[%run_scoped3A, %dma_wait3A_419, %dma_wait3A_420] : memref<3x128x64xf32, #tpu.memory_space<vmem>> -> memref<1x128x64xf32, #tpu.memory_space<vmem>>
        %dma_wait3A_422 = tpu.memref_squeeze %dma_wait3A_421 : memref<1x128x64xf32, #tpu.memory_space<vmem>> -> memref<128x64xf32, #tpu.memory_space<vmem>>
        %dma_wait3A_423 = arith.constant 0 : i32
        %dma_wait3A_424 = tpu.memref_slice %arg8[%run_scoped3A, %dma_wait3A_423] : memref<3x128xi32, #tpu.memory_space<vmem>> -> memref<1x128xi32, #tpu.memory_space<vmem>>
        %dma_wait3A_425 = tpu.memref_squeeze %dma_wait3A_424 : memref<1x128xi32, #tpu.memory_space<vmem>> -> memref<128xi32, #tpu.memory_space<vmem>>
        %dma_wait3A_426 = arith.constant 0 : i32
        %dma_wait3A_427 = arith.constant 0 : i32
        %dma_wait3A_428 = tpu.memref_slice %arg10[%dma_wait3A_426, %dma_wait3A_427] : memref<10112x64xf32, #tpu.memory_space<vmem_shared>> -> memref<10112x64xf32, #tpu.memory_space<vmem_shared>>
        tpu.wait_indirect_dma semaphore(%run_scoped3A_408 : memref<!tpu.dma_semaphore, #tpu.memory_space<semaphore_mem>>) src(%dma_wait3A_422 : memref<128x64xf32, #tpu.memory_space<vmem>>) dst(%dma_wait3A_428 : memref<10112x64xf32, #tpu.memory_space<vmem_shared>>)
        tpu.yield
      }) : () -> ()
      %dma_wait3A_382 = arith.constant 1 : i32
      %dma_wait3A_383 = arith.constant 1 : i32
      %dma_wait3A_384 = arith.constant 0 : i32
      %dma_wait3A_385 = arith.constant 0 : i32
      %dma_wait3A_386 = tpu.memref_slice %arg9[%dma_wait3A_383, %dma_wait3A_384, %dma_wait3A_385] : memref<3x128x64xf32, #tpu.memory_space<vmem>> -> memref<1x128x64xf32, #tpu.memory_space<vmem>>
      %dma_wait3A_387 = tpu.memref_squeeze %dma_wait3A_386 : memref<1x128x64xf32, #tpu.memory_space<vmem>> -> memref<128x64xf32, #tpu.memory_space<vmem>>
      %dma_wait3A_388 = arith.constant 0 : i32
      %dma_wait3A_389 = tpu.memref_slice %arg7[%dma_wait3A_382, %dma_wait3A_388] : memref<3x128xi32, #tpu.memory_space<vmem>> -> memref<1x128xi32, #tpu.memory_space<vmem>>
      %dma_wait3A_390 = tpu.memref_squeeze %dma_wait3A_389 : memref<1x128xi32, #tpu.memory_space<vmem>> -> memref<128xi32, #tpu.memory_space<vmem>>
      %dma_wait3A_391 = arith.constant 0 : i32
      %dma_wait3A_392 = arith.constant 0 : i32
      %dma_wait3A_393 = tpu.memref_slice %arg2[%dma_wait3A_391, %dma_wait3A_392] : memref<20224x64xf32, #tpu.memory_space<hbm>> -> memref<20224x64xf32, #tpu.memory_space<hbm>>
      tpu.wait_indirect_dma semaphore(%arg11 : memref<!tpu.dma_semaphore, #tpu.memory_space<semaphore_mem>>) src(%dma_wait3A_393 : memref<20224x64xf32, #tpu.memory_space<hbm>>) dst(%dma_wait3A_387 : memref<128x64xf32, #tpu.memory_space<vmem>>)
      %run_scoped3A_394 = arith.constant 1 : i32
      "tpu.region"() ({
        %run_scoped3A_408 = tpu.sem_alloc : memref<!tpu.dma_semaphore, #tpu.memory_space<semaphore_mem>>
        %dma_start3A_409 = arith.constant 0 : i32
        %dma_start3A_410 = arith.constant 0 : i32
        %dma_start3A_411 = tpu.memref_slice %arg9[%run_scoped3A_394, %dma_start3A_409, %dma_start3A_410] : memref<3x128x64xf32, #tpu.memory_space<vmem>> -> memref<1x128x64xf32, #tpu.memory_space<vmem>>
        %dma_start3A_412 = tpu.memref_squeeze %dma_start3A_411 : memref<1x128x64xf32, #tpu.memory_space<vmem>> -> memref<128x64xf32, #tpu.memory_space<vmem>>
        %dma_start3A_413 = arith.constant 0 : i32
        %dma_start3A_414 = tpu.memref_slice %arg8[%run_scoped3A_394, %dma_start3A_413] : memref<3x128xi32, #tpu.memory_space<vmem>> -> memref<1x128xi32, #tpu.memory_space<vmem>>
        %dma_start3A_415 = tpu.memref_squeeze %dma_start3A_414 : memref<1x128xi32, #tpu.memory_space<vmem>> -> memref<128xi32, #tpu.memory_space<vmem>>
        %dma_start3A_416 = arith.constant 0 : i32
        %dma_start3A_417 = arith.constant 0 : i32
        %dma_start3A_418 = tpu.memref_slice %arg10[%dma_start3A_416, %dma_start3A_417] : memref<10112x64xf32, #tpu.memory_space<vmem_shared>> -> memref<10112x64xf32, #tpu.memory_space<vmem_shared>>
        tpu.enqueue_indirect_dma source(%dma_start3A_412 : memref<128x64xf32, #tpu.memory_space<vmem>>) target(%dma_start3A_418 : memref<10112x64xf32, #tpu.memory_space<vmem_shared>>) offsets(%dma_start3A_415 : memref<128xi32, #tpu.memory_space<vmem>>) semaphore(%run_scoped3A_408 : memref<!tpu.dma_semaphore, #tpu.memory_space<semaphore_mem>>) {add = true}
        %dma_wait3A_419 = arith.constant 0 : i32
        %dma_wait3A_420 = arith.constant 0 : i32
        %dma_wait3A_421 = tpu.memref_slice %arg9[%run_scoped3A_394, %dma_wait3A_419, %dma_wait3A_420] : memref<3x128x64xf32, #tpu.memory_space<vmem>> -> memref<1x128x64xf32, #tpu.memory_space<vmem>>
        %dma_wait3A_422 = tpu.memref_squeeze %dma_wait3A_421 : memref<1x128x64xf32, #tpu.memory_space<vmem>> -> memref<128x64xf32, #tpu.memory_space<vmem>>
        %dma_wait3A_423 = arith.constant 0 : i32
        %dma_wait3A_424 = tpu.memref_slice %arg8[%run_scoped3A_394, %dma_wait3A_423] : memref<3x128xi32, #tpu.memory_space<vmem>> -> memref<1x128xi32, #tpu.memory_space<vmem>>
        %dma_wait3A_425 = tpu.memref_squeeze %dma_wait3A_424 : memref<1x128xi32, #tpu.memory_space<vmem>> -> memref<128xi32, #tpu.memory_space<vmem>>
        %dma_wait3A_426 = arith.constant 0 : i32
        %dma_wait3A_427 = arith.constant 0 : i32
        %dma_wait3A_428 = tpu.memref_slice %arg10[%dma_wait3A_426, %dma_wait3A_427] : memref<10112x64xf32, #tpu.memory_space<vmem_shared>> -> memref<10112x64xf32, #tpu.memory_space<vmem_shared>>
        tpu.wait_indirect_dma semaphore(%run_scoped3A_408 : memref<!tpu.dma_semaphore, #tpu.memory_space<semaphore_mem>>) src(%dma_wait3A_422 : memref<128x64xf32, #tpu.memory_space<vmem>>) dst(%dma_wait3A_428 : memref<10112x64xf32, #tpu.memory_space<vmem_shared>>)
        tpu.yield
      }) : () -> ()
      %dma_wait3A_395 = arith.constant 2 : i32
      %dma_wait3A_396 = arith.constant 2 : i32
      %dma_wait3A_397 = arith.constant 0 : i32
      %dma_wait3A_398 = arith.constant 0 : i32
      %dma_wait3A_399 = tpu.memref_slice %arg9[%dma_wait3A_396, %dma_wait3A_397, %dma_wait3A_398] : memref<3x128x64xf32, #tpu.memory_space<vmem>> -> memref<1x128x64xf32, #tpu.memory_space<vmem>>
      %dma_wait3A_400 = tpu.memref_squeeze %dma_wait3A_399 : memref<1x128x64xf32, #tpu.memory_space<vmem>> -> memref<128x64xf32, #tpu.memory_space<vmem>>
      %dma_wait3A_401 = arith.constant 0 : i32
      %dma_wait3A_402 = tpu.memref_slice %arg7[%dma_wait3A_395, %dma_wait3A_401] : memref<3x128xi32, #tpu.memory_space<vmem>> -> memref<1x128xi32, #tpu.memory_space<vmem>>
      %dma_wait3A_403 = tpu.memref_squeeze %dma_wait3A_402 : memref<1x128xi32, #tpu.memory_space<vmem>> -> memref<128xi32, #tpu.memory_space<vmem>>
      %dma_wait3A_404 = arith.constant 0 : i32
      %dma_wait3A_405 = arith.constant 0 : i32
      %dma_wait3A_406 = tpu.memref_slice %arg2[%dma_wait3A_404, %dma_wait3A_405] : memref<20224x64xf32, #tpu.memory_space<hbm>> -> memref<20224x64xf32, #tpu.memory_space<hbm>>
      tpu.wait_indirect_dma semaphore(%arg11 : memref<!tpu.dma_semaphore, #tpu.memory_space<semaphore_mem>>) src(%dma_wait3A_406 : memref<20224x64xf32, #tpu.memory_space<hbm>>) dst(%dma_wait3A_400 : memref<128x64xf32, #tpu.memory_space<vmem>>)
      %run_scoped3A_407 = arith.constant 2 : i32
      "tpu.region"() ({
        %run_scoped3A_408 = tpu.sem_alloc : memref<!tpu.dma_semaphore, #tpu.memory_space<semaphore_mem>>
        %dma_start3A_409 = arith.constant 0 : i32
        %dma_start3A_410 = arith.constant 0 : i32
        %dma_start3A_411 = tpu.memref_slice %arg9[%run_scoped3A_407, %dma_start3A_409, %dma_start3A_410] : memref<3x128x64xf32, #tpu.memory_space<vmem>> -> memref<1x128x64xf32, #tpu.memory_space<vmem>>
        %dma_start3A_412 = tpu.memref_squeeze %dma_start3A_411 : memref<1x128x64xf32, #tpu.memory_space<vmem>> -> memref<128x64xf32, #tpu.memory_space<vmem>>
        %dma_start3A_413 = arith.constant 0 : i32
        %dma_start3A_414 = tpu.memref_slice %arg8[%run_scoped3A_407, %dma_start3A_413] : memref<3x128xi32, #tpu.memory_space<vmem>> -> memref<1x128xi32, #tpu.memory_space<vmem>>
        %dma_start3A_415 = tpu.memref_squeeze %dma_start3A_414 : memref<1x128xi32, #tpu.memory_space<vmem>> -> memref<128xi32, #tpu.memory_space<vmem>>
        %dma_start3A_416 = arith.constant 0 : i32
        %dma_start3A_417 = arith.constant 0 : i32
        %dma_start3A_418 = tpu.memref_slice %arg10[%dma_start3A_416, %dma_start3A_417] : memref<10112x64xf32, #tpu.memory_space<vmem_shared>> -> memref<10112x64xf32, #tpu.memory_space<vmem_shared>>
        tpu.enqueue_indirect_dma source(%dma_start3A_412 : memref<128x64xf32, #tpu.memory_space<vmem>>) target(%dma_start3A_418 : memref<10112x64xf32, #tpu.memory_space<vmem_shared>>) offsets(%dma_start3A_415 : memref<128xi32, #tpu.memory_space<vmem>>) semaphore(%run_scoped3A_408 : memref<!tpu.dma_semaphore, #tpu.memory_space<semaphore_mem>>) {add = true}
        %dma_wait3A_419 = arith.constant 0 : i32
        %dma_wait3A_420 = arith.constant 0 : i32
        %dma_wait3A_421 = tpu.memref_slice %arg9[%run_scoped3A_407, %dma_wait3A_419, %dma_wait3A_420] : memref<3x128x64xf32, #tpu.memory_space<vmem>> -> memref<1x128x64xf32, #tpu.memory_space<vmem>>
        %dma_wait3A_422 = tpu.memref_squeeze %dma_wait3A_421 : memref<1x128x64xf32, #tpu.memory_space<vmem>> -> memref<128x64xf32, #tpu.memory_space<vmem>>
        %dma_wait3A_423 = arith.constant 0 : i32
        %dma_wait3A_424 = tpu.memref_slice %arg8[%run_scoped3A_407, %dma_wait3A_423] : memref<3x128xi32, #tpu.memory_space<vmem>> -> memref<1x128xi32, #tpu.memory_space<vmem>>
        %dma_wait3A_425 = tpu.memref_squeeze %dma_wait3A_424 : memref<1x128xi32, #tpu.memory_space<vmem>> -> memref<128xi32, #tpu.memory_space<vmem>>
        %dma_wait3A_426 = arith.constant 0 : i32
        %dma_wait3A_427 = arith.constant 0 : i32
        %dma_wait3A_428 = tpu.memref_slice %arg10[%dma_wait3A_426, %dma_wait3A_427] : memref<10112x64xf32, #tpu.memory_space<vmem_shared>> -> memref<10112x64xf32, #tpu.memory_space<vmem_shared>>
        tpu.wait_indirect_dma semaphore(%run_scoped3A_408 : memref<!tpu.dma_semaphore, #tpu.memory_space<semaphore_mem>>) src(%dma_wait3A_422 : memref<128x64xf32, #tpu.memory_space<vmem>>) dst(%dma_wait3A_428 : memref<10112x64xf32, #tpu.memory_space<vmem_shared>>)
        tpu.yield
      }) : () -> ()
    }
    %barrier3A_13 = arith.constant 0 : index
    tpu.barrier barrier_id(%barrier3A_13)
    %mul3A_14 = arith.constant 632 : i32
    %mul3A_15 = arith.muli %arg1, %mul3A_14 : i32
    %mul3A_16 = arith.constant 10112 : i32
    %mul3A_17 = arith.muli %arg0, %mul3A_16 : i32
    %mul3A_18 = arith.constant 632 : i32
    %mul3A_19 = arith.muli %arg1, %mul3A_18 : i32
    %add3A = arith.addi %mul3A_17, %mul3A_19 : i32
    "tpu.region"() ({
      %run_scoped3A = tpu.sem_alloc : memref<!tpu.dma_semaphore, #tpu.memory_space<semaphore_mem>>
      %dma_start3A = arith.constant 0 : i32
      %dma_start3A_20 = tpu.memref_slice %arg6[%add3A, %dma_start3A] : memref<20224x64xf32, #tpu.memory_space<hbm>> -> memref<632x64xf32, #tpu.memory_space<hbm>>
      %dma_start3A_21 = arith.constant 0 : i32
      %dma_start3A_22 = tpu.memref_slice %arg10[%mul3A_15, %dma_start3A_21] : memref<10112x64xf32, #tpu.memory_space<vmem_shared>> -> memref<632x64xf32, #tpu.memory_space<vmem_shared>>
      tpu.enqueue_dma source(%dma_start3A_22 : memref<632x64xf32, #tpu.memory_space<vmem_shared>>) target(%dma_start3A_20 : memref<632x64xf32, #tpu.memory_space<hbm>>) target_semaphore(%run_scoped3A : memref<!tpu.dma_semaphore, #tpu.memory_space<semaphore_mem>>)
      %dma_wait3A = arith.constant 0 : i32
      %dma_wait3A_23 = tpu.memref_slice %arg6[%add3A, %dma_wait3A] : memref<20224x64xf32, #tpu.memory_space<hbm>> -> memref<632x64xf32, #tpu.memory_space<hbm>>
      %dma_wait3A_24 = arith.constant 0 : i32
      %dma_wait3A_25 = tpu.memref_slice %arg10[%mul3A_15, %dma_wait3A_24] : memref<10112x64xf32, #tpu.memory_space<vmem_shared>> -> memref<632x64xf32, #tpu.memory_space<vmem_shared>>
      tpu.wait_dma2 semaphore(%run_scoped3A : memref<!tpu.dma_semaphore, #tpu.memory_space<semaphore_mem>>) src(%dma_wait3A_25 : memref<632x64xf32, #tpu.memory_space<vmem_shared>>) dst(%dma_wait3A_23 : memref<632x64xf32, #tpu.memory_space<hbm>>)
      tpu.yield
    }) : () -> ()
    return
  }
}

module attributes {stable_mosaic.version = 14 : i64} {
  func.func @_tc1_body(%arg0: i32, %arg1: memref<632x128xf32, #tpu.memory_space<vmem>>, %arg2: memref<632x1xf32, #tpu.memory_space<vmem>>, %arg3: memref<632x1xf32, #tpu.memory_space<vmem>>, %arg4: memref<128x256xf32, #tpu.memory_space<vmem>>, %arg5: memref<632x128xf32, #tpu.memory_space<vmem>>, %arg6: memref<632x128xf32, #tpu.memory_space<vmem>>) attributes {dimension_semantics = [#tpu.dimension_semantics<arbitrary>], iteration_bounds = array<i64: 16>, scalar_prefetch = 0 : i64, scratch_operands = 0 : i64, tpu.core_type = #tpu.core_type<tc>, window_params = [{transform_indices = @transform_0, window_bounds = array<i64: 632, 128>}, {transform_indices = @transform_1, window_bounds = array<i64: 632, 1>}, {transform_indices = @transform_2, window_bounds = array<i64: 632, 1>}, {pipeline_mode = #tpu.pipeline_mode<synchronous>, transform_indices = @transform_3, window_bounds = array<i64: 128, 256>}, {transform_indices = @transform_4, window_bounds = array<i64: 632, 128>}, {transform_indices = @transform_5, window_bounds = array<i64: 632, 128>}]} {
    %get3A = arith.constant 0 : index
    %get3A_0 = arith.constant 0 : index
    %get3A_1 = vector.load %arg2[%get3A, %get3A_0] : memref<632x1xf32, #tpu.memory_space<vmem>>, vector<632x1xf32>
    %get3A_2 = arith.constant 0 : index
    %get3A_3 = arith.constant 0 : index
    %get3A_4 = vector.load %arg3[%get3A_2, %get3A_3] : memref<632x1xf32, #tpu.memory_space<vmem>>, vector<632x1xf32>
    %add3A = arith.addf %get3A_1, %get3A_4 : vector<632x1xf32>
    %gt3A = arith.constant 0.000000e+00 : f32
    %gt3A_5 = vector.broadcast %gt3A : f32 to vector<632x1xf32>
    %gt3A_6 = arith.cmpf ogt, %add3A, %gt3A_5 : vector<632x1xf32>
    %max3A = arith.constant 9.99999996E-13 : f32
    %max3A_7 = vector.broadcast %max3A : f32 to vector<632x1xf32>
    %max3A_8 = arith.maximumf %add3A, %max3A_7 : vector<632x1xf32>
    %rsqrt3A = math.rsqrt %max3A_8 : vector<632x1xf32>
    %jit3A = arith.constant 0.000000e+00 : f64
    %convert_element_type3A = arith.truncf %jit3A : f64 to f32
    %broadcast_in_dim3A = vector.broadcast %convert_element_type3A : f32 to vector<632x1xf32>
    %select_n3A = arith.select %gt3A_6, %rsqrt3A, %broadcast_in_dim3A : vector<632x1xi1>, vector<632x1xf32>
    %get3A_9 = arith.constant 0 : index
    %get3A_10 = arith.constant 0 : index
    %get3A_11 = vector.load %arg1[%get3A_9, %get3A_10] : memref<632x128xf32, #tpu.memory_space<vmem>>, vector<632x128xf32>
    %get3A_12 = arith.constant 0 : index
    %get3A_13 = arith.constant 0 : index
    %get3A_14 = vector.load %arg4[%get3A_12, %get3A_13] : memref<128x256xf32, #tpu.memory_space<vmem>>, vector<128x256xf32>
    %convert_element_type3A_15 = arith.truncf %get3A_11 : vector<632x128xf32> to vector<632x128xbf16>
    %convert_element_type3A_16 = arith.truncf %get3A_14 : vector<128x256xf32> to vector<128x256xbf16>
    %dot_general3A = arith.constant dense<0.000000e+00> : vector<632x256xf32>
    %dot_general3A_17 = tpu.matmul %convert_element_type3A_15, %convert_element_type3A_16, %dot_general3A {dimension_numbers = #tpu.dot_dimension_numbers<[1], [0], [0], [1], [0, 0, 1, 1], [], []>, transpose_lhs_hint = false} : vector<632x128xbf16>, vector<128x256xbf16>, vector<632x256xf32> -> vector<632x256xf32>
    %mul3A = vector.broadcast %select_n3A : vector<632x1xf32> to vector<632x256xf32>
    %mul3A_18 = arith.mulf %dot_general3A_17, %mul3A : vector<632x256xf32>
    %slice3A = vector.extract_strided_slice %mul3A_18 {offsets = [0, 0], sizes = [632, 128], strides = [1, 1]} : vector<632x256xf32> to vector<632x128xf32>
    %swap3A = arith.constant 0 : index
    %swap3A_19 = arith.constant 0 : index
    %swap3A_20 = vector.load %arg5[%swap3A, %swap3A_19] : memref<632x128xf32, #tpu.memory_space<vmem>>, vector<632x128xf32>
    tpu.vector_store %arg5[%swap3A, %swap3A_19], %slice3A {strides = array<i32>} : memref<632x128xf32, #tpu.memory_space<vmem>>, vector<632x128xf32>,
    %slice3A_21 = vector.extract_strided_slice %mul3A_18 {offsets = [0, 128], sizes = [632, 128], strides = [1, 1]} : vector<632x256xf32> to vector<632x128xf32>
    %swap3A_22 = arith.constant 0 : index
    %swap3A_23 = arith.constant 0 : index
    %swap3A_24 = vector.load %arg6[%swap3A_22, %swap3A_23] : memref<632x128xf32, #tpu.memory_space<vmem>>, vector<632x128xf32>
    tpu.vector_store %arg6[%swap3A_22, %swap3A_23], %slice3A_21 {strides = array<i32>} : memref<632x128xf32, #tpu.memory_space<vmem>>, vector<632x128xf32>,
    return
  }
  func.func @transform_0(%arg0: i32) -> (i32, i32) {
    %c0_i32 = arith.constant 0 : i32
    %c0_i32_0 = arith.constant 0 : i32
    return %arg0, %c0_i32 : i32, i32
  }
  func.func @transform_1(%arg0: i32) -> (i32, i32) {
    %c0_i32 = arith.constant 0 : i32
    %c0_i32_0 = arith.constant 0 : i32
    return %arg0, %c0_i32 : i32, i32
  }
  func.func @transform_2(%arg0: i32) -> (i32, i32) {
    %add3A = arith.constant 16 : i32
    %add3A_0 = arith.addi %arg0, %add3A : i32
    %c0_i32 = arith.constant 0 : i32
    %c0_i32_1 = arith.constant 0 : i32
    return %add3A_0, %c0_i32 : i32, i32
  }
  func.func @transform_3(%arg0: i32) -> (i32, i32) {
    %c0_i32 = arith.constant 0 : i32
    %c0_i32_0 = arith.constant 0 : i32
    %c0_i32_1 = arith.constant 0 : i32
    return %c0_i32, %c0_i32_0 : i32, i32
  }
  func.func @transform_4(%arg0: i32) -> (i32, i32) {
    %c0_i32 = arith.constant 0 : i32
    %c0_i32_0 = arith.constant 0 : i32
    return %arg0, %c0_i32 : i32, i32
  }
  func.func @transform_5(%arg0: i32) -> (i32, i32) {
    %c0_i32 = arith.constant 0 : i32
    %c0_i32_0 = arith.constant 0 : i32
    return %arg0, %c0_i32 : i32, i32
  }
}

module attributes {stable_mosaic.version = 14 : i64} {
  func.func @body(%arg0: i32, %arg1: memref<632x256xf32, #tpu.memory_space<vmem>>, %arg2: memref<632x1xf32, #tpu.memory_space<vmem>>, %arg3: memref<632x1xf32, #tpu.memory_space<vmem>>, %arg4: memref<1x256xf32, #tpu.memory_space<vmem>>, %arg5: memref<1x256xf32, #tpu.memory_space<vmem>>) attributes {dimension_semantics = [#tpu.dimension_semantics<arbitrary>], iteration_bounds = array<i64: 16>, scalar_prefetch = 0 : i64, scratch_operands = 0 : i64, tpu.core_type = #tpu.core_type<tc>, window_params = [{transform_indices = @transform_0, window_bounds = array<i64: 632, 256>}, {transform_indices = @transform_1, window_bounds = array<i64: 632, 1>}, {transform_indices = @transform_2, window_bounds = array<i64: 632, 1>}, {pipeline_mode = #tpu.pipeline_mode<synchronous>, transform_indices = @transform_3, window_bounds = array<i64: 1, 256>}, {pipeline_mode = #tpu.pipeline_mode<synchronous>, transform_indices = @transform_4, window_bounds = array<i64: 1, 256>}]} {
    %get3A = arith.constant 0 : index
    %get3A_0 = arith.constant 0 : index
    %get3A_1 = vector.load %arg2[%get3A, %get3A_0] : memref<632x1xf32, #tpu.memory_space<vmem>>, vector<632x1xf32>
    %get3A_2 = arith.constant 0 : index
    %get3A_3 = arith.constant 0 : index
    %get3A_4 = vector.load %arg3[%get3A_2, %get3A_3] : memref<632x1xf32, #tpu.memory_space<vmem>>, vector<632x1xf32>
    %add3A = arith.addf %get3A_1, %get3A_4 : vector<632x1xf32>
    %gt3A = arith.constant 0.000000e+00 : f32
    %gt3A_5 = vector.broadcast %gt3A : f32 to vector<632x1xf32>
    %gt3A_6 = arith.cmpf ogt, %add3A, %gt3A_5 : vector<632x1xf32>
    %max3A = arith.constant 9.99999996E-13 : f32
    %max3A_7 = vector.broadcast %max3A : f32 to vector<632x1xf32>
    %max3A_8 = arith.maximumf %add3A, %max3A_7 : vector<632x1xf32>
    %rsqrt3A = math.rsqrt %max3A_8 : vector<632x1xf32>
    %jit3A = arith.constant 0.000000e+00 : f64
    %convert_element_type3A = arith.truncf %jit3A : f64 to f32
    %broadcast_in_dim3A = vector.broadcast %convert_element_type3A : f32 to vector<632x1xf32>
    %select_n3A = arith.select %gt3A_6, %rsqrt3A, %broadcast_in_dim3A : vector<632x1xi1>, vector<632x1xf32>
    %get3A_9 = arith.constant 0 : index
    %get3A_10 = arith.constant 0 : index
    %get3A_11 = vector.load %arg1[%get3A_9, %get3A_10] : memref<632x256xf32, #tpu.memory_space<vmem>>, vector<632x256xf32>
    %mul3A = vector.broadcast %select_n3A : vector<632x1xf32> to vector<632x256xf32>
    %mul3A_12 = arith.mulf %get3A_11, %mul3A : vector<632x256xf32>
    %eq3A = arith.constant 0 : i32
    %eq3A_13 = arith.cmpi eq, %arg0, %eq3A : i32
    %convert_element_type3A_14 = arith.extui %eq3A_13 : i1 to i32
    %cond3A = arith.constant 0 : i32
    %cond3A_15 = arith.cmpi ne, %convert_element_type3A_14, %cond3A : i32
    scf.if %cond3A_15 {
      %broadcast_in_dim3A_35 = arith.constant 0.000000e+00 : f32
      %broadcast_in_dim3A_36 = vector.broadcast %broadcast_in_dim3A_35 : f32 to vector<1x256xf32>
      %swap3A_37 = arith.constant 0 : index
      %swap3A_38 = arith.constant 0 : index
      %swap3A_39 = vector.load %arg4[%swap3A_37, %swap3A_38] : memref<1x256xf32, #tpu.memory_space<vmem>>, vector<1x256xf32>
      tpu.vector_store %arg4[%swap3A_37, %swap3A_38], %broadcast_in_dim3A_36 {strides = array<i32>} : memref<1x256xf32, #tpu.memory_space<vmem>>, vector<1x256xf32>,
      %broadcast_in_dim3A_40 = arith.constant 0.000000e+00 : f32
      %broadcast_in_dim3A_41 = vector.broadcast %broadcast_in_dim3A_40 : f32 to vector<1x256xf32>
      %swap3A_42 = arith.constant 0 : index
      %swap3A_43 = arith.constant 0 : index
      %swap3A_44 = vector.load %arg5[%swap3A_42, %swap3A_43] : memref<1x256xf32, #tpu.memory_space<vmem>>, vector<1x256xf32>
      tpu.vector_store %arg5[%swap3A_42, %swap3A_43], %broadcast_in_dim3A_41 {strides = array<i32>} : memref<1x256xf32, #tpu.memory_space<vmem>>, vector<1x256xf32>,
    } else {
    }
    %get3A_16 = arith.constant 0 : index
    %get3A_17 = arith.constant 0 : index
    %get3A_18 = vector.load %arg4[%get3A_16, %get3A_17] : memref<1x256xf32, #tpu.memory_space<vmem>>, vector<1x256xf32>
    %reduce_sum3A = arith.constant dense<0.000000e+00> : vector<256xf32>
    %reduce_sum3A_19 = vector.multi_reduction <add>, %mul3A_12, %reduce_sum3A [0] : vector<632x256xf32> to vector<256xf32>
    %broadcast_in_dim3A_20 = vector.shape_cast %reduce_sum3A_19 : vector<256xf32> to vector<1x256xf32>
    %add3A_21 = arith.addf %get3A_18, %broadcast_in_dim3A_20 : vector<1x256xf32>
    %swap3A = arith.constant 0 : index
    %swap3A_22 = arith.constant 0 : index
    %swap3A_23 = vector.load %arg4[%swap3A, %swap3A_22] : memref<1x256xf32, #tpu.memory_space<vmem>>, vector<1x256xf32>
    tpu.vector_store %arg4[%swap3A, %swap3A_22], %add3A_21 {strides = array<i32>} : memref<1x256xf32, #tpu.memory_space<vmem>>, vector<1x256xf32>,
    %get3A_24 = arith.constant 0 : index
    %get3A_25 = arith.constant 0 : index
    %get3A_26 = vector.load %arg5[%get3A_24, %get3A_25] : memref<1x256xf32, #tpu.memory_space<vmem>>, vector<1x256xf32>
    %mul3A_27 = arith.mulf %mul3A_12, %mul3A_12 : vector<632x256xf32>
    %reduce_sum3A_28 = arith.constant dense<0.000000e+00> : vector<256xf32>
    %reduce_sum3A_29 = vector.multi_reduction <add>, %mul3A_27, %reduce_sum3A_28 [0] : vector<632x256xf32> to vector<256xf32>
    %broadcast_in_dim3A_30 = vector.shape_cast %reduce_sum3A_29 : vector<256xf32> to vector<1x256xf32>
    %add3A_31 = arith.addf %get3A_26, %broadcast_in_dim3A_30 : vector<1x256xf32>
    %swap3A_32 = arith.constant 0 : index
    %swap3A_33 = arith.constant 0 : index
    %swap3A_34 = vector.load %arg5[%swap3A_32, %swap3A_33] : memref<1x256xf32, #tpu.memory_space<vmem>>, vector<1x256xf32>
    tpu.vector_store %arg5[%swap3A_32, %swap3A_33], %add3A_31 {strides = array<i32>} : memref<1x256xf32, #tpu.memory_space<vmem>>, vector<1x256xf32>,
    return
  }
  func.func @transform_0(%arg0: i32) -> (i32, i32) {
    %c0_i32 = arith.constant 0 : i32
    %c0_i32_0 = arith.constant 0 : i32
    return %arg0, %c0_i32 : i32, i32
  }
  func.func @transform_1(%arg0: i32) -> (i32, i32) {
    %c0_i32 = arith.constant 0 : i32
    %c0_i32_0 = arith.constant 0 : i32
    return %arg0, %c0_i32 : i32, i32
  }
  func.func @transform_2(%arg0: i32) -> (i32, i32) {
    %add3A = arith.constant 16 : i32
    %add3A_0 = arith.addi %arg0, %add3A : i32
    %c0_i32 = arith.constant 0 : i32
    %c0_i32_1 = arith.constant 0 : i32
    return %add3A_0, %c0_i32 : i32, i32
  }
  func.func @transform_3(%arg0: i32) -> (i32, i32) {
    %c0_i32 = arith.constant 0 : i32
    %c0_i32_0 = arith.constant 0 : i32
    %c0_i32_1 = arith.constant 0 : i32
    return %c0_i32, %c0_i32_0 : i32, i32
  }
  func.func @transform_4(%arg0: i32) -> (i32, i32) {
    %c0_i32 = arith.constant 0 : i32
    %c0_i32_0 = arith.constant 0 : i32
    %c0_i32_1 = arith.constant 0 : i32
    return %c0_i32, %c0_i32_0 : i32, i32
  }
}

module attributes {stable_mosaic.version = 14 : i64} {
  func.func @_tc2_body(%arg0: i32, %arg1: memref<632x256xf32, #tpu.memory_space<vmem>>, %arg2: memref<632x1xf32, #tpu.memory_space<vmem>>, %arg3: memref<632x1xf32, #tpu.memory_space<vmem>>, %arg4: memref<1x256xf32, #tpu.memory_space<vmem>>, %arg5: memref<1x256xf32, #tpu.memory_space<vmem>>, %arg6: memref<1x256xf32, #tpu.memory_space<vmem>>, %arg7: memref<1x256xf32, #tpu.memory_space<vmem>>, %arg8: memref<1x1xf32, #tpu.memory_space<vmem>>, %arg9: memref<256x128xf32, #tpu.memory_space<vmem>>, %arg10: memref<632x64xf32, #tpu.memory_space<vmem>>, %arg11: memref<632x64xf32, #tpu.memory_space<vmem>>) attributes {dimension_semantics = [#tpu.dimension_semantics<arbitrary>], iteration_bounds = array<i64: 16>, scalar_prefetch = 0 : i64, scratch_operands = 0 : i64, tpu.core_type = #tpu.core_type<tc>, window_params = [{transform_indices = @transform_0, window_bounds = array<i64: 632, 256>}, {transform_indices = @transform_1, window_bounds = array<i64: 632, 1>}, {transform_indices = @transform_2, window_bounds = array<i64: 632, 1>}, {pipeline_mode = #tpu.pipeline_mode<synchronous>, transform_indices = @transform_3, window_bounds = array<i64: 1, 256>}, {pipeline_mode = #tpu.pipeline_mode<synchronous>, transform_indices = @transform_4, window_bounds = array<i64: 1, 256>}, {pipeline_mode = #tpu.pipeline_mode<synchronous>, transform_indices = @transform_5, window_bounds = array<i64: 1, 256>}, {pipeline_mode = #tpu.pipeline_mode<synchronous>, transform_indices = @transform_6, window_bounds = array<i64: 1, 256>}, {pipeline_mode = #tpu.pipeline_mode<synchronous>, transform_indices = @transform_7, window_bounds = array<i64: 1, 1>}, {pipeline_mode = #tpu.pipeline_mode<synchronous>, transform_indices = @transform_8, window_bounds = array<i64: 256, 128>}, {transform_indices = @transform_9, window_bounds = array<i64: 632, 64>}, {transform_indices = @transform_10, window_bounds = array<i64: 632, 64>}]} {
    %get3A = arith.constant 0 : index
    %get3A_0 = arith.constant 0 : index
    %get3A_1 = vector.load %arg2[%get3A, %get3A_0] : memref<632x1xf32, #tpu.memory_space<vmem>>, vector<632x1xf32>
    %get3A_2 = arith.constant 0 : index
    %get3A_3 = arith.constant 0 : index
    %get3A_4 = vector.load %arg3[%get3A_2, %get3A_3] : memref<632x1xf32, #tpu.memory_space<vmem>>, vector<632x1xf32>
    %add3A = arith.addf %get3A_1, %get3A_4 : vector<632x1xf32>
    %gt3A = arith.constant 0.000000e+00 : f32
    %gt3A_5 = vector.broadcast %gt3A : f32 to vector<632x1xf32>
    %gt3A_6 = arith.cmpf ogt, %add3A, %gt3A_5 : vector<632x1xf32>
    %max3A = arith.constant 9.99999996E-13 : f32
    %max3A_7 = vector.broadcast %max3A : f32 to vector<632x1xf32>
    %max3A_8 = arith.maximumf %add3A, %max3A_7 : vector<632x1xf32>
    %rsqrt3A = math.rsqrt %max3A_8 : vector<632x1xf32>
    %jit3A = arith.constant 0.000000e+00 : f64
    %convert_element_type3A = arith.truncf %jit3A : f64 to f32
    %broadcast_in_dim3A = vector.broadcast %convert_element_type3A : f32 to vector<632x1xf32>
    %select_n3A = arith.select %gt3A_6, %rsqrt3A, %broadcast_in_dim3A : vector<632x1xi1>, vector<632x1xf32>
    %get3A_9 = arith.constant 0 : index
    %get3A_10 = arith.constant 0 : index
    %get3A_11 = vector.load %arg1[%get3A_9, %get3A_10] : memref<632x256xf32, #tpu.memory_space<vmem>>, vector<632x256xf32>
    %mul3A = vector.broadcast %select_n3A : vector<632x1xf32> to vector<632x256xf32>
    %mul3A_12 = arith.mulf %get3A_11, %mul3A : vector<632x256xf32>
    %get3A_13 = arith.constant 0 : index
    %get3A_14 = arith.constant 0 : index
    %get3A_15 = vector.load %arg4[%get3A_13, %get3A_14] : memref<1x256xf32, #tpu.memory_space<vmem>>, vector<1x256xf32>
    %mul3A_16 = arith.constant 9.99999974E-5 : f32
    %mul3A_17 = vector.broadcast %mul3A_16 : f32 to vector<1x256xf32>
    %mul3A_18 = arith.mulf %get3A_15, %mul3A_17 : vector<1x256xf32>
    %get3A_19 = arith.constant 0 : index
    %get3A_20 = arith.constant 0 : index
    %get3A_21 = vector.load %arg5[%get3A_19, %get3A_20] : memref<1x256xf32, #tpu.memory_space<vmem>>, vector<1x256xf32>
    %mul3A_22 = arith.constant 9.99999974E-5 : f32
    %mul3A_23 = vector.broadcast %mul3A_22 : f32 to vector<1x256xf32>
    %mul3A_24 = arith.mulf %get3A_21, %mul3A_23 : vector<1x256xf32>
    %mul3A_25 = arith.mulf %mul3A_18, %mul3A_18 : vector<1x256xf32>
    %sub3A = arith.subf %mul3A_24, %mul3A_25 : vector<1x256xf32>
    %max3A_26 = arith.constant 0.000000e+00 : f32
    %max3A_27 = vector.broadcast %max3A_26 : f32 to vector<1x256xf32>
    %max3A_28 = arith.maximumf %sub3A, %max3A_27 : vector<1x256xf32>
    %sub3A_29 = vector.broadcast %mul3A_18 : vector<1x256xf32> to vector<632x256xf32>
    %sub3A_30 = arith.subf %mul3A_12, %sub3A_29 : vector<632x256xf32>
    %add3A_31 = arith.constant 9.99999974E-6 : f32
    %add3A_32 = vector.broadcast %add3A_31 : f32 to vector<1x256xf32>
    %add3A_33 = arith.addf %max3A_28, %add3A_32 : vector<1x256xf32>
    %rsqrt3A_34 = math.rsqrt %add3A_33 : vector<1x256xf32>
    %mul3A_35 = vector.broadcast %rsqrt3A_34 : vector<1x256xf32> to vector<632x256xf32>
    %mul3A_36 = arith.mulf %sub3A_30, %mul3A_35 : vector<632x256xf32>
    %get3A_37 = arith.constant 0 : index
    %get3A_38 = arith.constant 0 : index
    %get3A_39 = vector.load %arg6[%get3A_37, %get3A_38] : memref<1x256xf32, #tpu.memory_space<vmem>>, vector<1x256xf32>
    %mul3A_40 = vector.broadcast %get3A_39 : vector<1x256xf32> to vector<632x256xf32>
    %mul3A_41 = arith.mulf %mul3A_36, %mul3A_40 : vector<632x256xf32>
    %get3A_42 = arith.constant 0 : index
    %get3A_43 = arith.constant 0 : index
    %get3A_44 = vector.load %arg7[%get3A_42, %get3A_43] : memref<1x256xf32, #tpu.memory_space<vmem>>, vector<1x256xf32>
    %add3A_45 = vector.broadcast %get3A_44 : vector<1x256xf32> to vector<632x256xf32>
    %add3A_46 = arith.addf %mul3A_41, %add3A_45 : vector<632x256xf32>
    %ge3A = arith.constant 0.000000e+00 : f32
    %ge3A_47 = vector.broadcast %ge3A : f32 to vector<632x256xf32>
    %ge3A_48 = arith.cmpf oge, %add3A_46, %ge3A_47 : vector<632x256xf32>
    %get3A_49 = arith.constant 0 : index
    %get3A_50 = arith.constant 0 : index
    %get3A_51 = vector.load %arg8[%get3A_49, %get3A_50] : memref<1x1xf32, #tpu.memory_space<vmem>>, vector<1x1xf32>
    %mul3A_52 = vector.broadcast %get3A_51 : vector<1x1xf32> to vector<632x256xf32>
    %mul3A_53 = arith.mulf %mul3A_52, %add3A_46 : vector<632x256xf32>
    %select_n3A_54 = arith.select %ge3A_48, %add3A_46, %mul3A_53 : vector<632x256xi1>, vector<632x256xf32>
    %get3A_55 = arith.constant 0 : index
    %get3A_56 = arith.constant 0 : index
    %get3A_57 = vector.load %arg9[%get3A_55, %get3A_56] : memref<256x128xf32, #tpu.memory_space<vmem>>, vector<256x128xf32>
    %convert_element_type3A_58 = arith.truncf %select_n3A_54 : vector<632x256xf32> to vector<632x256xbf16>
    %convert_element_type3A_59 = arith.truncf %get3A_57 : vector<256x128xf32> to vector<256x128xbf16>
    %dot_general3A = arith.constant dense<0.000000e+00> : vector<632x128xf32>
    %dot_general3A_60 = tpu.matmul %convert_element_type3A_58, %convert_element_type3A_59, %dot_general3A {dimension_numbers = #tpu.dot_dimension_numbers<[1], [0], [0], [1], [0, 0, 1, 1], [], []>, transpose_lhs_hint = false} : vector<632x256xbf16>, vector<256x128xbf16>, vector<632x128xf32> -> vector<632x128xf32>
    %mul3A_61 = vector.broadcast %select_n3A : vector<632x1xf32> to vector<632x128xf32>
    %mul3A_62 = arith.mulf %dot_general3A_60, %mul3A_61 : vector<632x128xf32>
    %slice3A = vector.extract_strided_slice %mul3A_62 {offsets = [0, 0], sizes = [632, 64], strides = [1, 1]} : vector<632x128xf32> to vector<632x64xf32>
    %swap3A = arith.constant 0 : index
    %swap3A_63 = arith.constant 0 : index
    %swap3A_64 = vector.load %arg10[%swap3A, %swap3A_63] : memref<632x64xf32, #tpu.memory_space<vmem>>, vector<632x64xf32>
    tpu.vector_store %arg10[%swap3A, %swap3A_63], %slice3A {strides = array<i32>} : memref<632x64xf32, #tpu.memory_space<vmem>>, vector<632x64xf32>,
    %slice3A_65 = vector.extract_strided_slice %mul3A_62 {offsets = [0, 64], sizes = [632, 64], strides = [1, 1]} : vector<632x128xf32> to vector<632x64xf32>
    %swap3A_66 = arith.constant 0 : index
    %swap3A_67 = arith.constant 0 : index
    %swap3A_68 = vector.load %arg11[%swap3A_66, %swap3A_67] : memref<632x64xf32, #tpu.memory_space<vmem>>, vector<632x64xf32>
    tpu.vector_store %arg11[%swap3A_66, %swap3A_67], %slice3A_65 {strides = array<i32>} : memref<632x64xf32, #tpu.memory_space<vmem>>, vector<632x64xf32>,
    return
  }
  func.func @transform_0(%arg0: i32) -> (i32, i32) {
    %c0_i32 = arith.constant 0 : i32
    %c0_i32_0 = arith.constant 0 : i32
    return %arg0, %c0_i32 : i32, i32
  }
  func.func @transform_1(%arg0: i32) -> (i32, i32) {
    %c0_i32 = arith.constant 0 : i32
    %c0_i32_0 = arith.constant 0 : i32
    return %arg0, %c0_i32 : i32, i32
  }
  func.func @transform_2(%arg0: i32) -> (i32, i32) {
    %add3A = arith.constant 16 : i32
    %add3A_0 = arith.addi %arg0, %add3A : i32
    %c0_i32 = arith.constant 0 : i32
    %c0_i32_1 = arith.constant 0 : i32
    return %add3A_0, %c0_i32 : i32, i32
  }
  func.func @transform_3(%arg0: i32) -> (i32, i32) {
    %c0_i32 = arith.constant 0 : i32
    %c0_i32_0 = arith.constant 0 : i32
    %c0_i32_1 = arith.constant 0 : i32
    return %c0_i32, %c0_i32_0 : i32, i32
  }
  func.func @transform_4(%arg0: i32) -> (i32, i32) {
    %c0_i32 = arith.constant 0 : i32
    %c0_i32_0 = arith.constant 0 : i32
    %c0_i32_1 = arith.constant 0 : i32
    return %c0_i32, %c0_i32_0 : i32, i32
  }
  func.func @transform_5(%arg0: i32) -> (i32, i32) {
    %c0_i32 = arith.constant 0 : i32
    %c0_i32_0 = arith.constant 0 : i32
    %c0_i32_1 = arith.constant 0 : i32
    return %c0_i32, %c0_i32_0 : i32, i32
  }
  func.func @transform_6(%arg0: i32) -> (i32, i32) {
    %c0_i32 = arith.constant 0 : i32
    %c0_i32_0 = arith.constant 0 : i32
    %c0_i32_1 = arith.constant 0 : i32
    return %c0_i32, %c0_i32_0 : i32, i32
  }
  func.func @transform_7(%arg0: i32) -> (i32, i32) {
    %c0_i32 = arith.constant 0 : i32
    %c0_i32_0 = arith.constant 0 : i32
    %c0_i32_1 = arith.constant 0 : i32
    return %c0_i32, %c0_i32_0 : i32, i32
  }
  func.func @transform_8(%arg0: i32) -> (i32, i32) {
    %c0_i32 = arith.constant 0 : i32
    %c0_i32_0 = arith.constant 0 : i32
    %c0_i32_1 = arith.constant 0 : i32
    return %c0_i32, %c0_i32_0 : i32, i32
  }
  func.func @transform_9(%arg0: i32) -> (i32, i32) {
    %c0_i32 = arith.constant 0 : i32
    %c0_i32_0 = arith.constant 0 : i32
    return %arg0, %c0_i32 : i32, i32
  }
  func.func @transform_10(%arg0: i32) -> (i32, i32) {
    %c0_i32 = arith.constant 0 : i32
    %c0_i32_0 = arith.constant 0 : i32
    return %arg0, %c0_i32 : i32, i32
  }
}

module attributes {stable_mosaic.version = 14 : i64} {
  func.func @body(%arg0: i32, %arg1: memref<632x128xf32, #tpu.memory_space<vmem>>, %arg2: memref<632x1xf32, #tpu.memory_space<vmem>>, %arg3: memref<632x1xf32, #tpu.memory_space<vmem>>, %arg4: memref<1x128xf32, #tpu.memory_space<vmem>>, %arg5: memref<1x128xf32, #tpu.memory_space<vmem>>) attributes {dimension_semantics = [#tpu.dimension_semantics<arbitrary>], iteration_bounds = array<i64: 16>, scalar_prefetch = 0 : i64, scratch_operands = 0 : i64, tpu.core_type = #tpu.core_type<tc>, window_params = [{transform_indices = @transform_0, window_bounds = array<i64: 632, 128>}, {transform_indices = @transform_1, window_bounds = array<i64: 632, 1>}, {transform_indices = @transform_2, window_bounds = array<i64: 632, 1>}, {pipeline_mode = #tpu.pipeline_mode<synchronous>, transform_indices = @transform_3, window_bounds = array<i64: 1, 128>}, {pipeline_mode = #tpu.pipeline_mode<synchronous>, transform_indices = @transform_4, window_bounds = array<i64: 1, 128>}]} {
    %get3A = arith.constant 0 : index
    %get3A_0 = arith.constant 0 : index
    %get3A_1 = vector.load %arg2[%get3A, %get3A_0] : memref<632x1xf32, #tpu.memory_space<vmem>>, vector<632x1xf32>
    %get3A_2 = arith.constant 0 : index
    %get3A_3 = arith.constant 0 : index
    %get3A_4 = vector.load %arg3[%get3A_2, %get3A_3] : memref<632x1xf32, #tpu.memory_space<vmem>>, vector<632x1xf32>
    %add3A = arith.addf %get3A_1, %get3A_4 : vector<632x1xf32>
    %gt3A = arith.constant 0.000000e+00 : f32
    %gt3A_5 = vector.broadcast %gt3A : f32 to vector<632x1xf32>
    %gt3A_6 = arith.cmpf ogt, %add3A, %gt3A_5 : vector<632x1xf32>
    %max3A = arith.constant 9.99999996E-13 : f32
    %max3A_7 = vector.broadcast %max3A : f32 to vector<632x1xf32>
    %max3A_8 = arith.maximumf %add3A, %max3A_7 : vector<632x1xf32>
    %rsqrt3A = math.rsqrt %max3A_8 : vector<632x1xf32>
    %jit3A = arith.constant 0.000000e+00 : f64
    %convert_element_type3A = arith.truncf %jit3A : f64 to f32
    %broadcast_in_dim3A = vector.broadcast %convert_element_type3A : f32 to vector<632x1xf32>
    %select_n3A = arith.select %gt3A_6, %rsqrt3A, %broadcast_in_dim3A : vector<632x1xi1>, vector<632x1xf32>
    %get3A_9 = arith.constant 0 : index
    %get3A_10 = arith.constant 0 : index
    %get3A_11 = vector.load %arg1[%get3A_9, %get3A_10] : memref<632x128xf32, #tpu.memory_space<vmem>>, vector<632x128xf32>
    %mul3A = vector.broadcast %select_n3A : vector<632x1xf32> to vector<632x128xf32>
    %mul3A_12 = arith.mulf %get3A_11, %mul3A : vector<632x128xf32>
    %eq3A = arith.constant 0 : i32
    %eq3A_13 = arith.cmpi eq, %arg0, %eq3A : i32
    %convert_element_type3A_14 = arith.extui %eq3A_13 : i1 to i32
    %cond3A = arith.constant 0 : i32
    %cond3A_15 = arith.cmpi ne, %convert_element_type3A_14, %cond3A : i32
    scf.if %cond3A_15 {
      %broadcast_in_dim3A_35 = arith.constant 0.000000e+00 : f32
      %broadcast_in_dim3A_36 = vector.broadcast %broadcast_in_dim3A_35 : f32 to vector<1x128xf32>
      %swap3A_37 = arith.constant 0 : index
      %swap3A_38 = arith.constant 0 : index
      %swap3A_39 = vector.load %arg4[%swap3A_37, %swap3A_38] : memref<1x128xf32, #tpu.memory_space<vmem>>, vector<1x128xf32>
      tpu.vector_store %arg4[%swap3A_37, %swap3A_38], %broadcast_in_dim3A_36 {strides = array<i32>} : memref<1x128xf32, #tpu.memory_space<vmem>>, vector<1x128xf32>,
      %broadcast_in_dim3A_40 = arith.constant 0.000000e+00 : f32
      %broadcast_in_dim3A_41 = vector.broadcast %broadcast_in_dim3A_40 : f32 to vector<1x128xf32>
      %swap3A_42 = arith.constant 0 : index
      %swap3A_43 = arith.constant 0 : index
      %swap3A_44 = vector.load %arg5[%swap3A_42, %swap3A_43] : memref<1x128xf32, #tpu.memory_space<vmem>>, vector<1x128xf32>
      tpu.vector_store %arg5[%swap3A_42, %swap3A_43], %broadcast_in_dim3A_41 {strides = array<i32>} : memref<1x128xf32, #tpu.memory_space<vmem>>, vector<1x128xf32>,
    } else {
    }
    %get3A_16 = arith.constant 0 : index
    %get3A_17 = arith.constant 0 : index
    %get3A_18 = vector.load %arg4[%get3A_16, %get3A_17] : memref<1x128xf32, #tpu.memory_space<vmem>>, vector<1x128xf32>
    %reduce_sum3A = arith.constant dense<0.000000e+00> : vector<128xf32>
    %reduce_sum3A_19 = vector.multi_reduction <add>, %mul3A_12, %reduce_sum3A [0] : vector<632x128xf32> to vector<128xf32>
    %broadcast_in_dim3A_20 = vector.shape_cast %reduce_sum3A_19 : vector<128xf32> to vector<1x128xf32>
    %add3A_21 = arith.addf %get3A_18, %broadcast_in_dim3A_20 : vector<1x128xf32>
    %swap3A = arith.constant 0 : index
    %swap3A_22 = arith.constant 0 : index
    %swap3A_23 = vector.load %arg4[%swap3A, %swap3A_22] : memref<1x128xf32, #tpu.memory_space<vmem>>, vector<1x128xf32>
    tpu.vector_store %arg4[%swap3A, %swap3A_22], %add3A_21 {strides = array<i32>} : memref<1x128xf32, #tpu.memory_space<vmem>>, vector<1x128xf32>,
    %get3A_24 = arith.constant 0 : index
    %get3A_25 = arith.constant 0 : index
    %get3A_26 = vector.load %arg5[%get3A_24, %get3A_25] : memref<1x128xf32, #tpu.memory_space<vmem>>, vector<1x128xf32>
    %mul3A_27 = arith.mulf %mul3A_12, %mul3A_12 : vector<632x128xf32>
    %reduce_sum3A_28 = arith.constant dense<0.000000e+00> : vector<128xf32>
    %reduce_sum3A_29 = vector.multi_reduction <add>, %mul3A_27, %reduce_sum3A_28 [0] : vector<632x128xf32> to vector<128xf32>
    %broadcast_in_dim3A_30 = vector.shape_cast %reduce_sum3A_29 : vector<128xf32> to vector<1x128xf32>
    %add3A_31 = arith.addf %get3A_26, %broadcast_in_dim3A_30 : vector<1x128xf32>
    %swap3A_32 = arith.constant 0 : index
    %swap3A_33 = arith.constant 0 : index
    %swap3A_34 = vector.load %arg5[%swap3A_32, %swap3A_33] : memref<1x128xf32, #tpu.memory_space<vmem>>, vector<1x128xf32>
    tpu.vector_store %arg5[%swap3A_32, %swap3A_33], %add3A_31 {strides = array<i32>} : memref<1x128xf32, #tpu.memory_space<vmem>>, vector<1x128xf32>,
    return
  }
  func.func @transform_0(%arg0: i32) -> (i32, i32) {
    %c0_i32 = arith.constant 0 : i32
    %c0_i32_0 = arith.constant 0 : i32
    return %arg0, %c0_i32 : i32, i32
  }
  func.func @transform_1(%arg0: i32) -> (i32, i32) {
    %c0_i32 = arith.constant 0 : i32
    %c0_i32_0 = arith.constant 0 : i32
    return %arg0, %c0_i32 : i32, i32
  }
  func.func @transform_2(%arg0: i32) -> (i32, i32) {
    %add3A = arith.constant 16 : i32
    %add3A_0 = arith.addi %arg0, %add3A : i32
    %c0_i32 = arith.constant 0 : i32
    %c0_i32_1 = arith.constant 0 : i32
    return %add3A_0, %c0_i32 : i32, i32
  }
  func.func @transform_3(%arg0: i32) -> (i32, i32) {
    %c0_i32 = arith.constant 0 : i32
    %c0_i32_0 = arith.constant 0 : i32
    %c0_i32_1 = arith.constant 0 : i32
    return %c0_i32, %c0_i32_0 : i32, i32
  }
  func.func @transform_4(%arg0: i32) -> (i32, i32) {
    %c0_i32 = arith.constant 0 : i32
    %c0_i32_0 = arith.constant 0 : i32
    %c0_i32_1 = arith.constant 0 : i32
    return %c0_i32, %c0_i32_0 : i32, i32
  }
}

module attributes {stable_mosaic.version = 14 : i64} {
  func.func @_tc3_body(%arg0: i32, %arg1: memref<632x128xf32, #tpu.memory_space<vmem>>, %arg2: memref<632x1xf32, #tpu.memory_space<vmem>>, %arg3: memref<632x1xf32, #tpu.memory_space<vmem>>, %arg4: memref<1x128xf32, #tpu.memory_space<vmem>>, %arg5: memref<1x128xf32, #tpu.memory_space<vmem>>, %arg6: memref<1x128xf32, #tpu.memory_space<vmem>>, %arg7: memref<1x128xf32, #tpu.memory_space<vmem>>, %arg8: memref<1x1xf32, #tpu.memory_space<vmem>>, %arg9: memref<128x128xf32, #tpu.memory_space<vmem>>, %arg10: memref<1x128xf32, #tpu.memory_space<vmem>>, %arg11: memref<128x40xf32, #tpu.memory_space<vmem>>, %arg12: memref<1x40xf32, #tpu.memory_space<vmem>>, %arg13: memref<632x128xf32, #tpu.memory_space<vmem>>, %arg14: memref<632x40xf32, #tpu.memory_space<vmem>>, %arg15: memref<632x1xi32, #tpu.memory_space<vmem>>) attributes {dimension_semantics = [#tpu.dimension_semantics<arbitrary>], iteration_bounds = array<i64: 16>, scalar_prefetch = 0 : i64, scratch_operands = 0 : i64, tpu.core_type = #tpu.core_type<tc>, window_params = [{transform_indices = @transform_0, window_bounds = array<i64: 632, 128>}, {transform_indices = @transform_1, window_bounds = array<i64: 632, 1>}, {transform_indices = @transform_2, window_bounds = array<i64: 632, 1>}, {pipeline_mode = #tpu.pipeline_mode<synchronous>, transform_indices = @transform_3, window_bounds = array<i64: 1, 128>}, {pipeline_mode = #tpu.pipeline_mode<synchronous>, transform_indices = @transform_4, window_bounds = array<i64: 1, 128>}, {pipeline_mode = #tpu.pipeline_mode<synchronous>, transform_indices = @transform_5, window_bounds = array<i64: 1, 128>}, {pipeline_mode = #tpu.pipeline_mode<synchronous>, transform_indices = @transform_6, window_bounds = array<i64: 1, 128>}, {pipeline_mode = #tpu.pipeline_mode<synchronous>, transform_indices = @transform_7, window_bounds = array<i64: 1, 1>}, {pipeline_mode = #tpu.pipeline_mode<synchronous>, transform_indices = @transform_8, window_bounds = array<i64: 128, 128>}, {pipeline_mode = #tpu.pipeline_mode<synchronous>, transform_indices = @transform_9, window_bounds = array<i64: 1, 128>}, {pipeline_mode = #tpu.pipeline_mode<synchronous>, transform_indices = @transform_10, window_bounds = array<i64: 128, 40>}, {pipeline_mode = #tpu.pipeline_mode<synchronous>, transform_indices = @transform_11, window_bounds = array<i64: 1, 40>}, {transform_indices = @transform_12, window_bounds = array<i64: 632, 128>}, {transform_indices = @transform_13, window_bounds = array<i64: 632, 40>}, {transform_indices = @transform_14, window_bounds = array<i64: 632, 1>}]} {
    %get3A = arith.constant 0 : index
    %get3A_0 = arith.constant 0 : index
    %get3A_1 = vector.load %arg2[%get3A, %get3A_0] : memref<632x1xf32, #tpu.memory_space<vmem>>, vector<632x1xf32>
    %get3A_2 = arith.constant 0 : index
    %get3A_3 = arith.constant 0 : index
    %get3A_4 = vector.load %arg3[%get3A_2, %get3A_3] : memref<632x1xf32, #tpu.memory_space<vmem>>, vector<632x1xf32>
    %add3A = arith.addf %get3A_1, %get3A_4 : vector<632x1xf32>
    %gt3A = arith.constant 0.000000e+00 : f32
    %gt3A_5 = vector.broadcast %gt3A : f32 to vector<632x1xf32>
    %gt3A_6 = arith.cmpf ogt, %add3A, %gt3A_5 : vector<632x1xf32>
    %max3A = arith.constant 9.99999996E-13 : f32
    %max3A_7 = vector.broadcast %max3A : f32 to vector<632x1xf32>
    %max3A_8 = arith.maximumf %add3A, %max3A_7 : vector<632x1xf32>
    %rsqrt3A = math.rsqrt %max3A_8 : vector<632x1xf32>
    %jit3A = arith.constant 0.000000e+00 : f64
    %convert_element_type3A = arith.truncf %jit3A : f64 to f32
    %broadcast_in_dim3A = vector.broadcast %convert_element_type3A : f32 to vector<632x1xf32>
    %select_n3A = arith.select %gt3A_6, %rsqrt3A, %broadcast_in_dim3A : vector<632x1xi1>, vector<632x1xf32>
    %get3A_9 = arith.constant 0 : index
    %get3A_10 = arith.constant 0 : index
    %get3A_11 = vector.load %arg1[%get3A_9, %get3A_10] : memref<632x128xf32, #tpu.memory_space<vmem>>, vector<632x128xf32>
    %mul3A = vector.broadcast %select_n3A : vector<632x1xf32> to vector<632x128xf32>
    %mul3A_12 = arith.mulf %get3A_11, %mul3A : vector<632x128xf32>
    %get3A_13 = arith.constant 0 : index
    %get3A_14 = arith.constant 0 : index
    %get3A_15 = vector.load %arg4[%get3A_13, %get3A_14] : memref<1x128xf32, #tpu.memory_space<vmem>>, vector<1x128xf32>
    %mul3A_16 = arith.constant 9.99999974E-5 : f32
    %mul3A_17 = vector.broadcast %mul3A_16 : f32 to vector<1x128xf32>
    %mul3A_18 = arith.mulf %get3A_15, %mul3A_17 : vector<1x128xf32>
    %get3A_19 = arith.constant 0 : index
    %get3A_20 = arith.constant 0 : index
    %get3A_21 = vector.load %arg5[%get3A_19, %get3A_20] : memref<1x128xf32, #tpu.memory_space<vmem>>, vector<1x128xf32>
    %mul3A_22 = arith.constant 9.99999974E-5 : f32
    %mul3A_23 = vector.broadcast %mul3A_22 : f32 to vector<1x128xf32>
    %mul3A_24 = arith.mulf %get3A_21, %mul3A_23 : vector<1x128xf32>
    %mul3A_25 = arith.mulf %mul3A_18, %mul3A_18 : vector<1x128xf32>
    %sub3A = arith.subf %mul3A_24, %mul3A_25 : vector<1x128xf32>
    %max3A_26 = arith.constant 0.000000e+00 : f32
    %max3A_27 = vector.broadcast %max3A_26 : f32 to vector<1x128xf32>
    %max3A_28 = arith.maximumf %sub3A, %max3A_27 : vector<1x128xf32>
    %sub3A_29 = vector.broadcast %mul3A_18 : vector<1x128xf32> to vector<632x128xf32>
    %sub3A_30 = arith.subf %mul3A_12, %sub3A_29 : vector<632x128xf32>
    %add3A_31 = arith.constant 9.99999974E-6 : f32
    %add3A_32 = vector.broadcast %add3A_31 : f32 to vector<1x128xf32>
    %add3A_33 = arith.addf %max3A_28, %add3A_32 : vector<1x128xf32>
    %rsqrt3A_34 = math.rsqrt %add3A_33 : vector<1x128xf32>
    %mul3A_35 = vector.broadcast %rsqrt3A_34 : vector<1x128xf32> to vector<632x128xf32>
    %mul3A_36 = arith.mulf %sub3A_30, %mul3A_35 : vector<632x128xf32>
    %get3A_37 = arith.constant 0 : index
    %get3A_38 = arith.constant 0 : index
    %get3A_39 = vector.load %arg6[%get3A_37, %get3A_38] : memref<1x128xf32, #tpu.memory_space<vmem>>, vector<1x128xf32>
    %mul3A_40 = vector.broadcast %get3A_39 : vector<1x128xf32> to vector<632x128xf32>
    %mul3A_41 = arith.mulf %mul3A_36, %mul3A_40 : vector<632x128xf32>
    %get3A_42 = arith.constant 0 : index
    %get3A_43 = arith.constant 0 : index
    %get3A_44 = vector.load %arg7[%get3A_42, %get3A_43] : memref<1x128xf32, #tpu.memory_space<vmem>>, vector<1x128xf32>
    %add3A_45 = vector.broadcast %get3A_44 : vector<1x128xf32> to vector<632x128xf32>
    %add3A_46 = arith.addf %mul3A_41, %add3A_45 : vector<632x128xf32>
    %ge3A = arith.constant 0.000000e+00 : f32
    %ge3A_47 = vector.broadcast %ge3A : f32 to vector<632x128xf32>
    %ge3A_48 = arith.cmpf oge, %add3A_46, %ge3A_47 : vector<632x128xf32>
    %get3A_49 = arith.constant 0 : index
    %get3A_50 = arith.constant 0 : index
    %get3A_51 = vector.load %arg8[%get3A_49, %get3A_50] : memref<1x1xf32, #tpu.memory_space<vmem>>, vector<1x1xf32>
    %mul3A_52 = vector.broadcast %get3A_51 : vector<1x1xf32> to vector<632x128xf32>
    %mul3A_53 = arith.mulf %mul3A_52, %add3A_46 : vector<632x128xf32>
    %select_n3A_54 = arith.select %ge3A_48, %add3A_46, %mul3A_53 : vector<632x128xi1>, vector<632x128xf32>
    %swap3A = arith.constant 0 : index
    %swap3A_55 = arith.constant 0 : index
    %swap3A_56 = vector.load %arg13[%swap3A, %swap3A_55] : memref<632x128xf32, #tpu.memory_space<vmem>>, vector<632x128xf32>
    tpu.vector_store %arg13[%swap3A, %swap3A_55], %select_n3A_54 {strides = array<i32>} : memref<632x128xf32, #tpu.memory_space<vmem>>, vector<632x128xf32>,
    %get3A_57 = arith.constant 0 : index
    %get3A_58 = arith.constant 0 : index
    %get3A_59 = vector.load %arg9[%get3A_57, %get3A_58] : memref<128x128xf32, #tpu.memory_space<vmem>>, vector<128x128xf32>
    %convert_element_type3A_60 = arith.truncf %select_n3A_54 : vector<632x128xf32> to vector<632x128xbf16>
    %convert_element_type3A_61 = arith.truncf %get3A_59 : vector<128x128xf32> to vector<128x128xbf16>
    %dot_general3A = arith.constant dense<0.000000e+00> : vector<632x128xf32>
    %dot_general3A_62 = tpu.matmul %convert_element_type3A_60, %convert_element_type3A_61, %dot_general3A {dimension_numbers = #tpu.dot_dimension_numbers<[1], [0], [0], [1], [0, 0, 1, 1], [], []>, transpose_lhs_hint = false} : vector<632x128xbf16>, vector<128x128xbf16>, vector<632x128xf32> -> vector<632x128xf32>
    %get3A_63 = arith.constant 0 : index
    %get3A_64 = arith.constant 0 : index
    %get3A_65 = vector.load %arg10[%get3A_63, %get3A_64] : memref<1x128xf32, #tpu.memory_space<vmem>>, vector<1x128xf32>
    %add3A_66 = vector.broadcast %get3A_65 : vector<1x128xf32> to vector<632x128xf32>
    %add3A_67 = arith.addf %dot_general3A_62, %add3A_66 : vector<632x128xf32>
    %max3A_68 = arith.constant 0.000000e+00 : f32
    %max3A_69 = vector.broadcast %max3A_68 : f32 to vector<632x128xf32>
    %max3A_70 = arith.maximumf %add3A_67, %max3A_69 : vector<632x128xf32>
    %get3A_71 = arith.constant 0 : index
    %get3A_72 = arith.constant 0 : index
    %get3A_73 = vector.load %arg11[%get3A_71, %get3A_72] : memref<128x40xf32, #tpu.memory_space<vmem>>, vector<128x40xf32>
    %convert_element_type3A_74 = arith.truncf %max3A_70 : vector<632x128xf32> to vector<632x128xbf16>
    %convert_element_type3A_75 = arith.truncf %get3A_73 : vector<128x40xf32> to vector<128x40xbf16>
    %dot_general3A_76 = arith.constant dense<0.000000e+00> : vector<632x40xf32>
    %dot_general3A_77 = tpu.matmul %convert_element_type3A_74, %convert_element_type3A_75, %dot_general3A_76 {dimension_numbers = #tpu.dot_dimension_numbers<[1], [0], [0], [1], [0, 0, 1, 1], [], []>, transpose_lhs_hint = false} : vector<632x128xbf16>, vector<128x40xbf16>, vector<632x40xf32> -> vector<632x40xf32>
    %get3A_78 = arith.constant 0 : index
    %get3A_79 = arith.constant 0 : index
    %get3A_80 = vector.load %arg12[%get3A_78, %get3A_79] : memref<1x40xf32, #tpu.memory_space<vmem>>, vector<1x40xf32>
    %add3A_81 = vector.broadcast %get3A_80 : vector<1x40xf32> to vector<632x40xf32>
    %add3A_82 = arith.addf %dot_general3A_77, %add3A_81 : vector<632x40xf32>
    %swap3A_83 = arith.constant 0 : index
    %swap3A_84 = arith.constant 0 : index
    %swap3A_85 = vector.load %arg14[%swap3A_83, %swap3A_84] : memref<632x40xf32, #tpu.memory_space<vmem>>, vector<632x40xf32>
    tpu.vector_store %arg14[%swap3A_83, %swap3A_84], %add3A_82 {strides = array<i32>} : memref<632x40xf32, #tpu.memory_space<vmem>>, vector<632x40xf32>,
    %reduce_max3A = arith.constant dense<0xFF800000> : vector<632xf32>
    %reduce_max3A_86 = vector.multi_reduction <maximumf>, %add3A_82, %reduce_max3A [1] : vector<632x40xf32> to vector<632xf32>
    %broadcast_in_dim3A_87 = vector.shape_cast %reduce_max3A_86 : vector<632xf32> to vector<632x1xf32>
    %iota3A = tpu.iota {dimensions = array<i32: 1>} : vector<632x40xi32>
    %eq3A = vector.broadcast %broadcast_in_dim3A_87 : vector<632x1xf32> to vector<632x40xf32>
    %eq3A_88 = arith.cmpf oeq, %add3A_82, %eq3A : vector<632x40xf32>
    %jit3A_89 = arith.constant 40 : i32
    %broadcast_in_dim3A_90 = vector.broadcast %jit3A_89 : i32 to vector<632x40xi32>
    %select_n3A_91 = arith.select %eq3A_88, %iota3A, %broadcast_in_dim3A_90 : vector<632x40xi1>, vector<632x40xi32>
    %reduce_min3A = arith.constant dense<2147483647> : vector<632xi32>
    %reduce_min3A_92 = vector.multi_reduction <minsi>, %select_n3A_91, %reduce_min3A [1] : vector<632x40xi32> to vector<632xi32>
    %broadcast_in_dim3A_93 = vector.shape_cast %reduce_min3A_92 : vector<632xi32> to vector<632x1xi32>
    %swap3A_94 = arith.constant 0 : index
    %swap3A_95 = arith.constant 0 : index
    %swap3A_96 = vector.load %arg15[%swap3A_94, %swap3A_95] : memref<632x1xi32, #tpu.memory_space<vmem>>, vector<632x1xi32>
    tpu.vector_store %arg15[%swap3A_94, %swap3A_95], %broadcast_in_dim3A_93 {strides = array<i32>} : memref<632x1xi32, #tpu.memory_space<vmem>>, vector<632x1xi32>,
    return
  }
  func.func @transform_0(%arg0: i32) -> (i32, i32) {
    %c0_i32 = arith.constant 0 : i32
    %c0_i32_0 = arith.constant 0 : i32
    return %arg0, %c0_i32 : i32, i32
  }
  func.func @transform_1(%arg0: i32) -> (i32, i32) {
    %c0_i32 = arith.constant 0 : i32
    %c0_i32_0 = arith.constant 0 : i32
    return %arg0, %c0_i32 : i32, i32
  }
  func.func @transform_2(%arg0: i32) -> (i32, i32) {
    %add3A = arith.constant 16 : i32
    %add3A_0 = arith.addi %arg0, %add3A : i32
    %c0_i32 = arith.constant 0 : i32
    %c0_i32_1 = arith.constant 0 : i32
    return %add3A_0, %c0_i32 : i32, i32
  }
  func.func @transform_3(%arg0: i32) -> (i32, i32) {
    %c0_i32 = arith.constant 0 : i32
    %c0_i32_0 = arith.constant 0 : i32
    %c0_i32_1 = arith.constant 0 : i32
    return %c0_i32, %c0_i32_0 : i32, i32
  }
  func.func @transform_4(%arg0: i32) -> (i32, i32) {
    %c0_i32 = arith.constant 0 : i32
    %c0_i32_0 = arith.constant 0 : i32
    %c0_i32_1 = arith.constant 0 : i32
    return %c0_i32, %c0_i32_0 : i32, i32
  }
  func.func @transform_5(%arg0: i32) -> (i32, i32) {
    %c0_i32 = arith.constant 0 : i32
    %c0_i32_0 = arith.constant 0 : i32
    %c0_i32_1 = arith.constant 0 : i32
    return %c0_i32, %c0_i32_0 : i32, i32
  }
  func.func @transform_6(%arg0: i32) -> (i32, i32) {
    %c0_i32 = arith.constant 0 : i32
    %c0_i32_0 = arith.constant 0 : i32
    %c0_i32_1 = arith.constant 0 : i32
    return %c0_i32, %c0_i32_0 : i32, i32
  }
  func.func @transform_7(%arg0: i32) -> (i32, i32) {
    %c0_i32 = arith.constant 0 : i32
    %c0_i32_0 = arith.constant 0 : i32
    %c0_i32_1 = arith.constant 0 : i32
    return %c0_i32, %c0_i32_0 : i32, i32
  }
  func.func @transform_8(%arg0: i32) -> (i32, i32) {
    %c0_i32 = arith.constant 0 : i32
    %c0_i32_0 = arith.constant 0 : i32
    %c0_i32_1 = arith.constant 0 : i32
    return %c0_i32, %c0_i32_0 : i32, i32
  }
  func.func @transform_9(%arg0: i32) -> (i32, i32) {
    %c0_i32 = arith.constant 0 : i32
    %c0_i32_0 = arith.constant 0 : i32
    %c0_i32_1 = arith.constant 0 : i32
    return %c0_i32, %c0_i32_0 : i32, i32
  }
  func.func @transform_10(%arg0: i32) -> (i32, i32) {
    %c0_i32 = arith.constant 0 : i32
    %c0_i32_0 = arith.constant 0 : i32
    %c0_i32_1 = arith.constant 0 : i32
    return %c0_i32, %c0_i32_0 : i32, i32
  }
  func.func @transform_11(%arg0: i32) -> (i32, i32) {
    %c0_i32 = arith.constant 0 : i32
    %c0_i32_0 = arith.constant 0 : i32
    %c0_i32_1 = arith.constant 0 : i32
    return %c0_i32, %c0_i32_0 : i32, i32
  }
  func.func @transform_12(%arg0: i32) -> (i32, i32) {
    %c0_i32 = arith.constant 0 : i32
    %c0_i32_0 = arith.constant 0 : i32
    return %arg0, %c0_i32 : i32, i32
  }
  func.func @transform_13(%arg0: i32) -> (i32, i32) {
    %c0_i32 = arith.constant 0 : i32
    %c0_i32_0 = arith.constant 0 : i32
    return %arg0, %c0_i32 : i32, i32
  }
  func.func @transform_14(%arg0: i32) -> (i32, i32) {
    %c0_i32 = arith.constant 0 : i32
    %c0_i32_0 = arith.constant 0 : i32
    return %arg0, %c0_i32 : i32, i32
  }
}

</mosaic_0001>

<sc_bundles>
// kernel: kernel.10.cloned.1.call-start
scs
__scs_entry_jumppad:
0x0: {  	(pc) =	sbr.rel $0x88, $3  }
0x1: {  	(tag) =	ssettag $0x0;
	lr =	simm.s32 $0x1  }
0x2: {  	[smem:$0x3F93] =	sst lr;
	_ =	strace $0xD0000000  }
0x3: {  	_ = 	snop  }
0x4: {  	_ = 	snop  }
0x5: {  	_ = 	snop  }
0x6: {  	_ = 	snop  }
0x7: {  	_ = 	snop  }
__scs_overlays_trampoline_lowered:
0x8: {  	[smem:$0x3FA2] =	sst s0  }
0x9: {  	[smem:$0x3FA3] =	sst s1  }
0xa: {  	[smem:$0x3FA4] =	sst s2  }
0xb: {  	[smem:$0x3FA5] =	sst s3  }
0xc: {  	[smem:$0x3FA6] =	sst s4  }
0xd: {  	[smem:$0x3FA7] =	sst s5  }
0xe: {  	[smem:$0x3FA8] =	sst s6  }
0xf: {  	[smem:$0x3FA9] =	sst s7  }
0x10: {  	[smem:$0x3FAA] =	sst s8  }
0x11: {  	[smem:$0x3FAB] =	sst s9;
	s0 =	simm.s32 @!p0 $0x0  }
0x12: {  	s1 =	sld [smem:$0x3F91];
	s0 =	simm.s32 @p0 $0x1  }
0x13: {  	[smem:$0x3FAC] =	sst s0;
	s0 =	simm.s32 @!p1 $0x0  }
0x14: {  	s2 =	sld [smem:$0x3F90];
	s0 =	simm.s32 @p1 $0x1  }
0x15: {  	[smem:$0x3FAD] =	sst s0;
	s0 =	simm.s32 @!p2 $0x0  }
0x16: {  	s3 =	sld [smem:$0x3FDB];
	s0 =	simm.s32 @p2 $0x1  }
0x17: {  	s4 =	simm.s32 $0x1BF5;
	[smem:$0x3FAF] =	sst s0  }
0x18: {  	s0 =	sld [smem:$0x3F92];
	_ =	swait.ge [sflag:s4], $0x0  }
0x19: {  	s7 =	sld [smem:$0x3F93]  }
0x1a: {  	s8 =	sadd.s32 $0xFFFFE003, lr  }
0x1b: {  	s9 =	sadd.s32 $0xFFFFFEF7, lr;
	s5 =	simm.s32 $0xFFFFFFFF;
	p2 =	slt.u32 s8, $0xFFFFF086  }
0x1c: {  	p1 =	slt.u32 s9, $0xF7A;
	s5 =	simm.s32 @!p2 $0x0  }
0x1d: {  	s5 =	simm.s32 @p1 $0x1;
	p0 =	seq.s32 s7, s2  }
0x1e: {  	s7 =	smul.u32 @!p0 $0xF7A, s2;
	p2 =	seq.s32 @!p0 s5, $0x0  }
0x1f: {  	s9 =	smul.u32 $0xF7A, s1;
	s8 =	simm.s32 @!p0 $0x1BF5;
	p2 =	por !p2, p0  }
0x20: {  	[sflag:s8] =	ssyncset.s32 @!p0 $0xFFFFF086;
	s6 =	sadd.s32 @!p0 s3, s7;
	s7 =	simm.s32 @!p0 $0x108  }
0x21: {  	s3 =	sadd.s32 s3, s9;
	s6 =	sadd.s32 @!p0 $0x88, s6;
	s7 =	simm.s32 @p2 $0x1082  }
0x22: {  	[simem:s7], [sflag:s8] =	dma.local @!p0 [hbm:s6], $0xF7A  }
0x23: {  	s9 =	sor.u32 $0xD0000000, s2;
	s6 =	simm.s32 $0x108;
	_ =	swait.ge @!p0 [sflag:s8], $0x0  }
0x24: {  	s3 =	sadd.s32 $0x88, s3;
	s6 =	simm.s32 @!p1 $0x1082;
	[sflag:s4] =	ssyncset.s32 $0xFFFFF086  }
0x25: {  	[simem:s6], [sflag:s4] =	dma.local [hbm:s3], $0xF7A  }
0x26: {  	[smem:$0x3F93] =	sst s1;
	(tag) =	ssettag s2;
	_ =	strace s9  }
0x27: {  	s1 =	sld [smem:$0x3FA3]  }
0x28: {  	s2 =	sld [smem:$0x3FA4]  }
0x29: {  	s4 =	sld [smem:$0x3FA6]  }
0x2a: {  	p0 =	seq.s32 s5, $0x0;
	s5 =	sld [smem:$0x3FA7]  }
0x2b: {  	s6 =	sld [smem:$0x3FA8]  }
0x2c: {  	s7 =	sld [smem:$0x3FA9]  }
0x2d: {  	s3 =	simm.s32 $0x108;
	s8 =	sld [smem:$0x3FAA]  }
0x2e: {  	s3 =	simm.s32 @!p0 $0x1082;
	s9 =	sld [smem:$0x3FAB]  }
0x2f: {  	lr =	sadd.s32 s0, s3;
	s0 =	sld [smem:$0x3FA2]  }
0x30: {  	s3 =	sld [smem:$0x3FA5]  }
0x31: {  	[smem:$0x3FAE] =	sst s10  }
0x32: {  	s10 =	sld [smem:$0x3FAC];
	_ =	sdelay $0x3  }
0x33: {  	p0 =	seq.s32 s10, $0x1;
	s10 =	sld [smem:$0x3FAE];
	_ =	sdelay $0x3  }
0x34: {  	[smem:$0x3FAE] =	sst s10  }
0x35: {  	s10 =	sld [smem:$0x3FAD];
	_ =	sdelay $0x3  }
0x36: {  	p1 =	seq.s32 s10, $0x1;
	s10 =	sld [smem:$0x3FAE];
	_ =	sdelay $0x3  }
0x37: {  	[smem:$0x3FAE] =	sst s10  }
0x38: {  	s10 =	sld [smem:$0x3FAF]  }
0x39: {  	_ = 	snop;
	(pc) =	sbr.ind lr, $3  }
0x3a: {  	_ = 	snop  }
0x3b: {  	_ = 	snop  }
0x3c: {  	p2 =	seq.s32 s10, $0x1;
	s10 =	sld [smem:$0x3FAE]  }
0x3d: {  	_ =	shalt  }
0x3e: {  	_ =	shalt  }
0x3f: {  	_ =	shalt  }
0x40: {  	_ =	shalt  }
0x41: {  	_ =	shalt  }
0x42: {  	_ =	shalt  }
0x43: {  	_ =	shalt  }
0x44: {  	_ =	shalt  }
0x45: {  	_ =	shalt  }
0x46: {  	_ =	shalt  }
0x47: {  	_ =	shalt  }
0x48: {  	_ =	shalt  }
0x49: {  	_ =	shalt  }
0x4a: {  	_ =	shalt  }
0x4b: {  	_ =	shalt  }
0x4c: {  	_ =	shalt  }
0x4d: {  	_ =	shalt  }
0x4e: {  	_ =	shalt  }
0x4f: {  	_ =	shalt  }
0x50: {  	_ =	shalt  }
0x51: {  	_ =	shalt  }
0x52: {  	_ =	shalt  }
0x53: {  	_ =	shalt  }
0x54: {  	_ =	shalt  }
0x55: {  	_ =	shalt  }
0x56: {  	_ =	shalt  }
0x57: {  	_ =	shalt  }
0x58: {  	_ =	shalt  }
0x59: {  	_ =	shalt  }
0x5a: {  	_ =	shalt  }
0x5b: {  	_ =	shalt  }
0x5c: {  	_ =	shalt  }
0x5d: {  	_ =	shalt  }
0x5e: {  	_ =	shalt  }
0x5f: {  	_ =	shalt  }
0x60: {  	_ =	shalt  }
0x61: {  	_ =	shalt  }
0x62: {  	_ =	shalt  }
0x63: {  	_ =	shalt  }
0x64: {  	_ =	shalt  }
0x65: {  	_ =	shalt  }
0x66: {  	_ =	shalt  }
0x67: {  	_ =	shalt  }
0x68: {  	_ =	shalt  }
0x69: {  	_ =	shalt  }
0x6a: {  	_ =	shalt  }
0x6b: {  	_ =	shalt  }
0x6c: {  	_ =	shalt  }
0x6d: {  	_ =	shalt  }
0x6e: {  	_ =	shalt  }
0x6f: {  	_ =	shalt  }
0x70: {  	_ =	shalt  }
0x71: {  	_ =	shalt  }
0x72: {  	_ =	shalt  }
0x73: {  	_ =	shalt  }
0x74: {  	_ =	shalt  }
0x75: {  	_ =	shalt  }
0x76: {  	_ =	shalt  }
0x77: {  	_ =	shalt  }
0x78: {  	_ =	shalt  }
0x79: {  	_ =	shalt  }
0x7a: {  	_ =	shalt  }
0x7b: {  	_ =	shalt  }
0x7c: {  	_ =	shalt  }
0x7d: {  	_ =	shalt  }
0x7e: {  	_ =	shalt  }
0x7f: {  	_ =	shalt  }
0x80: {  	_ =	shalt  }
0x81: {  	_ =	shalt  }
0x82: {  	_ =	shalt  }
0x83: {  	_ =	shalt  }
0x84: {  	_ =	shalt  }
0x85: {  	_ =	shalt  }
0x86: {  	_ =	shalt  }
0x87: {  	_ =	shalt  }
.Lfunc_end0:
.L_simem_size_0:
called_computation_lowered:
.L_overlay_start_0:
0x88: {  	s2 =	sld [smem:$0x3FD9]  }
0x89: {  	s3 =	sld [smem:$0x3FFE];
	_ =	sdelay $0x1  }
0x8a: {  	s1 =	srdreg.scid  }
0x8b: {  	s0 =	sand.u32 $0x1, s1  }
0x8c: {  	s14 =	sshll.u32 s0, $0xA;
	s2 =	sadd.s32 s3, s2  }
0x8d: {  	s2 =	sadd.s32 s2, s14  }
0x8e: {  	[smem:$0x3FBA] =	sst s2  }
0x8f: {  	_ = 	snop  }
0x90: {  	s2 =	sld [smem:$0x3FD0];
	_ =	sdelay $0x2  }
0x91: {  	s15 =	simm.s32 $0xA;
	s4 =	simm.s32 $0x10  }
0x92: {  	[smem:s4], [sflag:s15] =	dma.local [hbm:s2], $0x1  }
0x93: {  	_ =	swait.eq [sflag:s15], $0x1  }
0x94: {  	[sflag:s15] =	ssyncset.done $0x0  }
0x95: {  	s16 =	sld [smem:$0x11];
	[sflag:s15] =	ssyncadd.s32 $0xFFFFFFFF  }
0x96: {  	s17 =	sld [smem:$0x12];
	(tm) =	ssettm $0x1  }
0x97: {  	s18 =	sld [smem:$0x3FFB];
	_ =	sdelay $0x3  }
0x98: {  	_ =	strace s18  }
0x99: {  	s4 =	sld [smem:$0x3FFC];
	_ =	sdelay $0x3  }
0x9a: {  	_ =	strace s4  }
0x9b: {  	s4 =	sld [smem:$0x3FFD];
	_ =	sdelay $0x3  }
0x9c: {  	_ =	strace s4  }
0x9d: {  	_ =	strace $0x8FFFFFFF  }
0x9e: {  	s19 =	sld [smem:$0x3FDB];
	_ =	sdelay $0x1  }
0x9f: {  	s5 =	simm.s32 $_scs_section_size  }
0xa0: {  	s6 =	simm.s32 $_size__tile_overlayer_lowered;
	s7 =	simm.s32 $_tile_overlayer_lowered  }
0xa1: {  	s22 =	simm.s32 $0x1BFF;
	s21 =	sshll.u32 s7, $0x1;
	s4 =	sadd.s32 s5, s19  }
0xa2: {  	s8 =	simm.s32 $0x0;
	s20 =	sshll.u32 s6, $0x1;
	s6 =	sadd.s32 s21, s4  }
0xa3: {  	[timem:s8], [sflag:s22] =	dma.local [hbm:s6], s20  }
0xa4: {  	_ =	swait.ge [sflag:s22], s20  }
0xa5: {  	s5 =	ssub.s32 $0x0, s20;
	[sflag:s22] =	ssyncset.done $0x0  }
0xa6: {  	[sflag:s22] =	ssyncadd.s32 s5;
	_ =	sdelay $0x1  }
0xa7: {  	s23 =	simm.s32 $0x1B8B  }
0xa8: {  	_ =	swait.ge [sflag:s23], $0x1  }
0xa9: {  	[sflag:s23] =	ssyncset.done $0x0  }
0xaa: {  	s25 =	simm.s32 $0x1B8E;
	s24 =	sld [smem:$0x3FFE];
	[sflag:s23] =	ssyncadd.s32 $0xFFFFFFFF  }
0xab: {  	s26 =	simm.s32 $execute0_lowered;
	[smem:$0x3FD2] =	sst s25  }
0xac: {  	s6 =	sshll.u32 s26, $0x1;
	_ =	strace $0x80000046;
	[dreg:$0x1] =	wrdreg $0xFFFFFFFF  }
0xad: {  	s28 =	simm.s32 $_size_execute0_lowered;
	s4 =	sadd.s32 s4, s6;
	[dreg:$0x0] =	wrdreg $0x0  }
0xae: {  	s6 =	sshll.u32 s28, $0x1;
	[dreg:$0x2] =	wrdreg s4  }
0xaf: {  	[dreg:$0x3] =	wrdreg s6  }
0xb0: {  	[dreg:$0x4] =	wrdreg $0xC0  }
0xb1: {  	_ =	task [dreg:s8], $0x5FFFF  }
0xb2: {  	[dreg:$0x1] =	wrdreg $0xFFFFFFFF  }
0xb3: {  	[dreg:$0x0] =	wrdreg $0x60  }
0xb4: {  	[dreg:$0x2] =	wrdreg s16  }
0xb5: {  	[dreg:$0x3] =	wrdreg s24  }
0xb6: {  	[dreg:$0x4] =	wrdreg s17  }
0xb7: {  	[dreg:$0x5] =	wrdreg $0x9800  }
0xb8: {  	[dreg:$0x6] =	wrdreg $0x9  }
0xb9: {  	_ =	task.clear_ibuf [dreg:s8], $0x7FFFF;
	_ =	strace $0x90000046  }
0xba: {  	s29 =	simm.s32 $0x9;
	_ =	strace $0x80000048  }
0xbb: {  	_ =	swait.ge [sflag:s29], $0x1  }
0xbc: {  	[sflag:s29] =	ssyncadd.s32 $0xFFFFFFFF  }
0xbd: {  	_ =	strace $0x90000048  }
0xbe: {  	_ =	sfence  }
0xbf: {  	s30 =	sld [smem:$0x0];
	_ =	sdelay $0x2  }
0xc0: {  	s31 =	sshll.u32 s1, $0xD;
	s1 =	sshrl.u32 s1, $0x2  }
0xc1: {  	s3 =	sand.u32 $0x4000, s31;
	s1 =	sadd.s32 s1, s30  }
0xc2: {  	s0 =	sor.u32 s3, s0;
	s1 =	sshll.u32 s1, $0x11  }
0xc3: {  	s0 =	sor.u32 s1, s0  }
0xc4: {  	s0 =	sadd.s32 $0x8F2B, s0  }
0xc5: {  	[sflag:s0] =	ssyncadd.remote.s32 $0x1  }
0xc6: {  	_ =	sfence.sel $0xFFFF  }
0xc7: {  	[dreg:$0x0] =	wrdreg $0xFFFFFFFF;
	(pc) =	sbr.abs _section_cstart, $3  }
0xc8: {  	[dreg:$0x1] =	wrdreg $0xFFFFFFFF  }
0xc9: {  	_ =	task.clear_ibuf [dreg:s8], $0x2FFFF;
	_ =	strace $0x9FFFFFFF  }
0xca: {  	(tm) =	ssettm $0x7FFFFFFF  }
0xcb: {  	_ =	shalt  }
tec
execute0_lowered:
.L_overlay_start_1:
0x0: {  	(tag) =	ssettag $0x1  }
0x1: {  	s8 =	rddreg [dreg:$0x0]  }
0x2: {  	s6 =	rddreg [dreg:$0x1]  }
0x3: {  	s2 =	rddreg [dreg:$0x2];
	s1 =	srdreg.scid  }
0x4: {  	s0 =	stileid.u32;
	s3 =	rddreg [dreg:$0x3]  }
0x5: {  	s4 =	simm.s32 $0x0;
	s14 =	simm.s32 $0x100;
	s5 =	smul.u32 $0x4F0, s0  }
0x6: {  	s7 =	sand.u32 $0x1, s1;
	s1 =	rddreg [dreg:$0x4];
	s10 =	smul.u32 $0x9E00, s0  }
0x7: {  	s15 =	simm.s32 $0x0;
	[smem:$0x7FF] =	sst s4;
	s12 =	smul.u32 $0xA20, s0  }
0x8: {  	s31 =	sshll.u32 s0, $0x6;
	s9 =	smul.u32 $0x4F00, s7;
	s29 =	ssub.s32 $0x2, s7  }
0x9: {  	_ =	strace $0x80000047;
	s30 =	smul.u32 $0x510, s7;
	s11 =	sshrl.u32 s29, $0x1  }
0xa: {  	s10 =	sshrl.u32 s10, $0x2;
	s8 =	sadd.s32 s12, s8;
	s9 =	sadd.s32 s5, s9  }
0xb: {  	s5 =	sadd.s32 $0x4000, s6;
	s13 =	sadd.s32 s10, s3;
	s8 =	sadd.s32 s30, s8  }
0xc: {  	s10 =	simm.s32 $0x1;
	s6 =	sadd.s32 s9, s6;
	s9 =	ssub.s32 s29, s11  }
0xd: {  	s11 =	sor.u32 $0x1C01, s31;
	s12 =	sshrl.u32 s13, $0x3;
	s13 =	simm.s32 $0x80  }
0xe: {  	s6 =	sadd.s32 $0x4200, s6;
	s7 =	smax.u32 s9, $0x1;
	s9 =	simm.s32 $0x180  }
.LBB2_1:
0xf: {  	[tilespmem:s9], [sflag:$0x1] =	stream.linear.gather [hbm4b:s5+s4], $0x800, $0x38;
	[tilespmem:$0x3100] =	vst v63  }
0x10: {  	_ =	swait.ge [sflag:s10], $0x800  }
0x11: {  	[sflag:s10] =	ssyncset.done $0x0  }
0x12: {  	[sflag:s10] =	ssyncadd.s32 $0xFFFFF800  }
0x13: {  	[spmem:s12], [sflag:s11] =	dma.local [hbm:s2], $0x4F0  }
0x14: {  	_ =	swait.ge [sflag:s10], $0x4F0  }
0x15: {  	[sflag:s10] =	ssyncset.done $0x0  }
0x16: {  	[sflag:s10] =	ssyncadd.s32 $0xFFFFFB10  }
0x17: {  	s16 =	sadd.s32 $0x0, s8;
	[bflag:$0x0] =	sbarrier.arrive $0xFFFF  }
0x18: {  	[tilespmem:s4], [sflag:$0x1] =	stream.linear.gather [hbm4b:s16+s4], $0x180, $0x38;
	[tilespmem:$0x3100] =	vst v63  }
0x19: {  	_ =	swait.ge [sflag:s10], $0x180  }
0x1a: {  	[sflag:s10] =	ssyncset.done $0x0  }
0x1b: {  	[sflag:s10] =	ssyncadd.s32 $0xFFFFFE80  }
0x1c: {  	[spmem:s3] =	stream.indirect.scatter.add.f32 [tilespmem:s9], [sflag:$0x1], $0x10, s4, s13, $0xb8;
	[tilespmem:$0x3100] =	vst v63  }
0x1d: {  	_ =	swait.ge [sflag:s10], $0x800  }
0x1e: {  	[sflag:s10] =	ssyncset.done $0x0  }
0x1f: {  	[sflag:s10] =	ssyncadd.s32 $0xFFFFF800  }
0x20: {  	[spmem:s3] =	stream.indirect.scatter.add.f32 [tilespmem:s9], [sflag:$0x1], $0x10, s13, s13, $0xb8;
	[tilespmem:$0x3100] =	vst v63  }
0x21: {  	_ =	swait.ge [sflag:s10], $0x800  }
0x22: {  	[sflag:s10] =	ssyncset.done $0x0  }
0x23: {  	[sflag:s10] =	ssyncadd.s32 $0xFFFFF800  }
0x24: {  	[spmem:s3] =	stream.indirect.scatter.add.f32 [tilespmem:s9], [sflag:$0x1], $0x10, s14, s13, $0xb8;
	[tilespmem:$0x3100] =	vst v63  }
0x25: {  	_ =	swait.ge [sflag:s10], $0x800  }
0x26: {  	s17 =	simm.s32 $0x60;
	s16 =	simm.s32 $0x30;
	[sflag:s10] =	ssyncset.done $0x0  }
.LBB2_2:
0x27: {  	s18 =	sadd.s32 s16, s8  }
0x28: {  	[sflag:s10] =	ssyncadd.s32 $0xFFFFF800;
	s16 =	smov.u32 s17;
	s19 =	sadd.s32 $0x30, s17  }
0x29: {  	[tilespmem:s4], [sflag:$0x1] =	stream.linear.gather [hbm4b:s18+s4], $0x180, $0x38;
	[tilespmem:$0x3100] =	vst v63  }
0x2a: {  	p0 =	sne.s32 s17, $0x4E0;
	_ =	swait.ge [sflag:s10], $0x180  }
0x2b: {  	[sflag:s10] =	ssyncset.done $0x0  }
0x2c: {  	[sflag:s10] =	ssyncadd.s32 $0xFFFFFE80  }
0x2d: {  	[spmem:s3] =	stream.indirect.scatter.add.f32 [tilespmem:s9], [sflag:$0x1], $0x10, s4, s13, $0xb8;
	[tilespmem:$0x3100] =	vst v63  }
0x2e: {  	_ =	swait.ge [sflag:s10], $0x800  }
0x2f: {  	[sflag:s10] =	ssyncset.done $0x0  }
0x30: {  	[sflag:s10] =	ssyncadd.s32 $0xFFFFF800  }
0x31: {  	[spmem:s3] =	stream.indirect.scatter.add.f32 [tilespmem:s9], [sflag:$0x1], $0x10, s13, s13, $0xb8;
	[tilespmem:$0x3100] =	vst v63  }
0x32: {  	_ =	swait.ge [sflag:s10], $0x800  }
.Ltmp0:
0x33: {  	[sflag:s10] =	ssyncset.done $0x0;
	(pc) =	sbr.rel @p0 .LBB2_2-.Ltmp0, $4  }
0x34: {  	[sflag:s10] =	ssyncadd.s32 $0xFFFFF800  }
0x35: {  	[spmem:s3] =	stream.indirect.scatter.add.f32 [tilespmem:s9], [sflag:$0x1], $0x10, s14, s13, $0xb8;
	[tilespmem:$0x3100] =	vst v63  }
0x36: {  	_ =	swait.ge [sflag:s10], $0x800  }
0x37: {  	s17 =	smov.u32 s19;
	[sflag:s10] =	ssyncset.done $0x0  }
0x38: {  	s16 =	sadd.s32 s16, s8;
	[sflag:s10] =	ssyncadd.s32 $0xFFFFF800  }
0x39: {  	[tilespmem:s4], [sflag:$0x1] =	stream.linear.gather [hbm4b:s16+s4], $0x180, $0x38;
	[tilespmem:$0x3100] =	vst v63  }
0x3a: {  	_ =	swait.ge [sflag:s10], $0x180  }
0x3b: {  	[sflag:s10] =	ssyncset.done $0x0  }
0x3c: {  	[sflag:s10] =	ssyncadd.s32 $0xFFFFFE80  }
0x3d: {  	[spmem:s3] =	stream.indirect.scatter.add.f32 [tilespmem:s9], [sflag:$0x1], $0x10, s4, s13, $0xb8;
	[tilespmem:$0x3100] =	vst v63  }
0x3e: {  	_ =	swait.ge [sflag:s10], $0x800  }
0x3f: {  	[sflag:s10] =	ssyncset.done $0x0  }
0x40: {  	[sflag:s10] =	ssyncadd.s32 $0xFFFFF800  }
0x41: {  	[spmem:s3] =	stream.indirect.scatter.add.f32 [tilespmem:s9], [sflag:$0x1], $0x10, s13, s13, $0xb8;
	[tilespmem:$0x3100] =	vst v63  }
0x42: {  	_ =	swait.ge [sflag:s10], $0x800  }
0x43: {  	[sflag:s10] =	ssyncset.done $0x0  }
0x44: {  	[sflag:s10] =	ssyncadd.s32 $0xFFFFF800  }
0x45: {  	[spmem:s3] =	stream.indirect.scatter.add.f32 [tilespmem:s9], [sflag:$0x1], $0x10, s14, s13, $0xb8;
	[tilespmem:$0x3100] =	vst v63  }
0x46: {  	_ =	swait.ge [sflag:s10], $0x800  }
0x47: {  	s15 =	sadd.s32 $0x1, s15;
	[sflag:s10] =	ssyncset.done $0x0  }
0x48: {  	p0 =	sne.s32 s15, s7;
	[sflag:s10] =	ssyncadd.s32 $0xFFFFF800  }
.Ltmp1:
0x49: {  	[bflag:$0x0] =	sbarrier.arrive $0xFFFF;
	(pc) =	sbr.rel @p0 .LBB2_1-.Ltmp1, $4  }
0x4a: {  	[hbm:s6], [sflag:s11] =	dma.local [spmem:s12], $0x4F0  }
0x4b: {  	_ =	swait.ge [sflag:s10], $0x4F0  }
0x4c: {  	[sflag:s10] =	ssyncset.done $0x0  }
0x4d: {  	[sflag:s10] =	ssyncadd.s32 $0xFFFFFB10  }
0x4e: {  	_ =	sfence.sel $0x180000  }
0x4f: {  	[bflag:$0x0] =	sbarrier.arrive $0xFFFF  }
0x50: {  	p0 =	sne.s32 s0, $0x0;
	_ =	strace $0x90000047  }
0x51: {  	s0 =	sadd.s32 @!p0 $0x100000, s1;
	[bflag:$0x2] =	sbarrier.arrive $0xFFFF  }
0x52: {  	[sflag:s0] =	ssyncadd.tile.s32 @!p0 $0x1;
	_ =	shalt  }
.Lfunc_end2:
_tile_overlayer_lowered:
.L_overlay_start_2:
0x53: {  	(tag) =	ssettag $0x2  }
0x54: {  	s0 =	rddreg [dreg:$0x0];
	s2 =	stileid.u32  }
0x55: {  	s1 =	rddreg [dreg:$0x1];
	p0 =	sne.s32 s2, $0x0  }
0x56: {  	s3 =	rddreg [dreg:$0x2];
	[bflag:$0x3] =	sbarrier.arrive $0xFFFF;
	s2 =	simm.s32 @!p0 $0x1C01  }
0x57: {  	[timem:s3], [sflag:s2] =	dma.local @!p0 [hbm:s0], s1  }
0x58: {  	s0 =	simm.s32 @!p0 $0x1  }
0x59: {  	_ =	swait.ge @!p0 [sflag:s0], s1  }
0x5a: {  	s1 =	ssub.s32 @!p0 $0x0, s1;
	[sflag:s0] =	ssyncset.done @!p0 $0x0  }
0x5b: {  	[sflag:s0] =	ssyncadd.s32 @!p0 s1  }
0x5c: {  	[bflag:$0x3] =	sbarrier.arrive $0xFFFF  }
0x5d: {  	_ =	shalt  }

// kernel: kernel.13.cloned.1.call-start
scs
__scs_entry_jumppad:
0x0: {  	(pc) =	sbr.rel $0x88, $3  }
0x1: {  	(tag) =	ssettag $0x0;
	lr =	simm.s32 $0x1  }
0x2: {  	[smem:$0x3F93] =	sst lr;
	_ =	strace $0xD0000000  }
0x3: {  	_ = 	snop  }
0x4: {  	_ = 	snop  }
0x5: {  	_ = 	snop  }
0x6: {  	_ = 	snop  }
0x7: {  	_ = 	snop  }
__scs_overlays_trampoline_lowered:
0x8: {  	[smem:$0x3FA2] =	sst s0  }
0x9: {  	[smem:$0x3FA3] =	sst s1  }
0xa: {  	[smem:$0x3FA4] =	sst s2  }
0xb: {  	[smem:$0x3FA5] =	sst s3  }
0xc: {  	[smem:$0x3FA6] =	sst s4  }
0xd: {  	[smem:$0x3FA7] =	sst s5  }
0xe: {  	[smem:$0x3FA8] =	sst s6  }
0xf: {  	[smem:$0x3FA9] =	sst s7  }
0x10: {  	[smem:$0x3FAA] =	sst s8  }
0x11: {  	[smem:$0x3FAB] =	sst s9;
	s0 =	simm.s32 @!p0 $0x0  }
0x12: {  	s1 =	sld [smem:$0x3F91];
	s0 =	simm.s32 @p0 $0x1  }
0x13: {  	[smem:$0x3FAC] =	sst s0;
	s0 =	simm.s32 @!p1 $0x0  }
0x14: {  	s2 =	sld [smem:$0x3F90];
	s0 =	simm.s32 @p1 $0x1  }
0x15: {  	[smem:$0x3FAD] =	sst s0;
	s0 =	simm.s32 @!p2 $0x0  }
0x16: {  	s3 =	sld [smem:$0x3FDB];
	s0 =	simm.s32 @p2 $0x1  }
0x17: {  	s4 =	simm.s32 $0x1BF5;
	[smem:$0x3FAF] =	sst s0  }
0x18: {  	s0 =	sld [smem:$0x3F92];
	_ =	swait.ge [sflag:s4], $0x0  }
0x19: {  	s7 =	sld [smem:$0x3F93]  }
0x1a: {  	s8 =	sadd.s32 $0xFFFFE003, lr  }
0x1b: {  	s9 =	sadd.s32 $0xFFFFFEF7, lr;
	s5 =	simm.s32 $0xFFFFFFFF;
	p2 =	slt.u32 s8, $0xFFFFF086  }
0x1c: {  	p1 =	slt.u32 s9, $0xF7A;
	s5 =	simm.s32 @!p2 $0x0  }
0x1d: {  	s5 =	simm.s32 @p1 $0x1;
	p0 =	seq.s32 s7, s2  }
0x1e: {  	s7 =	smul.u32 @!p0 $0xF7A, s2;
	p2 =	seq.s32 @!p0 s5, $0x0  }
0x1f: {  	s9 =	smul.u32 $0xF7A, s1;
	s8 =	simm.s32 @!p0 $0x1BF5;
	p2 =	por !p2, p0  }
0x20: {  	[sflag:s8] =	ssyncset.s32 @!p0 $0xFFFFF086;
	s6 =	sadd.s32 @!p0 s3, s7;
	s7 =	simm.s32 @!p0 $0x108  }
0x21: {  	s3 =	sadd.s32 s3, s9;
	s6 =	sadd.s32 @!p0 $0x88, s6;
	s7 =	simm.s32 @p2 $0x1082  }
0x22: {  	[simem:s7], [sflag:s8] =	dma.local @!p0 [hbm:s6], $0xF7A  }
0x23: {  	s9 =	sor.u32 $0xD0000000, s2;
	s6 =	simm.s32 $0x108;
	_ =	swait.ge @!p0 [sflag:s8], $0x0  }
0x24: {  	s3 =	sadd.s32 $0x88, s3;
	s6 =	simm.s32 @!p1 $0x1082;
	[sflag:s4] =	ssyncset.s32 $0xFFFFF086  }
0x25: {  	[simem:s6], [sflag:s4] =	dma.local [hbm:s3], $0xF7A  }
0x26: {  	[smem:$0x3F93] =	sst s1;
	(tag) =	ssettag s2;
	_ =	strace s9  }
0x27: {  	s1 =	sld [smem:$0x3FA3]  }
0x28: {  	s2 =	sld [smem:$0x3FA4]  }
0x29: {  	s4 =	sld [smem:$0x3FA6]  }
0x2a: {  	p0 =	seq.s32 s5, $0x0;
	s5 =	sld [smem:$0x3FA7]  }
0x2b: {  	s6 =	sld [smem:$0x3FA8]  }
0x2c: {  	s7 =	sld [smem:$0x3FA9]  }
0x2d: {  	s3 =	simm.s32 $0x108;
	s8 =	sld [smem:$0x3FAA]  }
0x2e: {  	s3 =	simm.s32 @!p0 $0x1082;
	s9 =	sld [smem:$0x3FAB]  }
0x2f: {  	lr =	sadd.s32 s0, s3;
	s0 =	sld [smem:$0x3FA2]  }
0x30: {  	s3 =	sld [smem:$0x3FA5]  }
0x31: {  	[smem:$0x3FAE] =	sst s10  }
0x32: {  	s10 =	sld [smem:$0x3FAC];
	_ =	sdelay $0x3  }
0x33: {  	p0 =	seq.s32 s10, $0x1;
	s10 =	sld [smem:$0x3FAE];
	_ =	sdelay $0x3  }
0x34: {  	[smem:$0x3FAE] =	sst s10  }
0x35: {  	s10 =	sld [smem:$0x3FAD];
	_ =	sdelay $0x3  }
0x36: {  	p1 =	seq.s32 s10, $0x1;
	s10 =	sld [smem:$0x3FAE];
	_ =	sdelay $0x3  }
0x37: {  	[smem:$0x3FAE] =	sst s10  }
0x38: {  	s10 =	sld [smem:$0x3FAF]  }
0x39: {  	_ = 	snop;
	(pc) =	sbr.ind lr, $3  }
0x3a: {  	_ = 	snop  }
0x3b: {  	_ = 	snop  }
0x3c: {  	p2 =	seq.s32 s10, $0x1;
	s10 =	sld [smem:$0x3FAE]  }
0x3d: {  	_ =	shalt  }
0x3e: {  	_ =	shalt  }
0x3f: {  	_ =	shalt  }
0x40: {  	_ =	shalt  }
0x41: {  	_ =	shalt  }
0x42: {  	_ =	shalt  }
0x43: {  	_ =	shalt  }
0x44: {  	_ =	shalt  }
0x45: {  	_ =	shalt  }
0x46: {  	_ =	shalt  }
0x47: {  	_ =	shalt  }
0x48: {  	_ =	shalt  }
0x49: {  	_ =	shalt  }
0x4a: {  	_ =	shalt  }
0x4b: {  	_ =	shalt  }
0x4c: {  	_ =	shalt  }
0x4d: {  	_ =	shalt  }
0x4e: {  	_ =	shalt  }
0x4f: {  	_ =	shalt  }
0x50: {  	_ =	shalt  }
0x51: {  	_ =	shalt  }
0x52: {  	_ =	shalt  }
0x53: {  	_ =	shalt  }
0x54: {  	_ =	shalt  }
0x55: {  	_ =	shalt  }
0x56: {  	_ =	shalt  }
0x57: {  	_ =	shalt  }
0x58: {  	_ =	shalt  }
0x59: {  	_ =	shalt  }
0x5a: {  	_ =	shalt  }
0x5b: {  	_ =	shalt  }
0x5c: {  	_ =	shalt  }
0x5d: {  	_ =	shalt  }
0x5e: {  	_ =	shalt  }
0x5f: {  	_ =	shalt  }
0x60: {  	_ =	shalt  }
0x61: {  	_ =	shalt  }
0x62: {  	_ =	shalt  }
0x63: {  	_ =	shalt  }
0x64: {  	_ =	shalt  }
0x65: {  	_ =	shalt  }
0x66: {  	_ =	shalt  }
0x67: {  	_ =	shalt  }
0x68: {  	_ =	shalt  }
0x69: {  	_ =	shalt  }
0x6a: {  	_ =	shalt  }
0x6b: {  	_ =	shalt  }
0x6c: {  	_ =	shalt  }
0x6d: {  	_ =	shalt  }
0x6e: {  	_ =	shalt  }
0x6f: {  	_ =	shalt  }
0x70: {  	_ =	shalt  }
0x71: {  	_ =	shalt  }
0x72: {  	_ =	shalt  }
0x73: {  	_ =	shalt  }
0x74: {  	_ =	shalt  }
0x75: {  	_ =	shalt  }
0x76: {  	_ =	shalt  }
0x77: {  	_ =	shalt  }
0x78: {  	_ =	shalt  }
0x79: {  	_ =	shalt  }
0x7a: {  	_ =	shalt  }
0x7b: {  	_ =	shalt  }
0x7c: {  	_ =	shalt  }
0x7d: {  	_ =	shalt  }
0x7e: {  	_ =	shalt  }
0x7f: {  	_ =	shalt  }
0x80: {  	_ =	shalt  }
0x81: {  	_ =	shalt  }
0x82: {  	_ =	shalt  }
0x83: {  	_ =	shalt  }
0x84: {  	_ =	shalt  }
0x85: {  	_ =	shalt  }
0x86: {  	_ =	shalt  }
0x87: {  	_ =	shalt  }
.Lfunc_end0:
.L_simem_size_0:
called_computation.1_lowered:
.L_overlay_start_0:
0x88: {  	s2 =	sld [smem:$0x3FD9]  }
0x89: {  	s3 =	sld [smem:$0x3FFE];
	_ =	sdelay $0x1  }
0x8a: {  	s1 =	srdreg.scid  }
0x8b: {  	s0 =	sand.u32 $0x1, s1  }
0x8c: {  	s14 =	sshll.u32 s0, $0xA;
	s2 =	sadd.s32 s3, s2  }
0x8d: {  	s2 =	sadd.s32 s2, s14  }
0x8e: {  	[smem:$0x3FBA] =	sst s2  }
0x8f: {  	_ = 	snop  }
0x90: {  	s2 =	sld [smem:$0x3FD0];
	_ =	sdelay $0x2  }
0x91: {  	s15 =	simm.s32 $0xA;
	s4 =	simm.s32 $0x10  }
0x92: {  	[smem:s4], [sflag:s15] =	dma.local [hbm:s2], $0x1  }
0x93: {  	_ =	swait.eq [sflag:s15], $0x1  }
0x94: {  	[sflag:s15] =	ssyncset.done $0x0  }
0x95: {  	s16 =	sld [smem:$0x10];
	[sflag:s15] =	ssyncadd.s32 $0xFFFFFFFF  }
0x96: {  	s17 =	sld [smem:$0x11];
	(tm) =	ssettm $0x1  }
0x97: {  	s18 =	sld [smem:$0x3FFB];
	_ =	sdelay $0x3  }
0x98: {  	_ =	strace s18  }
0x99: {  	s4 =	sld [smem:$0x3FFC];
	_ =	sdelay $0x3  }
0x9a: {  	_ =	strace s4  }
0x9b: {  	s4 =	sld [smem:$0x3FFD];
	_ =	sdelay $0x3  }
0x9c: {  	_ =	strace s4  }
0x9d: {  	_ =	strace $0x8FFFFFFF  }
0x9e: {  	s19 =	sld [smem:$0x3FDB];
	_ =	sdelay $0x1  }
0x9f: {  	s5 =	simm.s32 $_scs_section_size  }
0xa0: {  	s6 =	simm.s32 $_size__tile_overlayer_lowered;
	s7 =	simm.s32 $_tile_overlayer_lowered  }
0xa1: {  	s22 =	simm.s32 $0x1BFF;
	s21 =	sshll.u32 s7, $0x1;
	s4 =	sadd.s32 s5, s19  }
0xa2: {  	s8 =	simm.s32 $0x0;
	s20 =	sshll.u32 s6, $0x1;
	s6 =	sadd.s32 s21, s4  }
0xa3: {  	[timem:s8], [sflag:s22] =	dma.local [hbm:s6], s20  }
0xa4: {  	_ =	swait.ge [sflag:s22], s20  }
0xa5: {  	s5 =	ssub.s32 $0x0, s20;
	[sflag:s22] =	ssyncset.done $0x0  }
0xa6: {  	[sflag:s22] =	ssyncadd.s32 s5;
	_ =	sdelay $0x1  }
0xa7: {  	s23 =	simm.s32 $0x1B8B  }
0xa8: {  	_ =	swait.ge [sflag:s23], $0x1  }
0xa9: {  	[sflag:s23] =	ssyncset.done $0x0  }
0xaa: {  	s25 =	simm.s32 $0x1B8E;
	s24 =	sld [smem:$0x3FFE];
	[sflag:s23] =	ssyncadd.s32 $0xFFFFFFFF  }
0xab: {  	s26 =	simm.s32 $execute0_lowered;
	[smem:$0x3FD2] =	sst s25  }
0xac: {  	s6 =	sshll.u32 s26, $0x1;
	_ =	strace $0x80000049;
	[dreg:$0x1] =	wrdreg $0xFFFFFFFF  }
0xad: {  	s28 =	simm.s32 $_size_execute0_lowered;
	s4 =	sadd.s32 s4, s6;
	[dreg:$0x0] =	wrdreg $0x0  }
0xae: {  	s6 =	sshll.u32 s28, $0x1;
	[dreg:$0x2] =	wrdreg s4  }
0xaf: {  	[dreg:$0x3] =	wrdreg s6  }
0xb0: {  	[dreg:$0x4] =	wrdreg $0xC0  }
0xb1: {  	_ =	task [dreg:s8], $0x5FFFF  }
0xb2: {  	[dreg:$0x1] =	wrdreg $0xFFFFFFFF  }
0xb3: {  	[dreg:$0x0] =	wrdreg $0x60  }
0xb4: {  	[dreg:$0x2] =	wrdreg s24  }
0xb5: {  	[dreg:$0x3] =	wrdreg s16  }
0xb6: {  	[dreg:$0x4] =	wrdreg s17  }
0xb7: {  	[dreg:$0x5] =	wrdreg $0xC3000  }
0xb8: {  	[dreg:$0x6] =	wrdreg $0x9  }
0xb9: {  	_ =	task.clear_ibuf [dreg:s8], $0x7FFFF;
	_ =	strace $0x90000049  }
0xba: {  	s29 =	simm.s32 $0x9;
	_ =	strace $0x8000004B  }
0xbb: {  	_ =	swait.ge [sflag:s29], $0x1  }
0xbc: {  	[sflag:s29] =	ssyncadd.s32 $0xFFFFFFFF  }
0xbd: {  	_ =	strace $0x9000004B  }
0xbe: {  	_ =	sfence  }
0xbf: {  	s30 =	sld [smem:$0x0];
	_ =	sdelay $0x2  }
0xc0: {  	s31 =	sshll.u32 s1, $0xD;
	s1 =	sshrl.u32 s1, $0x2  }
0xc1: {  	s3 =	sand.u32 $0x4000, s31;
	s1 =	sadd.s32 s1, s30  }
0xc2: {  	s0 =	sor.u32 s3, s0;
	s1 =	sshll.u32 s1, $0x11  }
0xc3: {  	s0 =	sor.u32 s1, s0  }
0xc4: {  	s0 =	sadd.s32 $0x8F2B, s0  }
0xc5: {  	[sflag:s0] =	ssyncadd.remote.s32 $0x1  }
0xc6: {  	_ =	sfence.sel $0xFFFF  }
0xc7: {  	[dreg:$0x0] =	wrdreg $0xFFFFFFFF;
	(pc) =	sbr.abs _section_cstart, $3  }
0xc8: {  	[dreg:$0x1] =	wrdreg $0xFFFFFFFF  }
0xc9: {  	_ =	task.clear_ibuf [dreg:s8], $0x2FFFF;
	_ =	strace $0x9FFFFFFF  }
0xca: {  	(tm) =	ssettm $0x7FFFFFFF  }
0xcb: {  	_ =	shalt  }
tec
execute0_lowered:
.L_overlay_start_1:
0x0: {  	(tag) =	ssettag $0x1  }
0x1: {  	s6 =	rddreg [dreg:$0x0]  }
0x2: {  	s10 =	rddreg [dreg:$0x1]  }
0x3: {  	s9 =	rddreg [dreg:$0x2]  }
0x4: {  	s1 =	rddreg [dreg:$0x3]  }
0x5: {  	s2 =	srdreg.scid;
	s0 =	rddreg [dreg:$0x4];
	s3 =	simm.s32 $0x0  }
0x6: {  	s14 =	simm.s32 $0x80;
	s15 =	simm.s32 $0x300;
	s16 =	simm.s32 $0x4300  }
0x7: {  	s17 =	simm.s32 $0x100;
	s18 =	simm.s32 $0x8300;
	s19 =	simm.s32 $0x1  }
0x8: {  	s21 =	simm.s32 $0x280;
	s5 =	sand.u32 $0x1, s2;
	s2 =	stileid.u32  }
0x9: {  	s22 =	simm.s32 $0x0;
	[smem:$0x7FF] =	sst s3;
	s20 =	smul.u32 $0x2780, s5  }
0xa: {  	s4 =	sadd.s32 $0x5D000, s6;
	s7 =	smul.u32 $0x278, s2;
	_ =	strace $0x8000004A  }
0xb: {  	s8 =	ssub.s32 $0x2, s5;
	s12 =	smul.u32 $0x4F000, s2;
	s5 =	sadd.s32 $0x4000, s6  }
0xc: {  	s30 =	sshll.u32 s2, $0x6;
	s31 =	smul.u32 $0xA20, s2;
	s11 =	sshrl.u32 s8, $0x1  }
0xd: {  	s7 =	sadd.s32 s7, s20;
	s8 =	ssub.s32 s8, s11;
	s29 =	sshrl.u32 s12, $0x2  }
0xe: {  	s9 =	sadd.s32 s31, s9;
	s10 =	sadd.s32 s31, s10;
	s12 =	simm.s32 $0x2  }
0xf: {  	v0 =	vmov s20;
	s20 =	simm.s32 $0x200;
	s7 =	sshll.u32 s7, $0x4;
	s13 =	sadd.s32 s29, s1  }
0x10: {  	s8 =	smax.u32 s8, $0x1;
	s7 =	sadd.s32 s7, s6;
	s6 =	sor.u32 $0x1C02, s30  }
0x11: {  	s11 =	sshrl.u32 s13, $0x3;
	s13 =	simm.s32 $0x180;
	s7 =	sadd.s32 $0xAC000, s7  }
.LBB2_1:
0x12: {  	[spmem:s11], [sflag:s6] =	dma.local [hbm:s5], $0x2780  }
0x13: {  	_ =	swait.ge [sflag:s12], $0x2780  }
0x14: {  	[sflag:s12] =	ssyncset.done $0x0  }
0x15: {  	[sflag:s12] =	ssyncadd.s32 $0xFFFFD880  }
0x16: {  	s23 =	sadd.s32 $0x0, s10;
	[bflag:$0x0] =	sbarrier.arrive $0xFFFF  }
0x17: {  	[tilespmem:s3], [sflag:$0x2] =	stream.linear.gather [hbm4b:s23+s3], $0x180, $0x38;
	[tilespmem:$0x1FF00] =	vst v63  }
0x18: {  	_ =	swait.ge [sflag:s12], $0x180  }
0x19: {  	[sflag:s12] =	ssyncset.done $0x0  }
0x1a: {  	s31 =	sadd.s32 $0x0, s9;
	[sflag:s12] =	ssyncadd.s32 $0xFFFFFE80  }
0x1b: {  	[tilespmem:s13], [sflag:$0x2] =	stream.linear.gather [hbm4b:s31+s3], $0x180, $0x38;
	[tilespmem:$0x1FF00] =	vst v63  }
0x1c: {  	_ =	swait.ge [sflag:s12], $0x180  }
0x1d: {  	[sflag:s12] =	ssyncset.done $0x0  }
0x1e: {  	[sflag:s12] =	ssyncadd.s32 $0xFFFFFE80  }
0x1f: {  	v1 =	vld [tilespmem:$0x170]  }
0x20: {  	v2 =	vld [tilespmem:$0x130]  }
0x21: {  	v4 =	vld [tilespmem:$0x150]  }
0x22: {  	v5 =	vld [tilespmem:$0x140]  }
0x23: {  	v6 =	vld [tilespmem:$0xB0]  }
0x24: {  	v3 =	vld [tilespmem:$0x160];
	v1 =	vadd.s32 v0, v1  }
0x25: {  	v7 =	vld [tilespmem:$0x120];
	v2 =	vadd.s32 v0, v2;
	[tilespmem:$0x170] =	vst v1  }
0x26: {  	v53 =	vld [tilespmem:$0xD0];
	v4 =	vadd.s32 v0, v4;
	[tilespmem:$0x130] =	vst v2  }
0x27: {  	v56 =	vld [tilespmem:$0x30];
	v5 =	vadd.s32 v0, v5;
	[tilespmem:$0x150] =	vst v4  }
0x28: {  	v52 =	vadd.s32 v0, v6;
	v1 =	vld [tilespmem:$0x110];
	[tilespmem:$0x140] =	vst v5  }
0x29: {  	v2 =	vadd.s32 v0, v3;
	v3 =	vld [tilespmem:$0x100];
	[tilespmem:$0xB0] =	vst v52  }
0x2a: {  	v55 =	vadd.s32 v0, v7;
	[tilespmem:$0x160] =	vst v2;
	v2 =	vld [tilespmem:$0xE0]  }
0x2b: {  	v59 =	vld [tilespmem:$0x60];
	v6 =	vadd.s32 v0, v53;
	[tilespmem:$0x120] =	vst v55  }
0x2c: {  	v62 =	vld [tilespmem:$0x20];
	v58 =	vadd.s32 v0, v56;
	[tilespmem:$0xD0] =	vst v6  }
0x2d: {  	v54 =	vld [tilespmem:$0xC0];
	[tilespmem:$0x30] =	vst v58;
	v1 =	vadd.s32 v0, v1  }
0x2e: {  	v3 =	vadd.s32 v0, v3;
	[tilespmem:$0x110] =	vst v1;
	v1 =	vld [tilespmem:$0x90]  }
0x2f: {  	v2 =	vadd.s32 v0, v2;
	[tilespmem:$0x100] =	vst v3;
	v3 =	vld [tilespmem:$0x80]  }
0x30: {  	v7 =	vadd.s32 v0, v59;
	[tilespmem:$0xE0] =	vst v2;
	v2 =	vld [tilespmem:$0x70]  }
0x31: {  	v57 =	vld [tilespmem:$0xA0];
	v63 =	vadd.s32 v0, v62;
	[tilespmem:$0x60] =	vst v7  }
0x32: {  	v61 =	vld [tilespmem:$0x40];
	v4 =	vadd.s32 v0, v54;
	[tilespmem:$0x20] =	vst v63  }
0x33: {  	v60 =	vld [tilespmem:$0x50];
	[tilespmem:$0xC0] =	vst v4;
	v1 =	vadd.s32 v0, v1  }
0x34: {  	v3 =	vadd.s32 v0, v3;
	[tilespmem:$0x90] =	vst v1;
	v1 =	vld [tilespmem:$0xF0]  }
0x35: {  	v2 =	vadd.s32 v0, v2;
	[tilespmem:$0x80] =	vst v3;
	v3 =	vld [tilespmem:$0x10]  }
0x36: {  	v5 =	vadd.s32 v0, v57;
	[tilespmem:$0x70] =	vst v2;
	v2 =	vld [tilespmem:$0x0]  }
0x37: {  	v6 =	vadd.s32 v0, v61;
	[tilespmem:$0xA0] =	vst v5  }
0x38: {  	v4 =	vadd.s32 v0, v60;
	[tilespmem:$0x40] =	vst v6  }
0x39: {  	[tilespmem:$0x50] =	vst v4;
	v1 =	vadd.s32 v0, v1  }
0x3a: {  	[tilespmem:$0xF0] =	vst v1;
	v1 =	vadd.s32 v0, v3  }
0x3b: {  	v2 =	vadd.s32 v0, v2;
	[tilespmem:$0x10] =	vst v1  }
0x3c: {  	s23 =	simm.s32 $0x30;
	[tilespmem:$0x0] =	vst v2  }
0x3d: {  	[tilespmem:s15], [sflag:$0x1] =	stream.indirect.gather [hbm4b:s4+s14], $0x80, s3, s14, $0xb8;
	[tilespmem:$0x1FF00] =	vst v63  }
.LBB2_2:
0x3e: {  	[tilespmem:s16], [sflag:$0x1] =	stream.indirect.gather [hbm4b:s4+s14], $0x80, s14, s14, $0xb8;
	[tilespmem:$0x1FF00] =	vst v63  }
0x3f: {  	p0 =	sne.s32 s23, $0x9F0;
	s24 =	smov.u32 s23;
	s23 =	sadd.s32 $0x30, s23  }
0x40: {  	[tilespmem:s18], [sflag:$0x1] =	stream.indirect.gather [hbm4b:s4+s14], $0x80, s17, s14, $0xb8;
	[tilespmem:$0x1FF00] =	vst v63  }
0x41: {  	_ =	swait.ge [sflag:s19], $0x4000  }
0x42: {  	[sflag:s19] =	ssyncset.done $0x0  }
0x43: {  	[sflag:s19] =	ssyncadd.s32 $0xFFFFC000  }
0x44: {  	[spmem:s1] =	stream.indirect.scatter.add.f32 [tilespmem:s15], [sflag:$0x2], $0x80, s13, s14, $0xb8;
	[tilespmem:$0x1FF00] =	vst v63  }
0x45: {  	_ =	swait.ge [sflag:s12], $0x4000  }
0x46: {  	[sflag:s12] =	ssyncset.done $0x0  }
0x47: {  	[sflag:s12] =	ssyncadd.s32 $0xFFFFC000  }
0x48: {  	_ =	swait.ge [sflag:s19], $0x4000  }
0x49: {  	[sflag:s19] =	ssyncset.done $0x0  }
0x4a: {  	[sflag:s19] =	ssyncadd.s32 $0xFFFFC000  }
0x4b: {  	[spmem:s1] =	stream.indirect.scatter.add.f32 [tilespmem:s16], [sflag:$0x2], $0x80, s20, s14, $0xb8;
	[tilespmem:$0x1FF00] =	vst v63  }
0x4c: {  	_ =	swait.ge [sflag:s12], $0x4000  }
0x4d: {  	[sflag:s12] =	ssyncset.done $0x0  }
0x4e: {  	[sflag:s12] =	ssyncadd.s32 $0xFFFFC000  }
0x4f: {  	_ =	swait.ge [sflag:s19], $0x4000  }
0x50: {  	[sflag:s19] =	ssyncset.done $0x0  }
0x51: {  	[sflag:s19] =	ssyncadd.s32 $0xFFFFC000  }
0x52: {  	[spmem:s1] =	stream.indirect.scatter.add.f32 [tilespmem:s18], [sflag:$0x2], $0x80, s21, s14, $0xb8;
	[tilespmem:$0x1FF00] =	vst v63  }
0x53: {  	_ =	swait.ge [sflag:s12], $0x4000  }
0x54: {  	[sflag:s12] =	ssyncset.done $0x0  }
0x55: {  	s25 =	sadd.s32 s24, s10;
	[sflag:s12] =	ssyncadd.s32 $0xFFFFC000  }
0x56: {  	[tilespmem:s3], [sflag:$0x2] =	stream.linear.gather [hbm4b:s25+s3], $0x180, $0x38;
	[tilespmem:$0x1FF00] =	vst v63  }
0x57: {  	_ =	swait.ge [sflag:s12], $0x180  }
0x58: {  	[sflag:s12] =	ssyncset.done $0x0  }
0x59: {  	s24 =	sadd.s32 s24, s9;
	[sflag:s12] =	ssyncadd.s32 $0xFFFFFE80  }
0x5a: {  	[tilespmem:s13], [sflag:$0x2] =	stream.linear.gather [hbm4b:s24+s3], $0x180, $0x38;
	[tilespmem:$0x1FF00] =	vst v63  }
0x5b: {  	_ =	swait.ge [sflag:s12], $0x180  }
0x5c: {  	[sflag:s12] =	ssyncset.done $0x0  }
0x5d: {  	[sflag:s12] =	ssyncadd.s32 $0xFFFFFE80  }
0x5e: {  	v1 =	vld [tilespmem:$0x170]  }
0x5f: {  	v2 =	vld [tilespmem:$0x130]  }
0x60: {  	v3 =	vld [tilespmem:$0x160]  }
0x61: {  	v4 =	vld [tilespmem:$0x150]  }
0x62: {  	v5 =	vld [tilespmem:$0x140]  }
0x63: {  	v6 =	vld [tilespmem:$0xB0];
	v1 =	vadd.s32 v0, v1  }
0x64: {  	v7 =	vld [tilespmem:$0x120];
	v2 =	vadd.s32 v0, v2;
	[tilespmem:$0x170] =	vst v1  }
0x65: {  	v1 =	vld [tilespmem:$0x110];
	[tilespmem:$0x130] =	vst v2;
	v2 =	vadd.s32 v0, v3  }
0x66: {  	v3 =	vld [tilespmem:$0x100];
	v4 =	vadd.s32 v0, v4;
	[tilespmem:$0x160] =	vst v2  }
0x67: {  	v2 =	vld [tilespmem:$0xE0];
	v5 =	vadd.s32 v0, v5;
	[tilespmem:$0x150] =	vst v4  }
0x68: {  	v4 =	vadd.s32 v0, v6;
	v6 =	vld [tilespmem:$0xD0];
	[tilespmem:$0x140] =	vst v5  }
0x69: {  	[tilespmem:$0xB0] =	vst v4;
	v4 =	vld [tilespmem:$0xC0];
	v5 =	vadd.s32 v0, v7  }
0x6a: {  	v7 =	vld [tilespmem:$0x30];
	v1 =	vadd.s32 v0, v1;
	[tilespmem:$0x120] =	vst v5  }
0x6b: {  	v5 =	vld [tilespmem:$0xA0];
	v3 =	vadd.s32 v0, v3;
	[tilespmem:$0x110] =	vst v1  }
0x6c: {  	v1 =	vld [tilespmem:$0x90];
	v2 =	vadd.s32 v0, v2;
	[tilespmem:$0x100] =	vst v3  }
0x6d: {  	v3 =	vld [tilespmem:$0x80];
	v6 =	vadd.s32 v0, v6;
	[tilespmem:$0xE0] =	vst v2  }
0x6e: {  	v2 =	vld [tilespmem:$0x70];
	v4 =	vadd.s32 v0, v4;
	[tilespmem:$0xD0] =	vst v6  }
0x6f: {  	v6 =	vadd.s32 v0, v7;
	v7 =	vld [tilespmem:$0x60];
	[tilespmem:$0xC0] =	vst v4  }
0x70: {  	[tilespmem:$0x30] =	vst v6;
	v4 =	vld [tilespmem:$0x50];
	v5 =	vadd.s32 v0, v5  }
0x71: {  	v6 =	vld [tilespmem:$0x40];
	v1 =	vadd.s32 v0, v1;
	[tilespmem:$0xA0] =	vst v5  }
0x72: {  	v3 =	vadd.s32 v0, v3;
	[tilespmem:$0x90] =	vst v1;
	v1 =	vld [tilespmem:$0xF0]  }
0x73: {  	v5 =	vld [tilespmem:$0x20];
	v2 =	vadd.s32 v0, v2;
	[tilespmem:$0x80] =	vst v3  }
0x74: {  	v3 =	vld [tilespmem:$0x10];
	v7 =	vadd.s32 v0, v7;
	[tilespmem:$0x70] =	vst v2  }
0x75: {  	v2 =	vld [tilespmem:$0x0];
	v4 =	vadd.s32 v0, v4;
	[tilespmem:$0x60] =	vst v7  }
0x76: {  	v6 =	vadd.s32 v0, v6;
	[tilespmem:$0x50] =	vst v4  }
0x77: {  	[tilespmem:$0x40] =	vst v6;
	v1 =	vadd.s32 v0, v1  }
.Ltmp0:
0x78: {  	v4 =	vadd.s32 v0, v5;
	[tilespmem:$0xF0] =	vst v1;
	(pc) =	sbr.rel @p0 .LBB2_2-.Ltmp0, $4  }
0x79: {  	v1 =	vadd.s32 v0, v3;
	[tilespmem:$0x20] =	vst v4  }
0x7a: {  	v2 =	vadd.s32 v0, v2;
	[tilespmem:$0x10] =	vst v1  }
0x7b: {  	[tilespmem:$0x0] =	vst v2  }
0x7c: {  	[tilespmem:s15], [sflag:$0x1] =	stream.indirect.gather [hbm4b:s4+s14], $0x80, s3, s14, $0xb8;
	[tilespmem:$0x1FF00] =	vst v63  }
0x7d: {  	[tilespmem:s16], [sflag:$0x1] =	stream.indirect.gather [hbm4b:s4+s14], $0x80, s14, s14, $0xb8;
	[tilespmem:$0x1FF00] =	vst v63  }
0x7e: {  	_ = 	snop  }
0x7f: {  	[tilespmem:s18], [sflag:$0x1] =	stream.indirect.gather [hbm4b:s4+s14], $0x80, s17, s14, $0xb8;
	[tilespmem:$0x1FF00] =	vst v63  }
0x80: {  	_ =	swait.ge [sflag:s19], $0x4000  }
0x81: {  	[sflag:s19] =	ssyncset.done $0x0  }
0x82: {  	[sflag:s19] =	ssyncadd.s32 $0xFFFFC000  }
0x83: {  	[spmem:s1] =	stream.indirect.scatter.add.f32 [tilespmem:s15], [sflag:$0x2], $0x80, s13, s14, $0xb8;
	[tilespmem:$0x1FF00] =	vst v63  }
0x84: {  	_ =	swait.ge [sflag:s12], $0x4000  }
0x85: {  	[sflag:s12] =	ssyncset.done $0x0  }
0x86: {  	[sflag:s12] =	ssyncadd.s32 $0xFFFFC000  }
0x87: {  	_ =	swait.ge [sflag:s19], $0x4000  }
0x88: {  	[sflag:s19] =	ssyncset.done $0x0  }
0x89: {  	[sflag:s19] =	ssyncadd.s32 $0xFFFFC000  }
0x8a: {  	[spmem:s1] =	stream.indirect.scatter.add.f32 [tilespmem:s16], [sflag:$0x2], $0x80, s20, s14, $0xb8;
	[tilespmem:$0x1FF00] =	vst v63  }
0x8b: {  	_ =	swait.ge [sflag:s12], $0x4000  }
0x8c: {  	[sflag:s12] =	ssyncset.done $0x0  }
0x8d: {  	[sflag:s12] =	ssyncadd.s32 $0xFFFFC000  }
0x8e: {  	_ =	swait.ge [sflag:s19], $0x4000  }
0x8f: {  	[sflag:s19] =	ssyncset.done $0x0  }
0x90: {  	[sflag:s19] =	ssyncadd.s32 $0xFFFFC000  }
0x91: {  	[spmem:s1] =	stream.indirect.scatter.add.f32 [tilespmem:s18], [sflag:$0x2], $0x80, s21, s14, $0xb8;
	[tilespmem:$0x1FF00] =	vst v63  }
0x92: {  	_ =	swait.ge [sflag:s12], $0x4000  }
0x93: {  	s22 =	sadd.s32 $0x1, s22;
	[sflag:s12] =	ssyncset.done $0x0  }
0x94: {  	p0 =	sne.s32 s22, s8;
	[sflag:s12] =	ssyncadd.s32 $0xFFFFC000  }
.Ltmp1:
0x95: {  	[bflag:$0x0] =	sbarrier.arrive $0xFFFF;
	(pc) =	sbr.rel @p0 .LBB2_1-.Ltmp1, $4  }
0x96: {  	[hbm:s7], [sflag:s6] =	dma.local [spmem:s11], $0x2780  }
0x97: {  	_ =	swait.ge [sflag:s12], $0x2780  }
0x98: {  	[sflag:s12] =	ssyncset.done $0x0  }
0x99: {  	[sflag:s12] =	ssyncadd.s32 $0xFFFFD880  }
0x9a: {  	_ =	sfence.sel $0x180000  }
0x9b: {  	[bflag:$0x0] =	sbarrier.arrive $0xFFFF  }
0x9c: {  	p0 =	sne.s32 s2, $0x0;
	_ =	strace $0x9000004A  }
0x9d: {  	s0 =	sadd.s32 @!p0 $0x100000, s0;
	[bflag:$0x2] =	sbarrier.arrive $0xFFFF  }
0x9e: {  	[sflag:s0] =	ssyncadd.tile.s32 @!p0 $0x1;
	_ =	shalt  }
.Lfunc_end2:
_tile_overlayer_lowered:
.L_overlay_start_2:
0x9f: {  	(tag) =	ssettag $0x2  }
0xa0: {  	s0 =	rddreg [dreg:$0x0];
	s2 =	stileid.u32  }
0xa1: {  	s1 =	rddreg [dreg:$0x1];
	p0 =	sne.s32 s2, $0x0  }
0xa2: {  	s3 =	rddreg [dreg:$0x2];
	[bflag:$0x3] =	sbarrier.arrive $0xFFFF;
	s2 =	simm.s32 @!p0 $0x1C02  }
0xa3: {  	[timem:s3], [sflag:s2] =	dma.local @!p0 [hbm:s0], s1  }
0xa4: {  	s0 =	simm.s32 @!p0 $0x2  }
0xa5: {  	_ =	swait.ge @!p0 [sflag:s0], s1  }
0xa6: {  	s1 =	ssub.s32 @!p0 $0x0, s1;
	[sflag:s0] =	ssyncset.done @!p0 $0x0  }
0xa7: {  	[sflag:s0] =	ssyncadd.s32 @!p0 s1  }
0xa8: {  	[bflag:$0x3] =	sbarrier.arrive $0xFFFF  }
0xa9: {  	_ =	shalt  }

// kernel: kernel.16.cloned.1.call-start
scs
__scs_entry_jumppad:
0x0: {  	(pc) =	sbr.rel $0x88, $3  }
0x1: {  	(tag) =	ssettag $0x0;
	lr =	simm.s32 $0x1  }
0x2: {  	[smem:$0x3F93] =	sst lr;
	_ =	strace $0xD0000000  }
0x3: {  	_ = 	snop  }
0x4: {  	_ = 	snop  }
0x5: {  	_ = 	snop  }
0x6: {  	_ = 	snop  }
0x7: {  	_ = 	snop  }
__scs_overlays_trampoline_lowered:
0x8: {  	[smem:$0x3FA2] =	sst s0  }
0x9: {  	[smem:$0x3FA3] =	sst s1  }
0xa: {  	[smem:$0x3FA4] =	sst s2  }
0xb: {  	[smem:$0x3FA5] =	sst s3  }
0xc: {  	[smem:$0x3FA6] =	sst s4  }
0xd: {  	[smem:$0x3FA7] =	sst s5  }
0xe: {  	[smem:$0x3FA8] =	sst s6  }
0xf: {  	[smem:$0x3FA9] =	sst s7  }
0x10: {  	[smem:$0x3FAA] =	sst s8  }
0x11: {  	[smem:$0x3FAB] =	sst s9;
	s0 =	simm.s32 @!p0 $0x0  }
0x12: {  	s1 =	sld [smem:$0x3F91];
	s0 =	simm.s32 @p0 $0x1  }
0x13: {  	[smem:$0x3FAC] =	sst s0;
	s0 =	simm.s32 @!p1 $0x0  }
0x14: {  	s2 =	sld [smem:$0x3F90];
	s0 =	simm.s32 @p1 $0x1  }
0x15: {  	[smem:$0x3FAD] =	sst s0;
	s0 =	simm.s32 @!p2 $0x0  }
0x16: {  	s3 =	sld [smem:$0x3FDB];
	s0 =	simm.s32 @p2 $0x1  }
0x17: {  	s4 =	simm.s32 $0x1BF5;
	[smem:$0x3FAF] =	sst s0  }
0x18: {  	s0 =	sld [smem:$0x3F92];
	_ =	swait.ge [sflag:s4], $0x0  }
0x19: {  	s7 =	sld [smem:$0x3F93]  }
0x1a: {  	s8 =	sadd.s32 $0xFFFFE003, lr  }
0x1b: {  	s9 =	sadd.s32 $0xFFFFFEF7, lr;
	s5 =	simm.s32 $0xFFFFFFFF;
	p2 =	slt.u32 s8, $0xFFFFF086  }
0x1c: {  	p1 =	slt.u32 s9, $0xF7A;
	s5 =	simm.s32 @!p2 $0x0  }
0x1d: {  	s5 =	simm.s32 @p1 $0x1;
	p0 =	seq.s32 s7, s2  }
0x1e: {  	s7 =	smul.u32 @!p0 $0xF7A, s2;
	p2 =	seq.s32 @!p0 s5, $0x0  }
0x1f: {  	s9 =	smul.u32 $0xF7A, s1;
	s8 =	simm.s32 @!p0 $0x1BF5;
	p2 =	por !p2, p0  }
0x20: {  	[sflag:s8] =	ssyncset.s32 @!p0 $0xFFFFF086;
	s6 =	sadd.s32 @!p0 s3, s7;
	s7 =	simm.s32 @!p0 $0x108  }
0x21: {  	s3 =	sadd.s32 s3, s9;
	s6 =	sadd.s32 @!p0 $0x88, s6;
	s7 =	simm.s32 @p2 $0x1082  }
0x22: {  	[simem:s7], [sflag:s8] =	dma.local @!p0 [hbm:s6], $0xF7A  }
0x23: {  	s9 =	sor.u32 $0xD0000000, s2;
	s6 =	simm.s32 $0x108;
	_ =	swait.ge @!p0 [sflag:s8], $0x0  }
0x24: {  	s3 =	sadd.s32 $0x88, s3;
	s6 =	simm.s32 @!p1 $0x1082;
	[sflag:s4] =	ssyncset.s32 $0xFFFFF086  }
0x25: {  	[simem:s6], [sflag:s4] =	dma.local [hbm:s3], $0xF7A  }
0x26: {  	[smem:$0x3F93] =	sst s1;
	(tag) =	ssettag s2;
	_ =	strace s9  }
0x27: {  	s1 =	sld [smem:$0x3FA3]  }
0x28: {  	s2 =	sld [smem:$0x3FA4]  }
0x29: {  	s4 =	sld [smem:$0x3FA6]  }
0x2a: {  	p0 =	seq.s32 s5, $0x0;
	s5 =	sld [smem:$0x3FA7]  }
0x2b: {  	s6 =	sld [smem:$0x3FA8]  }
0x2c: {  	s7 =	sld [smem:$0x3FA9]  }
0x2d: {  	s3 =	simm.s32 $0x108;
	s8 =	sld [smem:$0x3FAA]  }
0x2e: {  	s3 =	simm.s32 @!p0 $0x1082;
	s9 =	sld [smem:$0x3FAB]  }
0x2f: {  	lr =	sadd.s32 s0, s3;
	s0 =	sld [smem:$0x3FA2]  }
0x30: {  	s3 =	sld [smem:$0x3FA5]  }
0x31: {  	[smem:$0x3FAE] =	sst s10  }
0x32: {  	s10 =	sld [smem:$0x3FAC];
	_ =	sdelay $0x3  }
0x33: {  	p0 =	seq.s32 s10, $0x1;
	s10 =	sld [smem:$0x3FAE];
	_ =	sdelay $0x3  }
0x34: {  	[smem:$0x3FAE] =	sst s10  }
0x35: {  	s10 =	sld [smem:$0x3FAD];
	_ =	sdelay $0x3  }
0x36: {  	p1 =	seq.s32 s10, $0x1;
	s10 =	sld [smem:$0x3FAE];
	_ =	sdelay $0x3  }
0x37: {  	[smem:$0x3FAE] =	sst s10  }
0x38: {  	s10 =	sld [smem:$0x3FAF]  }
0x39: {  	_ = 	snop;
	(pc) =	sbr.ind lr, $3  }
0x3a: {  	_ = 	snop  }
0x3b: {  	_ = 	snop  }
0x3c: {  	p2 =	seq.s32 s10, $0x1;
	s10 =	sld [smem:$0x3FAE]  }
0x3d: {  	_ =	shalt  }
0x3e: {  	_ =	shalt  }
0x3f: {  	_ =	shalt  }
0x40: {  	_ =	shalt  }
0x41: {  	_ =	shalt  }
0x42: {  	_ =	shalt  }
0x43: {  	_ =	shalt  }
0x44: {  	_ =	shalt  }
0x45: {  	_ =	shalt  }
0x46: {  	_ =	shalt  }
0x47: {  	_ =	shalt  }
0x48: {  	_ =	shalt  }
0x49: {  	_ =	shalt  }
0x4a: {  	_ =	shalt  }
0x4b: {  	_ =	shalt  }
0x4c: {  	_ =	shalt  }
0x4d: {  	_ =	shalt  }
0x4e: {  	_ =	shalt  }
0x4f: {  	_ =	shalt  }
0x50: {  	_ =	shalt  }
0x51: {  	_ =	shalt  }
0x52: {  	_ =	shalt  }
0x53: {  	_ =	shalt  }
0x54: {  	_ =	shalt  }
0x55: {  	_ =	shalt  }
0x56: {  	_ =	shalt  }
0x57: {  	_ =	shalt  }
0x58: {  	_ =	shalt  }
0x59: {  	_ =	shalt  }
0x5a: {  	_ =	shalt  }
0x5b: {  	_ =	shalt  }
0x5c: {  	_ =	shalt  }
0x5d: {  	_ =	shalt  }
0x5e: {  	_ =	shalt  }
0x5f: {  	_ =	shalt  }
0x60: {  	_ =	shalt  }
0x61: {  	_ =	shalt  }
0x62: {  	_ =	shalt  }
0x63: {  	_ =	shalt  }
0x64: {  	_ =	shalt  }
0x65: {  	_ =	shalt  }
0x66: {  	_ =	shalt  }
0x67: {  	_ =	shalt  }
0x68: {  	_ =	shalt  }
0x69: {  	_ =	shalt  }
0x6a: {  	_ =	shalt  }
0x6b: {  	_ =	shalt  }
0x6c: {  	_ =	shalt  }
0x6d: {  	_ =	shalt  }
0x6e: {  	_ =	shalt  }
0x6f: {  	_ =	shalt  }
0x70: {  	_ =	shalt  }
0x71: {  	_ =	shalt  }
0x72: {  	_ =	shalt  }
0x73: {  	_ =	shalt  }
0x74: {  	_ =	shalt  }
0x75: {  	_ =	shalt  }
0x76: {  	_ =	shalt  }
0x77: {  	_ =	shalt  }
0x78: {  	_ =	shalt  }
0x79: {  	_ =	shalt  }
0x7a: {  	_ =	shalt  }
0x7b: {  	_ =	shalt  }
0x7c: {  	_ =	shalt  }
0x7d: {  	_ =	shalt  }
0x7e: {  	_ =	shalt  }
0x7f: {  	_ =	shalt  }
0x80: {  	_ =	shalt  }
0x81: {  	_ =	shalt  }
0x82: {  	_ =	shalt  }
0x83: {  	_ =	shalt  }
0x84: {  	_ =	shalt  }
0x85: {  	_ =	shalt  }
0x86: {  	_ =	shalt  }
0x87: {  	_ =	shalt  }
.Lfunc_end0:
.L_simem_size_0:
called_computation.2_lowered:
.L_overlay_start_0:
0x88: {  	s2 =	sld [smem:$0x3FD9]  }
0x89: {  	s3 =	sld [smem:$0x3FFE];
	_ =	sdelay $0x1  }
0x8a: {  	s1 =	srdreg.scid  }
0x8b: {  	s0 =	sand.u32 $0x1, s1  }
0x8c: {  	s14 =	sshll.u32 s0, $0xA;
	s2 =	sadd.s32 s3, s2  }
0x8d: {  	s2 =	sadd.s32 s2, s14  }
0x8e: {  	[smem:$0x3FBA] =	sst s2  }
0x8f: {  	_ = 	snop  }
0x90: {  	s2 =	sld [smem:$0x3FD0];
	_ =	sdelay $0x2  }
0x91: {  	s15 =	simm.s32 $0xA;
	s4 =	simm.s32 $0x10  }
0x92: {  	[smem:s4], [sflag:s15] =	dma.local [hbm:s2], $0x1  }
0x93: {  	_ =	swait.eq [sflag:s15], $0x1  }
0x94: {  	[sflag:s15] =	ssyncset.done $0x0  }
0x95: {  	s16 =	sld [smem:$0x10];
	[sflag:s15] =	ssyncadd.s32 $0xFFFFFFFF  }
0x96: {  	s17 =	sld [smem:$0x11];
	(tm) =	ssettm $0x1  }
0x97: {  	s18 =	sld [smem:$0x3FFB];
	_ =	sdelay $0x3  }
0x98: {  	_ =	strace s18  }
0x99: {  	s4 =	sld [smem:$0x3FFC];
	_ =	sdelay $0x3  }
0x9a: {  	_ =	strace s4  }
0x9b: {  	s4 =	sld [smem:$0x3FFD];
	_ =	sdelay $0x3  }
0x9c: {  	_ =	strace s4  }
0x9d: {  	_ =	strace $0x8FFFFFFF  }
0x9e: {  	s19 =	sld [smem:$0x3FDB];
	_ =	sdelay $0x1  }
0x9f: {  	s5 =	simm.s32 $_scs_section_size  }
0xa0: {  	s6 =	simm.s32 $_size__tile_overlayer_lowered;
	s7 =	simm.s32 $_tile_overlayer_lowered  }
0xa1: {  	s22 =	simm.s32 $0x1BFF;
	s21 =	sshll.u32 s7, $0x1;
	s4 =	sadd.s32 s5, s19  }
0xa2: {  	s8 =	simm.s32 $0x0;
	s20 =	sshll.u32 s6, $0x1;
	s6 =	sadd.s32 s21, s4  }
0xa3: {  	[timem:s8], [sflag:s22] =	dma.local [hbm:s6], s20  }
0xa4: {  	_ =	swait.ge [sflag:s22], s20  }
0xa5: {  	s5 =	ssub.s32 $0x0, s20;
	[sflag:s22] =	ssyncset.done $0x0  }
0xa6: {  	[sflag:s22] =	ssyncadd.s32 s5;
	_ =	sdelay $0x1  }
0xa7: {  	s23 =	simm.s32 $0x1B8B  }
0xa8: {  	_ =	swait.ge [sflag:s23], $0x1  }
0xa9: {  	[sflag:s23] =	ssyncset.done $0x0  }
0xaa: {  	s25 =	simm.s32 $0x1B8E;
	s24 =	sld [smem:$0x3FFE];
	[sflag:s23] =	ssyncadd.s32 $0xFFFFFFFF  }
0xab: {  	s26 =	simm.s32 $execute0_lowered;
	[smem:$0x3FD2] =	sst s25  }
0xac: {  	s6 =	sshll.u32 s26, $0x1;
	_ =	strace $0x8000004C;
	[dreg:$0x1] =	wrdreg $0xFFFFFFFF  }
0xad: {  	s28 =	simm.s32 $_size_execute0_lowered;
	s4 =	sadd.s32 s4, s6;
	[dreg:$0x0] =	wrdreg $0x0  }
0xae: {  	s6 =	sshll.u32 s28, $0x1;
	[dreg:$0x2] =	wrdreg s4  }
0xaf: {  	[dreg:$0x3] =	wrdreg s6  }
0xb0: {  	[dreg:$0x4] =	wrdreg $0xC0  }
0xb1: {  	_ =	task [dreg:s8], $0x5FFFF  }
0xb2: {  	[dreg:$0x1] =	wrdreg $0xFFFFFFFF  }
0xb3: {  	[dreg:$0x0] =	wrdreg $0x60  }
0xb4: {  	[dreg:$0x2] =	wrdreg s24  }
0xb5: {  	[dreg:$0x3] =	wrdreg s16  }
0xb6: {  	[dreg:$0x4] =	wrdreg s17  }
0xb7: {  	[dreg:$0x5] =	wrdreg $0x63000  }
0xb8: {  	[dreg:$0x6] =	wrdreg $0x9  }
0xb9: {  	_ =	task.clear_ibuf [dreg:s8], $0x7FFFF;
	_ =	strace $0x9000004C  }
0xba: {  	s29 =	simm.s32 $0x9;
	_ =	strace $0x8000004E  }
0xbb: {  	_ =	swait.ge [sflag:s29], $0x1  }
0xbc: {  	[sflag:s29] =	ssyncadd.s32 $0xFFFFFFFF  }
0xbd: {  	_ =	strace $0x9000004E  }
0xbe: {  	_ =	sfence  }
0xbf: {  	s30 =	sld [smem:$0x0];
	_ =	sdelay $0x2  }
0xc0: {  	s31 =	sshll.u32 s1, $0xD;
	s1 =	sshrl.u32 s1, $0x2  }
0xc1: {  	s3 =	sand.u32 $0x4000, s31;
	s1 =	sadd.s32 s1, s30  }
0xc2: {  	s0 =	sor.u32 s3, s0;
	s1 =	sshll.u32 s1, $0x11  }
0xc3: {  	s0 =	sor.u32 s1, s0  }
0xc4: {  	s0 =	sadd.s32 $0x8F2B, s0  }
0xc5: {  	[sflag:s0] =	ssyncadd.remote.s32 $0x1  }
0xc6: {  	_ =	sfence.sel $0xFFFF  }
0xc7: {  	[dreg:$0x0] =	wrdreg $0xFFFFFFFF;
	(pc) =	sbr.abs _section_cstart, $3  }
0xc8: {  	[dreg:$0x1] =	wrdreg $0xFFFFFFFF  }
0xc9: {  	_ =	task.clear_ibuf [dreg:s8], $0x2FFFF;
	_ =	strace $0x9FFFFFFF  }
0xca: {  	(tm) =	ssettm $0x7FFFFFFF  }
0xcb: {  	_ =	shalt  }
tec
execute0_lowered:
.L_overlay_start_1:
0x0: {  	(tag) =	ssettag $0x1  }
0x1: {  	s6 =	rddreg [dreg:$0x0]  }
0x2: {  	s10 =	rddreg [dreg:$0x1]  }
0x3: {  	s9 =	rddreg [dreg:$0x2]  }
0x4: {  	s1 =	rddreg [dreg:$0x3]  }
0x5: {  	s2 =	srdreg.scid;
	s0 =	rddreg [dreg:$0x4];
	s3 =	simm.s32 $0x0  }
0x6: {  	s14 =	simm.s32 $0x80;
	s15 =	simm.s32 $0x300;
	s16 =	simm.s32 $0x2300  }
0x7: {  	s17 =	simm.s32 $0x100;
	s18 =	simm.s32 $0x4300;
	s19 =	simm.s32 $0x1  }
0x8: {  	s21 =	simm.s32 $0x280;
	s5 =	sand.u32 $0x1, s2;
	s2 =	stileid.u32  }
0x9: {  	s22 =	simm.s32 $0x0;
	[smem:$0x7FF] =	sst s3;
	s20 =	smul.u32 $0x2780, s5  }
0xa: {  	s4 =	sadd.s32 $0x5D000, s6;
	s7 =	smul.u32 $0x278, s2;
	_ =	strace $0x8000004D  }
0xb: {  	s8 =	ssub.s32 $0x2, s5;
	s12 =	smul.u32 $0x27800, s2;
	s5 =	sadd.s32 $0x4000, s6  }
0xc: {  	s30 =	sshll.u32 s2, $0x6;
	s31 =	smul.u32 $0xA20, s2;
	s11 =	sshrl.u32 s8, $0x1  }
0xd: {  	s7 =	sadd.s32 s7, s20;
	s8 =	ssub.s32 s8, s11;
	s29 =	sshrl.u32 s12, $0x2  }
0xe: {  	s9 =	sadd.s32 s31, s9;
	s10 =	sadd.s32 s31, s10;
	s12 =	simm.s32 $0x2  }
0xf: {  	v0 =	vmov s20;
	s20 =	simm.s32 $0x200;
	s7 =	sshll.u32 s7, $0x3;
	s13 =	sadd.s32 s29, s1  }
0x10: {  	s8 =	smax.u32 s8, $0x1;
	s7 =	sadd.s32 s7, s6;
	s6 =	sor.u32 $0x1C02, s30  }
0x11: {  	s11 =	sshrl.u32 s13, $0x3;
	s13 =	simm.s32 $0x180;
	s7 =	sadd.s32 $0x84800, s7  }
.LBB2_1:
0x12: {  	[spmem:s11], [sflag:s6] =	dma.local [hbm:s5], $0x13C0  }
0x13: {  	_ =	swait.ge [sflag:s12], $0x13C0  }
0x14: {  	[sflag:s12] =	ssyncset.done $0x0  }
0x15: {  	[sflag:s12] =	ssyncadd.s32 $0xFFFFEC40  }
0x16: {  	s23 =	sadd.s32 $0x0, s10;
	[bflag:$0x0] =	sbarrier.arrive $0xFFFF  }
0x17: {  	[tilespmem:s3], [sflag:$0x2] =	stream.linear.gather [hbm4b:s23+s3], $0x180, $0x38;
	[tilespmem:$0x10100] =	vst v63  }
0x18: {  	_ =	swait.ge [sflag:s12], $0x180  }
0x19: {  	[sflag:s12] =	ssyncset.done $0x0  }
0x1a: {  	s31 =	sadd.s32 $0x0, s9;
	[sflag:s12] =	ssyncadd.s32 $0xFFFFFE80  }
0x1b: {  	[tilespmem:s13], [sflag:$0x2] =	stream.linear.gather [hbm4b:s31+s3], $0x180, $0x38;
	[tilespmem:$0x10100] =	vst v63  }
0x1c: {  	_ =	swait.ge [sflag:s12], $0x180  }
0x1d: {  	[sflag:s12] =	ssyncset.done $0x0  }
0x1e: {  	[sflag:s12] =	ssyncadd.s32 $0xFFFFFE80  }
0x1f: {  	v1 =	vld [tilespmem:$0x170]  }
0x20: {  	v2 =	vld [tilespmem:$0x130]  }
0x21: {  	v4 =	vld [tilespmem:$0x150]  }
0x22: {  	v5 =	vld [tilespmem:$0x140]  }
0x23: {  	v6 =	vld [tilespmem:$0xB0]  }
0x24: {  	v3 =	vld [tilespmem:$0x160];
	v1 =	vadd.s32 v0, v1  }
0x25: {  	v7 =	vld [tilespmem:$0x120];
	v2 =	vadd.s32 v0, v2;
	[tilespmem:$0x170] =	vst v1  }
0x26: {  	v53 =	vld [tilespmem:$0xD0];
	v4 =	vadd.s32 v0, v4;
	[tilespmem:$0x130] =	vst v2  }
0x27: {  	v56 =	vld [tilespmem:$0x30];
	v5 =	vadd.s32 v0, v5;
	[tilespmem:$0x150] =	vst v4  }
0x28: {  	v52 =	vadd.s32 v0, v6;
	v1 =	vld [tilespmem:$0x110];
	[tilespmem:$0x140] =	vst v5  }
0x29: {  	v2 =	vadd.s32 v0, v3;
	v3 =	vld [tilespmem:$0x100];
	[tilespmem:$0xB0] =	vst v52  }
0x2a: {  	v55 =	vadd.s32 v0, v7;
	[tilespmem:$0x160] =	vst v2;
	v2 =	vld [tilespmem:$0xE0]  }
0x2b: {  	v59 =	vld [tilespmem:$0x60];
	v6 =	vadd.s32 v0, v53;
	[tilespmem:$0x120] =	vst v55  }
0x2c: {  	v62 =	vld [tilespmem:$0x20];
	v58 =	vadd.s32 v0, v56;
	[tilespmem:$0xD0] =	vst v6  }
0x2d: {  	v54 =	vld [tilespmem:$0xC0];
	[tilespmem:$0x30] =	vst v58;
	v1 =	vadd.s32 v0, v1  }
0x2e: {  	v3 =	vadd.s32 v0, v3;
	[tilespmem:$0x110] =	vst v1;
	v1 =	vld [tilespmem:$0x90]  }
0x2f: {  	v2 =	vadd.s32 v0, v2;
	[tilespmem:$0x100] =	vst v3;
	v3 =	vld [tilespmem:$0x80]  }
0x30: {  	v7 =	vadd.s32 v0, v59;
	[tilespmem:$0xE0] =	vst v2;
	v2 =	vld [tilespmem:$0x70]  }
0x31: {  	v57 =	vld [tilespmem:$0xA0];
	v63 =	vadd.s32 v0, v62;
	[tilespmem:$0x60] =	vst v7  }
0x32: {  	v61 =	vld [tilespmem:$0x40];
	v4 =	vadd.s32 v0, v54;
	[tilespmem:$0x20] =	vst v63  }
0x33: {  	v60 =	vld [tilespmem:$0x50];
	[tilespmem:$0xC0] =	vst v4;
	v1 =	vadd.s32 v0, v1  }
0x34: {  	v3 =	vadd.s32 v0, v3;
	[tilespmem:$0x90] =	vst v1;
	v1 =	vld [tilespmem:$0xF0]  }
0x35: {  	v2 =	vadd.s32 v0, v2;
	[tilespmem:$0x80] =	vst v3;
	v3 =	vld [tilespmem:$0x10]  }
0x36: {  	v5 =	vadd.s32 v0, v57;
	[tilespmem:$0x70] =	vst v2;
	v2 =	vld [tilespmem:$0x0]  }
0x37: {  	v6 =	vadd.s32 v0, v61;
	[tilespmem:$0xA0] =	vst v5  }
0x38: {  	v4 =	vadd.s32 v0, v60;
	[tilespmem:$0x40] =	vst v6  }
0x39: {  	[tilespmem:$0x50] =	vst v4;
	v1 =	vadd.s32 v0, v1  }
0x3a: {  	[tilespmem:$0xF0] =	vst v1;
	v1 =	vadd.s32 v0, v3  }
0x3b: {  	v2 =	vadd.s32 v0, v2;
	[tilespmem:$0x10] =	vst v1  }
0x3c: {  	s23 =	simm.s32 $0x30;
	[tilespmem:$0x0] =	vst v2  }
0x3d: {  	[tilespmem:s15], [sflag:$0x1] =	stream.indirect.gather [hbm4b:s4+s14], $0x40, s3, s14, $0xb8;
	[tilespmem:$0x10100] =	vst v63  }
.LBB2_2:
0x3e: {  	[tilespmem:s16], [sflag:$0x1] =	stream.indirect.gather [hbm4b:s4+s14], $0x40, s14, s14, $0xb8;
	[tilespmem:$0x10100] =	vst v63  }
0x3f: {  	p0 =	sne.s32 s23, $0x9F0;
	s24 =	smov.u32 s23;
	s23 =	sadd.s32 $0x30, s23  }
0x40: {  	[tilespmem:s18], [sflag:$0x1] =	stream.indirect.gather [hbm4b:s4+s14], $0x40, s17, s14, $0xb8;
	[tilespmem:$0x10100] =	vst v63  }
0x41: {  	_ =	swait.ge [sflag:s19], $0x2000  }
0x42: {  	[sflag:s19] =	ssyncset.done $0x0  }
0x43: {  	[sflag:s19] =	ssyncadd.s32 $0xFFFFE000  }
0x44: {  	[spmem:s1] =	stream.indirect.scatter.add.f32 [tilespmem:s15], [sflag:$0x2], $0x40, s13, s14, $0xb8;
	[tilespmem:$0x10100] =	vst v63  }
0x45: {  	_ =	swait.ge [sflag:s12], $0x2000  }
0x46: {  	[sflag:s12] =	ssyncset.done $0x0  }
0x47: {  	[sflag:s12] =	ssyncadd.s32 $0xFFFFE000  }
0x48: {  	_ =	swait.ge [sflag:s19], $0x2000  }
0x49: {  	[sflag:s19] =	ssyncset.done $0x0  }
0x4a: {  	[sflag:s19] =	ssyncadd.s32 $0xFFFFE000  }
0x4b: {  	[spmem:s1] =	stream.indirect.scatter.add.f32 [tilespmem:s16], [sflag:$0x2], $0x40, s20, s14, $0xb8;
	[tilespmem:$0x10100] =	vst v63  }
0x4c: {  	_ =	swait.ge [sflag:s12], $0x2000  }
0x4d: {  	[sflag:s12] =	ssyncset.done $0x0  }
0x4e: {  	[sflag:s12] =	ssyncadd.s32 $0xFFFFE000  }
0x4f: {  	_ =	swait.ge [sflag:s19], $0x2000  }
0x50: {  	[sflag:s19] =	ssyncset.done $0x0  }
0x51: {  	[sflag:s19] =	ssyncadd.s32 $0xFFFFE000  }
0x52: {  	[spmem:s1] =	stream.indirect.scatter.add.f32 [tilespmem:s18], [sflag:$0x2], $0x40, s21, s14, $0xb8;
	[tilespmem:$0x10100] =	vst v63  }
0x53: {  	_ =	swait.ge [sflag:s12], $0x2000  }
0x54: {  	[sflag:s12] =	ssyncset.done $0x0  }
0x55: {  	s25 =	sadd.s32 s24, s10;
	[sflag:s12] =	ssyncadd.s32 $0xFFFFE000  }
0x56: {  	[tilespmem:s3], [sflag:$0x2] =	stream.linear.gather [hbm4b:s25+s3], $0x180, $0x38;
	[tilespmem:$0x10100] =	vst v63  }
0x57: {  	_ =	swait.ge [sflag:s12], $0x180  }
0x58: {  	[sflag:s12] =	ssyncset.done $0x0  }
0x59: {  	s24 =	sadd.s32 s24, s9;
	[sflag:s12] =	ssyncadd.s32 $0xFFFFFE80  }
0x5a: {  	[tilespmem:s13], [sflag:$0x2] =	stream.linear.gather [hbm4b:s24+s3], $0x180, $0x38;
	[tilespmem:$0x10100] =	vst v63  }
0x5b: {  	_ =	swait.ge [sflag:s12], $0x180  }
0x5c: {  	[sflag:s12] =	ssyncset.done $0x0  }
0x5d: {  	[sflag:s12] =	ssyncadd.s32 $0xFFFFFE80  }
0x5e: {  	v1 =	vld [tilespmem:$0x170]  }
0x5f: {  	v2 =	vld [tilespmem:$0x130]  }
0x60: {  	v3 =	vld [tilespmem:$0x160]  }
0x61: {  	v4 =	vld [tilespmem:$0x150]  }
0x62: {  	v5 =	vld [tilespmem:$0x140]  }
0x63: {  	v6 =	vld [tilespmem:$0xB0];
	v1 =	vadd.s32 v0, v1  }
0x64: {  	v7 =	vld [tilespmem:$0x120];
	v2 =	vadd.s32 v0, v2;
	[tilespmem:$0x170] =	vst v1  }
0x65: {  	v1 =	vld [tilespmem:$0x110];
	[tilespmem:$0x130] =	vst v2;
	v2 =	vadd.s32 v0, v3  }
0x66: {  	v3 =	vld [tilespmem:$0x100];
	v4 =	vadd.s32 v0, v4;
	[tilespmem:$0x160] =	vst v2  }
0x67: {  	v2 =	vld [tilespmem:$0xE0];
	v5 =	vadd.s32 v0, v5;
	[tilespmem:$0x150] =	vst v4  }
0x68: {  	v4 =	vadd.s32 v0, v6;
	v6 =	vld [tilespmem:$0xD0];
	[tilespmem:$0x140] =	vst v5  }
0x69: {  	[tilespmem:$0xB0] =	vst v4;
	v4 =	vld [tilespmem:$0xC0];
	v5 =	vadd.s32 v0, v7  }
0x6a: {  	v7 =	vld [tilespmem:$0x30];
	v1 =	vadd.s32 v0, v1;
	[tilespmem:$0x120] =	vst v5  }
0x6b: {  	v5 =	vld [tilespmem:$0xA0];
	v3 =	vadd.s32 v0, v3;
	[tilespmem:$0x110] =	vst v1  }
0x6c: {  	v1 =	vld [tilespmem:$0x90];
	v2 =	vadd.s32 v0, v2;
	[tilespmem:$0x100] =	vst v3  }
0x6d: {  	v3 =	vld [tilespmem:$0x80];
	v6 =	vadd.s32 v0, v6;
	[tilespmem:$0xE0] =	vst v2  }
0x6e: {  	v2 =	vld [tilespmem:$0x70];
	v4 =	vadd.s32 v0, v4;
	[tilespmem:$0xD0] =	vst v6  }
0x6f: {  	v6 =	vadd.s32 v0, v7;
	v7 =	vld [tilespmem:$0x60];
	[tilespmem:$0xC0] =	vst v4  }
0x70: {  	[tilespmem:$0x30] =	vst v6;
	v4 =	vld [tilespmem:$0x50];
	v5 =	vadd.s32 v0, v5  }
0x71: {  	v6 =	vld [tilespmem:$0x40];
	v1 =	vadd.s32 v0, v1;
	[tilespmem:$0xA0] =	vst v5  }
0x72: {  	v3 =	vadd.s32 v0, v3;
	[tilespmem:$0x90] =	vst v1;
	v1 =	vld [tilespmem:$0xF0]  }
0x73: {  	v5 =	vld [tilespmem:$0x20];
	v2 =	vadd.s32 v0, v2;
	[tilespmem:$0x80] =	vst v3  }
0x74: {  	v3 =	vld [tilespmem:$0x10];
	v7 =	vadd.s32 v0, v7;
	[tilespmem:$0x70] =	vst v2  }
0x75: {  	v2 =	vld [tilespmem:$0x0];
	v4 =	vadd.s32 v0, v4;
	[tilespmem:$0x60] =	vst v7  }
0x76: {  	v6 =	vadd.s32 v0, v6;
	[tilespmem:$0x50] =	vst v4  }
0x77: {  	[tilespmem:$0x40] =	vst v6;
	v1 =	vadd.s32 v0, v1  }
.Ltmp0:
0x78: {  	v4 =	vadd.s32 v0, v5;
	[tilespmem:$0xF0] =	vst v1;
	(pc) =	sbr.rel @p0 .LBB2_2-.Ltmp0, $4  }
0x79: {  	v1 =	vadd.s32 v0, v3;
	[tilespmem:$0x20] =	vst v4  }
0x7a: {  	v2 =	vadd.s32 v0, v2;
	[tilespmem:$0x10] =	vst v1  }
0x7b: {  	[tilespmem:$0x0] =	vst v2  }
0x7c: {  	[tilespmem:s15], [sflag:$0x1] =	stream.indirect.gather [hbm4b:s4+s14], $0x40, s3, s14, $0xb8;
	[tilespmem:$0x10100] =	vst v63  }
0x7d: {  	[tilespmem:s16], [sflag:$0x1] =	stream.indirect.gather [hbm4b:s4+s14], $0x40, s14, s14, $0xb8;
	[tilespmem:$0x10100] =	vst v63  }
0x7e: {  	_ = 	snop  }
0x7f: {  	[tilespmem:s18], [sflag:$0x1] =	stream.indirect.gather [hbm4b:s4+s14], $0x40, s17, s14, $0xb8;
	[tilespmem:$0x10100] =	vst v63  }
0x80: {  	_ =	swait.ge [sflag:s19], $0x2000  }
0x81: {  	[sflag:s19] =	ssyncset.done $0x0  }
0x82: {  	[sflag:s19] =	ssyncadd.s32 $0xFFFFE000  }
0x83: {  	[spmem:s1] =	stream.indirect.scatter.add.f32 [tilespmem:s15], [sflag:$0x2], $0x40, s13, s14, $0xb8;
	[tilespmem:$0x10100] =	vst v63  }
0x84: {  	_ =	swait.ge [sflag:s12], $0x2000  }
0x85: {  	[sflag:s12] =	ssyncset.done $0x0  }
0x86: {  	[sflag:s12] =	ssyncadd.s32 $0xFFFFE000  }
0x87: {  	_ =	swait.ge [sflag:s19], $0x2000  }
0x88: {  	[sflag:s19] =	ssyncset.done $0x0  }
0x89: {  	[sflag:s19] =	ssyncadd.s32 $0xFFFFE000  }
0x8a: {  	[spmem:s1] =	stream.indirect.scatter.add.f32 [tilespmem:s16], [sflag:$0x2], $0x40, s20, s14, $0xb8;
	[tilespmem:$0x10100] =	vst v63  }
0x8b: {  	_ =	swait.ge [sflag:s12], $0x2000  }
0x8c: {  	[sflag:s12] =	ssyncset.done $0x0  }
0x8d: {  	[sflag:s12] =	ssyncadd.s32 $0xFFFFE000  }
0x8e: {  	_ =	swait.ge [sflag:s19], $0x2000  }
0x8f: {  	[sflag:s19] =	ssyncset.done $0x0  }
0x90: {  	[sflag:s19] =	ssyncadd.s32 $0xFFFFE000  }
0x91: {  	[spmem:s1] =	stream.indirect.scatter.add.f32 [tilespmem:s18], [sflag:$0x2], $0x40, s21, s14, $0xb8;
	[tilespmem:$0x10100] =	vst v63  }
0x92: {  	_ =	swait.ge [sflag:s12], $0x2000  }
0x93: {  	s22 =	sadd.s32 $0x1, s22;
	[sflag:s12] =	ssyncset.done $0x0  }
0x94: {  	p0 =	sne.s32 s22, s8;
	[sflag:s12] =	ssyncadd.s32 $0xFFFFE000  }
.Ltmp1:
0x95: {  	[bflag:$0x0] =	sbarrier.arrive $0xFFFF;
	(pc) =	sbr.rel @p0 .LBB2_1-.Ltmp1, $4  }
0x96: {  	[hbm:s7], [sflag:s6] =	dma.local [spmem:s11], $0x13C0  }
0x97: {  	_ =	swait.ge [sflag:s12], $0x13C0  }
0x98: {  	[sflag:s12] =	ssyncset.done $0x0  }
0x99: {  	[sflag:s12] =	ssyncadd.s32 $0xFFFFEC40  }
0x9a: {  	_ =	sfence.sel $0x180000  }
0x9b: {  	[bflag:$0x0] =	sbarrier.arrive $0xFFFF  }
0x9c: {  	p0 =	sne.s32 s2, $0x0;
	_ =	strace $0x9000004D  }
0x9d: {  	s0 =	sadd.s32 @!p0 $0x100000, s0;
	[bflag:$0x2] =	sbarrier.arrive $0xFFFF  }
0x9e: {  	[sflag:s0] =	ssyncadd.tile.s32 @!p0 $0x1;
	_ =	shalt  }
.Lfunc_end2:
_tile_overlayer_lowered:
.L_overlay_start_2:
0x9f: {  	(tag) =	ssettag $0x2  }
0xa0: {  	s0 =	rddreg [dreg:$0x0];
	s2 =	stileid.u32  }
0xa1: {  	s1 =	rddreg [dreg:$0x1];
	p0 =	sne.s32 s2, $0x0  }
0xa2: {  	s3 =	rddreg [dreg:$0x2];
	[bflag:$0x3] =	sbarrier.arrive $0xFFFF;
	s2 =	simm.s32 @!p0 $0x1C02  }
0xa3: {  	[timem:s3], [sflag:s2] =	dma.local @!p0 [hbm:s0], s1  }
0xa4: {  	s0 =	simm.s32 @!p0 $0x2  }
0xa5: {  	_ =	swait.ge @!p0 [sflag:s0], s1  }
0xa6: {  	s1 =	ssub.s32 @!p0 $0x0, s1;
	[sflag:s0] =	ssyncset.done @!p0 $0x0  }
0xa7: {  	[sflag:s0] =	ssyncadd.s32 @!p0 s1  }
0xa8: {  	[bflag:$0x3] =	sbarrier.arrive $0xFFFF  }
0xa9: {  	_ =	shalt  }

</sc_bundles>
